<compile_context>
chip_gen: v7x
topology: tpu7x:2x2x1
jax: 0.10.2.dev20260603
libtpu: 0.0.44.dev20260713+nightly
codegen_flags: <defaults>
</compile_context>

<pallas_src>
import jax
import jax.numpy as jnp
from jax import lax
from jax.experimental import pallas as pl
from jax.experimental.pallas import tpu as pltpu
from jax.experimental.pallas import tpu_sc as plsc

N = 10000
E = 160000
FEAT = 128
NRBF = 50
CUTOFF = 5.0

CH = 32
NCHUNK = E // CH
CHG = 128
NCHUNKG = E // CHG
NSUB = 16
NCORE = 2
NW = NSUB * NCORE
ROWS_A = 624
TAIL_A = N - NSUB * ROWS_A


def _softplus(x):
    return jnp.maximum(x, 0.0) + jnp.log1p(jnp.exp(-jnp.abs(x)))



def _phi_body(h_ref, w1_ref, b1_ref, w2_ref, b2_ref, o_ref):
    h = h_ref[...].astype(jnp.bfloat16)
    z = jnp.dot(h, w1_ref[...].astype(jnp.bfloat16),
                preferred_element_type=jnp.float32) + b1_ref[...]
    a = z * jax.nn.sigmoid(z)
    o_ref[...] = jnp.dot(a.astype(jnp.bfloat16), w2_ref[...].astype(jnp.bfloat16),
                         preferred_element_type=jnp.float32) + b2_ref[...]


def _phi(h_i, W1, b1, W2, b2):
    blk = 1000
    return pl.pallas_call(
        _phi_body,
        grid=(N // blk,),
        in_specs=[
            pl.BlockSpec((blk, FEAT), lambda i: (i, 0)),
            pl.BlockSpec((FEAT, FEAT), lambda i: (0, 0)),
            pl.BlockSpec((1, FEAT), lambda i: (0, 0)),
            pl.BlockSpec((FEAT, FEAT), lambda i: (0, 0)),
            pl.BlockSpec((1, FEAT), lambda i: (0, 0)),
        ],
        out_specs=pl.BlockSpec((blk, FEAT), lambda i: (i, 0)),
        out_shape=jax.ShapeDtypeStruct((N, FEAT), jnp.float32),
    )(h_i, W1, b1.reshape(1, FEAT), W2, b2.reshape(1, FEAT))



def _gather_body(phi_hbm, src_hbm, out_hbm, idx_v, rows_v, sem):
    wid = lax.axis_index("s") * NCORE + lax.axis_index("c")
    nround = (NCHUNKG + NW - 1) // NW

    def round_body(r, carry):
        chunk = r * NW + wid

        @pl.when(chunk < NCHUNKG)
        def _():
            e0 = chunk * CHG
            pltpu.sync_copy(src_hbm.at[pl.ds(e0, CHG)], idx_v)
            pltpu.async_copy(phi_hbm.at[idx_v], rows_v, sem).wait()
            pltpu.sync_copy(rows_v, out_hbm.at[pl.ds(e0, CHG)])
        return carry

    lax.fori_loop(0, nround, round_body, 0)


def _gather_phi(phi, src):
    mesh = plsc.VectorSubcoreMesh(core_axis_name="c", subcore_axis_name="s")
    k = pl.kernel(
        _gather_body,
        out_type=jax.ShapeDtypeStruct((E, FEAT), jnp.float32),
        mesh=mesh,
        scratch_types=[
            pltpu.VMEM((CHG,), jnp.int32),
            pltpu.VMEM((CHG, FEAT), jnp.float32),
            pltpu.SemaphoreType.DMA,
        ],
    )
    return k(phi, src)



def _edge_body(d_ref, g_ref, we1_ref, be1_ref, we2_ref, be2_ref,
               wf0_ref, bf0_ref, wf1_ref, bf1_ref, f0_ref, f1_ref):
    d = d_ref[...]
    step = CUTOFF / (NRBF - 1)
    offs = lax.broadcasted_iota(jnp.int32, (1, NRBF), 1).astype(jnp.float32) * step
    coeff = -0.5 / (step * step)
    smear = jnp.exp(coeff * jnp.square(d - offs))
    h = _softplus(jnp.dot(smear.astype(jnp.bfloat16),
                          we1_ref[...].astype(jnp.bfloat16),
                          preferred_element_type=jnp.float32)
                  + be1_ref[...]) - 0.6931471805599453
    emb = jnp.dot(h.astype(jnp.bfloat16), we2_ref[...].astype(jnp.bfloat16),
                  preferred_element_type=jnp.float32) + be2_ref[...]
    ei = (g_ref[...] * emb).astype(jnp.bfloat16)
    f0_ref[...] = jnp.dot(ei, wf0_ref[...].astype(jnp.bfloat16),
                          preferred_element_type=jnp.float32) + bf0_ref[...]
    f1_ref[...] = jnp.dot(ei, wf1_ref[...].astype(jnp.bfloat16),
                          preferred_element_type=jnp.float32) + bf1_ref[...]


def _edge_filters(d_ij, G, We1, be1, We2, be2, Wf0, bf0, Wf1, bf1):
    blk = 512
    grid = (E + blk - 1) // blk
    full = lambda shape: pl.BlockSpec(shape, lambda i: (0, 0))
    return pl.pallas_call(
        _edge_body,
        grid=(grid,),
        in_specs=[
            pl.BlockSpec((blk, 1), lambda i: (i, 0)),
            pl.BlockSpec((blk, FEAT), lambda i: (i, 0)),
            full((NRBF, FEAT)), full((1, FEAT)),
            full((FEAT, FEAT)), full((1, FEAT)),
            full((FEAT, FEAT)), full((1, FEAT)),
            full((FEAT, FEAT)), full((1, FEAT)),
        ],
        out_specs=[pl.BlockSpec((blk, FEAT), lambda i: (i, 0)),
                   pl.BlockSpec((blk, FEAT), lambda i: (i, 0))],
        out_shape=[jax.ShapeDtypeStruct((E, FEAT), jnp.float32),
                   jax.ShapeDtypeStruct((E, FEAT), jnp.float32)],
    )(d_ij.reshape(E, 1), G, We1, be1.reshape(1, FEAT), We2, be2.reshape(1, FEAT),
      Wf0, bf0.reshape(1, FEAT), Wf1, bf1.reshape(1, FEAT))



def _splat(vec, i):
    dnums = lax.GatherDimensionNumbers(
        offset_dims=(), collapsed_slice_dims=(0,), start_index_map=(0,))
    idx = jnp.full((16, 1), i, jnp.int32)
    return lax.gather(vec, idx, dnums, (1,),
                      mode=lax.GatherScatterMode.PROMISE_IN_BOUNDS)


_A_KEYS = ("src", "dst", "s1i", "f0", "f1", "u", "vg", "dv", "seml")


def _vscat_a_body(vT, f0h, f1h, uflat, src, dst, vout, acc, *bufs):
    c = lax.axis_index("c")
    s = lax.axis_index("s")

    sets = []
    for b in range(2):
        d = dict(zip(_A_KEYS, bufs[b * 9:b * 9 + 9]))
        d["semg"] = bufs[18 + 2 * b]
        d["sems"] = bufs[19 + 2 * b]
        sets.append(d)

    n0 = s * ROWS_A
    pltpu.sync_copy(vT.at[pl.ds(c * N + n0, ROWS_A)], acc.at[pl.ds(n0, ROWS_A)])

    @pl.when(s == NSUB - 1)
    def _():
        pltpu.sync_copy(vT.at[pl.ds(c * N + NSUB * ROWS_A, TAIL_A)],
                        acc.at[pl.ds(NSUB * ROWS_A, TAIL_A)])

    plsc.subcore_barrier()
    nround = (NCHUNK + NSUB - 1) // NSUB

    def issue_l(jj, S):
        ch = jj * NSUB + s

        @pl.when(ch < NCHUNK)
        def _():
            e0 = ch * CH
            pltpu.async_copy(src.at[pl.ds(e0, CH)], S["src"], S["seml"])
            pltpu.async_copy(dst.at[pl.ds(e0, CH)], S["dst"], S["seml"])
            pltpu.async_copy(f0h.at[pl.ds(e0, CH)], S["f0"], S["seml"])
            pltpu.async_copy(f1h.at[pl.ds(e0, CH)], S["f1"], S["seml"])
            pltpu.async_copy(uflat.at[pl.ds(e0 * 16, CH * 16)], S["u"], S["seml"])

    def issue_g(jj, S):
        ch = jj * NSUB + s

        @pl.when(ch < NCHUNK)
        def _():
            pltpu.make_async_copy(src.at[pl.ds(0, CH)], S["src"], S["seml"]).wait()
            pltpu.make_async_copy(dst.at[pl.ds(0, CH)], S["dst"], S["seml"]).wait()
            pltpu.make_async_copy(f0h.at[pl.ds(0, CH)], S["f0"], S["seml"]).wait()
            pltpu.make_async_copy(f1h.at[pl.ds(0, CH)], S["f1"], S["seml"]).wait()
            pltpu.make_async_copy(uflat.at[pl.ds(0, CH * 16)], S["u"], S["seml"]).wait()
            for i in range(CH // 16):
                sl = pl.ds(i * 16, 16)
                S["dst"][sl] = S["dst"][sl] + c * N
            pltpu.async_copy(vT.at[S["dst"]], S["vg"], S["semg"])

    def do_c(jj, S):
        ch = jj * NSUB + s

        @pl.when(ch < NCHUNK)
        def _():
            @pl.when(jj >= 2)
            def _():
                pltpu.make_async_copy(S["dv"], acc.at[S["s1i"]], S["sems"]).wait()
            pltpu.make_async_copy(vT.at[S["dst"]], S["vg"], S["semg"]).wait()
            for i in range(CH // 16):
                sl = pl.ds(i * 16, 16)
                S["s1i"][sl] = S["src"][sl]

            @plsc.parallel_loop(0, CH, 1, unroll=4)
            def edge_body(e):
                uv = S["u"][pl.ds(e * 16, 16)]
                u_own = _splat(uv, c)
                for kg in range(FEAT // 16):
                    ksl = pl.ds(kg * 16, 16)
                    S["dv"][e, ksl] = (S["f0"][e, ksl] * u_own
                                       + S["f1"][e, ksl] * S["vg"][e, ksl])

            pltpu.async_copy(S["dv"], acc.at[S["s1i"]], S["sems"], add=True)

    issue_l(0, sets[0])
    issue_l(1, sets[1])
    issue_g(0, sets[0])

    def pair_body(j2, carry):
        for b in range(2):
            jj = 2 * j2 + b
            do_c(jj, sets[b])
            issue_l(jj + 2, sets[b])
            issue_g(jj + 1, sets[1 - b])
        return carry

    npairs = (nround + 1) // 2
    lax.fori_loop(0, npairs, pair_body, 0)
    for b in range(2):
        pltpu.make_async_copy(sets[b]["dv"], acc.at[sets[b]["s1i"]],
                              sets[b]["sems"]).wait()
    plsc.subcore_barrier()
    pltpu.sync_copy(acc.at[pl.ds(n0, ROWS_A)], vout.at[pl.ds(c * N + n0, ROWS_A)])

    @pl.when(s == NSUB - 1)
    def _():
        pltpu.sync_copy(acc.at[pl.ds(NSUB * ROWS_A, TAIL_A)],
                        vout.at[pl.ds(c * N + NSUB * ROWS_A, TAIL_A)])


def _vscatter_a(vT, f0, f1, uflat, src, dst):
    mesh = plsc.VectorSubcoreMesh(core_axis_name="c", subcore_axis_name="s")
    bufset = [
        pltpu.VMEM((CH,), jnp.int32),
        pltpu.VMEM((CH,), jnp.int32),
        pltpu.VMEM((CH,), jnp.int32),
        pltpu.VMEM((CH, FEAT), jnp.float32),
        pltpu.VMEM((CH, FEAT), jnp.float32),
        pltpu.VMEM((CH * 16,), jnp.float32),
        pltpu.VMEM((CH, FEAT), jnp.float32),
        pltpu.VMEM((CH, FEAT), jnp.float32),
        pltpu.SemaphoreType.DMA,
    ]
    k = pl.kernel(
        _vscat_a_body,
        out_type=jax.ShapeDtypeStruct((2 * N, FEAT), jnp.float32),
        mesh=mesh,
        scratch_types=[pltpu.VMEM_SHARED((N, FEAT), jnp.float32)]
        + bufset + bufset + [pltpu.SemaphoreType.DMA] * 4,
    )
    return k(vT, f0, f1, uflat, src, dst)



_B_KEYS = ("src", "dst", "s1i", "f0", "f1", "u", "vg", "dv", "hs", "seml")


def _vscat_b_body(vT, h_i, f0h, f1h, uflat, src, dst, v2out, hout, acc, *bufs):
    c = lax.axis_index("c")
    s = lax.axis_index("s")

    sets = []
    for b in range(2):
        d = dict(zip(_B_KEYS, bufs[b * 10:b * 10 + 10]))
        d["semg"] = bufs[20 + 2 * b]
        d["sems"] = bufs[21 + 2 * b]
        sets.append(d)

    n0 = s * ROWS_A

    @pl.when(c == 0)
    def _():
        pltpu.sync_copy(vT.at[pl.ds(2 * N + n0, ROWS_A)],
                        acc.at[pl.ds(n0, ROWS_A)])

        @pl.when(s == NSUB - 1)
        def _():
            pltpu.sync_copy(vT.at[pl.ds(2 * N + NSUB * ROWS_A, TAIL_A)],
                            acc.at[pl.ds(NSUB * ROWS_A, TAIL_A)])

    @pl.when(c == 1)
    def _():
        pltpu.sync_copy(h_i.at[pl.ds(n0, ROWS_A)], acc.at[pl.ds(n0, ROWS_A)])

        @pl.when(s == NSUB - 1)
        def _():
            pltpu.sync_copy(h_i.at[pl.ds(NSUB * ROWS_A, TAIL_A)],
                            acc.at[pl.ds(NSUB * ROWS_A, TAIL_A)])

    plsc.subcore_barrier()
    nround = (NCHUNK + NSUB - 1) // NSUB

    def issue_l(jj, S):
        ch = jj * NSUB + s

        @pl.when(ch < NCHUNK)
        def _():
            e0 = ch * CH
            pltpu.async_copy(src.at[pl.ds(e0, CH)], S["src"], S["seml"])
            pltpu.async_copy(f1h.at[pl.ds(e0, CH)], S["f1"], S["seml"])

            @pl.when(c == 0)
            def _():
                pltpu.async_copy(dst.at[pl.ds(e0, CH)], S["dst"], S["seml"])
                pltpu.async_copy(f0h.at[pl.ds(e0, CH)], S["f0"], S["seml"])
                pltpu.async_copy(uflat.at[pl.ds(e0 * 16, CH * 16)], S["u"],
                                 S["seml"])

    def issue_g(jj, S):
        ch = jj * NSUB + s

        @pl.when(ch < NCHUNK)
        def _():
            pltpu.make_async_copy(src.at[pl.ds(0, CH)], S["src"], S["seml"]).wait()
            pltpu.make_async_copy(f1h.at[pl.ds(0, CH)], S["f1"], S["seml"]).wait()

            @pl.when(c == 0)
            def _():
                pltpu.make_async_copy(dst.at[pl.ds(0, CH)], S["dst"],
                                      S["seml"]).wait()
                pltpu.make_async_copy(f0h.at[pl.ds(0, CH)], S["f0"],
                                      S["seml"]).wait()
                pltpu.make_async_copy(uflat.at[pl.ds(0, CH * 16)], S["u"],
                                      S["seml"]).wait()
                for i in range(CH // 16):
                    sl = pl.ds(i * 16, 16)
                    S["dst"][sl] = S["dst"][sl] + 2 * N
                pltpu.async_copy(vT.at[S["dst"]], S["vg"], S["semg"])

    def do_c(jj, S):
        ch = jj * NSUB + s

        @pl.when(ch < NCHUNK)
        def _():
            @pl.when(jj >= 2)
            def _():
                pltpu.make_async_copy(S["dv"], acc.at[S["s1i"]], S["sems"]).wait()
            for i in range(CH // 16):
                sl = pl.ds(i * 16, 16)
                S["s1i"][sl] = S["src"][sl]

            @pl.when(c == 0)
            def _():
                pltpu.make_async_copy(vT.at[S["dst"]], S["vg"], S["semg"]).wait()

                @plsc.parallel_loop(0, CH, 1, unroll=4)
                def edge_body(e):
                    uv = S["u"][pl.ds(e * 16, 16)]
                    u_2 = _splat(uv, 2)
                    for kg in range(FEAT // 16):
                        ksl = pl.ds(kg * 16, 16)
                        S["dv"][e, ksl] = (S["f0"][e, ksl] * u_2
                                           + S["f1"][e, ksl] * S["vg"][e, ksl])

                pltpu.async_copy(S["dv"], acc.at[S["s1i"]], S["sems"], add=True)

            @pl.when(c == 1)
            def _():
                @plsc.parallel_loop(0, CH, 1, unroll=4)
                def edge_body(e):
                    for kg in range(FEAT // 16):
                        ksl = pl.ds(kg * 16, 16)
                        S["hs"][e, ksl] = S["f1"][e, ksl]

                pltpu.async_copy(S["hs"], acc.at[S["s1i"]], S["sems"], add=True)

    issue_l(0, sets[0])
    issue_l(1, sets[1])
    issue_g(0, sets[0])

    def pair_body(j2, carry):
        for b in range(2):
            jj = 2 * j2 + b
            do_c(jj, sets[b])
            issue_l(jj + 2, sets[b])
            issue_g(jj + 1, sets[1 - b])
        return carry

    npairs = (nround + 1) // 2
    lax.fori_loop(0, npairs, pair_body, 0)
    for b in range(2):
        pltpu.make_async_copy(sets[b]["dv"], acc.at[sets[b]["s1i"]],
                              sets[b]["sems"]).wait()
    plsc.subcore_barrier()

    @pl.when(c == 0)
    def _():
        pltpu.sync_copy(acc.at[pl.ds(n0, ROWS_A)], v2out.at[pl.ds(n0, ROWS_A)])

        @pl.when(s == NSUB - 1)
        def _():
            pltpu.sync_copy(acc.at[pl.ds(NSUB * ROWS_A, TAIL_A)],
                            v2out.at[pl.ds(NSUB * ROWS_A, TAIL_A)])

    @pl.when(c == 1)
    def _():
        pltpu.sync_copy(acc.at[pl.ds(n0, ROWS_A)], hout.at[pl.ds(n0, ROWS_A)])

        @pl.when(s == NSUB - 1)
        def _():
            pltpu.sync_copy(acc.at[pl.ds(NSUB * ROWS_A, TAIL_A)],
                            hout.at[pl.ds(NSUB * ROWS_A, TAIL_A)])


def _vscatter_b(vT, h_i, f0, f1, uflat, src, dst):
    mesh = plsc.VectorSubcoreMesh(core_axis_name="c", subcore_axis_name="s")
    bufset = [
        pltpu.VMEM((CH,), jnp.int32),
        pltpu.VMEM((CH,), jnp.int32),
        pltpu.VMEM((CH,), jnp.int32),
        pltpu.VMEM((CH, FEAT), jnp.float32),
        pltpu.VMEM((CH, FEAT), jnp.float32),
        pltpu.VMEM((CH * 16,), jnp.float32),
        pltpu.VMEM((CH, FEAT), jnp.float32),
        pltpu.VMEM((CH, FEAT), jnp.float32),
        pltpu.VMEM((CH, FEAT), jnp.float32),
        pltpu.SemaphoreType.DMA,
    ]
    k = pl.kernel(
        _vscat_b_body,
        out_type=[jax.ShapeDtypeStruct((N, FEAT), jnp.float32),
                  jax.ShapeDtypeStruct((N, FEAT), jnp.float32)],
        mesh=mesh,
        scratch_types=[pltpu.VMEM_SHARED((N, FEAT), jnp.float32)]
        + bufset + bufset + [pltpu.SemaphoreType.DMA] * 4,
    )
    return k(vT, h_i, f0, f1, uflat, src, dst)



def kernel(h_i, v_i, d_ij, unit_r_ij, nbrs, W1, b1, W2, b2,
           Wf0, bf0, Wf1, bf1, Wf2, bf2, We1, be1, We2, be2):
    src = nbrs[:, 0]
    dst = nbrs[:, 1]

    phi = _phi(h_i, W1, b1, W2, b2)
    G = _gather_phi(phi, src)
    f0, f1 = _edge_filters(d_ij, G, We1, be1, We2, be2, Wf0, bf0, Wf1, bf1)

    vT = v_i.transpose(2, 0, 1).reshape(3 * N, FEAT)
    uflat = jnp.pad(unit_r_ij, ((0, 0), (0, 13))).reshape(16 * E)

    vout01 = _vscatter_a(vT, f0, f1, uflat, src, dst)
    vout2, h_out = _vscatter_b(vT, h_i, f0, f1, uflat, src, dst)

    v_out = jnp.stack([vout01[:N], vout01[N:], vout2], axis=0).transpose(1, 2, 0)
    return (h_out, v_out)

# --- scband reference (transcript-rebuilt; emitter-appended) ---
"""Pipeline reference for scband-equivariant-mplayer-68272800137473 (READ-ONLY COPY).

The authoritative reference and input builder live on the scoring server;
editing this copy changes nothing except your own understanding.
"""

import jax, jax.numpy as jnp
import numpy as np

N = 10000
E = 160000
FEAT = 128
N_RBF = 50
CUTOFF = 5.0


def _dense_params(key, din, dout):
    kw, kb = jax.random.split(key)
    W = jax.random.normal(kw, (din, dout), dtype=jnp.float32) / np.sqrt(din)
    b = jax.random.normal(kb, (dout,), dtype=jnp.float32) * 0.01
    return W, b


def setup_inputs(seed: int = 0):
    key = jax.random.key(seed)
    ks = jax.random.split(key, 12)
    h_i = jax.random.normal(ks[0], (N, FEAT), dtype=jnp.float32)
    v_i = jax.random.normal(ks[1], (N, FEAT, 3), dtype=jnp.float32)
    d_ij = jax.random.uniform(ks[2], (E,), dtype=jnp.float32, minval=0.5, maxval=CUTOFF)
    r = jax.random.normal(ks[3], (E, 3), dtype=jnp.float32)
    unit_r_ij = r / (jnp.linalg.norm(r, axis=-1, keepdims=True) + 1e-9)
    nbrs = jax.random.randint(ks[4], (E, 2), 0, N, dtype=jnp.int32)
    W1, b1 = _dense_params(ks[5], FEAT, FEAT)
    W2, b2 = _dense_params(ks[6], FEAT, FEAT)
    Wf0, bf0 = _dense_params(ks[7], FEAT, FEAT)
    Wf1, bf1 = _dense_params(ks[8], FEAT, FEAT)
    Wf2, bf2 = _dense_params(ks[9], FEAT, FEAT)
    We1, be1 = _dense_params(ks[10], N_RBF, FEAT)
    We2, be2 = _dense_params(ks[11], FEAT, FEAT)
    return {"h_i": h_i, "v_i": v_i, "d_ij": d_ij, "unit_r_ij": unit_r_ij, "nbrs": nbrs,
            "W1": W1, "b1": b1, "W2": W2, "b2": b2,
            "Wf0": Wf0, "bf0": bf0, "Wf1": Wf1, "bf1": bf1, "Wf2": Wf2, "bf2": bf2,
            "We1": We1, "be1": be1, "We2": We2, "be2": be2}


def _shifted_softplus(x):
    return jax.nn.softplus(x) - jnp.log(2.0)


def _dist_embed(d_ij, We1, be1, We2, be2):
    # SchNetEdgeFilter: Gaussian smearing over [0, cutoff] -> Dense(+ssp) -> Dense
    offsets = jnp.linspace(0.0, CUTOFF, N_RBF)
    width = offsets[1] - offsets[0]
    coeff = -0.5 / (width * width)
    smear = jnp.exp(coeff * jnp.square(d_ij[:, None] - offsets[None, :]))  # [E, n_rbf]
    h = _shifted_softplus(smear @ We1 + be1)
    return h @ We2 + be2  # [E, FEAT]


def reference(h_i, v_i, d_ij, unit_r_ij, nbrs, W1, b1, W2, b2, Wf0, bf0, Wf1, bf1, Wf2, bf2, We1, be1, We2, be2):
    # self.layers: Dense(swish, dropout=0 eval) -> Dense
    phi = jax.nn.silu(h_i @ W1 + b1) @ W2 + b2  # [N, FEAT]
    src = nbrs[:, 0]
    dst = nbrs[:, 1]
    edge_inv = jnp.take(phi, src, axis=0) * _dist_embed(d_ij, We1, be1, We2, be2)  # [E, FEAT]
    f0 = edge_inv @ Wf0 + bf0
    f1 = edge_inv @ Wf1 + bf1
    # NOTE: original module uses inv2equi_filters[1] for both the second dv term and dh
    # (filters[2] / Wf2 is constructed but unused); faithfully reproduced here.
    dv = f0[:, :, None] * unit_r_ij[:, None, :] + f1[:, :, None] * jnp.take(v_i, dst, axis=0)  # [E, FEAT, 3]
    dh = f1  # [E, FEAT]
    h_out = h_i + jax.ops.segment_sum(dh, src, num_segments=N)
    v_out = v_i + jax.ops.segment_sum(dv, src, num_segments=N)
    return (h_out, v_out)

if __name__ == "__main__":
    import jax
    _d = setup_inputs()
    print(jax.jit(kernel)(*tuple(_d.values())))

</pallas_src>

<mosaic_0001>
#map = affine_map<(d0, d1) -> (0, 0)>
#map1 = affine_map<(d0, d1) -> (0)>
module attributes {stable_mosaic.version = 14 : i64} {
  func.func @_vscat_a_body(%arg0: i32, %arg1: i32, %arg2: memref<30000x128xf32, #tpu.memory_space<hbm>>, %arg3: memref<160000x128xf32, #tpu.memory_space<hbm>>, %arg4: memref<160000x128xf32, #tpu.memory_space<hbm>>, %arg5: memref<2560000xf32, #tpu.memory_space<hbm>>, %arg6: memref<160000xi32, #tpu.memory_space<hbm>>, %arg7: memref<160000xi32, #tpu.memory_space<hbm>>, %arg8: memref<20000x128xf32, #tpu.memory_space<hbm>>, %arg9: memref<10000x128xf32, #tpu.memory_space<vmem_shared>>, %arg10: memref<32xi32, #tpu.memory_space<vmem>>, %arg11: memref<32xi32, #tpu.memory_space<vmem>>, %arg12: memref<32xi32, #tpu.memory_space<vmem>>, %arg13: memref<32x128xf32, #tpu.memory_space<vmem>>, %arg14: memref<32x128xf32, #tpu.memory_space<vmem>>, %arg15: memref<512xf32, #tpu.memory_space<vmem>>, %arg16: memref<32x128xf32, #tpu.memory_space<vmem>>, %arg17: memref<32x128xf32, #tpu.memory_space<vmem>>, %arg18: memref<!tpu.dma_semaphore, #tpu.memory_space<semaphore_mem>>, %arg19: memref<32xi32, #tpu.memory_space<vmem>>, %arg20: memref<32xi32, #tpu.memory_space<vmem>>, %arg21: memref<32xi32, #tpu.memory_space<vmem>>, %arg22: memref<32x128xf32, #tpu.memory_space<vmem>>, %arg23: memref<32x128xf32, #tpu.memory_space<vmem>>, %arg24: memref<512xf32, #tpu.memory_space<vmem>>, %arg25: memref<32x128xf32, #tpu.memory_space<vmem>>, %arg26: memref<32x128xf32, #tpu.memory_space<vmem>>, %arg27: memref<!tpu.dma_semaphore, #tpu.memory_space<semaphore_mem>>, %arg28: memref<!tpu.dma_semaphore, #tpu.memory_space<semaphore_mem>>, %arg29: memref<!tpu.dma_semaphore, #tpu.memory_space<semaphore_mem>>, %arg30: memref<!tpu.dma_semaphore, #tpu.memory_space<semaphore_mem>>, %arg31: memref<!tpu.dma_semaphore, #tpu.memory_space<semaphore_mem>>) attributes {dimension_semantics = [#tpu.dimension_semantics<core_parallel>, #tpu.dimension_semantics<subcore_parallel>], iteration_bounds = array<i64: 2, 16>, scalar_prefetch = 0 : i64, scratch_operands = 23 : i64, tpu.core_type = #tpu.core_type<sc_vector_subcore>, window_params = [{transform_indices = #map}, {transform_indices = #map}, {transform_indices = #map}, {transform_indices = #map1}, {transform_indices = #map1}, {transform_indices = #map1}, {transform_indices = #map}]} {
    %mul3A = arith.constant 624 : i32
    %mul3A_0 = arith.muli %arg1, %mul3A : i32
    %mul3A_1 = arith.constant 10000 : i32
    %mul3A_2 = arith.muli %arg0, %mul3A_1 : i32
    %add3A = arith.addi %mul3A_2, %mul3A_0 : i32
    "tpu.region"() ({
      %run_scoped3A = tpu.sem_alloc : memref<!tpu.dma_semaphore, #tpu.memory_space<semaphore_mem>>
      %dma_start3A = arith.constant 0 : i32
      %dma_start3A_44 = tpu.memref_slice %arg9[%mul3A_0, %dma_start3A] : memref<10000x128xf32, #tpu.memory_space<vmem_shared>> -> memref<624x128xf32, #tpu.memory_space<vmem_shared>>
      %dma_start3A_45 = arith.constant 0 : i32
      %dma_start3A_46 = tpu.memref_slice %arg2[%add3A, %dma_start3A_45] : memref<30000x128xf32, #tpu.memory_space<hbm>> -> memref<624x128xf32, #tpu.memory_space<hbm>>
      tpu.enqueue_dma source(%dma_start3A_46 : memref<624x128xf32, #tpu.memory_space<hbm>>) target(%dma_start3A_44 : memref<624x128xf32, #tpu.memory_space<vmem_shared>>) target_semaphore(%run_scoped3A : memref<!tpu.dma_semaphore, #tpu.memory_space<semaphore_mem>>)
      %dma_wait3A_47 = arith.constant 0 : i32
      %dma_wait3A_48 = tpu.memref_slice %arg9[%mul3A_0, %dma_wait3A_47] : memref<10000x128xf32, #tpu.memory_space<vmem_shared>> -> memref<624x128xf32, #tpu.memory_space<vmem_shared>>
      %dma_wait3A_49 = arith.constant 0 : i32
      %dma_wait3A_50 = tpu.memref_slice %arg2[%add3A, %dma_wait3A_49] : memref<30000x128xf32, #tpu.memory_space<hbm>> -> memref<624x128xf32, #tpu.memory_space<hbm>>
      tpu.wait_dma2 semaphore(%run_scoped3A : memref<!tpu.dma_semaphore, #tpu.memory_space<semaphore_mem>>) src(%dma_wait3A_50 : memref<624x128xf32, #tpu.memory_space<hbm>>) dst(%dma_wait3A_48 : memref<624x128xf32, #tpu.memory_space<vmem_shared>>)
      tpu.yield
    }) : () -> ()
    %eq3A = arith.constant 15 : i32
    %eq3A_3 = arith.cmpi eq, %arg1, %eq3A : i32
    %convert_element_type3A = arith.extui %eq3A_3 : i1 to i32
    %cond3A = arith.constant 0 : i32
    %cond3A_4 = arith.cmpi ne, %convert_element_type3A, %cond3A : i32
    scf.if %cond3A_4 {
      %mul3A_44 = arith.constant 10000 : i32
      %mul3A_45 = arith.muli %arg0, %mul3A_44 : i32
      %add3A_46 = arith.constant 9984 : i32
      %add3A_47 = arith.addi %mul3A_45, %add3A_46 : i32
      "tpu.region"() ({
        %run_scoped3A = tpu.sem_alloc : memref<!tpu.dma_semaphore, #tpu.memory_space<semaphore_mem>>
        %dma_start3A = arith.constant 9984 : i32
        %dma_start3A_48 = arith.constant 0 : i32
        %dma_start3A_49 = tpu.memref_slice %arg9[%dma_start3A, %dma_start3A_48] : memref<10000x128xf32, #tpu.memory_space<vmem_shared>> -> memref<16x128xf32, #tpu.memory_space<vmem_shared>>
        %dma_start3A_50 = arith.constant 0 : i32
        %dma_start3A_51 = tpu.memref_slice %arg2[%add3A_47, %dma_start3A_50] : memref<30000x128xf32, #tpu.memory_space<hbm>> -> memref<16x128xf32, #tpu.memory_space<hbm>>
        tpu.enqueue_dma source(%dma_start3A_51 : memref<16x128xf32, #tpu.memory_space<hbm>>) target(%dma_start3A_49 : memref<16x128xf32, #tpu.memory_space<vmem_shared>>) target_semaphore(%run_scoped3A : memref<!tpu.dma_semaphore, #tpu.memory_space<semaphore_mem>>)
        %dma_wait3A_52 = arith.constant 9984 : i32
        %dma_wait3A_53 = arith.constant 0 : i32
        %dma_wait3A_54 = tpu.memref_slice %arg9[%dma_wait3A_52, %dma_wait3A_53] : memref<10000x128xf32, #tpu.memory_space<vmem_shared>> -> memref<16x128xf32, #tpu.memory_space<vmem_shared>>
        %dma_wait3A_55 = arith.constant 0 : i32
        %dma_wait3A_56 = tpu.memref_slice %arg2[%add3A_47, %dma_wait3A_55] : memref<30000x128xf32, #tpu.memory_space<hbm>> -> memref<16x128xf32, #tpu.memory_space<hbm>>
        tpu.wait_dma2 semaphore(%run_scoped3A : memref<!tpu.dma_semaphore, #tpu.memory_space<semaphore_mem>>) src(%dma_wait3A_56 : memref<16x128xf32, #tpu.memory_space<hbm>>) dst(%dma_wait3A_54 : memref<16x128xf32, #tpu.memory_space<vmem_shared>>)
        tpu.yield
      }) : () -> ()
    } else {
    }
    %barrier3A = arith.constant 0 : index
    tpu.barrier barrier_id(%barrier3A)
    %add3A_5 = arith.constant 0 : i32
    %add3A_6 = arith.addi %add3A_5, %arg1 : i32
    %lt3A = arith.constant 5000 : i32
    %lt3A_7 = arith.cmpi slt, %add3A_6, %lt3A : i32
    %convert_element_type3A_8 = arith.extui %lt3A_7 : i1 to i32
    %cond3A_9 = arith.constant 0 : i32
    %cond3A_10 = arith.cmpi ne, %convert_element_type3A_8, %cond3A_9 : i32
    scf.if %cond3A_10 {
      %mul3A_44 = arith.constant 32 : i32
      %mul3A_45 = arith.muli %add3A_6, %mul3A_44 : i32
      %dma_start3A = tpu.memref_slice %arg6[%mul3A_45] : memref<160000xi32, #tpu.memory_space<hbm>> -> memref<32xi32, #tpu.memory_space<hbm>>
      %dma_start3A_46 = tpu.memref_slice %arg6[%mul3A_45] : memref<160000xi32, #tpu.memory_space<hbm>> -> memref<32xi32, #tpu.memory_space<hbm>>
      tpu.enqueue_dma source(%dma_start3A_46 : memref<32xi32, #tpu.memory_space<hbm>>) target(%arg10 : memref<32xi32, #tpu.memory_space<vmem>>) target_semaphore(%arg18 : memref<!tpu.dma_semaphore, #tpu.memory_space<semaphore_mem>>)
      %dma_start3A_47 = tpu.memref_slice %arg7[%mul3A_45] : memref<160000xi32, #tpu.memory_space<hbm>> -> memref<32xi32, #tpu.memory_space<hbm>>
      %dma_start3A_48 = tpu.memref_slice %arg7[%mul3A_45] : memref<160000xi32, #tpu.memory_space<hbm>> -> memref<32xi32, #tpu.memory_space<hbm>>
      tpu.enqueue_dma source(%dma_start3A_48 : memref<32xi32, #tpu.memory_space<hbm>>) target(%arg11 : memref<32xi32, #tpu.memory_space<vmem>>) target_semaphore(%arg18 : memref<!tpu.dma_semaphore, #tpu.memory_space<semaphore_mem>>)
      %dma_start3A_49 = arith.constant 0 : i32
      %dma_start3A_50 = tpu.memref_slice %arg3[%mul3A_45, %dma_start3A_49] : memref<160000x128xf32, #tpu.memory_space<hbm>> -> memref<32x128xf32, #tpu.memory_space<hbm>>
      %dma_start3A_51 = arith.constant 0 : i32
      %dma_start3A_52 = tpu.memref_slice %arg3[%mul3A_45, %dma_start3A_51] : memref<160000x128xf32, #tpu.memory_space<hbm>> -> memref<32x128xf32, #tpu.memory_space<hbm>>
      tpu.enqueue_dma source(%dma_start3A_52 : memref<32x128xf32, #tpu.memory_space<hbm>>) target(%arg13 : memref<32x128xf32, #tpu.memory_space<vmem>>) target_semaphore(%arg18 : memref<!tpu.dma_semaphore, #tpu.memory_space<semaphore_mem>>)
      %dma_start3A_53 = arith.constant 0 : i32
      %dma_start3A_54 = tpu.memref_slice %arg4[%mul3A_45, %dma_start3A_53] : memref<160000x128xf32, #tpu.memory_space<hbm>> -> memref<32x128xf32, #tpu.memory_space<hbm>>
      %dma_start3A_55 = arith.constant 0 : i32
      %dma_start3A_56 = tpu.memref_slice %arg4[%mul3A_45, %dma_start3A_55] : memref<160000x128xf32, #tpu.memory_space<hbm>> -> memref<32x128xf32, #tpu.memory_space<hbm>>
      tpu.enqueue_dma source(%dma_start3A_56 : memref<32x128xf32, #tpu.memory_space<hbm>>) target(%arg14 : memref<32x128xf32, #tpu.memory_space<vmem>>) target_semaphore(%arg18 : memref<!tpu.dma_semaphore, #tpu.memory_space<semaphore_mem>>)
      %mul3A_57 = arith.constant 16 : i32
      %mul3A_58 = arith.muli %mul3A_45, %mul3A_57 : i32
      %dma_start3A_59 = tpu.memref_slice %arg5[%mul3A_58] : memref<2560000xf32, #tpu.memory_space<hbm>> -> memref<512xf32, #tpu.memory_space<hbm>>
      %dma_start3A_60 = tpu.memref_slice %arg5[%mul3A_58] : memref<2560000xf32, #tpu.memory_space<hbm>> -> memref<512xf32, #tpu.memory_space<hbm>>
      tpu.enqueue_dma source(%dma_start3A_60 : memref<512xf32, #tpu.memory_space<hbm>>) target(%arg15 : memref<512xf32, #tpu.memory_space<vmem>>) target_semaphore(%arg18 : memref<!tpu.dma_semaphore, #tpu.memory_space<semaphore_mem>>)
    } else {
    }
    %add3A_11 = arith.constant 16 : i32
    %add3A_12 = arith.addi %add3A_11, %arg1 : i32
    %lt3A_13 = arith.constant 5000 : i32
    %lt3A_14 = arith.cmpi slt, %add3A_12, %lt3A_13 : i32
    %convert_element_type3A_15 = arith.extui %lt3A_14 : i1 to i32
    %cond3A_16 = arith.constant 0 : i32
    %cond3A_17 = arith.cmpi ne, %convert_element_type3A_15, %cond3A_16 : i32
    scf.if %cond3A_17 {
      %mul3A_44 = arith.constant 32 : i32
      %mul3A_45 = arith.muli %add3A_12, %mul3A_44 : i32
      %dma_start3A = tpu.memref_slice %arg6[%mul3A_45] : memref<160000xi32, #tpu.memory_space<hbm>> -> memref<32xi32, #tpu.memory_space<hbm>>
      %dma_start3A_46 = tpu.memref_slice %arg6[%mul3A_45] : memref<160000xi32, #tpu.memory_space<hbm>> -> memref<32xi32, #tpu.memory_space<hbm>>
      tpu.enqueue_dma source(%dma_start3A_46 : memref<32xi32, #tpu.memory_space<hbm>>) target(%arg19 : memref<32xi32, #tpu.memory_space<vmem>>) target_semaphore(%arg27 : memref<!tpu.dma_semaphore, #tpu.memory_space<semaphore_mem>>)
      %dma_start3A_47 = tpu.memref_slice %arg7[%mul3A_45] : memref<160000xi32, #tpu.memory_space<hbm>> -> memref<32xi32, #tpu.memory_space<hbm>>
      %dma_start3A_48 = tpu.memref_slice %arg7[%mul3A_45] : memref<160000xi32, #tpu.memory_space<hbm>> -> memref<32xi32, #tpu.memory_space<hbm>>
      tpu.enqueue_dma source(%dma_start3A_48 : memref<32xi32, #tpu.memory_space<hbm>>) target(%arg20 : memref<32xi32, #tpu.memory_space<vmem>>) target_semaphore(%arg27 : memref<!tpu.dma_semaphore, #tpu.memory_space<semaphore_mem>>)
      %dma_start3A_49 = arith.constant 0 : i32
      %dma_start3A_50 = tpu.memref_slice %arg3[%mul3A_45, %dma_start3A_49] : memref<160000x128xf32, #tpu.memory_space<hbm>> -> memref<32x128xf32, #tpu.memory_space<hbm>>
      %dma_start3A_51 = arith.constant 0 : i32
      %dma_start3A_52 = tpu.memref_slice %arg3[%mul3A_45, %dma_start3A_51] : memref<160000x128xf32, #tpu.memory_space<hbm>> -> memref<32x128xf32, #tpu.memory_space<hbm>>
      tpu.enqueue_dma source(%dma_start3A_52 : memref<32x128xf32, #tpu.memory_space<hbm>>) target(%arg22 : memref<32x128xf32, #tpu.memory_space<vmem>>) target_semaphore(%arg27 : memref<!tpu.dma_semaphore, #tpu.memory_space<semaphore_mem>>)
      %dma_start3A_53 = arith.constant 0 : i32
      %dma_start3A_54 = tpu.memref_slice %arg4[%mul3A_45, %dma_start3A_53] : memref<160000x128xf32, #tpu.memory_space<hbm>> -> memref<32x128xf32, #tpu.memory_space<hbm>>
      %dma_start3A_55 = arith.constant 0 : i32
      %dma_start3A_56 = tpu.memref_slice %arg4[%mul3A_45, %dma_start3A_55] : memref<160000x128xf32, #tpu.memory_space<hbm>> -> memref<32x128xf32, #tpu.memory_space<hbm>>
      tpu.enqueue_dma source(%dma_start3A_56 : memref<32x128xf32, #tpu.memory_space<hbm>>) target(%arg23 : memref<32x128xf32, #tpu.memory_space<vmem>>) target_semaphore(%arg27 : memref<!tpu.dma_semaphore, #tpu.memory_space<semaphore_mem>>)
      %mul3A_57 = arith.constant 16 : i32
      %mul3A_58 = arith.muli %mul3A_45, %mul3A_57 : i32
      %dma_start3A_59 = tpu.memref_slice %arg5[%mul3A_58] : memref<2560000xf32, #tpu.memory_space<hbm>> -> memref<512xf32, #tpu.memory_space<hbm>>
      %dma_start3A_60 = tpu.memref_slice %arg5[%mul3A_58] : memref<2560000xf32, #tpu.memory_space<hbm>> -> memref<512xf32, #tpu.memory_space<hbm>>
      tpu.enqueue_dma source(%dma_start3A_60 : memref<512xf32, #tpu.memory_space<hbm>>) target(%arg24 : memref<512xf32, #tpu.memory_space<vmem>>) target_semaphore(%arg27 : memref<!tpu.dma_semaphore, #tpu.memory_space<semaphore_mem>>)
    } else {
    }
    %add3A_18 = arith.constant 0 : i32
    %add3A_19 = arith.addi %add3A_18, %arg1 : i32
    %lt3A_20 = arith.constant 5000 : i32
    %lt3A_21 = arith.cmpi slt, %add3A_19, %lt3A_20 : i32
    %convert_element_type3A_22 = arith.extui %lt3A_21 : i1 to i32
    %cond3A_23 = arith.constant 0 : i32
    %cond3A_24 = arith.cmpi ne, %convert_element_type3A_22, %cond3A_23 : i32
    scf.if %cond3A_24 {
      %dma_wait3A_44 = arith.constant 0 : i32
      %dma_wait3A_45 = tpu.memref_slice %arg6[%dma_wait3A_44] : memref<160000xi32, #tpu.memory_space<hbm>> -> memref<32xi32, #tpu.memory_space<hbm>>
      %dma_wait3A_46 = arith.constant 0 : i32
      %dma_wait3A_47 = tpu.memref_slice %arg6[%dma_wait3A_46] : memref<160000xi32, #tpu.memory_space<hbm>> -> memref<32xi32, #tpu.memory_space<hbm>>
      tpu.wait_dma2 semaphore(%arg18 : memref<!tpu.dma_semaphore, #tpu.memory_space<semaphore_mem>>) src(%dma_wait3A_47 : memref<32xi32, #tpu.memory_space<hbm>>) dst(%arg10 : memref<32xi32, #tpu.memory_space<vmem>>)
      %dma_wait3A_48 = arith.constant 0 : i32
      %dma_wait3A_49 = tpu.memref_slice %arg7[%dma_wait3A_48] : memref<160000xi32, #tpu.memory_space<hbm>> -> memref<32xi32, #tpu.memory_space<hbm>>
      %dma_wait3A_50 = arith.constant 0 : i32
      %dma_wait3A_51 = tpu.memref_slice %arg7[%dma_wait3A_50] : memref<160000xi32, #tpu.memory_space<hbm>> -> memref<32xi32, #tpu.memory_space<hbm>>
      tpu.wait_dma2 semaphore(%arg18 : memref<!tpu.dma_semaphore, #tpu.memory_space<semaphore_mem>>) src(%dma_wait3A_51 : memref<32xi32, #tpu.memory_space<hbm>>) dst(%arg11 : memref<32xi32, #tpu.memory_space<vmem>>)
      %dma_wait3A_52 = arith.constant 0 : i32
      %dma_wait3A_53 = arith.constant 0 : i32
      %dma_wait3A_54 = tpu.memref_slice %arg3[%dma_wait3A_52, %dma_wait3A_53] : memref<160000x128xf32, #tpu.memory_space<hbm>> -> memref<32x128xf32, #tpu.memory_space<hbm>>
      %dma_wait3A_55 = arith.constant 0 : i32
      %dma_wait3A_56 = arith.constant 0 : i32
      %dma_wait3A_57 = tpu.memref_slice %arg3[%dma_wait3A_55, %dma_wait3A_56] : memref<160000x128xf32, #tpu.memory_space<hbm>> -> memref<32x128xf32, #tpu.memory_space<hbm>>
      tpu.wait_dma2 semaphore(%arg18 : memref<!tpu.dma_semaphore, #tpu.memory_space<semaphore_mem>>) src(%dma_wait3A_57 : memref<32x128xf32, #tpu.memory_space<hbm>>) dst(%arg13 : memref<32x128xf32, #tpu.memory_space<vmem>>)
      %dma_wait3A_58 = arith.constant 0 : i32
      %dma_wait3A_59 = arith.constant 0 : i32
      %dma_wait3A_60 = tpu.memref_slice %arg4[%dma_wait3A_58, %dma_wait3A_59] : memref<160000x128xf32, #tpu.memory_space<hbm>> -> memref<32x128xf32, #tpu.memory_space<hbm>>
      %dma_wait3A_61 = arith.constant 0 : i32
      %dma_wait3A_62 = arith.constant 0 : i32
      %dma_wait3A_63 = tpu.memref_slice %arg4[%dma_wait3A_61, %dma_wait3A_62] : memref<160000x128xf32, #tpu.memory_space<hbm>> -> memref<32x128xf32, #tpu.memory_space<hbm>>
      tpu.wait_dma2 semaphore(%arg18 : memref<!tpu.dma_semaphore, #tpu.memory_space<semaphore_mem>>) src(%dma_wait3A_63 : memref<32x128xf32, #tpu.memory_space<hbm>>) dst(%arg14 : memref<32x128xf32, #tpu.memory_space<vmem>>)
      %dma_wait3A_64 = arith.constant 0 : i32
      %dma_wait3A_65 = tpu.memref_slice %arg5[%dma_wait3A_64] : memref<2560000xf32, #tpu.memory_space<hbm>> -> memref<512xf32, #tpu.memory_space<hbm>>
      %dma_wait3A_66 = arith.constant 0 : i32
      %dma_wait3A_67 = tpu.memref_slice %arg5[%dma_wait3A_66] : memref<2560000xf32, #tpu.memory_space<hbm>> -> memref<512xf32, #tpu.memory_space<hbm>>
      tpu.wait_dma2 semaphore(%arg18 : memref<!tpu.dma_semaphore, #tpu.memory_space<semaphore_mem>>) src(%dma_wait3A_67 : memref<512xf32, #tpu.memory_space<hbm>>) dst(%arg15 : memref<512xf32, #tpu.memory_space<vmem>>)
      %get3A = arith.constant 0 : index
      %get3A_68 = tpu.vector_load %arg11[%get3A] {strides = array<i32>} : memref<32xi32, #tpu.memory_space<vmem>>, vector<16xi32>,
      %get3A_69 = vector.shape_cast %get3A_68 : vector<16xi32> to vector<16xi32>
      %mul3A_70 = arith.constant 10000 : i32
      %mul3A_71 = arith.muli %arg0, %mul3A_70 : i32
      %add3A_72 = vector.broadcast %mul3A_71 : i32 to vector<16xi32>
      %add3A_73 = arith.addi %get3A_69, %add3A_72 : vector<16xi32>
      %swap3A = arith.constant 0 : index
      %swap3A_74 = tpu.vector_load %arg11[%swap3A] {strides = array<i32>} : memref<32xi32, #tpu.memory_space<vmem>>, vector<16xi32>,
      %swap3A_75 = vector.shape_cast %swap3A_74 : vector<16xi32> to vector<16xi32>
      %swap3A_76 = vector.shape_cast %add3A_73 : vector<16xi32> to vector<16xi32>
      tpu.vector_store %arg11[%swap3A], %swap3A_76 {strides = array<i32>} : memref<32xi32, #tpu.memory_space<vmem>>, vector<16xi32>,
      %get3A_77 = arith.constant 16 : index
      %get3A_78 = tpu.vector_load %arg11[%get3A_77] {strides = array<i32>} : memref<32xi32, #tpu.memory_space<vmem>>, vector<16xi32>,
      %get3A_79 = vector.shape_cast %get3A_78 : vector<16xi32> to vector<16xi32>
      %mul3A_80 = arith.constant 10000 : i32
      %mul3A_81 = arith.muli %arg0, %mul3A_80 : i32
      %add3A_82 = vector.broadcast %mul3A_81 : i32 to vector<16xi32>
      %add3A_83 = arith.addi %get3A_79, %add3A_82 : vector<16xi32>
      %swap3A_84 = arith.constant 16 : index
      %swap3A_85 = tpu.vector_load %arg11[%swap3A_84] {strides = array<i32>} : memref<32xi32, #tpu.memory_space<vmem>>, vector<16xi32>,
      %swap3A_86 = vector.shape_cast %swap3A_85 : vector<16xi32> to vector<16xi32>
      %swap3A_87 = vector.shape_cast %add3A_83 : vector<16xi32> to vector<16xi32>
      tpu.vector_store %arg11[%swap3A_84], %swap3A_87 {strides = array<i32>} : memref<32xi32, #tpu.memory_space<vmem>>, vector<16xi32>,
      %dma_start3A = arith.constant 0 : i32
      %dma_start3A_88 = arith.constant 0 : i32
      %dma_start3A_89 = tpu.memref_slice %arg2[%dma_start3A, %dma_start3A_88] : memref<30000x128xf32, #tpu.memory_space<hbm>> -> memref<30000x128xf32, #tpu.memory_space<hbm>>
      tpu.enqueue_indirect_dma source(%dma_start3A_89 : memref<30000x128xf32, #tpu.memory_space<hbm>>) target(%arg16 : memref<32x128xf32, #tpu.memory_space<vmem>>) offsets(%arg11 : memref<32xi32, #tpu.memory_space<vmem>>) semaphore(%arg28 : memref<!tpu.dma_semaphore, #tpu.memory_space<semaphore_mem>>)
    } else {
    }
    %scan3A = arith.constant 0 : i32
    %scan3A_25 = arith.constant 0 : i32
    %scan3A_26 = arith.constant 157 : i32
    %scan3A_27 = arith.addi %scan3A_25, %scan3A_26 : i32
    %scan3A_28 = arith.constant 1 : i32
    scf.for %scan3A_44 = %scan3A_25 to %scan3A_27 step %scan3A_28  : i32 {
      %mul3A_45 = arith.constant 2 : i32
      %mul3A_46 = arith.muli %mul3A_45, %scan3A_44 : i32
      %add3A_47 = arith.constant 0 : i32
      %add3A_48 = arith.addi %mul3A_46, %add3A_47 : i32
      %mul3A_49 = arith.constant 16 : i32
      %mul3A_50 = arith.muli %add3A_48, %mul3A_49 : i32
      %add3A_51 = arith.addi %mul3A_50, %arg1 : i32
      %lt3A_52 = arith.constant 5000 : i32
      %lt3A_53 = arith.cmpi slt, %add3A_51, %lt3A_52 : i32
      %convert_element_type3A_54 = arith.extui %lt3A_53 : i1 to i32
      %cond3A_55 = arith.constant 0 : i32
      %cond3A_56 = arith.cmpi ne, %convert_element_type3A_54, %cond3A_55 : i32
      scf.if %cond3A_56 {
        %ge3A = arith.constant 2 : i32
        %ge3A_109 = arith.cmpi sge, %add3A_48, %ge3A : i32
        %convert_element_type3A_110 = arith.extui %ge3A_109 : i1 to i32
        %cond3A_111 = arith.constant 0 : i32
        %cond3A_112 = arith.cmpi ne, %convert_element_type3A_110, %cond3A_111 : i32
        scf.if %cond3A_112 {
          %dma_wait3A_132 = arith.constant 0 : i32
          %dma_wait3A_133 = arith.constant 0 : i32
          %dma_wait3A_134 = tpu.memref_slice %arg9[%dma_wait3A_132, %dma_wait3A_133] : memref<10000x128xf32, #tpu.memory_space<vmem_shared>> -> memref<10000x128xf32, #tpu.memory_space<vmem_shared>>
          tpu.wait_indirect_dma semaphore(%arg29 : memref<!tpu.dma_semaphore, #tpu.memory_space<semaphore_mem>>) src(%arg17 : memref<32x128xf32, #tpu.memory_space<vmem>>) dst(%dma_wait3A_134 : memref<10000x128xf32, #tpu.memory_space<vmem_shared>>)
        } else {
        }
        %dma_wait3A_113 = arith.constant 0 : i32
        %dma_wait3A_114 = arith.constant 0 : i32
        %dma_wait3A_115 = tpu.memref_slice %arg2[%dma_wait3A_113, %dma_wait3A_114] : memref<30000x128xf32, #tpu.memory_space<hbm>> -> memref<30000x128xf32, #tpu.memory_space<hbm>>
        tpu.wait_indirect_dma semaphore(%arg28 : memref<!tpu.dma_semaphore, #tpu.memory_space<semaphore_mem>>) src(%dma_wait3A_115 : memref<30000x128xf32, #tpu.memory_space<hbm>>) dst(%arg16 : memref<32x128xf32, #tpu.memory_space<vmem>>)
        %get3A = arith.constant 0 : index
        %get3A_116 = tpu.vector_load %arg10[%get3A] {strides = array<i32>} : memref<32xi32, #tpu.memory_space<vmem>>, vector<16xi32>,
        %get3A_117 = vector.shape_cast %get3A_116 : vector<16xi32> to vector<16xi32>
        %swap3A = arith.constant 0 : index
        %swap3A_118 = tpu.vector_load %arg12[%swap3A] {strides = array<i32>} : memref<32xi32, #tpu.memory_space<vmem>>, vector<16xi32>,
        %swap3A_119 = vector.shape_cast %swap3A_118 : vector<16xi32> to vector<16xi32>
        %swap3A_120 = vector.shape_cast %get3A_117 : vector<16xi32> to vector<16xi32>
        tpu.vector_store %arg12[%swap3A], %swap3A_120 {strides = array<i32>} : memref<32xi32, #tpu.memory_space<vmem>>, vector<16xi32>,
        %get3A_121 = arith.constant 16 : index
        %get3A_122 = tpu.vector_load %arg10[%get3A_121] {strides = array<i32>} : memref<32xi32, #tpu.memory_space<vmem>>, vector<16xi32>,
        %get3A_123 = vector.shape_cast %get3A_122 : vector<16xi32> to vector<16xi32>
        %swap3A_124 = arith.constant 16 : index
        %swap3A_125 = tpu.vector_load %arg12[%swap3A_124] {strides = array<i32>} : memref<32xi32, #tpu.memory_space<vmem>>, vector<16xi32>,
        %swap3A_126 = vector.shape_cast %swap3A_125 : vector<16xi32> to vector<16xi32>
        %swap3A_127 = vector.shape_cast %get3A_123 : vector<16xi32> to vector<16xi32>
        tpu.vector_store %arg12[%swap3A_124], %swap3A_127 {strides = array<i32>} : memref<32xi32, #tpu.memory_space<vmem>>, vector<16xi32>,
        %parallel_loop3A = arith.constant 0 : i32
        %parallel_loop3A_128 = arith.constant 32 : i32
        %parallel_loop3A_129 = arith.constant 1 : i32
        scf.for %parallel_loop3A_132 = %parallel_loop3A to %parallel_loop3A_128 step %parallel_loop3A_129  : i32 {
          %parallel_loop3A_133 = arith.constant 16 : i32
          %parallel_loop3A_134 = arith.muli %parallel_loop3A_132, %parallel_loop3A_133 : i32
          %parallel_loop3A_135 = arith.index_cast %parallel_loop3A_134 : i32 to index
          %parallel_loop3A_136 = tpu.vector_load %arg15[%parallel_loop3A_135] {strides = array<i32>} : memref<512xf32, #tpu.memory_space<vmem>>, vector<16xf32>,
          %parallel_loop3A_137 = vector.shape_cast %parallel_loop3A_136 : vector<16xf32> to vector<16xf32>
          %parallel_loop3A_138 = vector.broadcast %arg0 : i32 to vector<16x1xi32>
          %parallel_loop3A_139 = vector.shape_cast %parallel_loop3A_138 : vector<16x1xi32> to vector<16xi32>
          %parallel_loop3A_140 = tpu.dynamic_gather %parallel_loop3A_137[%parallel_loop3A_139] in [0] : vector<16xf32>, vector<16xi32> -> vector<16xf32>
          %parallel_loop3A_141 = arith.index_cast %parallel_loop3A_132 : i32 to index
          %parallel_loop3A_142 = arith.constant 0 : index
          %parallel_loop3A_143 = tpu.vector_load %arg13[%parallel_loop3A_141, %parallel_loop3A_142] {strides = array<i32>} : memref<32x128xf32, #tpu.memory_space<vmem>>, vector<1x16xf32>,
          %parallel_loop3A_144 = vector.shape_cast %parallel_loop3A_143 : vector<1x16xf32> to vector<16xf32>
          %parallel_loop3A_145 = arith.mulf %parallel_loop3A_144, %parallel_loop3A_140 : vector<16xf32>
          %parallel_loop3A_146 = arith.index_cast %parallel_loop3A_132 : i32 to index
          %parallel_loop3A_147 = arith.constant 0 : index
          %parallel_loop3A_148 = tpu.vector_load %arg14[%parallel_loop3A_146, %parallel_loop3A_147] {strides = array<i32>} : memref<32x128xf32, #tpu.memory_space<vmem>>, vector<1x16xf32>,
          %parallel_loop3A_149 = vector.shape_cast %parallel_loop3A_148 : vector<1x16xf32> to vector<16xf32>
          %parallel_loop3A_150 = arith.index_cast %parallel_loop3A_132 : i32 to index
          %parallel_loop3A_151 = arith.constant 0 : index
          %parallel_loop3A_152 = tpu.vector_load %arg16[%parallel_loop3A_150, %parallel_loop3A_151] {strides = array<i32>} : memref<32x128xf32, #tpu.memory_space<vmem>>, vector<1x16xf32>,
          %parallel_loop3A_153 = vector.shape_cast %parallel_loop3A_152 : vector<1x16xf32> to vector<16xf32>
          %parallel_loop3A_154 = arith.mulf %parallel_loop3A_149, %parallel_loop3A_153 : vector<16xf32>
          %parallel_loop3A_155 = arith.addf %parallel_loop3A_145, %parallel_loop3A_154 : vector<16xf32>
          %parallel_loop3A_156 = arith.index_cast %parallel_loop3A_132 : i32 to index
          %parallel_loop3A_157 = arith.constant 0 : index
          %parallel_loop3A_158 = tpu.vector_load %arg17[%parallel_loop3A_156, %parallel_loop3A_157] {strides = array<i32>} : memref<32x128xf32, #tpu.memory_space<vmem>>, vector<1x16xf32>,
          %parallel_loop3A_159 = vector.shape_cast %parallel_loop3A_158 : vector<1x16xf32> to vector<16xf32>
          %parallel_loop3A_160 = vector.shape_cast %parallel_loop3A_155 : vector<16xf32> to vector<1x16xf32>
          tpu.vector_store %arg17[%parallel_loop3A_156, %parallel_loop3A_157], %parallel_loop3A_160 {strides = array<i32>} : memref<32x128xf32, #tpu.memory_space<vmem>>, vector<1x16xf32>,
          %parallel_loop3A_161 = arith.index_cast %parallel_loop3A_132 : i32 to index
          %parallel_loop3A_162 = arith.constant 16 : index
          %parallel_loop3A_163 = tpu.vector_load %arg13[%parallel_loop3A_161, %parallel_loop3A_162] {strides = array<i32>} : memref<32x128xf32, #tpu.memory_space<vmem>>, vector<1x16xf32>,
          %parallel_loop3A_164 = vector.shape_cast %parallel_loop3A_163 : vector<1x16xf32> to vector<16xf32>
          %parallel_loop3A_165 = arith.mulf %parallel_loop3A_164, %parallel_loop3A_140 : vector<16xf32>
          %parallel_loop3A_166 = arith.index_cast %parallel_loop3A_132 : i32 to index
          %parallel_loop3A_167 = arith.constant 16 : index
          %parallel_loop3A_168 = tpu.vector_load %arg14[%parallel_loop3A_166, %parallel_loop3A_167] {strides = array<i32>} : memref<32x128xf32, #tpu.memory_space<vmem>>, vector<1x16xf32>,
          %parallel_loop3A_169 = vector.shape_cast %parallel_loop3A_168 : vector<1x16xf32> to vector<16xf32>
          %parallel_loop3A_170 = arith.index_cast %parallel_loop3A_132 : i32 to index
          %parallel_loop3A_171 = arith.constant 16 : index
          %parallel_loop3A_172 = tpu.vector_load %arg16[%parallel_loop3A_170, %parallel_loop3A_171] {strides = array<i32>} : memref<32x128xf32, #tpu.memory_space<vmem>>, vector<1x16xf32>,
          %parallel_loop3A_173 = vector.shape_cast %parallel_loop3A_172 : vector<1x16xf32> to vector<16xf32>
          %parallel_loop3A_174 = arith.mulf %parallel_loop3A_169, %parallel_loop3A_173 : vector<16xf32>
          %parallel_loop3A_175 = arith.addf %parallel_loop3A_165, %parallel_loop3A_174 : vector<16xf32>
          %parallel_loop3A_176 = arith.index_cast %parallel_loop3A_132 : i32 to index
          %parallel_loop3A_177 = arith.constant 16 : index
          %parallel_loop3A_178 = tpu.vector_load %arg17[%parallel_loop3A_176, %parallel_loop3A_177] {strides = array<i32>} : memref<32x128xf32, #tpu.memory_space<vmem>>, vector<1x16xf32>,
          %parallel_loop3A_179 = vector.shape_cast %parallel_loop3A_178 : vector<1x16xf32> to vector<16xf32>
          %parallel_loop3A_180 = vector.shape_cast %parallel_loop3A_175 : vector<16xf32> to vector<1x16xf32>
          tpu.vector_store %arg17[%parallel_loop3A_176, %parallel_loop3A_177], %parallel_loop3A_180 {strides = array<i32>} : memref<32x128xf32, #tpu.memory_space<vmem>>, vector<1x16xf32>,
          %parallel_loop3A_181 = arith.index_cast %parallel_loop3A_132 : i32 to index
          %parallel_loop3A_182 = arith.constant 32 : index
          %parallel_loop3A_183 = tpu.vector_load %arg13[%parallel_loop3A_181, %parallel_loop3A_182] {strides = array<i32>} : memref<32x128xf32, #tpu.memory_space<vmem>>, vector<1x16xf32>,
          %parallel_loop3A_184 = vector.shape_cast %parallel_loop3A_183 : vector<1x16xf32> to vector<16xf32>
          %parallel_loop3A_185 = arith.mulf %parallel_loop3A_184, %parallel_loop3A_140 : vector<16xf32>
          %parallel_loop3A_186 = arith.index_cast %parallel_loop3A_132 : i32 to index
          %parallel_loop3A_187 = arith.constant 32 : index
          %parallel_loop3A_188 = tpu.vector_load %arg14[%parallel_loop3A_186, %parallel_loop3A_187] {strides = array<i32>} : memref<32x128xf32, #tpu.memory_space<vmem>>, vector<1x16xf32>,
          %parallel_loop3A_189 = vector.shape_cast %parallel_loop3A_188 : vector<1x16xf32> to vector<16xf32>
          %parallel_loop3A_190 = arith.index_cast %parallel_loop3A_132 : i32 to index
          %parallel_loop3A_191 = arith.constant 32 : index
          %parallel_loop3A_192 = tpu.vector_load %arg16[%parallel_loop3A_190, %parallel_loop3A_191] {strides = array<i32>} : memref<32x128xf32, #tpu.memory_space<vmem>>, vector<1x16xf32>,
          %parallel_loop3A_193 = vector.shape_cast %parallel_loop3A_192 : vector<1x16xf32> to vector<16xf32>
          %parallel_loop3A_194 = arith.mulf %parallel_loop3A_189, %parallel_loop3A_193 : vector<16xf32>
          %parallel_loop3A_195 = arith.addf %parallel_loop3A_185, %parallel_loop3A_194 : vector<16xf32>
          %parallel_loop3A_196 = arith.index_cast %parallel_loop3A_132 : i32 to index
          %parallel_loop3A_197 = arith.constant 32 : index
          %parallel_loop3A_198 = tpu.vector_load %arg17[%parallel_loop3A_196, %parallel_loop3A_197] {strides = array<i32>} : memref<32x128xf32, #tpu.memory_space<vmem>>, vector<1x16xf32>,
          %parallel_loop3A_199 = vector.shape_cast %parallel_loop3A_198 : vector<1x16xf32> to vector<16xf32>
          %parallel_loop3A_200 = vector.shape_cast %parallel_loop3A_195 : vector<16xf32> to vector<1x16xf32>
          tpu.vector_store %arg17[%parallel_loop3A_196, %parallel_loop3A_197], %parallel_loop3A_200 {strides = array<i32>} : memref<32x128xf32, #tpu.memory_space<vmem>>, vector<1x16xf32>,
          %parallel_loop3A_201 = arith.index_cast %parallel_loop3A_132 : i32 to index
          %parallel_loop3A_202 = arith.constant 48 : index
          %parallel_loop3A_203 = tpu.vector_load %arg13[%parallel_loop3A_201, %parallel_loop3A_202] {strides = array<i32>} : memref<32x128xf32, #tpu.memory_space<vmem>>, vector<1x16xf32>,
          %parallel_loop3A_204 = vector.shape_cast %parallel_loop3A_203 : vector<1x16xf32> to vector<16xf32>
          %parallel_loop3A_205 = arith.mulf %parallel_loop3A_204, %parallel_loop3A_140 : vector<16xf32>
          %parallel_loop3A_206 = arith.index_cast %parallel_loop3A_132 : i32 to index
          %parallel_loop3A_207 = arith.constant 48 : index
          %parallel_loop3A_208 = tpu.vector_load %arg14[%parallel_loop3A_206, %parallel_loop3A_207] {strides = array<i32>} : memref<32x128xf32, #tpu.memory_space<vmem>>, vector<1x16xf32>,
          %parallel_loop3A_209 = vector.shape_cast %parallel_loop3A_208 : vector<1x16xf32> to vector<16xf32>
          %parallel_loop3A_210 = arith.index_cast %parallel_loop3A_132 : i32 to index
          %parallel_loop3A_211 = arith.constant 48 : index
          %parallel_loop3A_212 = tpu.vector_load %arg16[%parallel_loop3A_210, %parallel_loop3A_211] {strides = array<i32>} : memref<32x128xf32, #tpu.memory_space<vmem>>, vector<1x16xf32>,
          %parallel_loop3A_213 = vector.shape_cast %parallel_loop3A_212 : vector<1x16xf32> to vector<16xf32>
          %parallel_loop3A_214 = arith.mulf %parallel_loop3A_209, %parallel_loop3A_213 : vector<16xf32>
          %parallel_loop3A_215 = arith.addf %parallel_loop3A_205, %parallel_loop3A_214 : vector<16xf32>
          %parallel_loop3A_216 = arith.index_cast %parallel_loop3A_132 : i32 to index
          %parallel_loop3A_217 = arith.constant 48 : index
          %parallel_loop3A_218 = tpu.vector_load %arg17[%parallel_loop3A_216, %parallel_loop3A_217] {strides = array<i32>} : memref<32x128xf32, #tpu.memory_space<vmem>>, vector<1x16xf32>,
          %parallel_loop3A_219 = vector.shape_cast %parallel_loop3A_218 : vector<1x16xf32> to vector<16xf32>
          %parallel_loop3A_220 = vector.shape_cast %parallel_loop3A_215 : vector<16xf32> to vector<1x16xf32>
          tpu.vector_store %arg17[%parallel_loop3A_216, %parallel_loop3A_217], %parallel_loop3A_220 {strides = array<i32>} : memref<32x128xf32, #tpu.memory_space<vmem>>, vector<1x16xf32>,
          %parallel_loop3A_221 = arith.index_cast %parallel_loop3A_132 : i32 to index
          %parallel_loop3A_222 = arith.constant 64 : index
          %parallel_loop3A_223 = tpu.vector_load %arg13[%parallel_loop3A_221, %parallel_loop3A_222] {strides = array<i32>} : memref<32x128xf32, #tpu.memory_space<vmem>>, vector<1x16xf32>,
          %parallel_loop3A_224 = vector.shape_cast %parallel_loop3A_223 : vector<1x16xf32> to vector<16xf32>
          %parallel_loop3A_225 = arith.mulf %parallel_loop3A_224, %parallel_loop3A_140 : vector<16xf32>
          %parallel_loop3A_226 = arith.index_cast %parallel_loop3A_132 : i32 to index
          %parallel_loop3A_227 = arith.constant 64 : index
          %parallel_loop3A_228 = tpu.vector_load %arg14[%parallel_loop3A_226, %parallel_loop3A_227] {strides = array<i32>} : memref<32x128xf32, #tpu.memory_space<vmem>>, vector<1x16xf32>,
          %parallel_loop3A_229 = vector.shape_cast %parallel_loop3A_228 : vector<1x16xf32> to vector<16xf32>
          %parallel_loop3A_230 = arith.index_cast %parallel_loop3A_132 : i32 to index
          %parallel_loop3A_231 = arith.constant 64 : index
          %parallel_loop3A_232 = tpu.vector_load %arg16[%parallel_loop3A_230, %parallel_loop3A_231] {strides = array<i32>} : memref<32x128xf32, #tpu.memory_space<vmem>>, vector<1x16xf32>,
          %parallel_loop3A_233 = vector.shape_cast %parallel_loop3A_232 : vector<1x16xf32> to vector<16xf32>
          %parallel_loop3A_234 = arith.mulf %parallel_loop3A_229, %parallel_loop3A_233 : vector<16xf32>
          %parallel_loop3A_235 = arith.addf %parallel_loop3A_225, %parallel_loop3A_234 : vector<16xf32>
          %parallel_loop3A_236 = arith.index_cast %parallel_loop3A_132 : i32 to index
          %parallel_loop3A_237 = arith.constant 64 : index
          %parallel_loop3A_238 = tpu.vector_load %arg17[%parallel_loop3A_236, %parallel_loop3A_237] {strides = array<i32>} : memref<32x128xf32, #tpu.memory_space<vmem>>, vector<1x16xf32>,
          %parallel_loop3A_239 = vector.shape_cast %parallel_loop3A_238 : vector<1x16xf32> to vector<16xf32>
          %parallel_loop3A_240 = vector.shape_cast %parallel_loop3A_235 : vector<16xf32> to vector<1x16xf32>
          tpu.vector_store %arg17[%parallel_loop3A_236, %parallel_loop3A_237], %parallel_loop3A_240 {strides = array<i32>} : memref<32x128xf32, #tpu.memory_space<vmem>>, vector<1x16xf32>,
          %parallel_loop3A_241 = arith.index_cast %parallel_loop3A_132 : i32 to index
          %parallel_loop3A_242 = arith.constant 80 : index
          %parallel_loop3A_243 = tpu.vector_load %arg13[%parallel_loop3A_241, %parallel_loop3A_242] {strides = array<i32>} : memref<32x128xf32, #tpu.memory_space<vmem>>, vector<1x16xf32>,
          %parallel_loop3A_244 = vector.shape_cast %parallel_loop3A_243 : vector<1x16xf32> to vector<16xf32>
          %parallel_loop3A_245 = arith.mulf %parallel_loop3A_244, %parallel_loop3A_140 : vector<16xf32>
          %parallel_loop3A_246 = arith.index_cast %parallel_loop3A_132 : i32 to index
          %parallel_loop3A_247 = arith.constant 80 : index
          %parallel_loop3A_248 = tpu.vector_load %arg14[%parallel_loop3A_246, %parallel_loop3A_247] {strides = array<i32>} : memref<32x128xf32, #tpu.memory_space<vmem>>, vector<1x16xf32>,
          %parallel_loop3A_249 = vector.shape_cast %parallel_loop3A_248 : vector<1x16xf32> to vector<16xf32>
          %parallel_loop3A_250 = arith.index_cast %parallel_loop3A_132 : i32 to index
          %parallel_loop3A_251 = arith.constant 80 : index
          %parallel_loop3A_252 = tpu.vector_load %arg16[%parallel_loop3A_250, %parallel_loop3A_251] {strides = array<i32>} : memref<32x128xf32, #tpu.memory_space<vmem>>, vector<1x16xf32>,
          %parallel_loop3A_253 = vector.shape_cast %parallel_loop3A_252 : vector<1x16xf32> to vector<16xf32>
          %parallel_loop3A_254 = arith.mulf %parallel_loop3A_249, %parallel_loop3A_253 : vector<16xf32>
          %parallel_loop3A_255 = arith.addf %parallel_loop3A_245, %parallel_loop3A_254 : vector<16xf32>
          %parallel_loop3A_256 = arith.index_cast %parallel_loop3A_132 : i32 to index
          %parallel_loop3A_257 = arith.constant 80 : index
          %parallel_loop3A_258 = tpu.vector_load %arg17[%parallel_loop3A_256, %parallel_loop3A_257] {strides = array<i32>} : memref<32x128xf32, #tpu.memory_space<vmem>>, vector<1x16xf32>,
          %parallel_loop3A_259 = vector.shape_cast %parallel_loop3A_258 : vector<1x16xf32> to vector<16xf32>
          %parallel_loop3A_260 = vector.shape_cast %parallel_loop3A_255 : vector<16xf32> to vector<1x16xf32>
          tpu.vector_store %arg17[%parallel_loop3A_256, %parallel_loop3A_257], %parallel_loop3A_260 {strides = array<i32>} : memref<32x128xf32, #tpu.memory_space<vmem>>, vector<1x16xf32>,
          %parallel_loop3A_261 = arith.index_cast %parallel_loop3A_132 : i32 to index
          %parallel_loop3A_262 = arith.constant 96 : index
          %parallel_loop3A_263 = tpu.vector_load %arg13[%parallel_loop3A_261, %parallel_loop3A_262] {strides = array<i32>} : memref<32x128xf32, #tpu.memory_space<vmem>>, vector<1x16xf32>,
          %parallel_loop3A_264 = vector.shape_cast %parallel_loop3A_263 : vector<1x16xf32> to vector<16xf32>
          %parallel_loop3A_265 = arith.mulf %parallel_loop3A_264, %parallel_loop3A_140 : vector<16xf32>
          %parallel_loop3A_266 = arith.index_cast %parallel_loop3A_132 : i32 to index
          %parallel_loop3A_267 = arith.constant 96 : index
          %parallel_loop3A_268 = tpu.vector_load %arg14[%parallel_loop3A_266, %parallel_loop3A_267] {strides = array<i32>} : memref<32x128xf32, #tpu.memory_space<vmem>>, vector<1x16xf32>,
          %parallel_loop3A_269 = vector.shape_cast %parallel_loop3A_268 : vector<1x16xf32> to vector<16xf32>
          %parallel_loop3A_270 = arith.index_cast %parallel_loop3A_132 : i32 to index
          %parallel_loop3A_271 = arith.constant 96 : index
          %parallel_loop3A_272 = tpu.vector_load %arg16[%parallel_loop3A_270, %parallel_loop3A_271] {strides = array<i32>} : memref<32x128xf32, #tpu.memory_space<vmem>>, vector<1x16xf32>,
          %parallel_loop3A_273 = vector.shape_cast %parallel_loop3A_272 : vector<1x16xf32> to vector<16xf32>
          %parallel_loop3A_274 = arith.mulf %parallel_loop3A_269, %parallel_loop3A_273 : vector<16xf32>
          %parallel_loop3A_275 = arith.addf %parallel_loop3A_265, %parallel_loop3A_274 : vector<16xf32>
          %parallel_loop3A_276 = arith.index_cast %parallel_loop3A_132 : i32 to index
          %parallel_loop3A_277 = arith.constant 96 : index
          %parallel_loop3A_278 = tpu.vector_load %arg17[%parallel_loop3A_276, %parallel_loop3A_277] {strides = array<i32>} : memref<32x128xf32, #tpu.memory_space<vmem>>, vector<1x16xf32>,
          %parallel_loop3A_279 = vector.shape_cast %parallel_loop3A_278 : vector<1x16xf32> to vector<16xf32>
          %parallel_loop3A_280 = vector.shape_cast %parallel_loop3A_275 : vector<16xf32> to vector<1x16xf32>
          tpu.vector_store %arg17[%parallel_loop3A_276, %parallel_loop3A_277], %parallel_loop3A_280 {strides = array<i32>} : memref<32x128xf32, #tpu.memory_space<vmem>>, vector<1x16xf32>,
          %parallel_loop3A_281 = arith.index_cast %parallel_loop3A_132 : i32 to index
          %parallel_loop3A_282 = arith.constant 112 : index
          %parallel_loop3A_283 = tpu.vector_load %arg13[%parallel_loop3A_281, %parallel_loop3A_282] {strides = array<i32>} : memref<32x128xf32, #tpu.memory_space<vmem>>, vector<1x16xf32>,
          %parallel_loop3A_284 = vector.shape_cast %parallel_loop3A_283 : vector<1x16xf32> to vector<16xf32>
          %parallel_loop3A_285 = arith.mulf %parallel_loop3A_284, %parallel_loop3A_140 : vector<16xf32>
          %parallel_loop3A_286 = arith.index_cast %parallel_loop3A_132 : i32 to index
          %parallel_loop3A_287 = arith.constant 112 : index
          %parallel_loop3A_288 = tpu.vector_load %arg14[%parallel_loop3A_286, %parallel_loop3A_287] {strides = array<i32>} : memref<32x128xf32, #tpu.memory_space<vmem>>, vector<1x16xf32>,
          %parallel_loop3A_289 = vector.shape_cast %parallel_loop3A_288 : vector<1x16xf32> to vector<16xf32>
          %parallel_loop3A_290 = arith.index_cast %parallel_loop3A_132 : i32 to index
          %parallel_loop3A_291 = arith.constant 112 : index
          %parallel_loop3A_292 = tpu.vector_load %arg16[%parallel_loop3A_290, %parallel_loop3A_291] {strides = array<i32>} : memref<32x128xf32, #tpu.memory_space<vmem>>, vector<1x16xf32>,
          %parallel_loop3A_293 = vector.shape_cast %parallel_loop3A_292 : vector<1x16xf32> to vector<16xf32>
          %parallel_loop3A_294 = arith.mulf %parallel_loop3A_289, %parallel_loop3A_293 : vector<16xf32>
          %parallel_loop3A_295 = arith.addf %parallel_loop3A_285, %parallel_loop3A_294 : vector<16xf32>
          %parallel_loop3A_296 = arith.index_cast %parallel_loop3A_132 : i32 to index
          %parallel_loop3A_297 = arith.constant 112 : index
          %parallel_loop3A_298 = tpu.vector_load %arg17[%parallel_loop3A_296, %parallel_loop3A_297] {strides = array<i32>} : memref<32x128xf32, #tpu.memory_space<vmem>>, vector<1x16xf32>,
          %parallel_loop3A_299 = vector.shape_cast %parallel_loop3A_298 : vector<1x16xf32> to vector<16xf32>
          %parallel_loop3A_300 = vector.shape_cast %parallel_loop3A_295 : vector<16xf32> to vector<1x16xf32>
          tpu.vector_store %arg17[%parallel_loop3A_296, %parallel_loop3A_297], %parallel_loop3A_300 {strides = array<i32>} : memref<32x128xf32, #tpu.memory_space<vmem>>, vector<1x16xf32>,
        } {sc.loop_unroll_factor = 4 : i64, sc.parallel_access}
        %dma_start3A = arith.constant 0 : i32
        %dma_start3A_130 = arith.constant 0 : i32
        %dma_start3A_131 = tpu.memref_slice %arg9[%dma_start3A, %dma_start3A_130] : memref<10000x128xf32, #tpu.memory_space<vmem_shared>> -> memref<10000x128xf32, #tpu.memory_space<vmem_shared>>
        tpu.enqueue_indirect_dma source(%arg17 : memref<32x128xf32, #tpu.memory_space<vmem>>) target(%dma_start3A_131 : memref<10000x128xf32, #tpu.memory_space<vmem_shared>>) offsets(%arg12 : memref<32xi32, #tpu.memory_space<vmem>>) semaphore(%arg29 : memref<!tpu.dma_semaphore, #tpu.memory_space<semaphore_mem>>) {add = true}
      } else {
      }
      %add3A_57 = arith.constant 2 : i32
      %add3A_58 = arith.addi %add3A_48, %add3A_57 : i32
      %mul3A_59 = arith.constant 16 : i32
      %mul3A_60 = arith.muli %add3A_58, %mul3A_59 : i32
      %add3A_61 = arith.addi %mul3A_60, %arg1 : i32
      %lt3A_62 = arith.constant 5000 : i32
      %lt3A_63 = arith.cmpi slt, %add3A_61, %lt3A_62 : i32
      %convert_element_type3A_64 = arith.extui %lt3A_63 : i1 to i32
      %cond3A_65 = arith.constant 0 : i32
      %cond3A_66 = arith.cmpi ne, %convert_element_type3A_64, %cond3A_65 : i32
      scf.if %cond3A_66 {
        %mul3A_109 = arith.constant 32 : i32
        %mul3A_110 = arith.muli %add3A_61, %mul3A_109 : i32
        %dma_start3A = tpu.memref_slice %arg6[%mul3A_110] : memref<160000xi32, #tpu.memory_space<hbm>> -> memref<32xi32, #tpu.memory_space<hbm>>
        %dma_start3A_111 = tpu.memref_slice %arg6[%mul3A_110] : memref<160000xi32, #tpu.memory_space<hbm>> -> memref<32xi32, #tpu.memory_space<hbm>>
        tpu.enqueue_dma source(%dma_start3A_111 : memref<32xi32, #tpu.memory_space<hbm>>) target(%arg10 : memref<32xi32, #tpu.memory_space<vmem>>) target_semaphore(%arg18 : memref<!tpu.dma_semaphore, #tpu.memory_space<semaphore_mem>>)
        %dma_start3A_112 = tpu.memref_slice %arg7[%mul3A_110] : memref<160000xi32, #tpu.memory_space<hbm>> -> memref<32xi32, #tpu.memory_space<hbm>>
        %dma_start3A_113 = tpu.memref_slice %arg7[%mul3A_110] : memref<160000xi32, #tpu.memory_space<hbm>> -> memref<32xi32, #tpu.memory_space<hbm>>
        tpu.enqueue_dma source(%dma_start3A_113 : memref<32xi32, #tpu.memory_space<hbm>>) target(%arg11 : memref<32xi32, #tpu.memory_space<vmem>>) target_semaphore(%arg18 : memref<!tpu.dma_semaphore, #tpu.memory_space<semaphore_mem>>)
        %dma_start3A_114 = arith.constant 0 : i32
        %dma_start3A_115 = tpu.memref_slice %arg3[%mul3A_110, %dma_start3A_114] : memref<160000x128xf32, #tpu.memory_space<hbm>> -> memref<32x128xf32, #tpu.memory_space<hbm>>
        %dma_start3A_116 = arith.constant 0 : i32
        %dma_start3A_117 = tpu.memref_slice %arg3[%mul3A_110, %dma_start3A_116] : memref<160000x128xf32, #tpu.memory_space<hbm>> -> memref<32x128xf32, #tpu.memory_space<hbm>>
        tpu.enqueue_dma source(%dma_start3A_117 : memref<32x128xf32, #tpu.memory_space<hbm>>) target(%arg13 : memref<32x128xf32, #tpu.memory_space<vmem>>) target_semaphore(%arg18 : memref<!tpu.dma_semaphore, #tpu.memory_space<semaphore_mem>>)
        %dma_start3A_118 = arith.constant 0 : i32
        %dma_start3A_119 = tpu.memref_slice %arg4[%mul3A_110, %dma_start3A_118] : memref<160000x128xf32, #tpu.memory_space<hbm>> -> memref<32x128xf32, #tpu.memory_space<hbm>>
        %dma_start3A_120 = arith.constant 0 : i32
        %dma_start3A_121 = tpu.memref_slice %arg4[%mul3A_110, %dma_start3A_120] : memref<160000x128xf32, #tpu.memory_space<hbm>> -> memref<32x128xf32, #tpu.memory_space<hbm>>
        tpu.enqueue_dma source(%dma_start3A_121 : memref<32x128xf32, #tpu.memory_space<hbm>>) target(%arg14 : memref<32x128xf32, #tpu.memory_space<vmem>>) target_semaphore(%arg18 : memref<!tpu.dma_semaphore, #tpu.memory_space<semaphore_mem>>)
        %mul3A_122 = arith.constant 16 : i32
        %mul3A_123 = arith.muli %mul3A_110, %mul3A_122 : i32
        %dma_start3A_124 = tpu.memref_slice %arg5[%mul3A_123] : memref<2560000xf32, #tpu.memory_space<hbm>> -> memref<512xf32, #tpu.memory_space<hbm>>
        %dma_start3A_125 = tpu.memref_slice %arg5[%mul3A_123] : memref<2560000xf32, #tpu.memory_space<hbm>> -> memref<512xf32, #tpu.memory_space<hbm>>
        tpu.enqueue_dma source(%dma_start3A_125 : memref<512xf32, #tpu.memory_space<hbm>>) target(%arg15 : memref<512xf32, #tpu.memory_space<vmem>>) target_semaphore(%arg18 : memref<!tpu.dma_semaphore, #tpu.memory_space<semaphore_mem>>)
      } else {
      }
      %add3A_67 = arith.constant 1 : i32
      %add3A_68 = arith.addi %add3A_48, %add3A_67 : i32
      %mul3A_69 = arith.constant 16 : i32
      %mul3A_70 = arith.muli %add3A_68, %mul3A_69 : i32
      %add3A_71 = arith.addi %mul3A_70, %arg1 : i32
      %lt3A_72 = arith.constant 5000 : i32
      %lt3A_73 = arith.cmpi slt, %add3A_71, %lt3A_72 : i32
      %convert_element_type3A_74 = arith.extui %lt3A_73 : i1 to i32
      %cond3A_75 = arith.constant 0 : i32
      %cond3A_76 = arith.cmpi ne, %convert_element_type3A_74, %cond3A_75 : i32
      scf.if %cond3A_76 {
        %dma_wait3A_109 = arith.constant 0 : i32
        %dma_wait3A_110 = tpu.memref_slice %arg6[%dma_wait3A_109] : memref<160000xi32, #tpu.memory_space<hbm>> -> memref<32xi32, #tpu.memory_space<hbm>>
        %dma_wait3A_111 = arith.constant 0 : i32
        %dma_wait3A_112 = tpu.memref_slice %arg6[%dma_wait3A_111] : memref<160000xi32, #tpu.memory_space<hbm>> -> memref<32xi32, #tpu.memory_space<hbm>>
        tpu.wait_dma2 semaphore(%arg27 : memref<!tpu.dma_semaphore, #tpu.memory_space<semaphore_mem>>) src(%dma_wait3A_112 : memref<32xi32, #tpu.memory_space<hbm>>) dst(%arg19 : memref<32xi32, #tpu.memory_space<vmem>>)
        %dma_wait3A_113 = arith.constant 0 : i32
        %dma_wait3A_114 = tpu.memref_slice %arg7[%dma_wait3A_113] : memref<160000xi32, #tpu.memory_space<hbm>> -> memref<32xi32, #tpu.memory_space<hbm>>
        %dma_wait3A_115 = arith.constant 0 : i32
        %dma_wait3A_116 = tpu.memref_slice %arg7[%dma_wait3A_115] : memref<160000xi32, #tpu.memory_space<hbm>> -> memref<32xi32, #tpu.memory_space<hbm>>
        tpu.wait_dma2 semaphore(%arg27 : memref<!tpu.dma_semaphore, #tpu.memory_space<semaphore_mem>>) src(%dma_wait3A_116 : memref<32xi32, #tpu.memory_space<hbm>>) dst(%arg20 : memref<32xi32, #tpu.memory_space<vmem>>)
        %dma_wait3A_117 = arith.constant 0 : i32
        %dma_wait3A_118 = arith.constant 0 : i32
        %dma_wait3A_119 = tpu.memref_slice %arg3[%dma_wait3A_117, %dma_wait3A_118] : memref<160000x128xf32, #tpu.memory_space<hbm>> -> memref<32x128xf32, #tpu.memory_space<hbm>>
        %dma_wait3A_120 = arith.constant 0 : i32
        %dma_wait3A_121 = arith.constant 0 : i32
        %dma_wait3A_122 = tpu.memref_slice %arg3[%dma_wait3A_120, %dma_wait3A_121] : memref<160000x128xf32, #tpu.memory_space<hbm>> -> memref<32x128xf32, #tpu.memory_space<hbm>>
        tpu.wait_dma2 semaphore(%arg27 : memref<!tpu.dma_semaphore, #tpu.memory_space<semaphore_mem>>) src(%dma_wait3A_122 : memref<32x128xf32, #tpu.memory_space<hbm>>) dst(%arg22 : memref<32x128xf32, #tpu.memory_space<vmem>>)
        %dma_wait3A_123 = arith.constant 0 : i32
        %dma_wait3A_124 = arith.constant 0 : i32
        %dma_wait3A_125 = tpu.memref_slice %arg4[%dma_wait3A_123, %dma_wait3A_124] : memref<160000x128xf32, #tpu.memory_space<hbm>> -> memref<32x128xf32, #tpu.memory_space<hbm>>
        %dma_wait3A_126 = arith.constant 0 : i32
        %dma_wait3A_127 = arith.constant 0 : i32
        %dma_wait3A_128 = tpu.memref_slice %arg4[%dma_wait3A_126, %dma_wait3A_127] : memref<160000x128xf32, #tpu.memory_space<hbm>> -> memref<32x128xf32, #tpu.memory_space<hbm>>
        tpu.wait_dma2 semaphore(%arg27 : memref<!tpu.dma_semaphore, #tpu.memory_space<semaphore_mem>>) src(%dma_wait3A_128 : memref<32x128xf32, #tpu.memory_space<hbm>>) dst(%arg23 : memref<32x128xf32, #tpu.memory_space<vmem>>)
        %dma_wait3A_129 = arith.constant 0 : i32
        %dma_wait3A_130 = tpu.memref_slice %arg5[%dma_wait3A_129] : memref<2560000xf32, #tpu.memory_space<hbm>> -> memref<512xf32, #tpu.memory_space<hbm>>
        %dma_wait3A_131 = arith.constant 0 : i32
        %dma_wait3A_132 = tpu.memref_slice %arg5[%dma_wait3A_131] : memref<2560000xf32, #tpu.memory_space<hbm>> -> memref<512xf32, #tpu.memory_space<hbm>>
        tpu.wait_dma2 semaphore(%arg27 : memref<!tpu.dma_semaphore, #tpu.memory_space<semaphore_mem>>) src(%dma_wait3A_132 : memref<512xf32, #tpu.memory_space<hbm>>) dst(%arg24 : memref<512xf32, #tpu.memory_space<vmem>>)
        %get3A = arith.constant 0 : index
        %get3A_133 = tpu.vector_load %arg20[%get3A] {strides = array<i32>} : memref<32xi32, #tpu.memory_space<vmem>>, vector<16xi32>,
        %get3A_134 = vector.shape_cast %get3A_133 : vector<16xi32> to vector<16xi32>
        %mul3A_135 = arith.constant 10000 : i32
        %mul3A_136 = arith.muli %arg0, %mul3A_135 : i32
        %add3A_137 = vector.broadcast %mul3A_136 : i32 to vector<16xi32>
        %add3A_138 = arith.addi %get3A_134, %add3A_137 : vector<16xi32>
        %swap3A = arith.constant 0 : index
        %swap3A_139 = tpu.vector_load %arg20[%swap3A] {strides = array<i32>} : memref<32xi32, #tpu.memory_space<vmem>>, vector<16xi32>,
        %swap3A_140 = vector.shape_cast %swap3A_139 : vector<16xi32> to vector<16xi32>
        %swap3A_141 = vector.shape_cast %add3A_138 : vector<16xi32> to vector<16xi32>
        tpu.vector_store %arg20[%swap3A], %swap3A_141 {strides = array<i32>} : memref<32xi32, #tpu.memory_space<vmem>>, vector<16xi32>,
        %get3A_142 = arith.constant 16 : index
        %get3A_143 = tpu.vector_load %arg20[%get3A_142] {strides = array<i32>} : memref<32xi32, #tpu.memory_space<vmem>>, vector<16xi32>,
        %get3A_144 = vector.shape_cast %get3A_143 : vector<16xi32> to vector<16xi32>
        %mul3A_145 = arith.constant 10000 : i32
        %mul3A_146 = arith.muli %arg0, %mul3A_145 : i32
        %add3A_147 = vector.broadcast %mul3A_146 : i32 to vector<16xi32>
        %add3A_148 = arith.addi %get3A_144, %add3A_147 : vector<16xi32>
        %swap3A_149 = arith.constant 16 : index
        %swap3A_150 = tpu.vector_load %arg20[%swap3A_149] {strides = array<i32>} : memref<32xi32, #tpu.memory_space<vmem>>, vector<16xi32>,
        %swap3A_151 = vector.shape_cast %swap3A_150 : vector<16xi32> to vector<16xi32>
        %swap3A_152 = vector.shape_cast %add3A_148 : vector<16xi32> to vector<16xi32>
        tpu.vector_store %arg20[%swap3A_149], %swap3A_152 {strides = array<i32>} : memref<32xi32, #tpu.memory_space<vmem>>, vector<16xi32>,
        %dma_start3A = arith.constant 0 : i32
        %dma_start3A_153 = arith.constant 0 : i32
        %dma_start3A_154 = tpu.memref_slice %arg2[%dma_start3A, %dma_start3A_153] : memref<30000x128xf32, #tpu.memory_space<hbm>> -> memref<30000x128xf32, #tpu.memory_space<hbm>>
        tpu.enqueue_indirect_dma source(%dma_start3A_154 : memref<30000x128xf32, #tpu.memory_space<hbm>>) target(%arg25 : memref<32x128xf32, #tpu.memory_space<vmem>>) offsets(%arg20 : memref<32xi32, #tpu.memory_space<vmem>>) semaphore(%arg30 : memref<!tpu.dma_semaphore, #tpu.memory_space<semaphore_mem>>)
      } else {
      }
      %mul3A_77 = arith.constant 2 : i32
      %mul3A_78 = arith.muli %mul3A_77, %scan3A_44 : i32
      %add3A_79 = arith.constant 1 : i32
      %add3A_80 = arith.addi %mul3A_78, %add3A_79 : i32
      %mul3A_81 = arith.constant 16 : i32
      %mul3A_82 = arith.muli %add3A_80, %mul3A_81 : i32
      %add3A_83 = arith.addi %mul3A_82, %arg1 : i32
      %lt3A_84 = arith.constant 5000 : i32
      %lt3A_85 = arith.cmpi slt, %add3A_83, %lt3A_84 : i32
      %convert_element_type3A_86 = arith.extui %lt3A_85 : i1 to i32
      %cond3A_87 = arith.constant 0 : i32
      %cond3A_88 = arith.cmpi ne, %convert_element_type3A_86, %cond3A_87 : i32
      scf.if %cond3A_88 {
        %ge3A = arith.constant 2 : i32
        %ge3A_109 = arith.cmpi sge, %add3A_80, %ge3A : i32
        %convert_element_type3A_110 = arith.extui %ge3A_109 : i1 to i32
        %cond3A_111 = arith.constant 0 : i32
        %cond3A_112 = arith.cmpi ne, %convert_element_type3A_110, %cond3A_111 : i32
        scf.if %cond3A_112 {
          %dma_wait3A_132 = arith.constant 0 : i32
          %dma_wait3A_133 = arith.constant 0 : i32
          %dma_wait3A_134 = tpu.memref_slice %arg9[%dma_wait3A_132, %dma_wait3A_133] : memref<10000x128xf32, #tpu.memory_space<vmem_shared>> -> memref<10000x128xf32, #tpu.memory_space<vmem_shared>>
          tpu.wait_indirect_dma semaphore(%arg31 : memref<!tpu.dma_semaphore, #tpu.memory_space<semaphore_mem>>) src(%arg26 : memref<32x128xf32, #tpu.memory_space<vmem>>) dst(%dma_wait3A_134 : memref<10000x128xf32, #tpu.memory_space<vmem_shared>>)
        } else {
        }
        %dma_wait3A_113 = arith.constant 0 : i32
        %dma_wait3A_114 = arith.constant 0 : i32
        %dma_wait3A_115 = tpu.memref_slice %arg2[%dma_wait3A_113, %dma_wait3A_114] : memref<30000x128xf32, #tpu.memory_space<hbm>> -> memref<30000x128xf32, #tpu.memory_space<hbm>>
        tpu.wait_indirect_dma semaphore(%arg30 : memref<!tpu.dma_semaphore, #tpu.memory_space<semaphore_mem>>) src(%dma_wait3A_115 : memref<30000x128xf32, #tpu.memory_space<hbm>>) dst(%arg25 : memref<32x128xf32, #tpu.memory_space<vmem>>)
        %get3A = arith.constant 0 : index
        %get3A_116 = tpu.vector_load %arg19[%get3A] {strides = array<i32>} : memref<32xi32, #tpu.memory_space<vmem>>, vector<16xi32>,
        %get3A_117 = vector.shape_cast %get3A_116 : vector<16xi32> to vector<16xi32>
        %swap3A = arith.constant 0 : index
        %swap3A_118 = tpu.vector_load %arg21[%swap3A] {strides = array<i32>} : memref<32xi32, #tpu.memory_space<vmem>>, vector<16xi32>,
        %swap3A_119 = vector.shape_cast %swap3A_118 : vector<16xi32> to vector<16xi32>
        %swap3A_120 = vector.shape_cast %get3A_117 : vector<16xi32> to vector<16xi32>
        tpu.vector_store %arg21[%swap3A], %swap3A_120 {strides = array<i32>} : memref<32xi32, #tpu.memory_space<vmem>>, vector<16xi32>,
        %get3A_121 = arith.constant 16 : index
        %get3A_122 = tpu.vector_load %arg19[%get3A_121] {strides = array<i32>} : memref<32xi32, #tpu.memory_space<vmem>>, vector<16xi32>,
        %get3A_123 = vector.shape_cast %get3A_122 : vector<16xi32> to vector<16xi32>
        %swap3A_124 = arith.constant 16 : index
        %swap3A_125 = tpu.vector_load %arg21[%swap3A_124] {strides = array<i32>} : memref<32xi32, #tpu.memory_space<vmem>>, vector<16xi32>,
        %swap3A_126 = vector.shape_cast %swap3A_125 : vector<16xi32> to vector<16xi32>
        %swap3A_127 = vector.shape_cast %get3A_123 : vector<16xi32> to vector<16xi32>
        tpu.vector_store %arg21[%swap3A_124], %swap3A_127 {strides = array<i32>} : memref<32xi32, #tpu.memory_space<vmem>>, vector<16xi32>,
        %parallel_loop3A = arith.constant 0 : i32
        %parallel_loop3A_128 = arith.constant 32 : i32
        %parallel_loop3A_129 = arith.constant 1 : i32
        scf.for %parallel_loop3A_132 = %parallel_loop3A to %parallel_loop3A_128 step %parallel_loop3A_129  : i32 {
          %parallel_loop3A_133 = arith.constant 16 : i32
          %parallel_loop3A_134 = arith.muli %parallel_loop3A_132, %parallel_loop3A_133 : i32
          %parallel_loop3A_135 = arith.index_cast %parallel_loop3A_134 : i32 to index
          %parallel_loop3A_136 = tpu.vector_load %arg24[%parallel_loop3A_135] {strides = array<i32>} : memref<512xf32, #tpu.memory_space<vmem>>, vector<16xf32>,
          %parallel_loop3A_137 = vector.shape_cast %parallel_loop3A_136 : vector<16xf32> to vector<16xf32>
          %parallel_loop3A_138 = vector.broadcast %arg0 : i32 to vector<16x1xi32>
          %parallel_loop3A_139 = vector.shape_cast %parallel_loop3A_138 : vector<16x1xi32> to vector<16xi32>
          %parallel_loop3A_140 = tpu.dynamic_gather %parallel_loop3A_137[%parallel_loop3A_139] in [0] : vector<16xf32>, vector<16xi32> -> vector<16xf32>
          %parallel_loop3A_141 = arith.index_cast %parallel_loop3A_132 : i32 to index
          %parallel_loop3A_142 = arith.constant 0 : index
          %parallel_loop3A_143 = tpu.vector_load %arg22[%parallel_loop3A_141, %parallel_loop3A_142] {strides = array<i32>} : memref<32x128xf32, #tpu.memory_space<vmem>>, vector<1x16xf32>,
          %parallel_loop3A_144 = vector.shape_cast %parallel_loop3A_143 : vector<1x16xf32> to vector<16xf32>
          %parallel_loop3A_145 = arith.mulf %parallel_loop3A_144, %parallel_loop3A_140 : vector<16xf32>
          %parallel_loop3A_146 = arith.index_cast %parallel_loop3A_132 : i32 to index
          %parallel_loop3A_147 = arith.constant 0 : index
          %parallel_loop3A_148 = tpu.vector_load %arg23[%parallel_loop3A_146, %parallel_loop3A_147] {strides = array<i32>} : memref<32x128xf32, #tpu.memory_space<vmem>>, vector<1x16xf32>,
          %parallel_loop3A_149 = vector.shape_cast %parallel_loop3A_148 : vector<1x16xf32> to vector<16xf32>
          %parallel_loop3A_150 = arith.index_cast %parallel_loop3A_132 : i32 to index
          %parallel_loop3A_151 = arith.constant 0 : index
          %parallel_loop3A_152 = tpu.vector_load %arg25[%parallel_loop3A_150, %parallel_loop3A_151] {strides = array<i32>} : memref<32x128xf32, #tpu.memory_space<vmem>>, vector<1x16xf32>,
          %parallel_loop3A_153 = vector.shape_cast %parallel_loop3A_152 : vector<1x16xf32> to vector<16xf32>
          %parallel_loop3A_154 = arith.mulf %parallel_loop3A_149, %parallel_loop3A_153 : vector<16xf32>
          %parallel_loop3A_155 = arith.addf %parallel_loop3A_145, %parallel_loop3A_154 : vector<16xf32>
          %parallel_loop3A_156 = arith.index_cast %parallel_loop3A_132 : i32 to index
          %parallel_loop3A_157 = arith.constant 0 : index
          %parallel_loop3A_158 = tpu.vector_load %arg26[%parallel_loop3A_156, %parallel_loop3A_157] {strides = array<i32>} : memref<32x128xf32, #tpu.memory_space<vmem>>, vector<1x16xf32>,
          %parallel_loop3A_159 = vector.shape_cast %parallel_loop3A_158 : vector<1x16xf32> to vector<16xf32>
          %parallel_loop3A_160 = vector.shape_cast %parallel_loop3A_155 : vector<16xf32> to vector<1x16xf32>
          tpu.vector_store %arg26[%parallel_loop3A_156, %parallel_loop3A_157], %parallel_loop3A_160 {strides = array<i32>} : memref<32x128xf32, #tpu.memory_space<vmem>>, vector<1x16xf32>,
          %parallel_loop3A_161 = arith.index_cast %parallel_loop3A_132 : i32 to index
          %parallel_loop3A_162 = arith.constant 16 : index
          %parallel_loop3A_163 = tpu.vector_load %arg22[%parallel_loop3A_161, %parallel_loop3A_162] {strides = array<i32>} : memref<32x128xf32, #tpu.memory_space<vmem>>, vector<1x16xf32>,
          %parallel_loop3A_164 = vector.shape_cast %parallel_loop3A_163 : vector<1x16xf32> to vector<16xf32>
          %parallel_loop3A_165 = arith.mulf %parallel_loop3A_164, %parallel_loop3A_140 : vector<16xf32>
          %parallel_loop3A_166 = arith.index_cast %parallel_loop3A_132 : i32 to index
          %parallel_loop3A_167 = arith.constant 16 : index
          %parallel_loop3A_168 = tpu.vector_load %arg23[%parallel_loop3A_166, %parallel_loop3A_167] {strides = array<i32>} : memref<32x128xf32, #tpu.memory_space<vmem>>, vector<1x16xf32>,
          %parallel_loop3A_169 = vector.shape_cast %parallel_loop3A_168 : vector<1x16xf32> to vector<16xf32>
          %parallel_loop3A_170 = arith.index_cast %parallel_loop3A_132 : i32 to index
          %parallel_loop3A_171 = arith.constant 16 : index
          %parallel_loop3A_172 = tpu.vector_load %arg25[%parallel_loop3A_170, %parallel_loop3A_171] {strides = array<i32>} : memref<32x128xf32, #tpu.memory_space<vmem>>, vector<1x16xf32>,
          %parallel_loop3A_173 = vector.shape_cast %parallel_loop3A_172 : vector<1x16xf32> to vector<16xf32>
          %parallel_loop3A_174 = arith.mulf %parallel_loop3A_169, %parallel_loop3A_173 : vector<16xf32>
          %parallel_loop3A_175 = arith.addf %parallel_loop3A_165, %parallel_loop3A_174 : vector<16xf32>
          %parallel_loop3A_176 = arith.index_cast %parallel_loop3A_132 : i32 to index
          %parallel_loop3A_177 = arith.constant 16 : index
          %parallel_loop3A_178 = tpu.vector_load %arg26[%parallel_loop3A_176, %parallel_loop3A_177] {strides = array<i32>} : memref<32x128xf32, #tpu.memory_space<vmem>>, vector<1x16xf32>,
          %parallel_loop3A_179 = vector.shape_cast %parallel_loop3A_178 : vector<1x16xf32> to vector<16xf32>
          %parallel_loop3A_180 = vector.shape_cast %parallel_loop3A_175 : vector<16xf32> to vector<1x16xf32>
          tpu.vector_store %arg26[%parallel_loop3A_176, %parallel_loop3A_177], %parallel_loop3A_180 {strides = array<i32>} : memref<32x128xf32, #tpu.memory_space<vmem>>, vector<1x16xf32>,
          %parallel_loop3A_181 = arith.index_cast %parallel_loop3A_132 : i32 to index
          %parallel_loop3A_182 = arith.constant 32 : index
          %parallel_loop3A_183 = tpu.vector_load %arg22[%parallel_loop3A_181, %parallel_loop3A_182] {strides = array<i32>} : memref<32x128xf32, #tpu.memory_space<vmem>>, vector<1x16xf32>,
          %parallel_loop3A_184 = vector.shape_cast %parallel_loop3A_183 : vector<1x16xf32> to vector<16xf32>
          %parallel_loop3A_185 = arith.mulf %parallel_loop3A_184, %parallel_loop3A_140 : vector<16xf32>
          %parallel_loop3A_186 = arith.index_cast %parallel_loop3A_132 : i32 to index
          %parallel_loop3A_187 = arith.constant 32 : index
          %parallel_loop3A_188 = tpu.vector_load %arg23[%parallel_loop3A_186, %parallel_loop3A_187] {strides = array<i32>} : memref<32x128xf32, #tpu.memory_space<vmem>>, vector<1x16xf32>,
          %parallel_loop3A_189 = vector.shape_cast %parallel_loop3A_188 : vector<1x16xf32> to vector<16xf32>
          %parallel_loop3A_190 = arith.index_cast %parallel_loop3A_132 : i32 to index
          %parallel_loop3A_191 = arith.constant 32 : index
          %parallel_loop3A_192 = tpu.vector_load %arg25[%parallel_loop3A_190, %parallel_loop3A_191] {strides = array<i32>} : memref<32x128xf32, #tpu.memory_space<vmem>>, vector<1x16xf32>,
          %parallel_loop3A_193 = vector.shape_cast %parallel_loop3A_192 : vector<1x16xf32> to vector<16xf32>
          %parallel_loop3A_194 = arith.mulf %parallel_loop3A_189, %parallel_loop3A_193 : vector<16xf32>
          %parallel_loop3A_195 = arith.addf %parallel_loop3A_185, %parallel_loop3A_194 : vector<16xf32>
          %parallel_loop3A_196 = arith.index_cast %parallel_loop3A_132 : i32 to index
          %parallel_loop3A_197 = arith.constant 32 : index
          %parallel_loop3A_198 = tpu.vector_load %arg26[%parallel_loop3A_196, %parallel_loop3A_197] {strides = array<i32>} : memref<32x128xf32, #tpu.memory_space<vmem>>, vector<1x16xf32>,
          %parallel_loop3A_199 = vector.shape_cast %parallel_loop3A_198 : vector<1x16xf32> to vector<16xf32>
          %parallel_loop3A_200 = vector.shape_cast %parallel_loop3A_195 : vector<16xf32> to vector<1x16xf32>
          tpu.vector_store %arg26[%parallel_loop3A_196, %parallel_loop3A_197], %parallel_loop3A_200 {strides = array<i32>} : memref<32x128xf32, #tpu.memory_space<vmem>>, vector<1x16xf32>,
          %parallel_loop3A_201 = arith.index_cast %parallel_loop3A_132 : i32 to index
          %parallel_loop3A_202 = arith.constant 48 : index
          %parallel_loop3A_203 = tpu.vector_load %arg22[%parallel_loop3A_201, %parallel_loop3A_202] {strides = array<i32>} : memref<32x128xf32, #tpu.memory_space<vmem>>, vector<1x16xf32>,
          %parallel_loop3A_204 = vector.shape_cast %parallel_loop3A_203 : vector<1x16xf32> to vector<16xf32>
          %parallel_loop3A_205 = arith.mulf %parallel_loop3A_204, %parallel_loop3A_140 : vector<16xf32>
          %parallel_loop3A_206 = arith.index_cast %parallel_loop3A_132 : i32 to index
          %parallel_loop3A_207 = arith.constant 48 : index
          %parallel_loop3A_208 = tpu.vector_load %arg23[%parallel_loop3A_206, %parallel_loop3A_207] {strides = array<i32>} : memref<32x128xf32, #tpu.memory_space<vmem>>, vector<1x16xf32>,
          %parallel_loop3A_209 = vector.shape_cast %parallel_loop3A_208 : vector<1x16xf32> to vector<16xf32>
          %parallel_loop3A_210 = arith.index_cast %parallel_loop3A_132 : i32 to index
          %parallel_loop3A_211 = arith.constant 48 : index
          %parallel_loop3A_212 = tpu.vector_load %arg25[%parallel_loop3A_210, %parallel_loop3A_211] {strides = array<i32>} : memref<32x128xf32, #tpu.memory_space<vmem>>, vector<1x16xf32>,
          %parallel_loop3A_213 = vector.shape_cast %parallel_loop3A_212 : vector<1x16xf32> to vector<16xf32>
          %parallel_loop3A_214 = arith.mulf %parallel_loop3A_209, %parallel_loop3A_213 : vector<16xf32>
          %parallel_loop3A_215 = arith.addf %parallel_loop3A_205, %parallel_loop3A_214 : vector<16xf32>
          %parallel_loop3A_216 = arith.index_cast %parallel_loop3A_132 : i32 to index
          %parallel_loop3A_217 = arith.constant 48 : index
          %parallel_loop3A_218 = tpu.vector_load %arg26[%parallel_loop3A_216, %parallel_loop3A_217] {strides = array<i32>} : memref<32x128xf32, #tpu.memory_space<vmem>>, vector<1x16xf32>,
          %parallel_loop3A_219 = vector.shape_cast %parallel_loop3A_218 : vector<1x16xf32> to vector<16xf32>
          %parallel_loop3A_220 = vector.shape_cast %parallel_loop3A_215 : vector<16xf32> to vector<1x16xf32>
          tpu.vector_store %arg26[%parallel_loop3A_216, %parallel_loop3A_217], %parallel_loop3A_220 {strides = array<i32>} : memref<32x128xf32, #tpu.memory_space<vmem>>, vector<1x16xf32>,
          %parallel_loop3A_221 = arith.index_cast %parallel_loop3A_132 : i32 to index
          %parallel_loop3A_222 = arith.constant 64 : index
          %parallel_loop3A_223 = tpu.vector_load %arg22[%parallel_loop3A_221, %parallel_loop3A_222] {strides = array<i32>} : memref<32x128xf32, #tpu.memory_space<vmem>>, vector<1x16xf32>,
          %parallel_loop3A_224 = vector.shape_cast %parallel_loop3A_223 : vector<1x16xf32> to vector<16xf32>
          %parallel_loop3A_225 = arith.mulf %parallel_loop3A_224, %parallel_loop3A_140 : vector<16xf32>
          %parallel_loop3A_226 = arith.index_cast %parallel_loop3A_132 : i32 to index
          %parallel_loop3A_227 = arith.constant 64 : index
          %parallel_loop3A_228 = tpu.vector_load %arg23[%parallel_loop3A_226, %parallel_loop3A_227] {strides = array<i32>} : memref<32x128xf32, #tpu.memory_space<vmem>>, vector<1x16xf32>,
          %parallel_loop3A_229 = vector.shape_cast %parallel_loop3A_228 : vector<1x16xf32> to vector<16xf32>
          %parallel_loop3A_230 = arith.index_cast %parallel_loop3A_132 : i32 to index
          %parallel_loop3A_231 = arith.constant 64 : index
          %parallel_loop3A_232 = tpu.vector_load %arg25[%parallel_loop3A_230, %parallel_loop3A_231] {strides = array<i32>} : memref<32x128xf32, #tpu.memory_space<vmem>>, vector<1x16xf32>,
          %parallel_loop3A_233 = vector.shape_cast %parallel_loop3A_232 : vector<1x16xf32> to vector<16xf32>
          %parallel_loop3A_234 = arith.mulf %parallel_loop3A_229, %parallel_loop3A_233 : vector<16xf32>
          %parallel_loop3A_235 = arith.addf %parallel_loop3A_225, %parallel_loop3A_234 : vector<16xf32>
          %parallel_loop3A_236 = arith.index_cast %parallel_loop3A_132 : i32 to index
          %parallel_loop3A_237 = arith.constant 64 : index
          %parallel_loop3A_238 = tpu.vector_load %arg26[%parallel_loop3A_236, %parallel_loop3A_237] {strides = array<i32>} : memref<32x128xf32, #tpu.memory_space<vmem>>, vector<1x16xf32>,
          %parallel_loop3A_239 = vector.shape_cast %parallel_loop3A_238 : vector<1x16xf32> to vector<16xf32>
          %parallel_loop3A_240 = vector.shape_cast %parallel_loop3A_235 : vector<16xf32> to vector<1x16xf32>
          tpu.vector_store %arg26[%parallel_loop3A_236, %parallel_loop3A_237], %parallel_loop3A_240 {strides = array<i32>} : memref<32x128xf32, #tpu.memory_space<vmem>>, vector<1x16xf32>,
          %parallel_loop3A_241 = arith.index_cast %parallel_loop3A_132 : i32 to index
          %parallel_loop3A_242 = arith.constant 80 : index
          %parallel_loop3A_243 = tpu.vector_load %arg22[%parallel_loop3A_241, %parallel_loop3A_242] {strides = array<i32>} : memref<32x128xf32, #tpu.memory_space<vmem>>, vector<1x16xf32>,
          %parallel_loop3A_244 = vector.shape_cast %parallel_loop3A_243 : vector<1x16xf32> to vector<16xf32>
          %parallel_loop3A_245 = arith.mulf %parallel_loop3A_244, %parallel_loop3A_140 : vector<16xf32>
          %parallel_loop3A_246 = arith.index_cast %parallel_loop3A_132 : i32 to index
          %parallel_loop3A_247 = arith.constant 80 : index
          %parallel_loop3A_248 = tpu.vector_load %arg23[%parallel_loop3A_246, %parallel_loop3A_247] {strides = array<i32>} : memref<32x128xf32, #tpu.memory_space<vmem>>, vector<1x16xf32>,
          %parallel_loop3A_249 = vector.shape_cast %parallel_loop3A_248 : vector<1x16xf32> to vector<16xf32>
          %parallel_loop3A_250 = arith.index_cast %parallel_loop3A_132 : i32 to index
          %parallel_loop3A_251 = arith.constant 80 : index
          %parallel_loop3A_252 = tpu.vector_load %arg25[%parallel_loop3A_250, %parallel_loop3A_251] {strides = array<i32>} : memref<32x128xf32, #tpu.memory_space<vmem>>, vector<1x16xf32>,
          %parallel_loop3A_253 = vector.shape_cast %parallel_loop3A_252 : vector<1x16xf32> to vector<16xf32>
          %parallel_loop3A_254 = arith.mulf %parallel_loop3A_249, %parallel_loop3A_253 : vector<16xf32>
          %parallel_loop3A_255 = arith.addf %parallel_loop3A_245, %parallel_loop3A_254 : vector<16xf32>
          %parallel_loop3A_256 = arith.index_cast %parallel_loop3A_132 : i32 to index
          %parallel_loop3A_257 = arith.constant 80 : index
          %parallel_loop3A_258 = tpu.vector_load %arg26[%parallel_loop3A_256, %parallel_loop3A_257] {strides = array<i32>} : memref<32x128xf32, #tpu.memory_space<vmem>>, vector<1x16xf32>,
          %parallel_loop3A_259 = vector.shape_cast %parallel_loop3A_258 : vector<1x16xf32> to vector<16xf32>
          %parallel_loop3A_260 = vector.shape_cast %parallel_loop3A_255 : vector<16xf32> to vector<1x16xf32>
          tpu.vector_store %arg26[%parallel_loop3A_256, %parallel_loop3A_257], %parallel_loop3A_260 {strides = array<i32>} : memref<32x128xf32, #tpu.memory_space<vmem>>, vector<1x16xf32>,
          %parallel_loop3A_261 = arith.index_cast %parallel_loop3A_132 : i32 to index
          %parallel_loop3A_262 = arith.constant 96 : index
          %parallel_loop3A_263 = tpu.vector_load %arg22[%parallel_loop3A_261, %parallel_loop3A_262] {strides = array<i32>} : memref<32x128xf32, #tpu.memory_space<vmem>>, vector<1x16xf32>,
          %parallel_loop3A_264 = vector.shape_cast %parallel_loop3A_263 : vector<1x16xf32> to vector<16xf32>
          %parallel_loop3A_265 = arith.mulf %parallel_loop3A_264, %parallel_loop3A_140 : vector<16xf32>
          %parallel_loop3A_266 = arith.index_cast %parallel_loop3A_132 : i32 to index
          %parallel_loop3A_267 = arith.constant 96 : index
          %parallel_loop3A_268 = tpu.vector_load %arg23[%parallel_loop3A_266, %parallel_loop3A_267] {strides = array<i32>} : memref<32x128xf32, #tpu.memory_space<vmem>>, vector<1x16xf32>,
          %parallel_loop3A_269 = vector.shape_cast %parallel_loop3A_268 : vector<1x16xf32> to vector<16xf32>
          %parallel_loop3A_270 = arith.index_cast %parallel_loop3A_132 : i32 to index
          %parallel_loop3A_271 = arith.constant 96 : index
          %parallel_loop3A_272 = tpu.vector_load %arg25[%parallel_loop3A_270, %parallel_loop3A_271] {strides = array<i32>} : memref<32x128xf32, #tpu.memory_space<vmem>>, vector<1x16xf32>,
          %parallel_loop3A_273 = vector.shape_cast %parallel_loop3A_272 : vector<1x16xf32> to vector<16xf32>
          %parallel_loop3A_274 = arith.mulf %parallel_loop3A_269, %parallel_loop3A_273 : vector<16xf32>
          %parallel_loop3A_275 = arith.addf %parallel_loop3A_265, %parallel_loop3A_274 : vector<16xf32>
          %parallel_loop3A_276 = arith.index_cast %parallel_loop3A_132 : i32 to index
          %parallel_loop3A_277 = arith.constant 96 : index
          %parallel_loop3A_278 = tpu.vector_load %arg26[%parallel_loop3A_276, %parallel_loop3A_277] {strides = array<i32>} : memref<32x128xf32, #tpu.memory_space<vmem>>, vector<1x16xf32>,
          %parallel_loop3A_279 = vector.shape_cast %parallel_loop3A_278 : vector<1x16xf32> to vector<16xf32>
          %parallel_loop3A_280 = vector.shape_cast %parallel_loop3A_275 : vector<16xf32> to vector<1x16xf32>
          tpu.vector_store %arg26[%parallel_loop3A_276, %parallel_loop3A_277], %parallel_loop3A_280 {strides = array<i32>} : memref<32x128xf32, #tpu.memory_space<vmem>>, vector<1x16xf32>,
          %parallel_loop3A_281 = arith.index_cast %parallel_loop3A_132 : i32 to index
          %parallel_loop3A_282 = arith.constant 112 : index
          %parallel_loop3A_283 = tpu.vector_load %arg22[%parallel_loop3A_281, %parallel_loop3A_282] {strides = array<i32>} : memref<32x128xf32, #tpu.memory_space<vmem>>, vector<1x16xf32>,
          %parallel_loop3A_284 = vector.shape_cast %parallel_loop3A_283 : vector<1x16xf32> to vector<16xf32>
          %parallel_loop3A_285 = arith.mulf %parallel_loop3A_284, %parallel_loop3A_140 : vector<16xf32>
          %parallel_loop3A_286 = arith.index_cast %parallel_loop3A_132 : i32 to index
          %parallel_loop3A_287 = arith.constant 112 : index
          %parallel_loop3A_288 = tpu.vector_load %arg23[%parallel_loop3A_286, %parallel_loop3A_287] {strides = array<i32>} : memref<32x128xf32, #tpu.memory_space<vmem>>, vector<1x16xf32>,
          %parallel_loop3A_289 = vector.shape_cast %parallel_loop3A_288 : vector<1x16xf32> to vector<16xf32>
          %parallel_loop3A_290 = arith.index_cast %parallel_loop3A_132 : i32 to index
          %parallel_loop3A_291 = arith.constant 112 : index
          %parallel_loop3A_292 = tpu.vector_load %arg25[%parallel_loop3A_290, %parallel_loop3A_291] {strides = array<i32>} : memref<32x128xf32, #tpu.memory_space<vmem>>, vector<1x16xf32>,
          %parallel_loop3A_293 = vector.shape_cast %parallel_loop3A_292 : vector<1x16xf32> to vector<16xf32>
          %parallel_loop3A_294 = arith.mulf %parallel_loop3A_289, %parallel_loop3A_293 : vector<16xf32>
          %parallel_loop3A_295 = arith.addf %parallel_loop3A_285, %parallel_loop3A_294 : vector<16xf32>
          %parallel_loop3A_296 = arith.index_cast %parallel_loop3A_132 : i32 to index
          %parallel_loop3A_297 = arith.constant 112 : index
          %parallel_loop3A_298 = tpu.vector_load %arg26[%parallel_loop3A_296, %parallel_loop3A_297] {strides = array<i32>} : memref<32x128xf32, #tpu.memory_space<vmem>>, vector<1x16xf32>,
          %parallel_loop3A_299 = vector.shape_cast %parallel_loop3A_298 : vector<1x16xf32> to vector<16xf32>
          %parallel_loop3A_300 = vector.shape_cast %parallel_loop3A_295 : vector<16xf32> to vector<1x16xf32>
          tpu.vector_store %arg26[%parallel_loop3A_296, %parallel_loop3A_297], %parallel_loop3A_300 {strides = array<i32>} : memref<32x128xf32, #tpu.memory_space<vmem>>, vector<1x16xf32>,
        } {sc.loop_unroll_factor = 4 : i64, sc.parallel_access}
        %dma_start3A = arith.constant 0 : i32
        %dma_start3A_130 = arith.constant 0 : i32
        %dma_start3A_131 = tpu.memref_slice %arg9[%dma_start3A, %dma_start3A_130] : memref<10000x128xf32, #tpu.memory_space<vmem_shared>> -> memref<10000x128xf32, #tpu.memory_space<vmem_shared>>
        tpu.enqueue_indirect_dma source(%arg26 : memref<32x128xf32, #tpu.memory_space<vmem>>) target(%dma_start3A_131 : memref<10000x128xf32, #tpu.memory_space<vmem_shared>>) offsets(%arg21 : memref<32xi32, #tpu.memory_space<vmem>>) semaphore(%arg31 : memref<!tpu.dma_semaphore, #tpu.memory_space<semaphore_mem>>) {add = true}
      } else {
      }
      %add3A_89 = arith.constant 2 : i32
      %add3A_90 = arith.addi %add3A_80, %add3A_89 : i32
      %mul3A_91 = arith.constant 16 : i32
      %mul3A_92 = arith.muli %add3A_90, %mul3A_91 : i32
      %add3A_93 = arith.addi %mul3A_92, %arg1 : i32
      %lt3A_94 = arith.constant 5000 : i32
      %lt3A_95 = arith.cmpi slt, %add3A_93, %lt3A_94 : i32
      %convert_element_type3A_96 = arith.extui %lt3A_95 : i1 to i32
      %cond3A_97 = arith.constant 0 : i32
      %cond3A_98 = arith.cmpi ne, %convert_element_type3A_96, %cond3A_97 : i32
      scf.if %cond3A_98 {
        %mul3A_109 = arith.constant 32 : i32
        %mul3A_110 = arith.muli %add3A_93, %mul3A_109 : i32
        %dma_start3A = tpu.memref_slice %arg6[%mul3A_110] : memref<160000xi32, #tpu.memory_space<hbm>> -> memref<32xi32, #tpu.memory_space<hbm>>
        %dma_start3A_111 = tpu.memref_slice %arg6[%mul3A_110] : memref<160000xi32, #tpu.memory_space<hbm>> -> memref<32xi32, #tpu.memory_space<hbm>>
        tpu.enqueue_dma source(%dma_start3A_111 : memref<32xi32, #tpu.memory_space<hbm>>) target(%arg19 : memref<32xi32, #tpu.memory_space<vmem>>) target_semaphore(%arg27 : memref<!tpu.dma_semaphore, #tpu.memory_space<semaphore_mem>>)
        %dma_start3A_112 = tpu.memref_slice %arg7[%mul3A_110] : memref<160000xi32, #tpu.memory_space<hbm>> -> memref<32xi32, #tpu.memory_space<hbm>>
        %dma_start3A_113 = tpu.memref_slice %arg7[%mul3A_110] : memref<160000xi32, #tpu.memory_space<hbm>> -> memref<32xi32, #tpu.memory_space<hbm>>
        tpu.enqueue_dma source(%dma_start3A_113 : memref<32xi32, #tpu.memory_space<hbm>>) target(%arg20 : memref<32xi32, #tpu.memory_space<vmem>>) target_semaphore(%arg27 : memref<!tpu.dma_semaphore, #tpu.memory_space<semaphore_mem>>)
        %dma_start3A_114 = arith.constant 0 : i32
        %dma_start3A_115 = tpu.memref_slice %arg3[%mul3A_110, %dma_start3A_114] : memref<160000x128xf32, #tpu.memory_space<hbm>> -> memref<32x128xf32, #tpu.memory_space<hbm>>
        %dma_start3A_116 = arith.constant 0 : i32
        %dma_start3A_117 = tpu.memref_slice %arg3[%mul3A_110, %dma_start3A_116] : memref<160000x128xf32, #tpu.memory_space<hbm>> -> memref<32x128xf32, #tpu.memory_space<hbm>>
        tpu.enqueue_dma source(%dma_start3A_117 : memref<32x128xf32, #tpu.memory_space<hbm>>) target(%arg22 : memref<32x128xf32, #tpu.memory_space<vmem>>) target_semaphore(%arg27 : memref<!tpu.dma_semaphore, #tpu.memory_space<semaphore_mem>>)
        %dma_start3A_118 = arith.constant 0 : i32
        %dma_start3A_119 = tpu.memref_slice %arg4[%mul3A_110, %dma_start3A_118] : memref<160000x128xf32, #tpu.memory_space<hbm>> -> memref<32x128xf32, #tpu.memory_space<hbm>>
        %dma_start3A_120 = arith.constant 0 : i32
        %dma_start3A_121 = tpu.memref_slice %arg4[%mul3A_110, %dma_start3A_120] : memref<160000x128xf32, #tpu.memory_space<hbm>> -> memref<32x128xf32, #tpu.memory_space<hbm>>
        tpu.enqueue_dma source(%dma_start3A_121 : memref<32x128xf32, #tpu.memory_space<hbm>>) target(%arg23 : memref<32x128xf32, #tpu.memory_space<vmem>>) target_semaphore(%arg27 : memref<!tpu.dma_semaphore, #tpu.memory_space<semaphore_mem>>)
        %mul3A_122 = arith.constant 16 : i32
        %mul3A_123 = arith.muli %mul3A_110, %mul3A_122 : i32
        %dma_start3A_124 = tpu.memref_slice %arg5[%mul3A_123] : memref<2560000xf32, #tpu.memory_space<hbm>> -> memref<512xf32, #tpu.memory_space<hbm>>
        %dma_start3A_125 = tpu.memref_slice %arg5[%mul3A_123] : memref<2560000xf32, #tpu.memory_space<hbm>> -> memref<512xf32, #tpu.memory_space<hbm>>
        tpu.enqueue_dma source(%dma_start3A_125 : memref<512xf32, #tpu.memory_space<hbm>>) target(%arg24 : memref<512xf32, #tpu.memory_space<vmem>>) target_semaphore(%arg27 : memref<!tpu.dma_semaphore, #tpu.memory_space<semaphore_mem>>)
      } else {
      }
      %add3A_99 = arith.constant 1 : i32
      %add3A_100 = arith.addi %add3A_80, %add3A_99 : i32
      %mul3A_101 = arith.constant 16 : i32
      %mul3A_102 = arith.muli %add3A_100, %mul3A_101 : i32
      %add3A_103 = arith.addi %mul3A_102, %arg1 : i32
      %lt3A_104 = arith.constant 5000 : i32
      %lt3A_105 = arith.cmpi slt, %add3A_103, %lt3A_104 : i32
      %convert_element_type3A_106 = arith.extui %lt3A_105 : i1 to i32
      %cond3A_107 = arith.constant 0 : i32
      %cond3A_108 = arith.cmpi ne, %convert_element_type3A_106, %cond3A_107 : i32
      scf.if %cond3A_108 {
        %dma_wait3A_109 = arith.constant 0 : i32
        %dma_wait3A_110 = tpu.memref_slice %arg6[%dma_wait3A_109] : memref<160000xi32, #tpu.memory_space<hbm>> -> memref<32xi32, #tpu.memory_space<hbm>>
        %dma_wait3A_111 = arith.constant 0 : i32
        %dma_wait3A_112 = tpu.memref_slice %arg6[%dma_wait3A_111] : memref<160000xi32, #tpu.memory_space<hbm>> -> memref<32xi32, #tpu.memory_space<hbm>>
        tpu.wait_dma2 semaphore(%arg18 : memref<!tpu.dma_semaphore, #tpu.memory_space<semaphore_mem>>) src(%dma_wait3A_112 : memref<32xi32, #tpu.memory_space<hbm>>) dst(%arg10 : memref<32xi32, #tpu.memory_space<vmem>>)
        %dma_wait3A_113 = arith.constant 0 : i32
        %dma_wait3A_114 = tpu.memref_slice %arg7[%dma_wait3A_113] : memref<160000xi32, #tpu.memory_space<hbm>> -> memref<32xi32, #tpu.memory_space<hbm>>
        %dma_wait3A_115 = arith.constant 0 : i32
        %dma_wait3A_116 = tpu.memref_slice %arg7[%dma_wait3A_115] : memref<160000xi32, #tpu.memory_space<hbm>> -> memref<32xi32, #tpu.memory_space<hbm>>
        tpu.wait_dma2 semaphore(%arg18 : memref<!tpu.dma_semaphore, #tpu.memory_space<semaphore_mem>>) src(%dma_wait3A_116 : memref<32xi32, #tpu.memory_space<hbm>>) dst(%arg11 : memref<32xi32, #tpu.memory_space<vmem>>)
        %dma_wait3A_117 = arith.constant 0 : i32
        %dma_wait3A_118 = arith.constant 0 : i32
        %dma_wait3A_119 = tpu.memref_slice %arg3[%dma_wait3A_117, %dma_wait3A_118] : memref<160000x128xf32, #tpu.memory_space<hbm>> -> memref<32x128xf32, #tpu.memory_space<hbm>>
        %dma_wait3A_120 = arith.constant 0 : i32
        %dma_wait3A_121 = arith.constant 0 : i32
        %dma_wait3A_122 = tpu.memref_slice %arg3[%dma_wait3A_120, %dma_wait3A_121] : memref<160000x128xf32, #tpu.memory_space<hbm>> -> memref<32x128xf32, #tpu.memory_space<hbm>>
        tpu.wait_dma2 semaphore(%arg18 : memref<!tpu.dma_semaphore, #tpu.memory_space<semaphore_mem>>) src(%dma_wait3A_122 : memref<32x128xf32, #tpu.memory_space<hbm>>) dst(%arg13 : memref<32x128xf32, #tpu.memory_space<vmem>>)
        %dma_wait3A_123 = arith.constant 0 : i32
        %dma_wait3A_124 = arith.constant 0 : i32
        %dma_wait3A_125 = tpu.memref_slice %arg4[%dma_wait3A_123, %dma_wait3A_124] : memref<160000x128xf32, #tpu.memory_space<hbm>> -> memref<32x128xf32, #tpu.memory_space<hbm>>
        %dma_wait3A_126 = arith.constant 0 : i32
        %dma_wait3A_127 = arith.constant 0 : i32
        %dma_wait3A_128 = tpu.memref_slice %arg4[%dma_wait3A_126, %dma_wait3A_127] : memref<160000x128xf32, #tpu.memory_space<hbm>> -> memref<32x128xf32, #tpu.memory_space<hbm>>
        tpu.wait_dma2 semaphore(%arg18 : memref<!tpu.dma_semaphore, #tpu.memory_space<semaphore_mem>>) src(%dma_wait3A_128 : memref<32x128xf32, #tpu.memory_space<hbm>>) dst(%arg14 : memref<32x128xf32, #tpu.memory_space<vmem>>)
        %dma_wait3A_129 = arith.constant 0 : i32
        %dma_wait3A_130 = tpu.memref_slice %arg5[%dma_wait3A_129] : memref<2560000xf32, #tpu.memory_space<hbm>> -> memref<512xf32, #tpu.memory_space<hbm>>
        %dma_wait3A_131 = arith.constant 0 : i32
        %dma_wait3A_132 = tpu.memref_slice %arg5[%dma_wait3A_131] : memref<2560000xf32, #tpu.memory_space<hbm>> -> memref<512xf32, #tpu.memory_space<hbm>>
        tpu.wait_dma2 semaphore(%arg18 : memref<!tpu.dma_semaphore, #tpu.memory_space<semaphore_mem>>) src(%dma_wait3A_132 : memref<512xf32, #tpu.memory_space<hbm>>) dst(%arg15 : memref<512xf32, #tpu.memory_space<vmem>>)
        %get3A = arith.constant 0 : index
        %get3A_133 = tpu.vector_load %arg11[%get3A] {strides = array<i32>} : memref<32xi32, #tpu.memory_space<vmem>>, vector<16xi32>,
        %get3A_134 = vector.shape_cast %get3A_133 : vector<16xi32> to vector<16xi32>
        %mul3A_135 = arith.constant 10000 : i32
        %mul3A_136 = arith.muli %arg0, %mul3A_135 : i32
        %add3A_137 = vector.broadcast %mul3A_136 : i32 to vector<16xi32>
        %add3A_138 = arith.addi %get3A_134, %add3A_137 : vector<16xi32>
        %swap3A = arith.constant 0 : index
        %swap3A_139 = tpu.vector_load %arg11[%swap3A] {strides = array<i32>} : memref<32xi32, #tpu.memory_space<vmem>>, vector<16xi32>,
        %swap3A_140 = vector.shape_cast %swap3A_139 : vector<16xi32> to vector<16xi32>
        %swap3A_141 = vector.shape_cast %add3A_138 : vector<16xi32> to vector<16xi32>
        tpu.vector_store %arg11[%swap3A], %swap3A_141 {strides = array<i32>} : memref<32xi32, #tpu.memory_space<vmem>>, vector<16xi32>,
        %get3A_142 = arith.constant 16 : index
        %get3A_143 = tpu.vector_load %arg11[%get3A_142] {strides = array<i32>} : memref<32xi32, #tpu.memory_space<vmem>>, vector<16xi32>,
        %get3A_144 = vector.shape_cast %get3A_143 : vector<16xi32> to vector<16xi32>
        %mul3A_145 = arith.constant 10000 : i32
        %mul3A_146 = arith.muli %arg0, %mul3A_145 : i32
        %add3A_147 = vector.broadcast %mul3A_146 : i32 to vector<16xi32>
        %add3A_148 = arith.addi %get3A_144, %add3A_147 : vector<16xi32>
        %swap3A_149 = arith.constant 16 : index
        %swap3A_150 = tpu.vector_load %arg11[%swap3A_149] {strides = array<i32>} : memref<32xi32, #tpu.memory_space<vmem>>, vector<16xi32>,
        %swap3A_151 = vector.shape_cast %swap3A_150 : vector<16xi32> to vector<16xi32>
        %swap3A_152 = vector.shape_cast %add3A_148 : vector<16xi32> to vector<16xi32>
        tpu.vector_store %arg11[%swap3A_149], %swap3A_152 {strides = array<i32>} : memref<32xi32, #tpu.memory_space<vmem>>, vector<16xi32>,
        %dma_start3A = arith.constant 0 : i32
        %dma_start3A_153 = arith.constant 0 : i32
        %dma_start3A_154 = tpu.memref_slice %arg2[%dma_start3A, %dma_start3A_153] : memref<30000x128xf32, #tpu.memory_space<hbm>> -> memref<30000x128xf32, #tpu.memory_space<hbm>>
        tpu.enqueue_indirect_dma source(%dma_start3A_154 : memref<30000x128xf32, #tpu.memory_space<hbm>>) target(%arg16 : memref<32x128xf32, #tpu.memory_space<vmem>>) offsets(%arg11 : memref<32xi32, #tpu.memory_space<vmem>>) semaphore(%arg28 : memref<!tpu.dma_semaphore, #tpu.memory_space<semaphore_mem>>)
      } else {
      }
    }
    %scan3A_29 = arith.constant 157 : i32
    %dma_wait3A = arith.constant 0 : i32
    %dma_wait3A_30 = arith.constant 0 : i32
    %dma_wait3A_31 = tpu.memref_slice %arg9[%dma_wait3A, %dma_wait3A_30] : memref<10000x128xf32, #tpu.memory_space<vmem_shared>> -> memref<10000x128xf32, #tpu.memory_space<vmem_shared>>
    tpu.wait_indirect_dma semaphore(%arg29 : memref<!tpu.dma_semaphore, #tpu.memory_space<semaphore_mem>>) src(%arg17 : memref<32x128xf32, #tpu.memory_space<vmem>>) dst(%dma_wait3A_31 : memref<10000x128xf32, #tpu.memory_space<vmem_shared>>)
    %dma_wait3A_32 = arith.constant 0 : i32
    %dma_wait3A_33 = arith.constant 0 : i32
    %dma_wait3A_34 = tpu.memref_slice %arg9[%dma_wait3A_32, %dma_wait3A_33] : memref<10000x128xf32, #tpu.memory_space<vmem_shared>> -> memref<10000x128xf32, #tpu.memory_space<vmem_shared>>
    tpu.wait_indirect_dma semaphore(%arg31 : memref<!tpu.dma_semaphore, #tpu.memory_space<semaphore_mem>>) src(%arg26 : memref<32x128xf32, #tpu.memory_space<vmem>>) dst(%dma_wait3A_34 : memref<10000x128xf32, #tpu.memory_space<vmem_shared>>)
    %barrier3A_35 = arith.constant 0 : index
    tpu.barrier barrier_id(%barrier3A_35)
    %mul3A_36 = arith.constant 10000 : i32
    %mul3A_37 = arith.muli %arg0, %mul3A_36 : i32
    %add3A_38 = arith.addi %mul3A_37, %mul3A_0 : i32
    "tpu.region"() ({
      %run_scoped3A = tpu.sem_alloc : memref<!tpu.dma_semaphore, #tpu.memory_space<semaphore_mem>>
      %dma_start3A = arith.constant 0 : i32
      %dma_start3A_44 = tpu.memref_slice %arg8[%add3A_38, %dma_start3A] : memref<20000x128xf32, #tpu.memory_space<hbm>> -> memref<624x128xf32, #tpu.memory_space<hbm>>
      %dma_start3A_45 = arith.constant 0 : i32
      %dma_start3A_46 = tpu.memref_slice %arg9[%mul3A_0, %dma_start3A_45] : memref<10000x128xf32, #tpu.memory_space<vmem_shared>> -> memref<624x128xf32, #tpu.memory_space<vmem_shared>>
      tpu.enqueue_dma source(%dma_start3A_46 : memref<624x128xf32, #tpu.memory_space<vmem_shared>>) target(%dma_start3A_44 : memref<624x128xf32, #tpu.memory_space<hbm>>) target_semaphore(%run_scoped3A : memref<!tpu.dma_semaphore, #tpu.memory_space<semaphore_mem>>)
      %dma_wait3A_47 = arith.constant 0 : i32
      %dma_wait3A_48 = tpu.memref_slice %arg8[%add3A_38, %dma_wait3A_47] : memref<20000x128xf32, #tpu.memory_space<hbm>> -> memref<624x128xf32, #tpu.memory_space<hbm>>
      %dma_wait3A_49 = arith.constant 0 : i32
      %dma_wait3A_50 = tpu.memref_slice %arg9[%mul3A_0, %dma_wait3A_49] : memref<10000x128xf32, #tpu.memory_space<vmem_shared>> -> memref<624x128xf32, #tpu.memory_space<vmem_shared>>
      tpu.wait_dma2 semaphore(%run_scoped3A : memref<!tpu.dma_semaphore, #tpu.memory_space<semaphore_mem>>) src(%dma_wait3A_50 : memref<624x128xf32, #tpu.memory_space<vmem_shared>>) dst(%dma_wait3A_48 : memref<624x128xf32, #tpu.memory_space<hbm>>)
      tpu.yield
    }) : () -> ()
    %eq3A_39 = arith.constant 15 : i32
    %eq3A_40 = arith.cmpi eq, %arg1, %eq3A_39 : i32
    %convert_element_type3A_41 = arith.extui %eq3A_40 : i1 to i32
    %cond3A_42 = arith.constant 0 : i32
    %cond3A_43 = arith.cmpi ne, %convert_element_type3A_41, %cond3A_42 : i32
    scf.if %cond3A_43 {
      %mul3A_44 = arith.constant 10000 : i32
      %mul3A_45 = arith.muli %arg0, %mul3A_44 : i32
      %add3A_46 = arith.constant 9984 : i32
      %add3A_47 = arith.addi %mul3A_45, %add3A_46 : i32
      "tpu.region"() ({
        %run_scoped3A = tpu.sem_alloc : memref<!tpu.dma_semaphore, #tpu.memory_space<semaphore_mem>>
        %dma_start3A = arith.constant 0 : i32
        %dma_start3A_48 = tpu.memref_slice %arg8[%add3A_47, %dma_start3A] : memref<20000x128xf32, #tpu.memory_space<hbm>> -> memref<16x128xf32, #tpu.memory_space<hbm>>
        %dma_start3A_49 = arith.constant 9984 : i32
        %dma_start3A_50 = arith.constant 0 : i32
        %dma_start3A_51 = tpu.memref_slice %arg9[%dma_start3A_49, %dma_start3A_50] : memref<10000x128xf32, #tpu.memory_space<vmem_shared>> -> memref<16x128xf32, #tpu.memory_space<vmem_shared>>
        tpu.enqueue_dma source(%dma_start3A_51 : memref<16x128xf32, #tpu.memory_space<vmem_shared>>) target(%dma_start3A_48 : memref<16x128xf32, #tpu.memory_space<hbm>>) target_semaphore(%run_scoped3A : memref<!tpu.dma_semaphore, #tpu.memory_space<semaphore_mem>>)
        %dma_wait3A_52 = arith.constant 0 : i32
        %dma_wait3A_53 = tpu.memref_slice %arg8[%add3A_47, %dma_wait3A_52] : memref<20000x128xf32, #tpu.memory_space<hbm>> -> memref<16x128xf32, #tpu.memory_space<hbm>>
        %dma_wait3A_54 = arith.constant 9984 : i32
        %dma_wait3A_55 = arith.constant 0 : i32
        %dma_wait3A_56 = tpu.memref_slice %arg9[%dma_wait3A_54, %dma_wait3A_55] : memref<10000x128xf32, #tpu.memory_space<vmem_shared>> -> memref<16x128xf32, #tpu.memory_space<vmem_shared>>
        tpu.wait_dma2 semaphore(%run_scoped3A : memref<!tpu.dma_semaphore, #tpu.memory_space<semaphore_mem>>) src(%dma_wait3A_56 : memref<16x128xf32, #tpu.memory_space<vmem_shared>>) dst(%dma_wait3A_53 : memref<16x128xf32, #tpu.memory_space<hbm>>)
        tpu.yield
      }) : () -> ()
    } else {
    }
    return
  }
}

#map = affine_map<(d0, d1) -> (0, 0)>
#map1 = affine_map<(d0, d1) -> (0)>
module attributes {stable_mosaic.version = 14 : i64} {
  func.func @_gather_body(%arg0: i32, %arg1: i32, %arg2: memref<10000x128xf32, #tpu.memory_space<hbm>>, %arg3: memref<160000xi32, #tpu.memory_space<hbm>>, %arg4: memref<160000x128xf32, #tpu.memory_space<hbm>>, %arg5: memref<128xi32, #tpu.memory_space<vmem>>, %arg6: memref<128x128xf32, #tpu.memory_space<vmem>>, %arg7: memref<!tpu.dma_semaphore, #tpu.memory_space<semaphore_mem>>) attributes {dimension_semantics = [#tpu.dimension_semantics<core_parallel>, #tpu.dimension_semantics<subcore_parallel>], iteration_bounds = array<i64: 2, 16>, scalar_prefetch = 0 : i64, scratch_operands = 3 : i64, tpu.core_type = #tpu.core_type<sc_vector_subcore>, window_params = [{transform_indices = #map}, {transform_indices = #map1}, {transform_indices = #map}]} {
    %mul3A = arith.constant 2 : i32
    %mul3A_0 = arith.muli %arg1, %mul3A : i32
    %add3A = arith.addi %mul3A_0, %arg0 : i32
    %scan3A = arith.constant 0 : i32
    %scan3A_1 = arith.constant 0 : i32
    %scan3A_2 = arith.constant 40 : i32
    %scan3A_3 = arith.addi %scan3A_1, %scan3A_2 : i32
    %scan3A_4 = arith.constant 1 : i32
    scf.for %scan3A_6 = %scan3A_1 to %scan3A_3 step %scan3A_4  : i32 {
      %mul3A_7 = arith.constant 32 : i32
      %mul3A_8 = arith.muli %scan3A_6, %mul3A_7 : i32
      %add3A_9 = arith.addi %mul3A_8, %add3A : i32
      %lt3A = arith.constant 1250 : i32
      %lt3A_10 = arith.cmpi slt, %add3A_9, %lt3A : i32
      %convert_element_type3A = arith.extui %lt3A_10 : i1 to i32
      %cond3A = arith.constant 0 : i32
      %cond3A_11 = arith.cmpi ne, %convert_element_type3A, %cond3A : i32
      scf.if %cond3A_11 {
        %mul3A_12 = arith.constant 128 : i32
        %mul3A_13 = arith.muli %add3A_9, %mul3A_12 : i32
        "tpu.region"() ({
          %run_scoped3A = tpu.sem_alloc : memref<!tpu.dma_semaphore, #tpu.memory_space<semaphore_mem>>
          %dma_start3A_18 = tpu.memref_slice %arg3[%mul3A_13] : memref<160000xi32, #tpu.memory_space<hbm>> -> memref<128xi32, #tpu.memory_space<hbm>>
          %dma_start3A_19 = tpu.memref_slice %arg3[%mul3A_13] : memref<160000xi32, #tpu.memory_space<hbm>> -> memref<128xi32, #tpu.memory_space<hbm>>
          tpu.enqueue_dma source(%dma_start3A_19 : memref<128xi32, #tpu.memory_space<hbm>>) target(%arg5 : memref<128xi32, #tpu.memory_space<vmem>>) target_semaphore(%run_scoped3A : memref<!tpu.dma_semaphore, #tpu.memory_space<semaphore_mem>>)
          %dma_wait3A_20 = tpu.memref_slice %arg3[%mul3A_13] : memref<160000xi32, #tpu.memory_space<hbm>> -> memref<128xi32, #tpu.memory_space<hbm>>
          %dma_wait3A_21 = tpu.memref_slice %arg3[%mul3A_13] : memref<160000xi32, #tpu.memory_space<hbm>> -> memref<128xi32, #tpu.memory_space<hbm>>
          tpu.wait_dma2 semaphore(%run_scoped3A : memref<!tpu.dma_semaphore, #tpu.memory_space<semaphore_mem>>) src(%dma_wait3A_21 : memref<128xi32, #tpu.memory_space<hbm>>) dst(%arg5 : memref<128xi32, #tpu.memory_space<vmem>>)
          tpu.yield
        }) : () -> ()
        %dma_start3A = arith.constant 0 : i32
        %dma_start3A_14 = arith.constant 0 : i32
        %dma_start3A_15 = tpu.memref_slice %arg2[%dma_start3A, %dma_start3A_14] : memref<10000x128xf32, #tpu.memory_space<hbm>> -> memref<10000x128xf32, #tpu.memory_space<hbm>>
        tpu.enqueue_indirect_dma source(%dma_start3A_15 : memref<10000x128xf32, #tpu.memory_space<hbm>>) target(%arg6 : memref<128x128xf32, #tpu.memory_space<vmem>>) offsets(%arg5 : memref<128xi32, #tpu.memory_space<vmem>>) semaphore(%arg7 : memref<!tpu.dma_semaphore, #tpu.memory_space<semaphore_mem>>)
        %dma_wait3A = arith.constant 0 : i32
        %dma_wait3A_16 = arith.constant 0 : i32
        %dma_wait3A_17 = tpu.memref_slice %arg2[%dma_wait3A, %dma_wait3A_16] : memref<10000x128xf32, #tpu.memory_space<hbm>> -> memref<10000x128xf32, #tpu.memory_space<hbm>>
        tpu.wait_indirect_dma semaphore(%arg7 : memref<!tpu.dma_semaphore, #tpu.memory_space<semaphore_mem>>) src(%dma_wait3A_17 : memref<10000x128xf32, #tpu.memory_space<hbm>>) dst(%arg6 : memref<128x128xf32, #tpu.memory_space<vmem>>)
        "tpu.region"() ({
          %run_scoped3A = tpu.sem_alloc : memref<!tpu.dma_semaphore, #tpu.memory_space<semaphore_mem>>
          %dma_start3A_18 = arith.constant 0 : i32
          %dma_start3A_19 = tpu.memref_slice %arg4[%mul3A_13, %dma_start3A_18] : memref<160000x128xf32, #tpu.memory_space<hbm>> -> memref<128x128xf32, #tpu.memory_space<hbm>>
          %dma_start3A_20 = arith.constant 0 : i32
          %dma_start3A_21 = tpu.memref_slice %arg4[%mul3A_13, %dma_start3A_20] : memref<160000x128xf32, #tpu.memory_space<hbm>> -> memref<128x128xf32, #tpu.memory_space<hbm>>
          tpu.enqueue_dma source(%arg6 : memref<128x128xf32, #tpu.memory_space<vmem>>) target(%dma_start3A_21 : memref<128x128xf32, #tpu.memory_space<hbm>>) target_semaphore(%run_scoped3A : memref<!tpu.dma_semaphore, #tpu.memory_space<semaphore_mem>>)
          %dma_wait3A_22 = arith.constant 0 : i32
          %dma_wait3A_23 = tpu.memref_slice %arg4[%mul3A_13, %dma_wait3A_22] : memref<160000x128xf32, #tpu.memory_space<hbm>> -> memref<128x128xf32, #tpu.memory_space<hbm>>
          %dma_wait3A_24 = arith.constant 0 : i32
          %dma_wait3A_25 = tpu.memref_slice %arg4[%mul3A_13, %dma_wait3A_24] : memref<160000x128xf32, #tpu.memory_space<hbm>> -> memref<128x128xf32, #tpu.memory_space<hbm>>
          tpu.wait_dma2 semaphore(%run_scoped3A : memref<!tpu.dma_semaphore, #tpu.memory_space<semaphore_mem>>) src(%arg6 : memref<128x128xf32, #tpu.memory_space<vmem>>) dst(%dma_wait3A_25 : memref<128x128xf32, #tpu.memory_space<hbm>>)
          tpu.yield
        }) : () -> ()
      } else {
      }
    }
    %scan3A_5 = arith.constant 40 : i32
    return
  }
}

#map = affine_map<(d0, d1) -> (0, 0)>
#map1 = affine_map<(d0, d1) -> (0)>
module attributes {stable_mosaic.version = 14 : i64} {
  func.func @_vscat_b_body(%arg0: i32, %arg1: i32, %arg2: memref<30000x128xf32, #tpu.memory_space<hbm>>, %arg3: memref<10000x128xf32, #tpu.memory_space<hbm>>, %arg4: memref<160000x128xf32, #tpu.memory_space<hbm>>, %arg5: memref<160000x128xf32, #tpu.memory_space<hbm>>, %arg6: memref<2560000xf32, #tpu.memory_space<hbm>>, %arg7: memref<160000xi32, #tpu.memory_space<hbm>>, %arg8: memref<160000xi32, #tpu.memory_space<hbm>>, %arg9: memref<10000x128xf32, #tpu.memory_space<hbm>>, %arg10: memref<10000x128xf32, #tpu.memory_space<hbm>>, %arg11: memref<10000x128xf32, #tpu.memory_space<vmem_shared>>, %arg12: memref<32xi32, #tpu.memory_space<vmem>>, %arg13: memref<32xi32, #tpu.memory_space<vmem>>, %arg14: memref<32xi32, #tpu.memory_space<vmem>>, %arg15: memref<32x128xf32, #tpu.memory_space<vmem>>, %arg16: memref<32x128xf32, #tpu.memory_space<vmem>>, %arg17: memref<512xf32, #tpu.memory_space<vmem>>, %arg18: memref<32x128xf32, #tpu.memory_space<vmem>>, %arg19: memref<32x128xf32, #tpu.memory_space<vmem>>, %arg20: memref<32x128xf32, #tpu.memory_space<vmem>>, %arg21: memref<!tpu.dma_semaphore, #tpu.memory_space<semaphore_mem>>, %arg22: memref<32xi32, #tpu.memory_space<vmem>>, %arg23: memref<32xi32, #tpu.memory_space<vmem>>, %arg24: memref<32xi32, #tpu.memory_space<vmem>>, %arg25: memref<32x128xf32, #tpu.memory_space<vmem>>, %arg26: memref<32x128xf32, #tpu.memory_space<vmem>>, %arg27: memref<512xf32, #tpu.memory_space<vmem>>, %arg28: memref<32x128xf32, #tpu.memory_space<vmem>>, %arg29: memref<32x128xf32, #tpu.memory_space<vmem>>, %arg30: memref<32x128xf32, #tpu.memory_space<vmem>>, %arg31: memref<!tpu.dma_semaphore, #tpu.memory_space<semaphore_mem>>, %arg32: memref<!tpu.dma_semaphore, #tpu.memory_space<semaphore_mem>>, %arg33: memref<!tpu.dma_semaphore, #tpu.memory_space<semaphore_mem>>, %arg34: memref<!tpu.dma_semaphore, #tpu.memory_space<semaphore_mem>>, %arg35: memref<!tpu.dma_semaphore, #tpu.memory_space<semaphore_mem>>) attributes {dimension_semantics = [#tpu.dimension_semantics<core_parallel>, #tpu.dimension_semantics<subcore_parallel>], iteration_bounds = array<i64: 2, 16>, scalar_prefetch = 0 : i64, scratch_operands = 25 : i64, tpu.core_type = #tpu.core_type<sc_vector_subcore>, window_params = [{transform_indices = #map}, {transform_indices = #map}, {transform_indices = #map}, {transform_indices = #map}, {transform_indices = #map1}, {transform_indices = #map1}, {transform_indices = #map1}, {transform_indices = #map}, {transform_indices = #map}]} {
    %mul3A = arith.constant 624 : i32
    %mul3A_0 = arith.muli %arg1, %mul3A : i32
    %eq3A = arith.constant 0 : i32
    %eq3A_1 = arith.cmpi eq, %arg0, %eq3A : i32
    %convert_element_type3A = arith.extui %eq3A_1 : i1 to i32
    %cond3A = arith.constant 0 : i32
    %cond3A_2 = arith.cmpi ne, %convert_element_type3A, %cond3A : i32
    scf.if %cond3A_2 {
      %add3A_48 = arith.constant 20000 : i32
      %add3A_49 = arith.addi %add3A_48, %mul3A_0 : i32
      "tpu.region"() ({
        %run_scoped3A = tpu.sem_alloc : memref<!tpu.dma_semaphore, #tpu.memory_space<semaphore_mem>>
        %dma_start3A = arith.constant 0 : i32
        %dma_start3A_55 = tpu.memref_slice %arg11[%mul3A_0, %dma_start3A] : memref<10000x128xf32, #tpu.memory_space<vmem_shared>> -> memref<624x128xf32, #tpu.memory_space<vmem_shared>>
        %dma_start3A_56 = arith.constant 0 : i32
        %dma_start3A_57 = tpu.memref_slice %arg2[%add3A_49, %dma_start3A_56] : memref<30000x128xf32, #tpu.memory_space<hbm>> -> memref<624x128xf32, #tpu.memory_space<hbm>>
        tpu.enqueue_dma source(%dma_start3A_57 : memref<624x128xf32, #tpu.memory_space<hbm>>) target(%dma_start3A_55 : memref<624x128xf32, #tpu.memory_space<vmem_shared>>) target_semaphore(%run_scoped3A : memref<!tpu.dma_semaphore, #tpu.memory_space<semaphore_mem>>)
        %dma_wait3A_58 = arith.constant 0 : i32
        %dma_wait3A_59 = tpu.memref_slice %arg11[%mul3A_0, %dma_wait3A_58] : memref<10000x128xf32, #tpu.memory_space<vmem_shared>> -> memref<624x128xf32, #tpu.memory_space<vmem_shared>>
        %dma_wait3A_60 = arith.constant 0 : i32
        %dma_wait3A_61 = tpu.memref_slice %arg2[%add3A_49, %dma_wait3A_60] : memref<30000x128xf32, #tpu.memory_space<hbm>> -> memref<624x128xf32, #tpu.memory_space<hbm>>
        tpu.wait_dma2 semaphore(%run_scoped3A : memref<!tpu.dma_semaphore, #tpu.memory_space<semaphore_mem>>) src(%dma_wait3A_61 : memref<624x128xf32, #tpu.memory_space<hbm>>) dst(%dma_wait3A_59 : memref<624x128xf32, #tpu.memory_space<vmem_shared>>)
        tpu.yield
      }) : () -> ()
      %eq3A_50 = arith.constant 15 : i32
      %eq3A_51 = arith.cmpi eq, %arg1, %eq3A_50 : i32
      %convert_element_type3A_52 = arith.extui %eq3A_51 : i1 to i32
      %cond3A_53 = arith.constant 0 : i32
      %cond3A_54 = arith.cmpi ne, %convert_element_type3A_52, %cond3A_53 : i32
      scf.if %cond3A_54 {
        "tpu.region"() ({
          %run_scoped3A = tpu.sem_alloc : memref<!tpu.dma_semaphore, #tpu.memory_space<semaphore_mem>>
          %dma_start3A = arith.constant 9984 : i32
          %dma_start3A_55 = arith.constant 0 : i32
          %dma_start3A_56 = tpu.memref_slice %arg11[%dma_start3A, %dma_start3A_55] : memref<10000x128xf32, #tpu.memory_space<vmem_shared>> -> memref<16x128xf32, #tpu.memory_space<vmem_shared>>
          %dma_start3A_57 = arith.constant 29984 : i32
          %dma_start3A_58 = arith.constant 0 : i32
          %dma_start3A_59 = tpu.memref_slice %arg2[%dma_start3A_57, %dma_start3A_58] : memref<30000x128xf32, #tpu.memory_space<hbm>> -> memref<16x128xf32, #tpu.memory_space<hbm>>
          tpu.enqueue_dma source(%dma_start3A_59 : memref<16x128xf32, #tpu.memory_space<hbm>>) target(%dma_start3A_56 : memref<16x128xf32, #tpu.memory_space<vmem_shared>>) target_semaphore(%run_scoped3A : memref<!tpu.dma_semaphore, #tpu.memory_space<semaphore_mem>>)
          %dma_wait3A_60 = arith.constant 9984 : i32
          %dma_wait3A_61 = arith.constant 0 : i32
          %dma_wait3A_62 = tpu.memref_slice %arg11[%dma_wait3A_60, %dma_wait3A_61] : memref<10000x128xf32, #tpu.memory_space<vmem_shared>> -> memref<16x128xf32, #tpu.memory_space<vmem_shared>>
          %dma_wait3A_63 = arith.constant 29984 : i32
          %dma_wait3A_64 = arith.constant 0 : i32
          %dma_wait3A_65 = tpu.memref_slice %arg2[%dma_wait3A_63, %dma_wait3A_64] : memref<30000x128xf32, #tpu.memory_space<hbm>> -> memref<16x128xf32, #tpu.memory_space<hbm>>
          tpu.wait_dma2 semaphore(%run_scoped3A : memref<!tpu.dma_semaphore, #tpu.memory_space<semaphore_mem>>) src(%dma_wait3A_65 : memref<16x128xf32, #tpu.memory_space<hbm>>) dst(%dma_wait3A_62 : memref<16x128xf32, #tpu.memory_space<vmem_shared>>)
          tpu.yield
        }) : () -> ()
      } else {
      }
    } else {
    }
    %eq3A_3 = arith.constant 1 : i32
    %eq3A_4 = arith.cmpi eq, %arg0, %eq3A_3 : i32
    %convert_element_type3A_5 = arith.extui %eq3A_4 : i1 to i32
    %cond3A_6 = arith.constant 0 : i32
    %cond3A_7 = arith.cmpi ne, %convert_element_type3A_5, %cond3A_6 : i32
    scf.if %cond3A_7 {
      "tpu.region"() ({
        %run_scoped3A = tpu.sem_alloc : memref<!tpu.dma_semaphore, #tpu.memory_space<semaphore_mem>>
        %dma_start3A = arith.constant 0 : i32
        %dma_start3A_53 = tpu.memref_slice %arg11[%mul3A_0, %dma_start3A] : memref<10000x128xf32, #tpu.memory_space<vmem_shared>> -> memref<624x128xf32, #tpu.memory_space<vmem_shared>>
        %dma_start3A_54 = arith.constant 0 : i32
        %dma_start3A_55 = tpu.memref_slice %arg3[%mul3A_0, %dma_start3A_54] : memref<10000x128xf32, #tpu.memory_space<hbm>> -> memref<624x128xf32, #tpu.memory_space<hbm>>
        tpu.enqueue_dma source(%dma_start3A_55 : memref<624x128xf32, #tpu.memory_space<hbm>>) target(%dma_start3A_53 : memref<624x128xf32, #tpu.memory_space<vmem_shared>>) target_semaphore(%run_scoped3A : memref<!tpu.dma_semaphore, #tpu.memory_space<semaphore_mem>>)
        %dma_wait3A_56 = arith.constant 0 : i32
        %dma_wait3A_57 = tpu.memref_slice %arg11[%mul3A_0, %dma_wait3A_56] : memref<10000x128xf32, #tpu.memory_space<vmem_shared>> -> memref<624x128xf32, #tpu.memory_space<vmem_shared>>
        %dma_wait3A_58 = arith.constant 0 : i32
        %dma_wait3A_59 = tpu.memref_slice %arg3[%mul3A_0, %dma_wait3A_58] : memref<10000x128xf32, #tpu.memory_space<hbm>> -> memref<624x128xf32, #tpu.memory_space<hbm>>
        tpu.wait_dma2 semaphore(%run_scoped3A : memref<!tpu.dma_semaphore, #tpu.memory_space<semaphore_mem>>) src(%dma_wait3A_59 : memref<624x128xf32, #tpu.memory_space<hbm>>) dst(%dma_wait3A_57 : memref<624x128xf32, #tpu.memory_space<vmem_shared>>)
        tpu.yield
      }) : () -> ()
      %eq3A_48 = arith.constant 15 : i32
      %eq3A_49 = arith.cmpi eq, %arg1, %eq3A_48 : i32
      %convert_element_type3A_50 = arith.extui %eq3A_49 : i1 to i32
      %cond3A_51 = arith.constant 0 : i32
      %cond3A_52 = arith.cmpi ne, %convert_element_type3A_50, %cond3A_51 : i32
      scf.if %cond3A_52 {
        "tpu.region"() ({
          %run_scoped3A = tpu.sem_alloc : memref<!tpu.dma_semaphore, #tpu.memory_space<semaphore_mem>>
          %dma_start3A = arith.constant 9984 : i32
          %dma_start3A_53 = arith.constant 0 : i32
          %dma_start3A_54 = tpu.memref_slice %arg11[%dma_start3A, %dma_start3A_53] : memref<10000x128xf32, #tpu.memory_space<vmem_shared>> -> memref<16x128xf32, #tpu.memory_space<vmem_shared>>
          %dma_start3A_55 = arith.constant 9984 : i32
          %dma_start3A_56 = arith.constant 0 : i32
          %dma_start3A_57 = tpu.memref_slice %arg3[%dma_start3A_55, %dma_start3A_56] : memref<10000x128xf32, #tpu.memory_space<hbm>> -> memref<16x128xf32, #tpu.memory_space<hbm>>
          tpu.enqueue_dma source(%dma_start3A_57 : memref<16x128xf32, #tpu.memory_space<hbm>>) target(%dma_start3A_54 : memref<16x128xf32, #tpu.memory_space<vmem_shared>>) target_semaphore(%run_scoped3A : memref<!tpu.dma_semaphore, #tpu.memory_space<semaphore_mem>>)
          %dma_wait3A_58 = arith.constant 9984 : i32
          %dma_wait3A_59 = arith.constant 0 : i32
          %dma_wait3A_60 = tpu.memref_slice %arg11[%dma_wait3A_58, %dma_wait3A_59] : memref<10000x128xf32, #tpu.memory_space<vmem_shared>> -> memref<16x128xf32, #tpu.memory_space<vmem_shared>>
          %dma_wait3A_61 = arith.constant 9984 : i32
          %dma_wait3A_62 = arith.constant 0 : i32
          %dma_wait3A_63 = tpu.memref_slice %arg3[%dma_wait3A_61, %dma_wait3A_62] : memref<10000x128xf32, #tpu.memory_space<hbm>> -> memref<16x128xf32, #tpu.memory_space<hbm>>
          tpu.wait_dma2 semaphore(%run_scoped3A : memref<!tpu.dma_semaphore, #tpu.memory_space<semaphore_mem>>) src(%dma_wait3A_63 : memref<16x128xf32, #tpu.memory_space<hbm>>) dst(%dma_wait3A_60 : memref<16x128xf32, #tpu.memory_space<vmem_shared>>)
          tpu.yield
        }) : () -> ()
      } else {
      }
    } else {
    }
    %barrier3A = arith.constant 0 : index
    tpu.barrier barrier_id(%barrier3A)
    %add3A = arith.constant 0 : i32
    %add3A_8 = arith.addi %add3A, %arg1 : i32
    %lt3A = arith.constant 5000 : i32
    %lt3A_9 = arith.cmpi slt, %add3A_8, %lt3A : i32
    %convert_element_type3A_10 = arith.extui %lt3A_9 : i1 to i32
    %cond3A_11 = arith.constant 0 : i32
    %cond3A_12 = arith.cmpi ne, %convert_element_type3A_10, %cond3A_11 : i32
    scf.if %cond3A_12 {
      %mul3A_48 = arith.constant 32 : i32
      %mul3A_49 = arith.muli %add3A_8, %mul3A_48 : i32
      %dma_start3A = tpu.memref_slice %arg7[%mul3A_49] : memref<160000xi32, #tpu.memory_space<hbm>> -> memref<32xi32, #tpu.memory_space<hbm>>
      %dma_start3A_50 = tpu.memref_slice %arg7[%mul3A_49] : memref<160000xi32, #tpu.memory_space<hbm>> -> memref<32xi32, #tpu.memory_space<hbm>>
      tpu.enqueue_dma source(%dma_start3A_50 : memref<32xi32, #tpu.memory_space<hbm>>) target(%arg12 : memref<32xi32, #tpu.memory_space<vmem>>) target_semaphore(%arg21 : memref<!tpu.dma_semaphore, #tpu.memory_space<semaphore_mem>>)
      %dma_start3A_51 = arith.constant 0 : i32
      %dma_start3A_52 = tpu.memref_slice %arg5[%mul3A_49, %dma_start3A_51] : memref<160000x128xf32, #tpu.memory_space<hbm>> -> memref<32x128xf32, #tpu.memory_space<hbm>>
      %dma_start3A_53 = arith.constant 0 : i32
      %dma_start3A_54 = tpu.memref_slice %arg5[%mul3A_49, %dma_start3A_53] : memref<160000x128xf32, #tpu.memory_space<hbm>> -> memref<32x128xf32, #tpu.memory_space<hbm>>
      tpu.enqueue_dma source(%dma_start3A_54 : memref<32x128xf32, #tpu.memory_space<hbm>>) target(%arg16 : memref<32x128xf32, #tpu.memory_space<vmem>>) target_semaphore(%arg21 : memref<!tpu.dma_semaphore, #tpu.memory_space<semaphore_mem>>)
      %eq3A_55 = arith.constant 0 : i32
      %eq3A_56 = arith.cmpi eq, %arg0, %eq3A_55 : i32
      %convert_element_type3A_57 = arith.extui %eq3A_56 : i1 to i32
      %cond3A_58 = arith.constant 0 : i32
      %cond3A_59 = arith.cmpi ne, %convert_element_type3A_57, %cond3A_58 : i32
      scf.if %cond3A_59 {
        %dma_start3A_60 = tpu.memref_slice %arg8[%mul3A_49] : memref<160000xi32, #tpu.memory_space<hbm>> -> memref<32xi32, #tpu.memory_space<hbm>>
        %dma_start3A_61 = tpu.memref_slice %arg8[%mul3A_49] : memref<160000xi32, #tpu.memory_space<hbm>> -> memref<32xi32, #tpu.memory_space<hbm>>
        tpu.enqueue_dma source(%dma_start3A_61 : memref<32xi32, #tpu.memory_space<hbm>>) target(%arg13 : memref<32xi32, #tpu.memory_space<vmem>>) target_semaphore(%arg21 : memref<!tpu.dma_semaphore, #tpu.memory_space<semaphore_mem>>)
        %dma_start3A_62 = arith.constant 0 : i32
        %dma_start3A_63 = tpu.memref_slice %arg4[%mul3A_49, %dma_start3A_62] : memref<160000x128xf32, #tpu.memory_space<hbm>> -> memref<32x128xf32, #tpu.memory_space<hbm>>
        %dma_start3A_64 = arith.constant 0 : i32
        %dma_start3A_65 = tpu.memref_slice %arg4[%mul3A_49, %dma_start3A_64] : memref<160000x128xf32, #tpu.memory_space<hbm>> -> memref<32x128xf32, #tpu.memory_space<hbm>>
        tpu.enqueue_dma source(%dma_start3A_65 : memref<32x128xf32, #tpu.memory_space<hbm>>) target(%arg15 : memref<32x128xf32, #tpu.memory_space<vmem>>) target_semaphore(%arg21 : memref<!tpu.dma_semaphore, #tpu.memory_space<semaphore_mem>>)
        %mul3A_66 = arith.constant 16 : i32
        %mul3A_67 = arith.muli %mul3A_49, %mul3A_66 : i32
        %dma_start3A_68 = tpu.memref_slice %arg6[%mul3A_67] : memref<2560000xf32, #tpu.memory_space<hbm>> -> memref<512xf32, #tpu.memory_space<hbm>>
        %dma_start3A_69 = tpu.memref_slice %arg6[%mul3A_67] : memref<2560000xf32, #tpu.memory_space<hbm>> -> memref<512xf32, #tpu.memory_space<hbm>>
        tpu.enqueue_dma source(%dma_start3A_69 : memref<512xf32, #tpu.memory_space<hbm>>) target(%arg17 : memref<512xf32, #tpu.memory_space<vmem>>) target_semaphore(%arg21 : memref<!tpu.dma_semaphore, #tpu.memory_space<semaphore_mem>>)
      } else {
      }
    } else {
    }
    %add3A_13 = arith.constant 16 : i32
    %add3A_14 = arith.addi %add3A_13, %arg1 : i32
    %lt3A_15 = arith.constant 5000 : i32
    %lt3A_16 = arith.cmpi slt, %add3A_14, %lt3A_15 : i32
    %convert_element_type3A_17 = arith.extui %lt3A_16 : i1 to i32
    %cond3A_18 = arith.constant 0 : i32
    %cond3A_19 = arith.cmpi ne, %convert_element_type3A_17, %cond3A_18 : i32
    scf.if %cond3A_19 {
      %mul3A_48 = arith.constant 32 : i32
      %mul3A_49 = arith.muli %add3A_14, %mul3A_48 : i32
      %dma_start3A = tpu.memref_slice %arg7[%mul3A_49] : memref<160000xi32, #tpu.memory_space<hbm>> -> memref<32xi32, #tpu.memory_space<hbm>>
      %dma_start3A_50 = tpu.memref_slice %arg7[%mul3A_49] : memref<160000xi32, #tpu.memory_space<hbm>> -> memref<32xi32, #tpu.memory_space<hbm>>
      tpu.enqueue_dma source(%dma_start3A_50 : memref<32xi32, #tpu.memory_space<hbm>>) target(%arg22 : memref<32xi32, #tpu.memory_space<vmem>>) target_semaphore(%arg31 : memref<!tpu.dma_semaphore, #tpu.memory_space<semaphore_mem>>)
      %dma_start3A_51 = arith.constant 0 : i32
      %dma_start3A_52 = tpu.memref_slice %arg5[%mul3A_49, %dma_start3A_51] : memref<160000x128xf32, #tpu.memory_space<hbm>> -> memref<32x128xf32, #tpu.memory_space<hbm>>
      %dma_start3A_53 = arith.constant 0 : i32
      %dma_start3A_54 = tpu.memref_slice %arg5[%mul3A_49, %dma_start3A_53] : memref<160000x128xf32, #tpu.memory_space<hbm>> -> memref<32x128xf32, #tpu.memory_space<hbm>>
      tpu.enqueue_dma source(%dma_start3A_54 : memref<32x128xf32, #tpu.memory_space<hbm>>) target(%arg26 : memref<32x128xf32, #tpu.memory_space<vmem>>) target_semaphore(%arg31 : memref<!tpu.dma_semaphore, #tpu.memory_space<semaphore_mem>>)
      %eq3A_55 = arith.constant 0 : i32
      %eq3A_56 = arith.cmpi eq, %arg0, %eq3A_55 : i32
      %convert_element_type3A_57 = arith.extui %eq3A_56 : i1 to i32
      %cond3A_58 = arith.constant 0 : i32
      %cond3A_59 = arith.cmpi ne, %convert_element_type3A_57, %cond3A_58 : i32
      scf.if %cond3A_59 {
        %dma_start3A_60 = tpu.memref_slice %arg8[%mul3A_49] : memref<160000xi32, #tpu.memory_space<hbm>> -> memref<32xi32, #tpu.memory_space<hbm>>
        %dma_start3A_61 = tpu.memref_slice %arg8[%mul3A_49] : memref<160000xi32, #tpu.memory_space<hbm>> -> memref<32xi32, #tpu.memory_space<hbm>>
        tpu.enqueue_dma source(%dma_start3A_61 : memref<32xi32, #tpu.memory_space<hbm>>) target(%arg23 : memref<32xi32, #tpu.memory_space<vmem>>) target_semaphore(%arg31 : memref<!tpu.dma_semaphore, #tpu.memory_space<semaphore_mem>>)
        %dma_start3A_62 = arith.constant 0 : i32
        %dma_start3A_63 = tpu.memref_slice %arg4[%mul3A_49, %dma_start3A_62] : memref<160000x128xf32, #tpu.memory_space<hbm>> -> memref<32x128xf32, #tpu.memory_space<hbm>>
        %dma_start3A_64 = arith.constant 0 : i32
        %dma_start3A_65 = tpu.memref_slice %arg4[%mul3A_49, %dma_start3A_64] : memref<160000x128xf32, #tpu.memory_space<hbm>> -> memref<32x128xf32, #tpu.memory_space<hbm>>
        tpu.enqueue_dma source(%dma_start3A_65 : memref<32x128xf32, #tpu.memory_space<hbm>>) target(%arg25 : memref<32x128xf32, #tpu.memory_space<vmem>>) target_semaphore(%arg31 : memref<!tpu.dma_semaphore, #tpu.memory_space<semaphore_mem>>)
        %mul3A_66 = arith.constant 16 : i32
        %mul3A_67 = arith.muli %mul3A_49, %mul3A_66 : i32
        %dma_start3A_68 = tpu.memref_slice %arg6[%mul3A_67] : memref<2560000xf32, #tpu.memory_space<hbm>> -> memref<512xf32, #tpu.memory_space<hbm>>
        %dma_start3A_69 = tpu.memref_slice %arg6[%mul3A_67] : memref<2560000xf32, #tpu.memory_space<hbm>> -> memref<512xf32, #tpu.memory_space<hbm>>
        tpu.enqueue_dma source(%dma_start3A_69 : memref<512xf32, #tpu.memory_space<hbm>>) target(%arg27 : memref<512xf32, #tpu.memory_space<vmem>>) target_semaphore(%arg31 : memref<!tpu.dma_semaphore, #tpu.memory_space<semaphore_mem>>)
      } else {
      }
    } else {
    }
    %add3A_20 = arith.constant 0 : i32
    %add3A_21 = arith.addi %add3A_20, %arg1 : i32
    %lt3A_22 = arith.constant 5000 : i32
    %lt3A_23 = arith.cmpi slt, %add3A_21, %lt3A_22 : i32
    %convert_element_type3A_24 = arith.extui %lt3A_23 : i1 to i32
    %cond3A_25 = arith.constant 0 : i32
    %cond3A_26 = arith.cmpi ne, %convert_element_type3A_24, %cond3A_25 : i32
    scf.if %cond3A_26 {
      %dma_wait3A_48 = arith.constant 0 : i32
      %dma_wait3A_49 = tpu.memref_slice %arg7[%dma_wait3A_48] : memref<160000xi32, #tpu.memory_space<hbm>> -> memref<32xi32, #tpu.memory_space<hbm>>
      %dma_wait3A_50 = arith.constant 0 : i32
      %dma_wait3A_51 = tpu.memref_slice %arg7[%dma_wait3A_50] : memref<160000xi32, #tpu.memory_space<hbm>> -> memref<32xi32, #tpu.memory_space<hbm>>
      tpu.wait_dma2 semaphore(%arg21 : memref<!tpu.dma_semaphore, #tpu.memory_space<semaphore_mem>>) src(%dma_wait3A_51 : memref<32xi32, #tpu.memory_space<hbm>>) dst(%arg12 : memref<32xi32, #tpu.memory_space<vmem>>)
      %dma_wait3A_52 = arith.constant 0 : i32
      %dma_wait3A_53 = arith.constant 0 : i32
      %dma_wait3A_54 = tpu.memref_slice %arg5[%dma_wait3A_52, %dma_wait3A_53] : memref<160000x128xf32, #tpu.memory_space<hbm>> -> memref<32x128xf32, #tpu.memory_space<hbm>>
      %dma_wait3A_55 = arith.constant 0 : i32
      %dma_wait3A_56 = arith.constant 0 : i32
      %dma_wait3A_57 = tpu.memref_slice %arg5[%dma_wait3A_55, %dma_wait3A_56] : memref<160000x128xf32, #tpu.memory_space<hbm>> -> memref<32x128xf32, #tpu.memory_space<hbm>>
      tpu.wait_dma2 semaphore(%arg21 : memref<!tpu.dma_semaphore, #tpu.memory_space<semaphore_mem>>) src(%dma_wait3A_57 : memref<32x128xf32, #tpu.memory_space<hbm>>) dst(%arg16 : memref<32x128xf32, #tpu.memory_space<vmem>>)
      %eq3A_58 = arith.constant 0 : i32
      %eq3A_59 = arith.cmpi eq, %arg0, %eq3A_58 : i32
      %convert_element_type3A_60 = arith.extui %eq3A_59 : i1 to i32
      %cond3A_61 = arith.constant 0 : i32
      %cond3A_62 = arith.cmpi ne, %convert_element_type3A_60, %cond3A_61 : i32
      scf.if %cond3A_62 {
        %dma_wait3A_63 = arith.constant 0 : i32
        %dma_wait3A_64 = tpu.memref_slice %arg8[%dma_wait3A_63] : memref<160000xi32, #tpu.memory_space<hbm>> -> memref<32xi32, #tpu.memory_space<hbm>>
        %dma_wait3A_65 = arith.constant 0 : i32
        %dma_wait3A_66 = tpu.memref_slice %arg8[%dma_wait3A_65] : memref<160000xi32, #tpu.memory_space<hbm>> -> memref<32xi32, #tpu.memory_space<hbm>>
        tpu.wait_dma2 semaphore(%arg21 : memref<!tpu.dma_semaphore, #tpu.memory_space<semaphore_mem>>) src(%dma_wait3A_66 : memref<32xi32, #tpu.memory_space<hbm>>) dst(%arg13 : memref<32xi32, #tpu.memory_space<vmem>>)
        %dma_wait3A_67 = arith.constant 0 : i32
        %dma_wait3A_68 = arith.constant 0 : i32
        %dma_wait3A_69 = tpu.memref_slice %arg4[%dma_wait3A_67, %dma_wait3A_68] : memref<160000x128xf32, #tpu.memory_space<hbm>> -> memref<32x128xf32, #tpu.memory_space<hbm>>
        %dma_wait3A_70 = arith.constant 0 : i32
        %dma_wait3A_71 = arith.constant 0 : i32
        %dma_wait3A_72 = tpu.memref_slice %arg4[%dma_wait3A_70, %dma_wait3A_71] : memref<160000x128xf32, #tpu.memory_space<hbm>> -> memref<32x128xf32, #tpu.memory_space<hbm>>
        tpu.wait_dma2 semaphore(%arg21 : memref<!tpu.dma_semaphore, #tpu.memory_space<semaphore_mem>>) src(%dma_wait3A_72 : memref<32x128xf32, #tpu.memory_space<hbm>>) dst(%arg15 : memref<32x128xf32, #tpu.memory_space<vmem>>)
        %dma_wait3A_73 = arith.constant 0 : i32
        %dma_wait3A_74 = tpu.memref_slice %arg6[%dma_wait3A_73] : memref<2560000xf32, #tpu.memory_space<hbm>> -> memref<512xf32, #tpu.memory_space<hbm>>
        %dma_wait3A_75 = arith.constant 0 : i32
        %dma_wait3A_76 = tpu.memref_slice %arg6[%dma_wait3A_75] : memref<2560000xf32, #tpu.memory_space<hbm>> -> memref<512xf32, #tpu.memory_space<hbm>>
        tpu.wait_dma2 semaphore(%arg21 : memref<!tpu.dma_semaphore, #tpu.memory_space<semaphore_mem>>) src(%dma_wait3A_76 : memref<512xf32, #tpu.memory_space<hbm>>) dst(%arg17 : memref<512xf32, #tpu.memory_space<vmem>>)
        %get3A = arith.constant 0 : index
        %get3A_77 = tpu.vector_load %arg13[%get3A] {strides = array<i32>} : memref<32xi32, #tpu.memory_space<vmem>>, vector<16xi32>,
        %get3A_78 = vector.shape_cast %get3A_77 : vector<16xi32> to vector<16xi32>
        %add3A_79 = arith.constant 20000 : i32
        %add3A_80 = vector.broadcast %add3A_79 : i32 to vector<16xi32>
        %add3A_81 = arith.addi %get3A_78, %add3A_80 : vector<16xi32>
        %swap3A = arith.constant 0 : index
        %swap3A_82 = tpu.vector_load %arg13[%swap3A] {strides = array<i32>} : memref<32xi32, #tpu.memory_space<vmem>>, vector<16xi32>,
        %swap3A_83 = vector.shape_cast %swap3A_82 : vector<16xi32> to vector<16xi32>
        %swap3A_84 = vector.shape_cast %add3A_81 : vector<16xi32> to vector<16xi32>
        tpu.vector_store %arg13[%swap3A], %swap3A_84 {strides = array<i32>} : memref<32xi32, #tpu.memory_space<vmem>>, vector<16xi32>,
        %get3A_85 = arith.constant 16 : index
        %get3A_86 = tpu.vector_load %arg13[%get3A_85] {strides = array<i32>} : memref<32xi32, #tpu.memory_space<vmem>>, vector<16xi32>,
        %get3A_87 = vector.shape_cast %get3A_86 : vector<16xi32> to vector<16xi32>
        %add3A_88 = arith.constant 20000 : i32
        %add3A_89 = vector.broadcast %add3A_88 : i32 to vector<16xi32>
        %add3A_90 = arith.addi %get3A_87, %add3A_89 : vector<16xi32>
        %swap3A_91 = arith.constant 16 : index
        %swap3A_92 = tpu.vector_load %arg13[%swap3A_91] {strides = array<i32>} : memref<32xi32, #tpu.memory_space<vmem>>, vector<16xi32>,
        %swap3A_93 = vector.shape_cast %swap3A_92 : vector<16xi32> to vector<16xi32>
        %swap3A_94 = vector.shape_cast %add3A_90 : vector<16xi32> to vector<16xi32>
        tpu.vector_store %arg13[%swap3A_91], %swap3A_94 {strides = array<i32>} : memref<32xi32, #tpu.memory_space<vmem>>, vector<16xi32>,
        %dma_start3A = arith.constant 0 : i32
        %dma_start3A_95 = arith.constant 0 : i32
        %dma_start3A_96 = tpu.memref_slice %arg2[%dma_start3A, %dma_start3A_95] : memref<30000x128xf32, #tpu.memory_space<hbm>> -> memref<30000x128xf32, #tpu.memory_space<hbm>>
        tpu.enqueue_indirect_dma source(%dma_start3A_96 : memref<30000x128xf32, #tpu.memory_space<hbm>>) target(%arg18 : memref<32x128xf32, #tpu.memory_space<vmem>>) offsets(%arg13 : memref<32xi32, #tpu.memory_space<vmem>>) semaphore(%arg32 : memref<!tpu.dma_semaphore, #tpu.memory_space<semaphore_mem>>)
      } else {
      }
    } else {
    }
    %scan3A = arith.constant 0 : i32
    %scan3A_27 = arith.constant 0 : i32
    %scan3A_28 = arith.constant 157 : i32
    %scan3A_29 = arith.addi %scan3A_27, %scan3A_28 : i32
    %scan3A_30 = arith.constant 1 : i32
    scf.for %scan3A_48 = %scan3A_27 to %scan3A_29 step %scan3A_30  : i32 {
      %mul3A_49 = arith.constant 2 : i32
      %mul3A_50 = arith.muli %mul3A_49, %scan3A_48 : i32
      %add3A_51 = arith.constant 0 : i32
      %add3A_52 = arith.addi %mul3A_50, %add3A_51 : i32
      %mul3A_53 = arith.constant 16 : i32
      %mul3A_54 = arith.muli %add3A_52, %mul3A_53 : i32
      %add3A_55 = arith.addi %mul3A_54, %arg1 : i32
      %lt3A_56 = arith.constant 5000 : i32
      %lt3A_57 = arith.cmpi slt, %add3A_55, %lt3A_56 : i32
      %convert_element_type3A_58 = arith.extui %lt3A_57 : i1 to i32
      %cond3A_59 = arith.constant 0 : i32
      %cond3A_60 = arith.cmpi ne, %convert_element_type3A_58, %cond3A_59 : i32
      scf.if %cond3A_60 {
        %ge3A = arith.constant 2 : i32
        %ge3A_113 = arith.cmpi sge, %add3A_52, %ge3A : i32
        %convert_element_type3A_114 = arith.extui %ge3A_113 : i1 to i32
        %cond3A_115 = arith.constant 0 : i32
        %cond3A_116 = arith.cmpi ne, %convert_element_type3A_114, %cond3A_115 : i32
        scf.if %cond3A_116 {
          %dma_wait3A_139 = arith.constant 0 : i32
          %dma_wait3A_140 = arith.constant 0 : i32
          %dma_wait3A_141 = tpu.memref_slice %arg11[%dma_wait3A_139, %dma_wait3A_140] : memref<10000x128xf32, #tpu.memory_space<vmem_shared>> -> memref<10000x128xf32, #tpu.memory_space<vmem_shared>>
          tpu.wait_indirect_dma semaphore(%arg33 : memref<!tpu.dma_semaphore, #tpu.memory_space<semaphore_mem>>) src(%arg19 : memref<32x128xf32, #tpu.memory_space<vmem>>) dst(%dma_wait3A_141 : memref<10000x128xf32, #tpu.memory_space<vmem_shared>>)
        } else {
        }
        %get3A = arith.constant 0 : index
        %get3A_117 = tpu.vector_load %arg12[%get3A] {strides = array<i32>} : memref<32xi32, #tpu.memory_space<vmem>>, vector<16xi32>,
        %get3A_118 = vector.shape_cast %get3A_117 : vector<16xi32> to vector<16xi32>
        %swap3A = arith.constant 0 : index
        %swap3A_119 = tpu.vector_load %arg14[%swap3A] {strides = array<i32>} : memref<32xi32, #tpu.memory_space<vmem>>, vector<16xi32>,
        %swap3A_120 = vector.shape_cast %swap3A_119 : vector<16xi32> to vector<16xi32>
        %swap3A_121 = vector.shape_cast %get3A_118 : vector<16xi32> to vector<16xi32>
        tpu.vector_store %arg14[%swap3A], %swap3A_121 {strides = array<i32>} : memref<32xi32, #tpu.memory_space<vmem>>, vector<16xi32>,
        %get3A_122 = arith.constant 16 : index
        %get3A_123 = tpu.vector_load %arg12[%get3A_122] {strides = array<i32>} : memref<32xi32, #tpu.memory_space<vmem>>, vector<16xi32>,
        %get3A_124 = vector.shape_cast %get3A_123 : vector<16xi32> to vector<16xi32>
        %swap3A_125 = arith.constant 16 : index
        %swap3A_126 = tpu.vector_load %arg14[%swap3A_125] {strides = array<i32>} : memref<32xi32, #tpu.memory_space<vmem>>, vector<16xi32>,
        %swap3A_127 = vector.shape_cast %swap3A_126 : vector<16xi32> to vector<16xi32>
        %swap3A_128 = vector.shape_cast %get3A_124 : vector<16xi32> to vector<16xi32>
        tpu.vector_store %arg14[%swap3A_125], %swap3A_128 {strides = array<i32>} : memref<32xi32, #tpu.memory_space<vmem>>, vector<16xi32>,
        %eq3A_129 = arith.constant 0 : i32
        %eq3A_130 = arith.cmpi eq, %arg0, %eq3A_129 : i32
        %convert_element_type3A_131 = arith.extui %eq3A_130 : i1 to i32
        %cond3A_132 = arith.constant 0 : i32
        %cond3A_133 = arith.cmpi ne, %convert_element_type3A_131, %cond3A_132 : i32
        scf.if %cond3A_133 {
          %dma_wait3A_139 = arith.constant 0 : i32
          %dma_wait3A_140 = arith.constant 0 : i32
          %dma_wait3A_141 = tpu.memref_slice %arg2[%dma_wait3A_139, %dma_wait3A_140] : memref<30000x128xf32, #tpu.memory_space<hbm>> -> memref<30000x128xf32, #tpu.memory_space<hbm>>
          tpu.wait_indirect_dma semaphore(%arg32 : memref<!tpu.dma_semaphore, #tpu.memory_space<semaphore_mem>>) src(%dma_wait3A_141 : memref<30000x128xf32, #tpu.memory_space<hbm>>) dst(%arg18 : memref<32x128xf32, #tpu.memory_space<vmem>>)
          %parallel_loop3A = arith.constant 0 : i32
          %parallel_loop3A_142 = arith.constant 32 : i32
          %parallel_loop3A_143 = arith.constant 1 : i32
          scf.for %parallel_loop3A_146 = %parallel_loop3A to %parallel_loop3A_142 step %parallel_loop3A_143  : i32 {
            %parallel_loop3A_147 = arith.constant 16 : i32
            %parallel_loop3A_148 = arith.muli %parallel_loop3A_146, %parallel_loop3A_147 : i32
            %parallel_loop3A_149 = arith.index_cast %parallel_loop3A_148 : i32 to index
            %parallel_loop3A_150 = tpu.vector_load %arg17[%parallel_loop3A_149] {strides = array<i32>} : memref<512xf32, #tpu.memory_space<vmem>>, vector<16xf32>,
            %parallel_loop3A_151 = vector.shape_cast %parallel_loop3A_150 : vector<16xf32> to vector<16xf32>
            %parallel_loop3A_152 = arith.constant 2 : i32
            %parallel_loop3A_153 = vector.broadcast %parallel_loop3A_152 : i32 to vector<16x1xi32>
            %parallel_loop3A_154 = vector.shape_cast %parallel_loop3A_153 : vector<16x1xi32> to vector<16xi32>
            %parallel_loop3A_155 = tpu.dynamic_gather %parallel_loop3A_151[%parallel_loop3A_154] in [0] : vector<16xf32>, vector<16xi32> -> vector<16xf32>
            %parallel_loop3A_156 = arith.index_cast %parallel_loop3A_146 : i32 to index
            %parallel_loop3A_157 = arith.constant 0 : index
            %parallel_loop3A_158 = tpu.vector_load %arg15[%parallel_loop3A_156, %parallel_loop3A_157] {strides = array<i32>} : memref<32x128xf32, #tpu.memory_space<vmem>>, vector<1x16xf32>,
            %parallel_loop3A_159 = vector.shape_cast %parallel_loop3A_158 : vector<1x16xf32> to vector<16xf32>
            %parallel_loop3A_160 = arith.mulf %parallel_loop3A_159, %parallel_loop3A_155 : vector<16xf32>
            %parallel_loop3A_161 = arith.index_cast %parallel_loop3A_146 : i32 to index
            %parallel_loop3A_162 = arith.constant 0 : index
            %parallel_loop3A_163 = tpu.vector_load %arg16[%parallel_loop3A_161, %parallel_loop3A_162] {strides = array<i32>} : memref<32x128xf32, #tpu.memory_space<vmem>>, vector<1x16xf32>,
            %parallel_loop3A_164 = vector.shape_cast %parallel_loop3A_163 : vector<1x16xf32> to vector<16xf32>
            %parallel_loop3A_165 = arith.index_cast %parallel_loop3A_146 : i32 to index
            %parallel_loop3A_166 = arith.constant 0 : index
            %parallel_loop3A_167 = tpu.vector_load %arg18[%parallel_loop3A_165, %parallel_loop3A_166] {strides = array<i32>} : memref<32x128xf32, #tpu.memory_space<vmem>>, vector<1x16xf32>,
            %parallel_loop3A_168 = vector.shape_cast %parallel_loop3A_167 : vector<1x16xf32> to vector<16xf32>
            %parallel_loop3A_169 = arith.mulf %parallel_loop3A_164, %parallel_loop3A_168 : vector<16xf32>
            %parallel_loop3A_170 = arith.addf %parallel_loop3A_160, %parallel_loop3A_169 : vector<16xf32>
            %parallel_loop3A_171 = arith.index_cast %parallel_loop3A_146 : i32 to index
            %parallel_loop3A_172 = arith.constant 0 : index
            %parallel_loop3A_173 = tpu.vector_load %arg19[%parallel_loop3A_171, %parallel_loop3A_172] {strides = array<i32>} : memref<32x128xf32, #tpu.memory_space<vmem>>, vector<1x16xf32>,
            %parallel_loop3A_174 = vector.shape_cast %parallel_loop3A_173 : vector<1x16xf32> to vector<16xf32>
            %parallel_loop3A_175 = vector.shape_cast %parallel_loop3A_170 : vector<16xf32> to vector<1x16xf32>
            tpu.vector_store %arg19[%parallel_loop3A_171, %parallel_loop3A_172], %parallel_loop3A_175 {strides = array<i32>} : memref<32x128xf32, #tpu.memory_space<vmem>>, vector<1x16xf32>,
            %parallel_loop3A_176 = arith.index_cast %parallel_loop3A_146 : i32 to index
            %parallel_loop3A_177 = arith.constant 16 : index
            %parallel_loop3A_178 = tpu.vector_load %arg15[%parallel_loop3A_176, %parallel_loop3A_177] {strides = array<i32>} : memref<32x128xf32, #tpu.memory_space<vmem>>, vector<1x16xf32>,
            %parallel_loop3A_179 = vector.shape_cast %parallel_loop3A_178 : vector<1x16xf32> to vector<16xf32>
            %parallel_loop3A_180 = arith.mulf %parallel_loop3A_179, %parallel_loop3A_155 : vector<16xf32>
            %parallel_loop3A_181 = arith.index_cast %parallel_loop3A_146 : i32 to index
            %parallel_loop3A_182 = arith.constant 16 : index
            %parallel_loop3A_183 = tpu.vector_load %arg16[%parallel_loop3A_181, %parallel_loop3A_182] {strides = array<i32>} : memref<32x128xf32, #tpu.memory_space<vmem>>, vector<1x16xf32>,
            %parallel_loop3A_184 = vector.shape_cast %parallel_loop3A_183 : vector<1x16xf32> to vector<16xf32>
            %parallel_loop3A_185 = arith.index_cast %parallel_loop3A_146 : i32 to index
            %parallel_loop3A_186 = arith.constant 16 : index
            %parallel_loop3A_187 = tpu.vector_load %arg18[%parallel_loop3A_185, %parallel_loop3A_186] {strides = array<i32>} : memref<32x128xf32, #tpu.memory_space<vmem>>, vector<1x16xf32>,
            %parallel_loop3A_188 = vector.shape_cast %parallel_loop3A_187 : vector<1x16xf32> to vector<16xf32>
            %parallel_loop3A_189 = arith.mulf %parallel_loop3A_184, %parallel_loop3A_188 : vector<16xf32>
            %parallel_loop3A_190 = arith.addf %parallel_loop3A_180, %parallel_loop3A_189 : vector<16xf32>
            %parallel_loop3A_191 = arith.index_cast %parallel_loop3A_146 : i32 to index
            %parallel_loop3A_192 = arith.constant 16 : index
            %parallel_loop3A_193 = tpu.vector_load %arg19[%parallel_loop3A_191, %parallel_loop3A_192] {strides = array<i32>} : memref<32x128xf32, #tpu.memory_space<vmem>>, vector<1x16xf32>,
            %parallel_loop3A_194 = vector.shape_cast %parallel_loop3A_193 : vector<1x16xf32> to vector<16xf32>
            %parallel_loop3A_195 = vector.shape_cast %parallel_loop3A_190 : vector<16xf32> to vector<1x16xf32>
            tpu.vector_store %arg19[%parallel_loop3A_191, %parallel_loop3A_192], %parallel_loop3A_195 {strides = array<i32>} : memref<32x128xf32, #tpu.memory_space<vmem>>, vector<1x16xf32>,
            %parallel_loop3A_196 = arith.index_cast %parallel_loop3A_146 : i32 to index
            %parallel_loop3A_197 = arith.constant 32 : index
            %parallel_loop3A_198 = tpu.vector_load %arg15[%parallel_loop3A_196, %parallel_loop3A_197] {strides = array<i32>} : memref<32x128xf32, #tpu.memory_space<vmem>>, vector<1x16xf32>,
            %parallel_loop3A_199 = vector.shape_cast %parallel_loop3A_198 : vector<1x16xf32> to vector<16xf32>
            %parallel_loop3A_200 = arith.mulf %parallel_loop3A_199, %parallel_loop3A_155 : vector<16xf32>
            %parallel_loop3A_201 = arith.index_cast %parallel_loop3A_146 : i32 to index
            %parallel_loop3A_202 = arith.constant 32 : index
            %parallel_loop3A_203 = tpu.vector_load %arg16[%parallel_loop3A_201, %parallel_loop3A_202] {strides = array<i32>} : memref<32x128xf32, #tpu.memory_space<vmem>>, vector<1x16xf32>,
            %parallel_loop3A_204 = vector.shape_cast %parallel_loop3A_203 : vector<1x16xf32> to vector<16xf32>
            %parallel_loop3A_205 = arith.index_cast %parallel_loop3A_146 : i32 to index
            %parallel_loop3A_206 = arith.constant 32 : index
            %parallel_loop3A_207 = tpu.vector_load %arg18[%parallel_loop3A_205, %parallel_loop3A_206] {strides = array<i32>} : memref<32x128xf32, #tpu.memory_space<vmem>>, vector<1x16xf32>,
            %parallel_loop3A_208 = vector.shape_cast %parallel_loop3A_207 : vector<1x16xf32> to vector<16xf32>
            %parallel_loop3A_209 = arith.mulf %parallel_loop3A_204, %parallel_loop3A_208 : vector<16xf32>
            %parallel_loop3A_210 = arith.addf %parallel_loop3A_200, %parallel_loop3A_209 : vector<16xf32>
            %parallel_loop3A_211 = arith.index_cast %parallel_loop3A_146 : i32 to index
            %parallel_loop3A_212 = arith.constant 32 : index
            %parallel_loop3A_213 = tpu.vector_load %arg19[%parallel_loop3A_211, %parallel_loop3A_212] {strides = array<i32>} : memref<32x128xf32, #tpu.memory_space<vmem>>, vector<1x16xf32>,
            %parallel_loop3A_214 = vector.shape_cast %parallel_loop3A_213 : vector<1x16xf32> to vector<16xf32>
            %parallel_loop3A_215 = vector.shape_cast %parallel_loop3A_210 : vector<16xf32> to vector<1x16xf32>
            tpu.vector_store %arg19[%parallel_loop3A_211, %parallel_loop3A_212], %parallel_loop3A_215 {strides = array<i32>} : memref<32x128xf32, #tpu.memory_space<vmem>>, vector<1x16xf32>,
            %parallel_loop3A_216 = arith.index_cast %parallel_loop3A_146 : i32 to index
            %parallel_loop3A_217 = arith.constant 48 : index
            %parallel_loop3A_218 = tpu.vector_load %arg15[%parallel_loop3A_216, %parallel_loop3A_217] {strides = array<i32>} : memref<32x128xf32, #tpu.memory_space<vmem>>, vector<1x16xf32>,
            %parallel_loop3A_219 = vector.shape_cast %parallel_loop3A_218 : vector<1x16xf32> to vector<16xf32>
            %parallel_loop3A_220 = arith.mulf %parallel_loop3A_219, %parallel_loop3A_155 : vector<16xf32>
            %parallel_loop3A_221 = arith.index_cast %parallel_loop3A_146 : i32 to index
            %parallel_loop3A_222 = arith.constant 48 : index
            %parallel_loop3A_223 = tpu.vector_load %arg16[%parallel_loop3A_221, %parallel_loop3A_222] {strides = array<i32>} : memref<32x128xf32, #tpu.memory_space<vmem>>, vector<1x16xf32>,
            %parallel_loop3A_224 = vector.shape_cast %parallel_loop3A_223 : vector<1x16xf32> to vector<16xf32>
            %parallel_loop3A_225 = arith.index_cast %parallel_loop3A_146 : i32 to index
            %parallel_loop3A_226 = arith.constant 48 : index
            %parallel_loop3A_227 = tpu.vector_load %arg18[%parallel_loop3A_225, %parallel_loop3A_226] {strides = array<i32>} : memref<32x128xf32, #tpu.memory_space<vmem>>, vector<1x16xf32>,
            %parallel_loop3A_228 = vector.shape_cast %parallel_loop3A_227 : vector<1x16xf32> to vector<16xf32>
            %parallel_loop3A_229 = arith.mulf %parallel_loop3A_224, %parallel_loop3A_228 : vector<16xf32>
            %parallel_loop3A_230 = arith.addf %parallel_loop3A_220, %parallel_loop3A_229 : vector<16xf32>
            %parallel_loop3A_231 = arith.index_cast %parallel_loop3A_146 : i32 to index
            %parallel_loop3A_232 = arith.constant 48 : index
            %parallel_loop3A_233 = tpu.vector_load %arg19[%parallel_loop3A_231, %parallel_loop3A_232] {strides = array<i32>} : memref<32x128xf32, #tpu.memory_space<vmem>>, vector<1x16xf32>,
            %parallel_loop3A_234 = vector.shape_cast %parallel_loop3A_233 : vector<1x16xf32> to vector<16xf32>
            %parallel_loop3A_235 = vector.shape_cast %parallel_loop3A_230 : vector<16xf32> to vector<1x16xf32>
            tpu.vector_store %arg19[%parallel_loop3A_231, %parallel_loop3A_232], %parallel_loop3A_235 {strides = array<i32>} : memref<32x128xf32, #tpu.memory_space<vmem>>, vector<1x16xf32>,
            %parallel_loop3A_236 = arith.index_cast %parallel_loop3A_146 : i32 to index
            %parallel_loop3A_237 = arith.constant 64 : index
            %parallel_loop3A_238 = tpu.vector_load %arg15[%parallel_loop3A_236, %parallel_loop3A_237] {strides = array<i32>} : memref<32x128xf32, #tpu.memory_space<vmem>>, vector<1x16xf32>,
            %parallel_loop3A_239 = vector.shape_cast %parallel_loop3A_238 : vector<1x16xf32> to vector<16xf32>
            %parallel_loop3A_240 = arith.mulf %parallel_loop3A_239, %parallel_loop3A_155 : vector<16xf32>
            %parallel_loop3A_241 = arith.index_cast %parallel_loop3A_146 : i32 to index
            %parallel_loop3A_242 = arith.constant 64 : index
            %parallel_loop3A_243 = tpu.vector_load %arg16[%parallel_loop3A_241, %parallel_loop3A_242] {strides = array<i32>} : memref<32x128xf32, #tpu.memory_space<vmem>>, vector<1x16xf32>,
            %parallel_loop3A_244 = vector.shape_cast %parallel_loop3A_243 : vector<1x16xf32> to vector<16xf32>
            %parallel_loop3A_245 = arith.index_cast %parallel_loop3A_146 : i32 to index
            %parallel_loop3A_246 = arith.constant 64 : index
            %parallel_loop3A_247 = tpu.vector_load %arg18[%parallel_loop3A_245, %parallel_loop3A_246] {strides = array<i32>} : memref<32x128xf32, #tpu.memory_space<vmem>>, vector<1x16xf32>,
            %parallel_loop3A_248 = vector.shape_cast %parallel_loop3A_247 : vector<1x16xf32> to vector<16xf32>
            %parallel_loop3A_249 = arith.mulf %parallel_loop3A_244, %parallel_loop3A_248 : vector<16xf32>
            %parallel_loop3A_250 = arith.addf %parallel_loop3A_240, %parallel_loop3A_249 : vector<16xf32>
            %parallel_loop3A_251 = arith.index_cast %parallel_loop3A_146 : i32 to index
            %parallel_loop3A_252 = arith.constant 64 : index
            %parallel_loop3A_253 = tpu.vector_load %arg19[%parallel_loop3A_251, %parallel_loop3A_252] {strides = array<i32>} : memref<32x128xf32, #tpu.memory_space<vmem>>, vector<1x16xf32>,
            %parallel_loop3A_254 = vector.shape_cast %parallel_loop3A_253 : vector<1x16xf32> to vector<16xf32>
            %parallel_loop3A_255 = vector.shape_cast %parallel_loop3A_250 : vector<16xf32> to vector<1x16xf32>
            tpu.vector_store %arg19[%parallel_loop3A_251, %parallel_loop3A_252], %parallel_loop3A_255 {strides = array<i32>} : memref<32x128xf32, #tpu.memory_space<vmem>>, vector<1x16xf32>,
            %parallel_loop3A_256 = arith.index_cast %parallel_loop3A_146 : i32 to index
            %parallel_loop3A_257 = arith.constant 80 : index
            %parallel_loop3A_258 = tpu.vector_load %arg15[%parallel_loop3A_256, %parallel_loop3A_257] {strides = array<i32>} : memref<32x128xf32, #tpu.memory_space<vmem>>, vector<1x16xf32>,
            %parallel_loop3A_259 = vector.shape_cast %parallel_loop3A_258 : vector<1x16xf32> to vector<16xf32>
            %parallel_loop3A_260 = arith.mulf %parallel_loop3A_259, %parallel_loop3A_155 : vector<16xf32>
            %parallel_loop3A_261 = arith.index_cast %parallel_loop3A_146 : i32 to index
            %parallel_loop3A_262 = arith.constant 80 : index
            %parallel_loop3A_263 = tpu.vector_load %arg16[%parallel_loop3A_261, %parallel_loop3A_262] {strides = array<i32>} : memref<32x128xf32, #tpu.memory_space<vmem>>, vector<1x16xf32>,
            %parallel_loop3A_264 = vector.shape_cast %parallel_loop3A_263 : vector<1x16xf32> to vector<16xf32>
            %parallel_loop3A_265 = arith.index_cast %parallel_loop3A_146 : i32 to index
            %parallel_loop3A_266 = arith.constant 80 : index
            %parallel_loop3A_267 = tpu.vector_load %arg18[%parallel_loop3A_265, %parallel_loop3A_266] {strides = array<i32>} : memref<32x128xf32, #tpu.memory_space<vmem>>, vector<1x16xf32>,
            %parallel_loop3A_268 = vector.shape_cast %parallel_loop3A_267 : vector<1x16xf32> to vector<16xf32>
            %parallel_loop3A_269 = arith.mulf %parallel_loop3A_264, %parallel_loop3A_268 : vector<16xf32>
            %parallel_loop3A_270 = arith.addf %parallel_loop3A_260, %parallel_loop3A_269 : vector<16xf32>
            %parallel_loop3A_271 = arith.index_cast %parallel_loop3A_146 : i32 to index
            %parallel_loop3A_272 = arith.constant 80 : index
            %parallel_loop3A_273 = tpu.vector_load %arg19[%parallel_loop3A_271, %parallel_loop3A_272] {strides = array<i32>} : memref<32x128xf32, #tpu.memory_space<vmem>>, vector<1x16xf32>,
            %parallel_loop3A_274 = vector.shape_cast %parallel_loop3A_273 : vector<1x16xf32> to vector<16xf32>
            %parallel_loop3A_275 = vector.shape_cast %parallel_loop3A_270 : vector<16xf32> to vector<1x16xf32>
            tpu.vector_store %arg19[%parallel_loop3A_271, %parallel_loop3A_272], %parallel_loop3A_275 {strides = array<i32>} : memref<32x128xf32, #tpu.memory_space<vmem>>, vector<1x16xf32>,
            %parallel_loop3A_276 = arith.index_cast %parallel_loop3A_146 : i32 to index
            %parallel_loop3A_277 = arith.constant 96 : index
            %parallel_loop3A_278 = tpu.vector_load %arg15[%parallel_loop3A_276, %parallel_loop3A_277] {strides = array<i32>} : memref<32x128xf32, #tpu.memory_space<vmem>>, vector<1x16xf32>,
            %parallel_loop3A_279 = vector.shape_cast %parallel_loop3A_278 : vector<1x16xf32> to vector<16xf32>
            %parallel_loop3A_280 = arith.mulf %parallel_loop3A_279, %parallel_loop3A_155 : vector<16xf32>
            %parallel_loop3A_281 = arith.index_cast %parallel_loop3A_146 : i32 to index
            %parallel_loop3A_282 = arith.constant 96 : index
            %parallel_loop3A_283 = tpu.vector_load %arg16[%parallel_loop3A_281, %parallel_loop3A_282] {strides = array<i32>} : memref<32x128xf32, #tpu.memory_space<vmem>>, vector<1x16xf32>,
            %parallel_loop3A_284 = vector.shape_cast %parallel_loop3A_283 : vector<1x16xf32> to vector<16xf32>
            %parallel_loop3A_285 = arith.index_cast %parallel_loop3A_146 : i32 to index
            %parallel_loop3A_286 = arith.constant 96 : index
            %parallel_loop3A_287 = tpu.vector_load %arg18[%parallel_loop3A_285, %parallel_loop3A_286] {strides = array<i32>} : memref<32x128xf32, #tpu.memory_space<vmem>>, vector<1x16xf32>,
            %parallel_loop3A_288 = vector.shape_cast %parallel_loop3A_287 : vector<1x16xf32> to vector<16xf32>
            %parallel_loop3A_289 = arith.mulf %parallel_loop3A_284, %parallel_loop3A_288 : vector<16xf32>
            %parallel_loop3A_290 = arith.addf %parallel_loop3A_280, %parallel_loop3A_289 : vector<16xf32>
            %parallel_loop3A_291 = arith.index_cast %parallel_loop3A_146 : i32 to index
            %parallel_loop3A_292 = arith.constant 96 : index
            %parallel_loop3A_293 = tpu.vector_load %arg19[%parallel_loop3A_291, %parallel_loop3A_292] {strides = array<i32>} : memref<32x128xf32, #tpu.memory_space<vmem>>, vector<1x16xf32>,
            %parallel_loop3A_294 = vector.shape_cast %parallel_loop3A_293 : vector<1x16xf32> to vector<16xf32>
            %parallel_loop3A_295 = vector.shape_cast %parallel_loop3A_290 : vector<16xf32> to vector<1x16xf32>
            tpu.vector_store %arg19[%parallel_loop3A_291, %parallel_loop3A_292], %parallel_loop3A_295 {strides = array<i32>} : memref<32x128xf32, #tpu.memory_space<vmem>>, vector<1x16xf32>,
            %parallel_loop3A_296 = arith.index_cast %parallel_loop3A_146 : i32 to index
            %parallel_loop3A_297 = arith.constant 112 : index
            %parallel_loop3A_298 = tpu.vector_load %arg15[%parallel_loop3A_296, %parallel_loop3A_297] {strides = array<i32>} : memref<32x128xf32, #tpu.memory_space<vmem>>, vector<1x16xf32>,
            %parallel_loop3A_299 = vector.shape_cast %parallel_loop3A_298 : vector<1x16xf32> to vector<16xf32>
            %parallel_loop3A_300 = arith.mulf %parallel_loop3A_299, %parallel_loop3A_155 : vector<16xf32>
            %parallel_loop3A_301 = arith.index_cast %parallel_loop3A_146 : i32 to index
            %parallel_loop3A_302 = arith.constant 112 : index
            %parallel_loop3A_303 = tpu.vector_load %arg16[%parallel_loop3A_301, %parallel_loop3A_302] {strides = array<i32>} : memref<32x128xf32, #tpu.memory_space<vmem>>, vector<1x16xf32>,
            %parallel_loop3A_304 = vector.shape_cast %parallel_loop3A_303 : vector<1x16xf32> to vector<16xf32>
            %parallel_loop3A_305 = arith.index_cast %parallel_loop3A_146 : i32 to index
            %parallel_loop3A_306 = arith.constant 112 : index
            %parallel_loop3A_307 = tpu.vector_load %arg18[%parallel_loop3A_305, %parallel_loop3A_306] {strides = array<i32>} : memref<32x128xf32, #tpu.memory_space<vmem>>, vector<1x16xf32>,
            %parallel_loop3A_308 = vector.shape_cast %parallel_loop3A_307 : vector<1x16xf32> to vector<16xf32>
            %parallel_loop3A_309 = arith.mulf %parallel_loop3A_304, %parallel_loop3A_308 : vector<16xf32>
            %parallel_loop3A_310 = arith.addf %parallel_loop3A_300, %parallel_loop3A_309 : vector<16xf32>
            %parallel_loop3A_311 = arith.index_cast %parallel_loop3A_146 : i32 to index
            %parallel_loop3A_312 = arith.constant 112 : index
            %parallel_loop3A_313 = tpu.vector_load %arg19[%parallel_loop3A_311, %parallel_loop3A_312] {strides = array<i32>} : memref<32x128xf32, #tpu.memory_space<vmem>>, vector<1x16xf32>,
            %parallel_loop3A_314 = vector.shape_cast %parallel_loop3A_313 : vector<1x16xf32> to vector<16xf32>
            %parallel_loop3A_315 = vector.shape_cast %parallel_loop3A_310 : vector<16xf32> to vector<1x16xf32>
            tpu.vector_store %arg19[%parallel_loop3A_311, %parallel_loop3A_312], %parallel_loop3A_315 {strides = array<i32>} : memref<32x128xf32, #tpu.memory_space<vmem>>, vector<1x16xf32>,
          } {sc.loop_unroll_factor = 4 : i64, sc.parallel_access}
          %dma_start3A = arith.constant 0 : i32
          %dma_start3A_144 = arith.constant 0 : i32
          %dma_start3A_145 = tpu.memref_slice %arg11[%dma_start3A, %dma_start3A_144] : memref<10000x128xf32, #tpu.memory_space<vmem_shared>> -> memref<10000x128xf32, #tpu.memory_space<vmem_shared>>
          tpu.enqueue_indirect_dma source(%arg19 : memref<32x128xf32, #tpu.memory_space<vmem>>) target(%dma_start3A_145 : memref<10000x128xf32, #tpu.memory_space<vmem_shared>>) offsets(%arg14 : memref<32xi32, #tpu.memory_space<vmem>>) semaphore(%arg33 : memref<!tpu.dma_semaphore, #tpu.memory_space<semaphore_mem>>) {add = true}
        } else {
        }
        %eq3A_134 = arith.constant 1 : i32
        %eq3A_135 = arith.cmpi eq, %arg0, %eq3A_134 : i32
        %convert_element_type3A_136 = arith.extui %eq3A_135 : i1 to i32
        %cond3A_137 = arith.constant 0 : i32
        %cond3A_138 = arith.cmpi ne, %convert_element_type3A_136, %cond3A_137 : i32
        scf.if %cond3A_138 {
          %parallel_loop3A = arith.constant 0 : i32
          %parallel_loop3A_139 = arith.constant 32 : i32
          %parallel_loop3A_140 = arith.constant 1 : i32
          scf.for %parallel_loop3A_143 = %parallel_loop3A to %parallel_loop3A_139 step %parallel_loop3A_140  : i32 {
            %parallel_loop3A_144 = arith.index_cast %parallel_loop3A_143 : i32 to index
            %parallel_loop3A_145 = arith.constant 0 : index
            %parallel_loop3A_146 = tpu.vector_load %arg16[%parallel_loop3A_144, %parallel_loop3A_145] {strides = array<i32>} : memref<32x128xf32, #tpu.memory_space<vmem>>, vector<1x16xf32>,
            %parallel_loop3A_147 = vector.shape_cast %parallel_loop3A_146 : vector<1x16xf32> to vector<16xf32>
            %parallel_loop3A_148 = arith.index_cast %parallel_loop3A_143 : i32 to index
            %parallel_loop3A_149 = arith.constant 0 : index
            %parallel_loop3A_150 = tpu.vector_load %arg20[%parallel_loop3A_148, %parallel_loop3A_149] {strides = array<i32>} : memref<32x128xf32, #tpu.memory_space<vmem>>, vector<1x16xf32>,
            %parallel_loop3A_151 = vector.shape_cast %parallel_loop3A_150 : vector<1x16xf32> to vector<16xf32>
            %parallel_loop3A_152 = vector.shape_cast %parallel_loop3A_147 : vector<16xf32> to vector<1x16xf32>
            tpu.vector_store %arg20[%parallel_loop3A_148, %parallel_loop3A_149], %parallel_loop3A_152 {strides = array<i32>} : memref<32x128xf32, #tpu.memory_space<vmem>>, vector<1x16xf32>,
            %parallel_loop3A_153 = arith.index_cast %parallel_loop3A_143 : i32 to index
            %parallel_loop3A_154 = arith.constant 16 : index
            %parallel_loop3A_155 = tpu.vector_load %arg16[%parallel_loop3A_153, %parallel_loop3A_154] {strides = array<i32>} : memref<32x128xf32, #tpu.memory_space<vmem>>, vector<1x16xf32>,
            %parallel_loop3A_156 = vector.shape_cast %parallel_loop3A_155 : vector<1x16xf32> to vector<16xf32>
            %parallel_loop3A_157 = arith.index_cast %parallel_loop3A_143 : i32 to index
            %parallel_loop3A_158 = arith.constant 16 : index
            %parallel_loop3A_159 = tpu.vector_load %arg20[%parallel_loop3A_157, %parallel_loop3A_158] {strides = array<i32>} : memref<32x128xf32, #tpu.memory_space<vmem>>, vector<1x16xf32>,
            %parallel_loop3A_160 = vector.shape_cast %parallel_loop3A_159 : vector<1x16xf32> to vector<16xf32>
            %parallel_loop3A_161 = vector.shape_cast %parallel_loop3A_156 : vector<16xf32> to vector<1x16xf32>
            tpu.vector_store %arg20[%parallel_loop3A_157, %parallel_loop3A_158], %parallel_loop3A_161 {strides = array<i32>} : memref<32x128xf32, #tpu.memory_space<vmem>>, vector<1x16xf32>,
            %parallel_loop3A_162 = arith.index_cast %parallel_loop3A_143 : i32 to index
            %parallel_loop3A_163 = arith.constant 32 : index
            %parallel_loop3A_164 = tpu.vector_load %arg16[%parallel_loop3A_162, %parallel_loop3A_163] {strides = array<i32>} : memref<32x128xf32, #tpu.memory_space<vmem>>, vector<1x16xf32>,
            %parallel_loop3A_165 = vector.shape_cast %parallel_loop3A_164 : vector<1x16xf32> to vector<16xf32>
            %parallel_loop3A_166 = arith.index_cast %parallel_loop3A_143 : i32 to index
            %parallel_loop3A_167 = arith.constant 32 : index
            %parallel_loop3A_168 = tpu.vector_load %arg20[%parallel_loop3A_166, %parallel_loop3A_167] {strides = array<i32>} : memref<32x128xf32, #tpu.memory_space<vmem>>, vector<1x16xf32>,
            %parallel_loop3A_169 = vector.shape_cast %parallel_loop3A_168 : vector<1x16xf32> to vector<16xf32>
            %parallel_loop3A_170 = vector.shape_cast %parallel_loop3A_165 : vector<16xf32> to vector<1x16xf32>
            tpu.vector_store %arg20[%parallel_loop3A_166, %parallel_loop3A_167], %parallel_loop3A_170 {strides = array<i32>} : memref<32x128xf32, #tpu.memory_space<vmem>>, vector<1x16xf32>,
            %parallel_loop3A_171 = arith.index_cast %parallel_loop3A_143 : i32 to index
            %parallel_loop3A_172 = arith.constant 48 : index
            %parallel_loop3A_173 = tpu.vector_load %arg16[%parallel_loop3A_171, %parallel_loop3A_172] {strides = array<i32>} : memref<32x128xf32, #tpu.memory_space<vmem>>, vector<1x16xf32>,
            %parallel_loop3A_174 = vector.shape_cast %parallel_loop3A_173 : vector<1x16xf32> to vector<16xf32>
            %parallel_loop3A_175 = arith.index_cast %parallel_loop3A_143 : i32 to index
            %parallel_loop3A_176 = arith.constant 48 : index
            %parallel_loop3A_177 = tpu.vector_load %arg20[%parallel_loop3A_175, %parallel_loop3A_176] {strides = array<i32>} : memref<32x128xf32, #tpu.memory_space<vmem>>, vector<1x16xf32>,
            %parallel_loop3A_178 = vector.shape_cast %parallel_loop3A_177 : vector<1x16xf32> to vector<16xf32>
            %parallel_loop3A_179 = vector.shape_cast %parallel_loop3A_174 : vector<16xf32> to vector<1x16xf32>
            tpu.vector_store %arg20[%parallel_loop3A_175, %parallel_loop3A_176], %parallel_loop3A_179 {strides = array<i32>} : memref<32x128xf32, #tpu.memory_space<vmem>>, vector<1x16xf32>,
            %parallel_loop3A_180 = arith.index_cast %parallel_loop3A_143 : i32 to index
            %parallel_loop3A_181 = arith.constant 64 : index
            %parallel_loop3A_182 = tpu.vector_load %arg16[%parallel_loop3A_180, %parallel_loop3A_181] {strides = array<i32>} : memref<32x128xf32, #tpu.memory_space<vmem>>, vector<1x16xf32>,
            %parallel_loop3A_183 = vector.shape_cast %parallel_loop3A_182 : vector<1x16xf32> to vector<16xf32>
            %parallel_loop3A_184 = arith.index_cast %parallel_loop3A_143 : i32 to index
            %parallel_loop3A_185 = arith.constant 64 : index
            %parallel_loop3A_186 = tpu.vector_load %arg20[%parallel_loop3A_184, %parallel_loop3A_185] {strides = array<i32>} : memref<32x128xf32, #tpu.memory_space<vmem>>, vector<1x16xf32>,
            %parallel_loop3A_187 = vector.shape_cast %parallel_loop3A_186 : vector<1x16xf32> to vector<16xf32>
            %parallel_loop3A_188 = vector.shape_cast %parallel_loop3A_183 : vector<16xf32> to vector<1x16xf32>
            tpu.vector_store %arg20[%parallel_loop3A_184, %parallel_loop3A_185], %parallel_loop3A_188 {strides = array<i32>} : memref<32x128xf32, #tpu.memory_space<vmem>>, vector<1x16xf32>,
            %parallel_loop3A_189 = arith.index_cast %parallel_loop3A_143 : i32 to index
            %parallel_loop3A_190 = arith.constant 80 : index
            %parallel_loop3A_191 = tpu.vector_load %arg16[%parallel_loop3A_189, %parallel_loop3A_190] {strides = array<i32>} : memref<32x128xf32, #tpu.memory_space<vmem>>, vector<1x16xf32>,
            %parallel_loop3A_192 = vector.shape_cast %parallel_loop3A_191 : vector<1x16xf32> to vector<16xf32>
            %parallel_loop3A_193 = arith.index_cast %parallel_loop3A_143 : i32 to index
            %parallel_loop3A_194 = arith.constant 80 : index
            %parallel_loop3A_195 = tpu.vector_load %arg20[%parallel_loop3A_193, %parallel_loop3A_194] {strides = array<i32>} : memref<32x128xf32, #tpu.memory_space<vmem>>, vector<1x16xf32>,
            %parallel_loop3A_196 = vector.shape_cast %parallel_loop3A_195 : vector<1x16xf32> to vector<16xf32>
            %parallel_loop3A_197 = vector.shape_cast %parallel_loop3A_192 : vector<16xf32> to vector<1x16xf32>
            tpu.vector_store %arg20[%parallel_loop3A_193, %parallel_loop3A_194], %parallel_loop3A_197 {strides = array<i32>} : memref<32x128xf32, #tpu.memory_space<vmem>>, vector<1x16xf32>,
            %parallel_loop3A_198 = arith.index_cast %parallel_loop3A_143 : i32 to index
            %parallel_loop3A_199 = arith.constant 96 : index
            %parallel_loop3A_200 = tpu.vector_load %arg16[%parallel_loop3A_198, %parallel_loop3A_199] {strides = array<i32>} : memref<32x128xf32, #tpu.memory_space<vmem>>, vector<1x16xf32>,
            %parallel_loop3A_201 = vector.shape_cast %parallel_loop3A_200 : vector<1x16xf32> to vector<16xf32>
            %parallel_loop3A_202 = arith.index_cast %parallel_loop3A_143 : i32 to index
            %parallel_loop3A_203 = arith.constant 96 : index
            %parallel_loop3A_204 = tpu.vector_load %arg20[%parallel_loop3A_202, %parallel_loop3A_203] {strides = array<i32>} : memref<32x128xf32, #tpu.memory_space<vmem>>, vector<1x16xf32>,
            %parallel_loop3A_205 = vector.shape_cast %parallel_loop3A_204 : vector<1x16xf32> to vector<16xf32>
            %parallel_loop3A_206 = vector.shape_cast %parallel_loop3A_201 : vector<16xf32> to vector<1x16xf32>
            tpu.vector_store %arg20[%parallel_loop3A_202, %parallel_loop3A_203], %parallel_loop3A_206 {strides = array<i32>} : memref<32x128xf32, #tpu.memory_space<vmem>>, vector<1x16xf32>,
            %parallel_loop3A_207 = arith.index_cast %parallel_loop3A_143 : i32 to index
            %parallel_loop3A_208 = arith.constant 112 : index
            %parallel_loop3A_209 = tpu.vector_load %arg16[%parallel_loop3A_207, %parallel_loop3A_208] {strides = array<i32>} : memref<32x128xf32, #tpu.memory_space<vmem>>, vector<1x16xf32>,
            %parallel_loop3A_210 = vector.shape_cast %parallel_loop3A_209 : vector<1x16xf32> to vector<16xf32>
            %parallel_loop3A_211 = arith.index_cast %parallel_loop3A_143 : i32 to index
            %parallel_loop3A_212 = arith.constant 112 : index
            %parallel_loop3A_213 = tpu.vector_load %arg20[%parallel_loop3A_211, %parallel_loop3A_212] {strides = array<i32>} : memref<32x128xf32, #tpu.memory_space<vmem>>, vector<1x16xf32>,
            %parallel_loop3A_214 = vector.shape_cast %parallel_loop3A_213 : vector<1x16xf32> to vector<16xf32>
            %parallel_loop3A_215 = vector.shape_cast %parallel_loop3A_210 : vector<16xf32> to vector<1x16xf32>
            tpu.vector_store %arg20[%parallel_loop3A_211, %parallel_loop3A_212], %parallel_loop3A_215 {strides = array<i32>} : memref<32x128xf32, #tpu.memory_space<vmem>>, vector<1x16xf32>,
          } {sc.loop_unroll_factor = 4 : i64, sc.parallel_access}
          %dma_start3A = arith.constant 0 : i32
          %dma_start3A_141 = arith.constant 0 : i32
          %dma_start3A_142 = tpu.memref_slice %arg11[%dma_start3A, %dma_start3A_141] : memref<10000x128xf32, #tpu.memory_space<vmem_shared>> -> memref<10000x128xf32, #tpu.memory_space<vmem_shared>>
          tpu.enqueue_indirect_dma source(%arg20 : memref<32x128xf32, #tpu.memory_space<vmem>>) target(%dma_start3A_142 : memref<10000x128xf32, #tpu.memory_space<vmem_shared>>) offsets(%arg14 : memref<32xi32, #tpu.memory_space<vmem>>) semaphore(%arg33 : memref<!tpu.dma_semaphore, #tpu.memory_space<semaphore_mem>>) {add = true}
        } else {
        }
      } else {
      }
      %add3A_61 = arith.constant 2 : i32
      %add3A_62 = arith.addi %add3A_52, %add3A_61 : i32
      %mul3A_63 = arith.constant 16 : i32
      %mul3A_64 = arith.muli %add3A_62, %mul3A_63 : i32
      %add3A_65 = arith.addi %mul3A_64, %arg1 : i32
      %lt3A_66 = arith.constant 5000 : i32
      %lt3A_67 = arith.cmpi slt, %add3A_65, %lt3A_66 : i32
      %convert_element_type3A_68 = arith.extui %lt3A_67 : i1 to i32
      %cond3A_69 = arith.constant 0 : i32
      %cond3A_70 = arith.cmpi ne, %convert_element_type3A_68, %cond3A_69 : i32
      scf.if %cond3A_70 {
        %mul3A_113 = arith.constant 32 : i32
        %mul3A_114 = arith.muli %add3A_65, %mul3A_113 : i32
        %dma_start3A = tpu.memref_slice %arg7[%mul3A_114] : memref<160000xi32, #tpu.memory_space<hbm>> -> memref<32xi32, #tpu.memory_space<hbm>>
        %dma_start3A_115 = tpu.memref_slice %arg7[%mul3A_114] : memref<160000xi32, #tpu.memory_space<hbm>> -> memref<32xi32, #tpu.memory_space<hbm>>
        tpu.enqueue_dma source(%dma_start3A_115 : memref<32xi32, #tpu.memory_space<hbm>>) target(%arg12 : memref<32xi32, #tpu.memory_space<vmem>>) target_semaphore(%arg21 : memref<!tpu.dma_semaphore, #tpu.memory_space<semaphore_mem>>)
        %dma_start3A_116 = arith.constant 0 : i32
        %dma_start3A_117 = tpu.memref_slice %arg5[%mul3A_114, %dma_start3A_116] : memref<160000x128xf32, #tpu.memory_space<hbm>> -> memref<32x128xf32, #tpu.memory_space<hbm>>
        %dma_start3A_118 = arith.constant 0 : i32
        %dma_start3A_119 = tpu.memref_slice %arg5[%mul3A_114, %dma_start3A_118] : memref<160000x128xf32, #tpu.memory_space<hbm>> -> memref<32x128xf32, #tpu.memory_space<hbm>>
        tpu.enqueue_dma source(%dma_start3A_119 : memref<32x128xf32, #tpu.memory_space<hbm>>) target(%arg16 : memref<32x128xf32, #tpu.memory_space<vmem>>) target_semaphore(%arg21 : memref<!tpu.dma_semaphore, #tpu.memory_space<semaphore_mem>>)
        %eq3A_120 = arith.constant 0 : i32
        %eq3A_121 = arith.cmpi eq, %arg0, %eq3A_120 : i32
        %convert_element_type3A_122 = arith.extui %eq3A_121 : i1 to i32
        %cond3A_123 = arith.constant 0 : i32
        %cond3A_124 = arith.cmpi ne, %convert_element_type3A_122, %cond3A_123 : i32
        scf.if %cond3A_124 {
          %dma_start3A_125 = tpu.memref_slice %arg8[%mul3A_114] : memref<160000xi32, #tpu.memory_space<hbm>> -> memref<32xi32, #tpu.memory_space<hbm>>
          %dma_start3A_126 = tpu.memref_slice %arg8[%mul3A_114] : memref<160000xi32, #tpu.memory_space<hbm>> -> memref<32xi32, #tpu.memory_space<hbm>>
          tpu.enqueue_dma source(%dma_start3A_126 : memref<32xi32, #tpu.memory_space<hbm>>) target(%arg13 : memref<32xi32, #tpu.memory_space<vmem>>) target_semaphore(%arg21 : memref<!tpu.dma_semaphore, #tpu.memory_space<semaphore_mem>>)
          %dma_start3A_127 = arith.constant 0 : i32
          %dma_start3A_128 = tpu.memref_slice %arg4[%mul3A_114, %dma_start3A_127] : memref<160000x128xf32, #tpu.memory_space<hbm>> -> memref<32x128xf32, #tpu.memory_space<hbm>>
          %dma_start3A_129 = arith.constant 0 : i32
          %dma_start3A_130 = tpu.memref_slice %arg4[%mul3A_114, %dma_start3A_129] : memref<160000x128xf32, #tpu.memory_space<hbm>> -> memref<32x128xf32, #tpu.memory_space<hbm>>
          tpu.enqueue_dma source(%dma_start3A_130 : memref<32x128xf32, #tpu.memory_space<hbm>>) target(%arg15 : memref<32x128xf32, #tpu.memory_space<vmem>>) target_semaphore(%arg21 : memref<!tpu.dma_semaphore, #tpu.memory_space<semaphore_mem>>)
          %mul3A_131 = arith.constant 16 : i32
          %mul3A_132 = arith.muli %mul3A_114, %mul3A_131 : i32
          %dma_start3A_133 = tpu.memref_slice %arg6[%mul3A_132] : memref<2560000xf32, #tpu.memory_space<hbm>> -> memref<512xf32, #tpu.memory_space<hbm>>
          %dma_start3A_134 = tpu.memref_slice %arg6[%mul3A_132] : memref<2560000xf32, #tpu.memory_space<hbm>> -> memref<512xf32, #tpu.memory_space<hbm>>
          tpu.enqueue_dma source(%dma_start3A_134 : memref<512xf32, #tpu.memory_space<hbm>>) target(%arg17 : memref<512xf32, #tpu.memory_space<vmem>>) target_semaphore(%arg21 : memref<!tpu.dma_semaphore, #tpu.memory_space<semaphore_mem>>)
        } else {
        }
      } else {
      }
      %add3A_71 = arith.constant 1 : i32
      %add3A_72 = arith.addi %add3A_52, %add3A_71 : i32
      %mul3A_73 = arith.constant 16 : i32
      %mul3A_74 = arith.muli %add3A_72, %mul3A_73 : i32
      %add3A_75 = arith.addi %mul3A_74, %arg1 : i32
      %lt3A_76 = arith.constant 5000 : i32
      %lt3A_77 = arith.cmpi slt, %add3A_75, %lt3A_76 : i32
      %convert_element_type3A_78 = arith.extui %lt3A_77 : i1 to i32
      %cond3A_79 = arith.constant 0 : i32
      %cond3A_80 = arith.cmpi ne, %convert_element_type3A_78, %cond3A_79 : i32
      scf.if %cond3A_80 {
        %dma_wait3A_113 = arith.constant 0 : i32
        %dma_wait3A_114 = tpu.memref_slice %arg7[%dma_wait3A_113] : memref<160000xi32, #tpu.memory_space<hbm>> -> memref<32xi32, #tpu.memory_space<hbm>>
        %dma_wait3A_115 = arith.constant 0 : i32
        %dma_wait3A_116 = tpu.memref_slice %arg7[%dma_wait3A_115] : memref<160000xi32, #tpu.memory_space<hbm>> -> memref<32xi32, #tpu.memory_space<hbm>>
        tpu.wait_dma2 semaphore(%arg31 : memref<!tpu.dma_semaphore, #tpu.memory_space<semaphore_mem>>) src(%dma_wait3A_116 : memref<32xi32, #tpu.memory_space<hbm>>) dst(%arg22 : memref<32xi32, #tpu.memory_space<vmem>>)
        %dma_wait3A_117 = arith.constant 0 : i32
        %dma_wait3A_118 = arith.constant 0 : i32
        %dma_wait3A_119 = tpu.memref_slice %arg5[%dma_wait3A_117, %dma_wait3A_118] : memref<160000x128xf32, #tpu.memory_space<hbm>> -> memref<32x128xf32, #tpu.memory_space<hbm>>
        %dma_wait3A_120 = arith.constant 0 : i32
        %dma_wait3A_121 = arith.constant 0 : i32
        %dma_wait3A_122 = tpu.memref_slice %arg5[%dma_wait3A_120, %dma_wait3A_121] : memref<160000x128xf32, #tpu.memory_space<hbm>> -> memref<32x128xf32, #tpu.memory_space<hbm>>
        tpu.wait_dma2 semaphore(%arg31 : memref<!tpu.dma_semaphore, #tpu.memory_space<semaphore_mem>>) src(%dma_wait3A_122 : memref<32x128xf32, #tpu.memory_space<hbm>>) dst(%arg26 : memref<32x128xf32, #tpu.memory_space<vmem>>)
        %eq3A_123 = arith.constant 0 : i32
        %eq3A_124 = arith.cmpi eq, %arg0, %eq3A_123 : i32
        %convert_element_type3A_125 = arith.extui %eq3A_124 : i1 to i32
        %cond3A_126 = arith.constant 0 : i32
        %cond3A_127 = arith.cmpi ne, %convert_element_type3A_125, %cond3A_126 : i32
        scf.if %cond3A_127 {
          %dma_wait3A_128 = arith.constant 0 : i32
          %dma_wait3A_129 = tpu.memref_slice %arg8[%dma_wait3A_128] : memref<160000xi32, #tpu.memory_space<hbm>> -> memref<32xi32, #tpu.memory_space<hbm>>
          %dma_wait3A_130 = arith.constant 0 : i32
          %dma_wait3A_131 = tpu.memref_slice %arg8[%dma_wait3A_130] : memref<160000xi32, #tpu.memory_space<hbm>> -> memref<32xi32, #tpu.memory_space<hbm>>
          tpu.wait_dma2 semaphore(%arg31 : memref<!tpu.dma_semaphore, #tpu.memory_space<semaphore_mem>>) src(%dma_wait3A_131 : memref<32xi32, #tpu.memory_space<hbm>>) dst(%arg23 : memref<32xi32, #tpu.memory_space<vmem>>)
          %dma_wait3A_132 = arith.constant 0 : i32
          %dma_wait3A_133 = arith.constant 0 : i32
          %dma_wait3A_134 = tpu.memref_slice %arg4[%dma_wait3A_132, %dma_wait3A_133] : memref<160000x128xf32, #tpu.memory_space<hbm>> -> memref<32x128xf32, #tpu.memory_space<hbm>>
          %dma_wait3A_135 = arith.constant 0 : i32
          %dma_wait3A_136 = arith.constant 0 : i32
          %dma_wait3A_137 = tpu.memref_slice %arg4[%dma_wait3A_135, %dma_wait3A_136] : memref<160000x128xf32, #tpu.memory_space<hbm>> -> memref<32x128xf32, #tpu.memory_space<hbm>>
          tpu.wait_dma2 semaphore(%arg31 : memref<!tpu.dma_semaphore, #tpu.memory_space<semaphore_mem>>) src(%dma_wait3A_137 : memref<32x128xf32, #tpu.memory_space<hbm>>) dst(%arg25 : memref<32x128xf32, #tpu.memory_space<vmem>>)
          %dma_wait3A_138 = arith.constant 0 : i32
          %dma_wait3A_139 = tpu.memref_slice %arg6[%dma_wait3A_138] : memref<2560000xf32, #tpu.memory_space<hbm>> -> memref<512xf32, #tpu.memory_space<hbm>>
          %dma_wait3A_140 = arith.constant 0 : i32
          %dma_wait3A_141 = tpu.memref_slice %arg6[%dma_wait3A_140] : memref<2560000xf32, #tpu.memory_space<hbm>> -> memref<512xf32, #tpu.memory_space<hbm>>
          tpu.wait_dma2 semaphore(%arg31 : memref<!tpu.dma_semaphore, #tpu.memory_space<semaphore_mem>>) src(%dma_wait3A_141 : memref<512xf32, #tpu.memory_space<hbm>>) dst(%arg27 : memref<512xf32, #tpu.memory_space<vmem>>)
          %get3A = arith.constant 0 : index
          %get3A_142 = tpu.vector_load %arg23[%get3A] {strides = array<i32>} : memref<32xi32, #tpu.memory_space<vmem>>, vector<16xi32>,
          %get3A_143 = vector.shape_cast %get3A_142 : vector<16xi32> to vector<16xi32>
          %add3A_144 = arith.constant 20000 : i32
          %add3A_145 = vector.broadcast %add3A_144 : i32 to vector<16xi32>
          %add3A_146 = arith.addi %get3A_143, %add3A_145 : vector<16xi32>
          %swap3A = arith.constant 0 : index
          %swap3A_147 = tpu.vector_load %arg23[%swap3A] {strides = array<i32>} : memref<32xi32, #tpu.memory_space<vmem>>, vector<16xi32>,
          %swap3A_148 = vector.shape_cast %swap3A_147 : vector<16xi32> to vector<16xi32>
          %swap3A_149 = vector.shape_cast %add3A_146 : vector<16xi32> to vector<16xi32>
          tpu.vector_store %arg23[%swap3A], %swap3A_149 {strides = array<i32>} : memref<32xi32, #tpu.memory_space<vmem>>, vector<16xi32>,
          %get3A_150 = arith.constant 16 : index
          %get3A_151 = tpu.vector_load %arg23[%get3A_150] {strides = array<i32>} : memref<32xi32, #tpu.memory_space<vmem>>, vector<16xi32>,
          %get3A_152 = vector.shape_cast %get3A_151 : vector<16xi32> to vector<16xi32>
          %add3A_153 = arith.constant 20000 : i32
          %add3A_154 = vector.broadcast %add3A_153 : i32 to vector<16xi32>
          %add3A_155 = arith.addi %get3A_152, %add3A_154 : vector<16xi32>
          %swap3A_156 = arith.constant 16 : index
          %swap3A_157 = tpu.vector_load %arg23[%swap3A_156] {strides = array<i32>} : memref<32xi32, #tpu.memory_space<vmem>>, vector<16xi32>,
          %swap3A_158 = vector.shape_cast %swap3A_157 : vector<16xi32> to vector<16xi32>
          %swap3A_159 = vector.shape_cast %add3A_155 : vector<16xi32> to vector<16xi32>
          tpu.vector_store %arg23[%swap3A_156], %swap3A_159 {strides = array<i32>} : memref<32xi32, #tpu.memory_space<vmem>>, vector<16xi32>,
          %dma_start3A = arith.constant 0 : i32
          %dma_start3A_160 = arith.constant 0 : i32
          %dma_start3A_161 = tpu.memref_slice %arg2[%dma_start3A, %dma_start3A_160] : memref<30000x128xf32, #tpu.memory_space<hbm>> -> memref<30000x128xf32, #tpu.memory_space<hbm>>
          tpu.enqueue_indirect_dma source(%dma_start3A_161 : memref<30000x128xf32, #tpu.memory_space<hbm>>) target(%arg28 : memref<32x128xf32, #tpu.memory_space<vmem>>) offsets(%arg23 : memref<32xi32, #tpu.memory_space<vmem>>) semaphore(%arg34 : memref<!tpu.dma_semaphore, #tpu.memory_space<semaphore_mem>>)
        } else {
        }
      } else {
      }
      %mul3A_81 = arith.constant 2 : i32
      %mul3A_82 = arith.muli %mul3A_81, %scan3A_48 : i32
      %add3A_83 = arith.constant 1 : i32
      %add3A_84 = arith.addi %mul3A_82, %add3A_83 : i32
      %mul3A_85 = arith.constant 16 : i32
      %mul3A_86 = arith.muli %add3A_84, %mul3A_85 : i32
      %add3A_87 = arith.addi %mul3A_86, %arg1 : i32
      %lt3A_88 = arith.constant 5000 : i32
      %lt3A_89 = arith.cmpi slt, %add3A_87, %lt3A_88 : i32
      %convert_element_type3A_90 = arith.extui %lt3A_89 : i1 to i32
      %cond3A_91 = arith.constant 0 : i32
      %cond3A_92 = arith.cmpi ne, %convert_element_type3A_90, %cond3A_91 : i32
      scf.if %cond3A_92 {
        %ge3A = arith.constant 2 : i32
        %ge3A_113 = arith.cmpi sge, %add3A_84, %ge3A : i32
        %convert_element_type3A_114 = arith.extui %ge3A_113 : i1 to i32
        %cond3A_115 = arith.constant 0 : i32
        %cond3A_116 = arith.cmpi ne, %convert_element_type3A_114, %cond3A_115 : i32
        scf.if %cond3A_116 {
          %dma_wait3A_139 = arith.constant 0 : i32
          %dma_wait3A_140 = arith.constant 0 : i32
          %dma_wait3A_141 = tpu.memref_slice %arg11[%dma_wait3A_139, %dma_wait3A_140] : memref<10000x128xf32, #tpu.memory_space<vmem_shared>> -> memref<10000x128xf32, #tpu.memory_space<vmem_shared>>
          tpu.wait_indirect_dma semaphore(%arg35 : memref<!tpu.dma_semaphore, #tpu.memory_space<semaphore_mem>>) src(%arg29 : memref<32x128xf32, #tpu.memory_space<vmem>>) dst(%dma_wait3A_141 : memref<10000x128xf32, #tpu.memory_space<vmem_shared>>)
        } else {
        }
        %get3A = arith.constant 0 : index
        %get3A_117 = tpu.vector_load %arg22[%get3A] {strides = array<i32>} : memref<32xi32, #tpu.memory_space<vmem>>, vector<16xi32>,
        %get3A_118 = vector.shape_cast %get3A_117 : vector<16xi32> to vector<16xi32>
        %swap3A = arith.constant 0 : index
        %swap3A_119 = tpu.vector_load %arg24[%swap3A] {strides = array<i32>} : memref<32xi32, #tpu.memory_space<vmem>>, vector<16xi32>,
        %swap3A_120 = vector.shape_cast %swap3A_119 : vector<16xi32> to vector<16xi32>
        %swap3A_121 = vector.shape_cast %get3A_118 : vector<16xi32> to vector<16xi32>
        tpu.vector_store %arg24[%swap3A], %swap3A_121 {strides = array<i32>} : memref<32xi32, #tpu.memory_space<vmem>>, vector<16xi32>,
        %get3A_122 = arith.constant 16 : index
        %get3A_123 = tpu.vector_load %arg22[%get3A_122] {strides = array<i32>} : memref<32xi32, #tpu.memory_space<vmem>>, vector<16xi32>,
        %get3A_124 = vector.shape_cast %get3A_123 : vector<16xi32> to vector<16xi32>
        %swap3A_125 = arith.constant 16 : index
        %swap3A_126 = tpu.vector_load %arg24[%swap3A_125] {strides = array<i32>} : memref<32xi32, #tpu.memory_space<vmem>>, vector<16xi32>,
        %swap3A_127 = vector.shape_cast %swap3A_126 : vector<16xi32> to vector<16xi32>
        %swap3A_128 = vector.shape_cast %get3A_124 : vector<16xi32> to vector<16xi32>
        tpu.vector_store %arg24[%swap3A_125], %swap3A_128 {strides = array<i32>} : memref<32xi32, #tpu.memory_space<vmem>>, vector<16xi32>,
        %eq3A_129 = arith.constant 0 : i32
        %eq3A_130 = arith.cmpi eq, %arg0, %eq3A_129 : i32
        %convert_element_type3A_131 = arith.extui %eq3A_130 : i1 to i32
        %cond3A_132 = arith.constant 0 : i32
        %cond3A_133 = arith.cmpi ne, %convert_element_type3A_131, %cond3A_132 : i32
        scf.if %cond3A_133 {
          %dma_wait3A_139 = arith.constant 0 : i32
          %dma_wait3A_140 = arith.constant 0 : i32
          %dma_wait3A_141 = tpu.memref_slice %arg2[%dma_wait3A_139, %dma_wait3A_140] : memref<30000x128xf32, #tpu.memory_space<hbm>> -> memref<30000x128xf32, #tpu.memory_space<hbm>>
          tpu.wait_indirect_dma semaphore(%arg34 : memref<!tpu.dma_semaphore, #tpu.memory_space<semaphore_mem>>) src(%dma_wait3A_141 : memref<30000x128xf32, #tpu.memory_space<hbm>>) dst(%arg28 : memref<32x128xf32, #tpu.memory_space<vmem>>)
          %parallel_loop3A = arith.constant 0 : i32
          %parallel_loop3A_142 = arith.constant 32 : i32
          %parallel_loop3A_143 = arith.constant 1 : i32
          scf.for %parallel_loop3A_146 = %parallel_loop3A to %parallel_loop3A_142 step %parallel_loop3A_143  : i32 {
            %parallel_loop3A_147 = arith.constant 16 : i32
            %parallel_loop3A_148 = arith.muli %parallel_loop3A_146, %parallel_loop3A_147 : i32
            %parallel_loop3A_149 = arith.index_cast %parallel_loop3A_148 : i32 to index
            %parallel_loop3A_150 = tpu.vector_load %arg27[%parallel_loop3A_149] {strides = array<i32>} : memref<512xf32, #tpu.memory_space<vmem>>, vector<16xf32>,
            %parallel_loop3A_151 = vector.shape_cast %parallel_loop3A_150 : vector<16xf32> to vector<16xf32>
            %parallel_loop3A_152 = arith.constant 2 : i32
            %parallel_loop3A_153 = vector.broadcast %parallel_loop3A_152 : i32 to vector<16x1xi32>
            %parallel_loop3A_154 = vector.shape_cast %parallel_loop3A_153 : vector<16x1xi32> to vector<16xi32>
            %parallel_loop3A_155 = tpu.dynamic_gather %parallel_loop3A_151[%parallel_loop3A_154] in [0] : vector<16xf32>, vector<16xi32> -> vector<16xf32>
            %parallel_loop3A_156 = arith.index_cast %parallel_loop3A_146 : i32 to index
            %parallel_loop3A_157 = arith.constant 0 : index
            %parallel_loop3A_158 = tpu.vector_load %arg25[%parallel_loop3A_156, %parallel_loop3A_157] {strides = array<i32>} : memref<32x128xf32, #tpu.memory_space<vmem>>, vector<1x16xf32>,
            %parallel_loop3A_159 = vector.shape_cast %parallel_loop3A_158 : vector<1x16xf32> to vector<16xf32>
            %parallel_loop3A_160 = arith.mulf %parallel_loop3A_159, %parallel_loop3A_155 : vector<16xf32>
            %parallel_loop3A_161 = arith.index_cast %parallel_loop3A_146 : i32 to index
            %parallel_loop3A_162 = arith.constant 0 : index
            %parallel_loop3A_163 = tpu.vector_load %arg26[%parallel_loop3A_161, %parallel_loop3A_162] {strides = array<i32>} : memref<32x128xf32, #tpu.memory_space<vmem>>, vector<1x16xf32>,
            %parallel_loop3A_164 = vector.shape_cast %parallel_loop3A_163 : vector<1x16xf32> to vector<16xf32>
            %parallel_loop3A_165 = arith.index_cast %parallel_loop3A_146 : i32 to index
            %parallel_loop3A_166 = arith.constant 0 : index
            %parallel_loop3A_167 = tpu.vector_load %arg28[%parallel_loop3A_165, %parallel_loop3A_166] {strides = array<i32>} : memref<32x128xf32, #tpu.memory_space<vmem>>, vector<1x16xf32>,
            %parallel_loop3A_168 = vector.shape_cast %parallel_loop3A_167 : vector<1x16xf32> to vector<16xf32>
            %parallel_loop3A_169 = arith.mulf %parallel_loop3A_164, %parallel_loop3A_168 : vector<16xf32>
            %parallel_loop3A_170 = arith.addf %parallel_loop3A_160, %parallel_loop3A_169 : vector<16xf32>
            %parallel_loop3A_171 = arith.index_cast %parallel_loop3A_146 : i32 to index
            %parallel_loop3A_172 = arith.constant 0 : index
            %parallel_loop3A_173 = tpu.vector_load %arg29[%parallel_loop3A_171, %parallel_loop3A_172] {strides = array<i32>} : memref<32x128xf32, #tpu.memory_space<vmem>>, vector<1x16xf32>,
            %parallel_loop3A_174 = vector.shape_cast %parallel_loop3A_173 : vector<1x16xf32> to vector<16xf32>
            %parallel_loop3A_175 = vector.shape_cast %parallel_loop3A_170 : vector<16xf32> to vector<1x16xf32>
            tpu.vector_store %arg29[%parallel_loop3A_171, %parallel_loop3A_172], %parallel_loop3A_175 {strides = array<i32>} : memref<32x128xf32, #tpu.memory_space<vmem>>, vector<1x16xf32>,
            %parallel_loop3A_176 = arith.index_cast %parallel_loop3A_146 : i32 to index
            %parallel_loop3A_177 = arith.constant 16 : index
            %parallel_loop3A_178 = tpu.vector_load %arg25[%parallel_loop3A_176, %parallel_loop3A_177] {strides = array<i32>} : memref<32x128xf32, #tpu.memory_space<vmem>>, vector<1x16xf32>,
            %parallel_loop3A_179 = vector.shape_cast %parallel_loop3A_178 : vector<1x16xf32> to vector<16xf32>
            %parallel_loop3A_180 = arith.mulf %parallel_loop3A_179, %parallel_loop3A_155 : vector<16xf32>
            %parallel_loop3A_181 = arith.index_cast %parallel_loop3A_146 : i32 to index
            %parallel_loop3A_182 = arith.constant 16 : index
            %parallel_loop3A_183 = tpu.vector_load %arg26[%parallel_loop3A_181, %parallel_loop3A_182] {strides = array<i32>} : memref<32x128xf32, #tpu.memory_space<vmem>>, vector<1x16xf32>,
            %parallel_loop3A_184 = vector.shape_cast %parallel_loop3A_183 : vector<1x16xf32> to vector<16xf32>
            %parallel_loop3A_185 = arith.index_cast %parallel_loop3A_146 : i32 to index
            %parallel_loop3A_186 = arith.constant 16 : index
            %parallel_loop3A_187 = tpu.vector_load %arg28[%parallel_loop3A_185, %parallel_loop3A_186] {strides = array<i32>} : memref<32x128xf32, #tpu.memory_space<vmem>>, vector<1x16xf32>,
            %parallel_loop3A_188 = vector.shape_cast %parallel_loop3A_187 : vector<1x16xf32> to vector<16xf32>
            %parallel_loop3A_189 = arith.mulf %parallel_loop3A_184, %parallel_loop3A_188 : vector<16xf32>
            %parallel_loop3A_190 = arith.addf %parallel_loop3A_180, %parallel_loop3A_189 : vector<16xf32>
            %parallel_loop3A_191 = arith.index_cast %parallel_loop3A_146 : i32 to index
            %parallel_loop3A_192 = arith.constant 16 : index
            %parallel_loop3A_193 = tpu.vector_load %arg29[%parallel_loop3A_191, %parallel_loop3A_192] {strides = array<i32>} : memref<32x128xf32, #tpu.memory_space<vmem>>, vector<1x16xf32>,
            %parallel_loop3A_194 = vector.shape_cast %parallel_loop3A_193 : vector<1x16xf32> to vector<16xf32>
            %parallel_loop3A_195 = vector.shape_cast %parallel_loop3A_190 : vector<16xf32> to vector<1x16xf32>
            tpu.vector_store %arg29[%parallel_loop3A_191, %parallel_loop3A_192], %parallel_loop3A_195 {strides = array<i32>} : memref<32x128xf32, #tpu.memory_space<vmem>>, vector<1x16xf32>,
            %parallel_loop3A_196 = arith.index_cast %parallel_loop3A_146 : i32 to index
            %parallel_loop3A_197 = arith.constant 32 : index
            %parallel_loop3A_198 = tpu.vector_load %arg25[%parallel_loop3A_196, %parallel_loop3A_197] {strides = array<i32>} : memref<32x128xf32, #tpu.memory_space<vmem>>, vector<1x16xf32>,
            %parallel_loop3A_199 = vector.shape_cast %parallel_loop3A_198 : vector<1x16xf32> to vector<16xf32>
            %parallel_loop3A_200 = arith.mulf %parallel_loop3A_199, %parallel_loop3A_155 : vector<16xf32>
            %parallel_loop3A_201 = arith.index_cast %parallel_loop3A_146 : i32 to index
            %parallel_loop3A_202 = arith.constant 32 : index
            %parallel_loop3A_203 = tpu.vector_load %arg26[%parallel_loop3A_201, %parallel_loop3A_202] {strides = array<i32>} : memref<32x128xf32, #tpu.memory_space<vmem>>, vector<1x16xf32>,
            %parallel_loop3A_204 = vector.shape_cast %parallel_loop3A_203 : vector<1x16xf32> to vector<16xf32>
            %parallel_loop3A_205 = arith.index_cast %parallel_loop3A_146 : i32 to index
            %parallel_loop3A_206 = arith.constant 32 : index
            %parallel_loop3A_207 = tpu.vector_load %arg28[%parallel_loop3A_205, %parallel_loop3A_206] {strides = array<i32>} : memref<32x128xf32, #tpu.memory_space<vmem>>, vector<1x16xf32>,
            %parallel_loop3A_208 = vector.shape_cast %parallel_loop3A_207 : vector<1x16xf32> to vector<16xf32>
            %parallel_loop3A_209 = arith.mulf %parallel_loop3A_204, %parallel_loop3A_208 : vector<16xf32>
            %parallel_loop3A_210 = arith.addf %parallel_loop3A_200, %parallel_loop3A_209 : vector<16xf32>
            %parallel_loop3A_211 = arith.index_cast %parallel_loop3A_146 : i32 to index
            %parallel_loop3A_212 = arith.constant 32 : index
            %parallel_loop3A_213 = tpu.vector_load %arg29[%parallel_loop3A_211, %parallel_loop3A_212] {strides = array<i32>} : memref<32x128xf32, #tpu.memory_space<vmem>>, vector<1x16xf32>,
            %parallel_loop3A_214 = vector.shape_cast %parallel_loop3A_213 : vector<1x16xf32> to vector<16xf32>
            %parallel_loop3A_215 = vector.shape_cast %parallel_loop3A_210 : vector<16xf32> to vector<1x16xf32>
            tpu.vector_store %arg29[%parallel_loop3A_211, %parallel_loop3A_212], %parallel_loop3A_215 {strides = array<i32>} : memref<32x128xf32, #tpu.memory_space<vmem>>, vector<1x16xf32>,
            %parallel_loop3A_216 = arith.index_cast %parallel_loop3A_146 : i32 to index
            %parallel_loop3A_217 = arith.constant 48 : index
            %parallel_loop3A_218 = tpu.vector_load %arg25[%parallel_loop3A_216, %parallel_loop3A_217] {strides = array<i32>} : memref<32x128xf32, #tpu.memory_space<vmem>>, vector<1x16xf32>,
            %parallel_loop3A_219 = vector.shape_cast %parallel_loop3A_218 : vector<1x16xf32> to vector<16xf32>
            %parallel_loop3A_220 = arith.mulf %parallel_loop3A_219, %parallel_loop3A_155 : vector<16xf32>
            %parallel_loop3A_221 = arith.index_cast %parallel_loop3A_146 : i32 to index
            %parallel_loop3A_222 = arith.constant 48 : index
            %parallel_loop3A_223 = tpu.vector_load %arg26[%parallel_loop3A_221, %parallel_loop3A_222] {strides = array<i32>} : memref<32x128xf32, #tpu.memory_space<vmem>>, vector<1x16xf32>,
            %parallel_loop3A_224 = vector.shape_cast %parallel_loop3A_223 : vector<1x16xf32> to vector<16xf32>
            %parallel_loop3A_225 = arith.index_cast %parallel_loop3A_146 : i32 to index
            %parallel_loop3A_226 = arith.constant 48 : index
            %parallel_loop3A_227 = tpu.vector_load %arg28[%parallel_loop3A_225, %parallel_loop3A_226] {strides = array<i32>} : memref<32x128xf32, #tpu.memory_space<vmem>>, vector<1x16xf32>,
            %parallel_loop3A_228 = vector.shape_cast %parallel_loop3A_227 : vector<1x16xf32> to vector<16xf32>
            %parallel_loop3A_229 = arith.mulf %parallel_loop3A_224, %parallel_loop3A_228 : vector<16xf32>
            %parallel_loop3A_230 = arith.addf %parallel_loop3A_220, %parallel_loop3A_229 : vector<16xf32>
            %parallel_loop3A_231 = arith.index_cast %parallel_loop3A_146 : i32 to index
            %parallel_loop3A_232 = arith.constant 48 : index
            %parallel_loop3A_233 = tpu.vector_load %arg29[%parallel_loop3A_231, %parallel_loop3A_232] {strides = array<i32>} : memref<32x128xf32, #tpu.memory_space<vmem>>, vector<1x16xf32>,
            %parallel_loop3A_234 = vector.shape_cast %parallel_loop3A_233 : vector<1x16xf32> to vector<16xf32>
            %parallel_loop3A_235 = vector.shape_cast %parallel_loop3A_230 : vector<16xf32> to vector<1x16xf32>
            tpu.vector_store %arg29[%parallel_loop3A_231, %parallel_loop3A_232], %parallel_loop3A_235 {strides = array<i32>} : memref<32x128xf32, #tpu.memory_space<vmem>>, vector<1x16xf32>,
            %parallel_loop3A_236 = arith.index_cast %parallel_loop3A_146 : i32 to index
            %parallel_loop3A_237 = arith.constant 64 : index
            %parallel_loop3A_238 = tpu.vector_load %arg25[%parallel_loop3A_236, %parallel_loop3A_237] {strides = array<i32>} : memref<32x128xf32, #tpu.memory_space<vmem>>, vector<1x16xf32>,
            %parallel_loop3A_239 = vector.shape_cast %parallel_loop3A_238 : vector<1x16xf32> to vector<16xf32>
            %parallel_loop3A_240 = arith.mulf %parallel_loop3A_239, %parallel_loop3A_155 : vector<16xf32>
            %parallel_loop3A_241 = arith.index_cast %parallel_loop3A_146 : i32 to index
            %parallel_loop3A_242 = arith.constant 64 : index
            %parallel_loop3A_243 = tpu.vector_load %arg26[%parallel_loop3A_241, %parallel_loop3A_242] {strides = array<i32>} : memref<32x128xf32, #tpu.memory_space<vmem>>, vector<1x16xf32>,
            %parallel_loop3A_244 = vector.shape_cast %parallel_loop3A_243 : vector<1x16xf32> to vector<16xf32>
            %parallel_loop3A_245 = arith.index_cast %parallel_loop3A_146 : i32 to index
            %parallel_loop3A_246 = arith.constant 64 : index
            %parallel_loop3A_247 = tpu.vector_load %arg28[%parallel_loop3A_245, %parallel_loop3A_246] {strides = array<i32>} : memref<32x128xf32, #tpu.memory_space<vmem>>, vector<1x16xf32>,
            %parallel_loop3A_248 = vector.shape_cast %parallel_loop3A_247 : vector<1x16xf32> to vector<16xf32>
            %parallel_loop3A_249 = arith.mulf %parallel_loop3A_244, %parallel_loop3A_248 : vector<16xf32>
            %parallel_loop3A_250 = arith.addf %parallel_loop3A_240, %parallel_loop3A_249 : vector<16xf32>
            %parallel_loop3A_251 = arith.index_cast %parallel_loop3A_146 : i32 to index
            %parallel_loop3A_252 = arith.constant 64 : index
            %parallel_loop3A_253 = tpu.vector_load %arg29[%parallel_loop3A_251, %parallel_loop3A_252] {strides = array<i32>} : memref<32x128xf32, #tpu.memory_space<vmem>>, vector<1x16xf32>,
            %parallel_loop3A_254 = vector.shape_cast %parallel_loop3A_253 : vector<1x16xf32> to vector<16xf32>
            %parallel_loop3A_255 = vector.shape_cast %parallel_loop3A_250 : vector<16xf32> to vector<1x16xf32>
            tpu.vector_store %arg29[%parallel_loop3A_251, %parallel_loop3A_252], %parallel_loop3A_255 {strides = array<i32>} : memref<32x128xf32, #tpu.memory_space<vmem>>, vector<1x16xf32>,
            %parallel_loop3A_256 = arith.index_cast %parallel_loop3A_146 : i32 to index
            %parallel_loop3A_257 = arith.constant 80 : index
            %parallel_loop3A_258 = tpu.vector_load %arg25[%parallel_loop3A_256, %parallel_loop3A_257] {strides = array<i32>} : memref<32x128xf32, #tpu.memory_space<vmem>>, vector<1x16xf32>,
            %parallel_loop3A_259 = vector.shape_cast %parallel_loop3A_258 : vector<1x16xf32> to vector<16xf32>
            %parallel_loop3A_260 = arith.mulf %parallel_loop3A_259, %parallel_loop3A_155 : vector<16xf32>
            %parallel_loop3A_261 = arith.index_cast %parallel_loop3A_146 : i32 to index
            %parallel_loop3A_262 = arith.constant 80 : index
            %parallel_loop3A_263 = tpu.vector_load %arg26[%parallel_loop3A_261, %parallel_loop3A_262] {strides = array<i32>} : memref<32x128xf32, #tpu.memory_space<vmem>>, vector<1x16xf32>,
            %parallel_loop3A_264 = vector.shape_cast %parallel_loop3A_263 : vector<1x16xf32> to vector<16xf32>
            %parallel_loop3A_265 = arith.index_cast %parallel_loop3A_146 : i32 to index
            %parallel_loop3A_266 = arith.constant 80 : index
            %parallel_loop3A_267 = tpu.vector_load %arg28[%parallel_loop3A_265, %parallel_loop3A_266] {strides = array<i32>} : memref<32x128xf32, #tpu.memory_space<vmem>>, vector<1x16xf32>,
            %parallel_loop3A_268 = vector.shape_cast %parallel_loop3A_267 : vector<1x16xf32> to vector<16xf32>
            %parallel_loop3A_269 = arith.mulf %parallel_loop3A_264, %parallel_loop3A_268 : vector<16xf32>
            %parallel_loop3A_270 = arith.addf %parallel_loop3A_260, %parallel_loop3A_269 : vector<16xf32>
            %parallel_loop3A_271 = arith.index_cast %parallel_loop3A_146 : i32 to index
            %parallel_loop3A_272 = arith.constant 80 : index
            %parallel_loop3A_273 = tpu.vector_load %arg29[%parallel_loop3A_271, %parallel_loop3A_272] {strides = array<i32>} : memref<32x128xf32, #tpu.memory_space<vmem>>, vector<1x16xf32>,
            %parallel_loop3A_274 = vector.shape_cast %parallel_loop3A_273 : vector<1x16xf32> to vector<16xf32>
            %parallel_loop3A_275 = vector.shape_cast %parallel_loop3A_270 : vector<16xf32> to vector<1x16xf32>
            tpu.vector_store %arg29[%parallel_loop3A_271, %parallel_loop3A_272], %parallel_loop3A_275 {strides = array<i32>} : memref<32x128xf32, #tpu.memory_space<vmem>>, vector<1x16xf32>,
            %parallel_loop3A_276 = arith.index_cast %parallel_loop3A_146 : i32 to index
            %parallel_loop3A_277 = arith.constant 96 : index
            %parallel_loop3A_278 = tpu.vector_load %arg25[%parallel_loop3A_276, %parallel_loop3A_277] {strides = array<i32>} : memref<32x128xf32, #tpu.memory_space<vmem>>, vector<1x16xf32>,
            %parallel_loop3A_279 = vector.shape_cast %parallel_loop3A_278 : vector<1x16xf32> to vector<16xf32>
            %parallel_loop3A_280 = arith.mulf %parallel_loop3A_279, %parallel_loop3A_155 : vector<16xf32>
            %parallel_loop3A_281 = arith.index_cast %parallel_loop3A_146 : i32 to index
            %parallel_loop3A_282 = arith.constant 96 : index
            %parallel_loop3A_283 = tpu.vector_load %arg26[%parallel_loop3A_281, %parallel_loop3A_282] {strides = array<i32>} : memref<32x128xf32, #tpu.memory_space<vmem>>, vector<1x16xf32>,
            %parallel_loop3A_284 = vector.shape_cast %parallel_loop3A_283 : vector<1x16xf32> to vector<16xf32>
            %parallel_loop3A_285 = arith.index_cast %parallel_loop3A_146 : i32 to index
            %parallel_loop3A_286 = arith.constant 96 : index
            %parallel_loop3A_287 = tpu.vector_load %arg28[%parallel_loop3A_285, %parallel_loop3A_286] {strides = array<i32>} : memref<32x128xf32, #tpu.memory_space<vmem>>, vector<1x16xf32>,
            %parallel_loop3A_288 = vector.shape_cast %parallel_loop3A_287 : vector<1x16xf32> to vector<16xf32>
            %parallel_loop3A_289 = arith.mulf %parallel_loop3A_284, %parallel_loop3A_288 : vector<16xf32>
            %parallel_loop3A_290 = arith.addf %parallel_loop3A_280, %parallel_loop3A_289 : vector<16xf32>
            %parallel_loop3A_291 = arith.index_cast %parallel_loop3A_146 : i32 to index
            %parallel_loop3A_292 = arith.constant 96 : index
            %parallel_loop3A_293 = tpu.vector_load %arg29[%parallel_loop3A_291, %parallel_loop3A_292] {strides = array<i32>} : memref<32x128xf32, #tpu.memory_space<vmem>>, vector<1x16xf32>,
            %parallel_loop3A_294 = vector.shape_cast %parallel_loop3A_293 : vector<1x16xf32> to vector<16xf32>
            %parallel_loop3A_295 = vector.shape_cast %parallel_loop3A_290 : vector<16xf32> to vector<1x16xf32>
            tpu.vector_store %arg29[%parallel_loop3A_291, %parallel_loop3A_292], %parallel_loop3A_295 {strides = array<i32>} : memref<32x128xf32, #tpu.memory_space<vmem>>, vector<1x16xf32>,
            %parallel_loop3A_296 = arith.index_cast %parallel_loop3A_146 : i32 to index
            %parallel_loop3A_297 = arith.constant 112 : index
            %parallel_loop3A_298 = tpu.vector_load %arg25[%parallel_loop3A_296, %parallel_loop3A_297] {strides = array<i32>} : memref<32x128xf32, #tpu.memory_space<vmem>>, vector<1x16xf32>,
            %parallel_loop3A_299 = vector.shape_cast %parallel_loop3A_298 : vector<1x16xf32> to vector<16xf32>
            %parallel_loop3A_300 = arith.mulf %parallel_loop3A_299, %parallel_loop3A_155 : vector<16xf32>
            %parallel_loop3A_301 = arith.index_cast %parallel_loop3A_146 : i32 to index
            %parallel_loop3A_302 = arith.constant 112 : index
            %parallel_loop3A_303 = tpu.vector_load %arg26[%parallel_loop3A_301, %parallel_loop3A_302] {strides = array<i32>} : memref<32x128xf32, #tpu.memory_space<vmem>>, vector<1x16xf32>,
            %parallel_loop3A_304 = vector.shape_cast %parallel_loop3A_303 : vector<1x16xf32> to vector<16xf32>
            %parallel_loop3A_305 = arith.index_cast %parallel_loop3A_146 : i32 to index
            %parallel_loop3A_306 = arith.constant 112 : index
            %parallel_loop3A_307 = tpu.vector_load %arg28[%parallel_loop3A_305, %parallel_loop3A_306] {strides = array<i32>} : memref<32x128xf32, #tpu.memory_space<vmem>>, vector<1x16xf32>,
            %parallel_loop3A_308 = vector.shape_cast %parallel_loop3A_307 : vector<1x16xf32> to vector<16xf32>
            %parallel_loop3A_309 = arith.mulf %parallel_loop3A_304, %parallel_loop3A_308 : vector<16xf32>
            %parallel_loop3A_310 = arith.addf %parallel_loop3A_300, %parallel_loop3A_309 : vector<16xf32>
            %parallel_loop3A_311 = arith.index_cast %parallel_loop3A_146 : i32 to index
            %parallel_loop3A_312 = arith.constant 112 : index
            %parallel_loop3A_313 = tpu.vector_load %arg29[%parallel_loop3A_311, %parallel_loop3A_312] {strides = array<i32>} : memref<32x128xf32, #tpu.memory_space<vmem>>, vector<1x16xf32>,
            %parallel_loop3A_314 = vector.shape_cast %parallel_loop3A_313 : vector<1x16xf32> to vector<16xf32>
            %parallel_loop3A_315 = vector.shape_cast %parallel_loop3A_310 : vector<16xf32> to vector<1x16xf32>
            tpu.vector_store %arg29[%parallel_loop3A_311, %parallel_loop3A_312], %parallel_loop3A_315 {strides = array<i32>} : memref<32x128xf32, #tpu.memory_space<vmem>>, vector<1x16xf32>,
          } {sc.loop_unroll_factor = 4 : i64, sc.parallel_access}
          %dma_start3A = arith.constant 0 : i32
          %dma_start3A_144 = arith.constant 0 : i32
          %dma_start3A_145 = tpu.memref_slice %arg11[%dma_start3A, %dma_start3A_144] : memref<10000x128xf32, #tpu.memory_space<vmem_shared>> -> memref<10000x128xf32, #tpu.memory_space<vmem_shared>>
          tpu.enqueue_indirect_dma source(%arg29 : memref<32x128xf32, #tpu.memory_space<vmem>>) target(%dma_start3A_145 : memref<10000x128xf32, #tpu.memory_space<vmem_shared>>) offsets(%arg24 : memref<32xi32, #tpu.memory_space<vmem>>) semaphore(%arg35 : memref<!tpu.dma_semaphore, #tpu.memory_space<semaphore_mem>>) {add = true}
        } else {
        }
        %eq3A_134 = arith.constant 1 : i32
        %eq3A_135 = arith.cmpi eq, %arg0, %eq3A_134 : i32
        %convert_element_type3A_136 = arith.extui %eq3A_135 : i1 to i32
        %cond3A_137 = arith.constant 0 : i32
        %cond3A_138 = arith.cmpi ne, %convert_element_type3A_136, %cond3A_137 : i32
        scf.if %cond3A_138 {
          %parallel_loop3A = arith.constant 0 : i32
          %parallel_loop3A_139 = arith.constant 32 : i32
          %parallel_loop3A_140 = arith.constant 1 : i32
          scf.for %parallel_loop3A_143 = %parallel_loop3A to %parallel_loop3A_139 step %parallel_loop3A_140  : i32 {
            %parallel_loop3A_144 = arith.index_cast %parallel_loop3A_143 : i32 to index
            %parallel_loop3A_145 = arith.constant 0 : index
            %parallel_loop3A_146 = tpu.vector_load %arg26[%parallel_loop3A_144, %parallel_loop3A_145] {strides = array<i32>} : memref<32x128xf32, #tpu.memory_space<vmem>>, vector<1x16xf32>,
            %parallel_loop3A_147 = vector.shape_cast %parallel_loop3A_146 : vector<1x16xf32> to vector<16xf32>
            %parallel_loop3A_148 = arith.index_cast %parallel_loop3A_143 : i32 to index
            %parallel_loop3A_149 = arith.constant 0 : index
            %parallel_loop3A_150 = tpu.vector_load %arg30[%parallel_loop3A_148, %parallel_loop3A_149] {strides = array<i32>} : memref<32x128xf32, #tpu.memory_space<vmem>>, vector<1x16xf32>,
            %parallel_loop3A_151 = vector.shape_cast %parallel_loop3A_150 : vector<1x16xf32> to vector<16xf32>
            %parallel_loop3A_152 = vector.shape_cast %parallel_loop3A_147 : vector<16xf32> to vector<1x16xf32>
            tpu.vector_store %arg30[%parallel_loop3A_148, %parallel_loop3A_149], %parallel_loop3A_152 {strides = array<i32>} : memref<32x128xf32, #tpu.memory_space<vmem>>, vector<1x16xf32>,
            %parallel_loop3A_153 = arith.index_cast %parallel_loop3A_143 : i32 to index
            %parallel_loop3A_154 = arith.constant 16 : index
            %parallel_loop3A_155 = tpu.vector_load %arg26[%parallel_loop3A_153, %parallel_loop3A_154] {strides = array<i32>} : memref<32x128xf32, #tpu.memory_space<vmem>>, vector<1x16xf32>,
            %parallel_loop3A_156 = vector.shape_cast %parallel_loop3A_155 : vector<1x16xf32> to vector<16xf32>
            %parallel_loop3A_157 = arith.index_cast %parallel_loop3A_143 : i32 to index
            %parallel_loop3A_158 = arith.constant 16 : index
            %parallel_loop3A_159 = tpu.vector_load %arg30[%parallel_loop3A_157, %parallel_loop3A_158] {strides = array<i32>} : memref<32x128xf32, #tpu.memory_space<vmem>>, vector<1x16xf32>,
            %parallel_loop3A_160 = vector.shape_cast %parallel_loop3A_159 : vector<1x16xf32> to vector<16xf32>
            %parallel_loop3A_161 = vector.shape_cast %parallel_loop3A_156 : vector<16xf32> to vector<1x16xf32>
            tpu.vector_store %arg30[%parallel_loop3A_157, %parallel_loop3A_158], %parallel_loop3A_161 {strides = array<i32>} : memref<32x128xf32, #tpu.memory_space<vmem>>, vector<1x16xf32>,
            %parallel_loop3A_162 = arith.index_cast %parallel_loop3A_143 : i32 to index
            %parallel_loop3A_163 = arith.constant 32 : index
            %parallel_loop3A_164 = tpu.vector_load %arg26[%parallel_loop3A_162, %parallel_loop3A_163] {strides = array<i32>} : memref<32x128xf32, #tpu.memory_space<vmem>>, vector<1x16xf32>,
            %parallel_loop3A_165 = vector.shape_cast %parallel_loop3A_164 : vector<1x16xf32> to vector<16xf32>
            %parallel_loop3A_166 = arith.index_cast %parallel_loop3A_143 : i32 to index
            %parallel_loop3A_167 = arith.constant 32 : index
            %parallel_loop3A_168 = tpu.vector_load %arg30[%parallel_loop3A_166, %parallel_loop3A_167] {strides = array<i32>} : memref<32x128xf32, #tpu.memory_space<vmem>>, vector<1x16xf32>,
            %parallel_loop3A_169 = vector.shape_cast %parallel_loop3A_168 : vector<1x16xf32> to vector<16xf32>
            %parallel_loop3A_170 = vector.shape_cast %parallel_loop3A_165 : vector<16xf32> to vector<1x16xf32>
            tpu.vector_store %arg30[%parallel_loop3A_166, %parallel_loop3A_167], %parallel_loop3A_170 {strides = array<i32>} : memref<32x128xf32, #tpu.memory_space<vmem>>, vector<1x16xf32>,
            %parallel_loop3A_171 = arith.index_cast %parallel_loop3A_143 : i32 to index
            %parallel_loop3A_172 = arith.constant 48 : index
            %parallel_loop3A_173 = tpu.vector_load %arg26[%parallel_loop3A_171, %parallel_loop3A_172] {strides = array<i32>} : memref<32x128xf32, #tpu.memory_space<vmem>>, vector<1x16xf32>,
            %parallel_loop3A_174 = vector.shape_cast %parallel_loop3A_173 : vector<1x16xf32> to vector<16xf32>
            %parallel_loop3A_175 = arith.index_cast %parallel_loop3A_143 : i32 to index
            %parallel_loop3A_176 = arith.constant 48 : index
            %parallel_loop3A_177 = tpu.vector_load %arg30[%parallel_loop3A_175, %parallel_loop3A_176] {strides = array<i32>} : memref<32x128xf32, #tpu.memory_space<vmem>>, vector<1x16xf32>,
            %parallel_loop3A_178 = vector.shape_cast %parallel_loop3A_177 : vector<1x16xf32> to vector<16xf32>
            %parallel_loop3A_179 = vector.shape_cast %parallel_loop3A_174 : vector<16xf32> to vector<1x16xf32>
            tpu.vector_store %arg30[%parallel_loop3A_175, %parallel_loop3A_176], %parallel_loop3A_179 {strides = array<i32>} : memref<32x128xf32, #tpu.memory_space<vmem>>, vector<1x16xf32>,
            %parallel_loop3A_180 = arith.index_cast %parallel_loop3A_143 : i32 to index
            %parallel_loop3A_181 = arith.constant 64 : index
            %parallel_loop3A_182 = tpu.vector_load %arg26[%parallel_loop3A_180, %parallel_loop3A_181] {strides = array<i32>} : memref<32x128xf32, #tpu.memory_space<vmem>>, vector<1x16xf32>,
            %parallel_loop3A_183 = vector.shape_cast %parallel_loop3A_182 : vector<1x16xf32> to vector<16xf32>
            %parallel_loop3A_184 = arith.index_cast %parallel_loop3A_143 : i32 to index
            %parallel_loop3A_185 = arith.constant 64 : index
            %parallel_loop3A_186 = tpu.vector_load %arg30[%parallel_loop3A_184, %parallel_loop3A_185] {strides = array<i32>} : memref<32x128xf32, #tpu.memory_space<vmem>>, vector<1x16xf32>,
            %parallel_loop3A_187 = vector.shape_cast %parallel_loop3A_186 : vector<1x16xf32> to vector<16xf32>
            %parallel_loop3A_188 = vector.shape_cast %parallel_loop3A_183 : vector<16xf32> to vector<1x16xf32>
            tpu.vector_store %arg30[%parallel_loop3A_184, %parallel_loop3A_185], %parallel_loop3A_188 {strides = array<i32>} : memref<32x128xf32, #tpu.memory_space<vmem>>, vector<1x16xf32>,
            %parallel_loop3A_189 = arith.index_cast %parallel_loop3A_143 : i32 to index
            %parallel_loop3A_190 = arith.constant 80 : index
            %parallel_loop3A_191 = tpu.vector_load %arg26[%parallel_loop3A_189, %parallel_loop3A_190] {strides = array<i32>} : memref<32x128xf32, #tpu.memory_space<vmem>>, vector<1x16xf32>,
            %parallel_loop3A_192 = vector.shape_cast %parallel_loop3A_191 : vector<1x16xf32> to vector<16xf32>
            %parallel_loop3A_193 = arith.index_cast %parallel_loop3A_143 : i32 to index
            %parallel_loop3A_194 = arith.constant 80 : index
            %parallel_loop3A_195 = tpu.vector_load %arg30[%parallel_loop3A_193, %parallel_loop3A_194] {strides = array<i32>} : memref<32x128xf32, #tpu.memory_space<vmem>>, vector<1x16xf32>,
            %parallel_loop3A_196 = vector.shape_cast %parallel_loop3A_195 : vector<1x16xf32> to vector<16xf32>
            %parallel_loop3A_197 = vector.shape_cast %parallel_loop3A_192 : vector<16xf32> to vector<1x16xf32>
            tpu.vector_store %arg30[%parallel_loop3A_193, %parallel_loop3A_194], %parallel_loop3A_197 {strides = array<i32>} : memref<32x128xf32, #tpu.memory_space<vmem>>, vector<1x16xf32>,
            %parallel_loop3A_198 = arith.index_cast %parallel_loop3A_143 : i32 to index
            %parallel_loop3A_199 = arith.constant 96 : index
            %parallel_loop3A_200 = tpu.vector_load %arg26[%parallel_loop3A_198, %parallel_loop3A_199] {strides = array<i32>} : memref<32x128xf32, #tpu.memory_space<vmem>>, vector<1x16xf32>,
            %parallel_loop3A_201 = vector.shape_cast %parallel_loop3A_200 : vector<1x16xf32> to vector<16xf32>
            %parallel_loop3A_202 = arith.index_cast %parallel_loop3A_143 : i32 to index
            %parallel_loop3A_203 = arith.constant 96 : index
            %parallel_loop3A_204 = tpu.vector_load %arg30[%parallel_loop3A_202, %parallel_loop3A_203] {strides = array<i32>} : memref<32x128xf32, #tpu.memory_space<vmem>>, vector<1x16xf32>,
            %parallel_loop3A_205 = vector.shape_cast %parallel_loop3A_204 : vector<1x16xf32> to vector<16xf32>
            %parallel_loop3A_206 = vector.shape_cast %parallel_loop3A_201 : vector<16xf32> to vector<1x16xf32>
            tpu.vector_store %arg30[%parallel_loop3A_202, %parallel_loop3A_203], %parallel_loop3A_206 {strides = array<i32>} : memref<32x128xf32, #tpu.memory_space<vmem>>, vector<1x16xf32>,
            %parallel_loop3A_207 = arith.index_cast %parallel_loop3A_143 : i32 to index
            %parallel_loop3A_208 = arith.constant 112 : index
            %parallel_loop3A_209 = tpu.vector_load %arg26[%parallel_loop3A_207, %parallel_loop3A_208] {strides = array<i32>} : memref<32x128xf32, #tpu.memory_space<vmem>>, vector<1x16xf32>,
            %parallel_loop3A_210 = vector.shape_cast %parallel_loop3A_209 : vector<1x16xf32> to vector<16xf32>
            %parallel_loop3A_211 = arith.index_cast %parallel_loop3A_143 : i32 to index
            %parallel_loop3A_212 = arith.constant 112 : index
            %parallel_loop3A_213 = tpu.vector_load %arg30[%parallel_loop3A_211, %parallel_loop3A_212] {strides = array<i32>} : memref<32x128xf32, #tpu.memory_space<vmem>>, vector<1x16xf32>,
            %parallel_loop3A_214 = vector.shape_cast %parallel_loop3A_213 : vector<1x16xf32> to vector<16xf32>
            %parallel_loop3A_215 = vector.shape_cast %parallel_loop3A_210 : vector<16xf32> to vector<1x16xf32>
            tpu.vector_store %arg30[%parallel_loop3A_211, %parallel_loop3A_212], %parallel_loop3A_215 {strides = array<i32>} : memref<32x128xf32, #tpu.memory_space<vmem>>, vector<1x16xf32>,
          } {sc.loop_unroll_factor = 4 : i64, sc.parallel_access}
          %dma_start3A = arith.constant 0 : i32
          %dma_start3A_141 = arith.constant 0 : i32
          %dma_start3A_142 = tpu.memref_slice %arg11[%dma_start3A, %dma_start3A_141] : memref<10000x128xf32, #tpu.memory_space<vmem_shared>> -> memref<10000x128xf32, #tpu.memory_space<vmem_shared>>
          tpu.enqueue_indirect_dma source(%arg30 : memref<32x128xf32, #tpu.memory_space<vmem>>) target(%dma_start3A_142 : memref<10000x128xf32, #tpu.memory_space<vmem_shared>>) offsets(%arg24 : memref<32xi32, #tpu.memory_space<vmem>>) semaphore(%arg35 : memref<!tpu.dma_semaphore, #tpu.memory_space<semaphore_mem>>) {add = true}
        } else {
        }
      } else {
      }
      %add3A_93 = arith.constant 2 : i32
      %add3A_94 = arith.addi %add3A_84, %add3A_93 : i32
      %mul3A_95 = arith.constant 16 : i32
      %mul3A_96 = arith.muli %add3A_94, %mul3A_95 : i32
      %add3A_97 = arith.addi %mul3A_96, %arg1 : i32
      %lt3A_98 = arith.constant 5000 : i32
      %lt3A_99 = arith.cmpi slt, %add3A_97, %lt3A_98 : i32
      %convert_element_type3A_100 = arith.extui %lt3A_99 : i1 to i32
      %cond3A_101 = arith.constant 0 : i32
      %cond3A_102 = arith.cmpi ne, %convert_element_type3A_100, %cond3A_101 : i32
      scf.if %cond3A_102 {
        %mul3A_113 = arith.constant 32 : i32
        %mul3A_114 = arith.muli %add3A_97, %mul3A_113 : i32
        %dma_start3A = tpu.memref_slice %arg7[%mul3A_114] : memref<160000xi32, #tpu.memory_space<hbm>> -> memref<32xi32, #tpu.memory_space<hbm>>
        %dma_start3A_115 = tpu.memref_slice %arg7[%mul3A_114] : memref<160000xi32, #tpu.memory_space<hbm>> -> memref<32xi32, #tpu.memory_space<hbm>>
        tpu.enqueue_dma source(%dma_start3A_115 : memref<32xi32, #tpu.memory_space<hbm>>) target(%arg22 : memref<32xi32, #tpu.memory_space<vmem>>) target_semaphore(%arg31 : memref<!tpu.dma_semaphore, #tpu.memory_space<semaphore_mem>>)
        %dma_start3A_116 = arith.constant 0 : i32
        %dma_start3A_117 = tpu.memref_slice %arg5[%mul3A_114, %dma_start3A_116] : memref<160000x128xf32, #tpu.memory_space<hbm>> -> memref<32x128xf32, #tpu.memory_space<hbm>>
        %dma_start3A_118 = arith.constant 0 : i32
        %dma_start3A_119 = tpu.memref_slice %arg5[%mul3A_114, %dma_start3A_118] : memref<160000x128xf32, #tpu.memory_space<hbm>> -> memref<32x128xf32, #tpu.memory_space<hbm>>
        tpu.enqueue_dma source(%dma_start3A_119 : memref<32x128xf32, #tpu.memory_space<hbm>>) target(%arg26 : memref<32x128xf32, #tpu.memory_space<vmem>>) target_semaphore(%arg31 : memref<!tpu.dma_semaphore, #tpu.memory_space<semaphore_mem>>)
        %eq3A_120 = arith.constant 0 : i32
        %eq3A_121 = arith.cmpi eq, %arg0, %eq3A_120 : i32
        %convert_element_type3A_122 = arith.extui %eq3A_121 : i1 to i32
        %cond3A_123 = arith.constant 0 : i32
        %cond3A_124 = arith.cmpi ne, %convert_element_type3A_122, %cond3A_123 : i32
        scf.if %cond3A_124 {
          %dma_start3A_125 = tpu.memref_slice %arg8[%mul3A_114] : memref<160000xi32, #tpu.memory_space<hbm>> -> memref<32xi32, #tpu.memory_space<hbm>>
          %dma_start3A_126 = tpu.memref_slice %arg8[%mul3A_114] : memref<160000xi32, #tpu.memory_space<hbm>> -> memref<32xi32, #tpu.memory_space<hbm>>
          tpu.enqueue_dma source(%dma_start3A_126 : memref<32xi32, #tpu.memory_space<hbm>>) target(%arg23 : memref<32xi32, #tpu.memory_space<vmem>>) target_semaphore(%arg31 : memref<!tpu.dma_semaphore, #tpu.memory_space<semaphore_mem>>)
          %dma_start3A_127 = arith.constant 0 : i32
          %dma_start3A_128 = tpu.memref_slice %arg4[%mul3A_114, %dma_start3A_127] : memref<160000x128xf32, #tpu.memory_space<hbm>> -> memref<32x128xf32, #tpu.memory_space<hbm>>
          %dma_start3A_129 = arith.constant 0 : i32
          %dma_start3A_130 = tpu.memref_slice %arg4[%mul3A_114, %dma_start3A_129] : memref<160000x128xf32, #tpu.memory_space<hbm>> -> memref<32x128xf32, #tpu.memory_space<hbm>>
          tpu.enqueue_dma source(%dma_start3A_130 : memref<32x128xf32, #tpu.memory_space<hbm>>) target(%arg25 : memref<32x128xf32, #tpu.memory_space<vmem>>) target_semaphore(%arg31 : memref<!tpu.dma_semaphore, #tpu.memory_space<semaphore_mem>>)
          %mul3A_131 = arith.constant 16 : i32
          %mul3A_132 = arith.muli %mul3A_114, %mul3A_131 : i32
          %dma_start3A_133 = tpu.memref_slice %arg6[%mul3A_132] : memref<2560000xf32, #tpu.memory_space<hbm>> -> memref<512xf32, #tpu.memory_space<hbm>>
          %dma_start3A_134 = tpu.memref_slice %arg6[%mul3A_132] : memref<2560000xf32, #tpu.memory_space<hbm>> -> memref<512xf32, #tpu.memory_space<hbm>>
          tpu.enqueue_dma source(%dma_start3A_134 : memref<512xf32, #tpu.memory_space<hbm>>) target(%arg27 : memref<512xf32, #tpu.memory_space<vmem>>) target_semaphore(%arg31 : memref<!tpu.dma_semaphore, #tpu.memory_space<semaphore_mem>>)
        } else {
        }
      } else {
      }
      %add3A_103 = arith.constant 1 : i32
      %add3A_104 = arith.addi %add3A_84, %add3A_103 : i32
      %mul3A_105 = arith.constant 16 : i32
      %mul3A_106 = arith.muli %add3A_104, %mul3A_105 : i32
      %add3A_107 = arith.addi %mul3A_106, %arg1 : i32
      %lt3A_108 = arith.constant 5000 : i32
      %lt3A_109 = arith.cmpi slt, %add3A_107, %lt3A_108 : i32
      %convert_element_type3A_110 = arith.extui %lt3A_109 : i1 to i32
      %cond3A_111 = arith.constant 0 : i32
      %cond3A_112 = arith.cmpi ne, %convert_element_type3A_110, %cond3A_111 : i32
      scf.if %cond3A_112 {
        %dma_wait3A_113 = arith.constant 0 : i32
        %dma_wait3A_114 = tpu.memref_slice %arg7[%dma_wait3A_113] : memref<160000xi32, #tpu.memory_space<hbm>> -> memref<32xi32, #tpu.memory_space<hbm>>
        %dma_wait3A_115 = arith.constant 0 : i32
        %dma_wait3A_116 = tpu.memref_slice %arg7[%dma_wait3A_115] : memref<160000xi32, #tpu.memory_space<hbm>> -> memref<32xi32, #tpu.memory_space<hbm>>
        tpu.wait_dma2 semaphore(%arg21 : memref<!tpu.dma_semaphore, #tpu.memory_space<semaphore_mem>>) src(%dma_wait3A_116 : memref<32xi32, #tpu.memory_space<hbm>>) dst(%arg12 : memref<32xi32, #tpu.memory_space<vmem>>)
        %dma_wait3A_117 = arith.constant 0 : i32
        %dma_wait3A_118 = arith.constant 0 : i32
        %dma_wait3A_119 = tpu.memref_slice %arg5[%dma_wait3A_117, %dma_wait3A_118] : memref<160000x128xf32, #tpu.memory_space<hbm>> -> memref<32x128xf32, #tpu.memory_space<hbm>>
        %dma_wait3A_120 = arith.constant 0 : i32
        %dma_wait3A_121 = arith.constant 0 : i32
        %dma_wait3A_122 = tpu.memref_slice %arg5[%dma_wait3A_120, %dma_wait3A_121] : memref<160000x128xf32, #tpu.memory_space<hbm>> -> memref<32x128xf32, #tpu.memory_space<hbm>>
        tpu.wait_dma2 semaphore(%arg21 : memref<!tpu.dma_semaphore, #tpu.memory_space<semaphore_mem>>) src(%dma_wait3A_122 : memref<32x128xf32, #tpu.memory_space<hbm>>) dst(%arg16 : memref<32x128xf32, #tpu.memory_space<vmem>>)
        %eq3A_123 = arith.constant 0 : i32
        %eq3A_124 = arith.cmpi eq, %arg0, %eq3A_123 : i32
        %convert_element_type3A_125 = arith.extui %eq3A_124 : i1 to i32
        %cond3A_126 = arith.constant 0 : i32
        %cond3A_127 = arith.cmpi ne, %convert_element_type3A_125, %cond3A_126 : i32
        scf.if %cond3A_127 {
          %dma_wait3A_128 = arith.constant 0 : i32
          %dma_wait3A_129 = tpu.memref_slice %arg8[%dma_wait3A_128] : memref<160000xi32, #tpu.memory_space<hbm>> -> memref<32xi32, #tpu.memory_space<hbm>>
          %dma_wait3A_130 = arith.constant 0 : i32
          %dma_wait3A_131 = tpu.memref_slice %arg8[%dma_wait3A_130] : memref<160000xi32, #tpu.memory_space<hbm>> -> memref<32xi32, #tpu.memory_space<hbm>>
          tpu.wait_dma2 semaphore(%arg21 : memref<!tpu.dma_semaphore, #tpu.memory_space<semaphore_mem>>) src(%dma_wait3A_131 : memref<32xi32, #tpu.memory_space<hbm>>) dst(%arg13 : memref<32xi32, #tpu.memory_space<vmem>>)
          %dma_wait3A_132 = arith.constant 0 : i32
          %dma_wait3A_133 = arith.constant 0 : i32
          %dma_wait3A_134 = tpu.memref_slice %arg4[%dma_wait3A_132, %dma_wait3A_133] : memref<160000x128xf32, #tpu.memory_space<hbm>> -> memref<32x128xf32, #tpu.memory_space<hbm>>
          %dma_wait3A_135 = arith.constant 0 : i32
          %dma_wait3A_136 = arith.constant 0 : i32
          %dma_wait3A_137 = tpu.memref_slice %arg4[%dma_wait3A_135, %dma_wait3A_136] : memref<160000x128xf32, #tpu.memory_space<hbm>> -> memref<32x128xf32, #tpu.memory_space<hbm>>
          tpu.wait_dma2 semaphore(%arg21 : memref<!tpu.dma_semaphore, #tpu.memory_space<semaphore_mem>>) src(%dma_wait3A_137 : memref<32x128xf32, #tpu.memory_space<hbm>>) dst(%arg15 : memref<32x128xf32, #tpu.memory_space<vmem>>)
          %dma_wait3A_138 = arith.constant 0 : i32
          %dma_wait3A_139 = tpu.memref_slice %arg6[%dma_wait3A_138] : memref<2560000xf32, #tpu.memory_space<hbm>> -> memref<512xf32, #tpu.memory_space<hbm>>
          %dma_wait3A_140 = arith.constant 0 : i32
          %dma_wait3A_141 = tpu.memref_slice %arg6[%dma_wait3A_140] : memref<2560000xf32, #tpu.memory_space<hbm>> -> memref<512xf32, #tpu.memory_space<hbm>>
          tpu.wait_dma2 semaphore(%arg21 : memref<!tpu.dma_semaphore, #tpu.memory_space<semaphore_mem>>) src(%dma_wait3A_141 : memref<512xf32, #tpu.memory_space<hbm>>) dst(%arg17 : memref<512xf32, #tpu.memory_space<vmem>>)
          %get3A = arith.constant 0 : index
          %get3A_142 = tpu.vector_load %arg13[%get3A] {strides = array<i32>} : memref<32xi32, #tpu.memory_space<vmem>>, vector<16xi32>,
          %get3A_143 = vector.shape_cast %get3A_142 : vector<16xi32> to vector<16xi32>
          %add3A_144 = arith.constant 20000 : i32
          %add3A_145 = vector.broadcast %add3A_144 : i32 to vector<16xi32>
          %add3A_146 = arith.addi %get3A_143, %add3A_145 : vector<16xi32>
          %swap3A = arith.constant 0 : index
          %swap3A_147 = tpu.vector_load %arg13[%swap3A] {strides = array<i32>} : memref<32xi32, #tpu.memory_space<vmem>>, vector<16xi32>,
          %swap3A_148 = vector.shape_cast %swap3A_147 : vector<16xi32> to vector<16xi32>
          %swap3A_149 = vector.shape_cast %add3A_146 : vector<16xi32> to vector<16xi32>
          tpu.vector_store %arg13[%swap3A], %swap3A_149 {strides = array<i32>} : memref<32xi32, #tpu.memory_space<vmem>>, vector<16xi32>,
          %get3A_150 = arith.constant 16 : index
          %get3A_151 = tpu.vector_load %arg13[%get3A_150] {strides = array<i32>} : memref<32xi32, #tpu.memory_space<vmem>>, vector<16xi32>,
          %get3A_152 = vector.shape_cast %get3A_151 : vector<16xi32> to vector<16xi32>
          %add3A_153 = arith.constant 20000 : i32
          %add3A_154 = vector.broadcast %add3A_153 : i32 to vector<16xi32>
          %add3A_155 = arith.addi %get3A_152, %add3A_154 : vector<16xi32>
          %swap3A_156 = arith.constant 16 : index
          %swap3A_157 = tpu.vector_load %arg13[%swap3A_156] {strides = array<i32>} : memref<32xi32, #tpu.memory_space<vmem>>, vector<16xi32>,
          %swap3A_158 = vector.shape_cast %swap3A_157 : vector<16xi32> to vector<16xi32>
          %swap3A_159 = vector.shape_cast %add3A_155 : vector<16xi32> to vector<16xi32>
          tpu.vector_store %arg13[%swap3A_156], %swap3A_159 {strides = array<i32>} : memref<32xi32, #tpu.memory_space<vmem>>, vector<16xi32>,
          %dma_start3A = arith.constant 0 : i32
          %dma_start3A_160 = arith.constant 0 : i32
          %dma_start3A_161 = tpu.memref_slice %arg2[%dma_start3A, %dma_start3A_160] : memref<30000x128xf32, #tpu.memory_space<hbm>> -> memref<30000x128xf32, #tpu.memory_space<hbm>>
          tpu.enqueue_indirect_dma source(%dma_start3A_161 : memref<30000x128xf32, #tpu.memory_space<hbm>>) target(%arg18 : memref<32x128xf32, #tpu.memory_space<vmem>>) offsets(%arg13 : memref<32xi32, #tpu.memory_space<vmem>>) semaphore(%arg32 : memref<!tpu.dma_semaphore, #tpu.memory_space<semaphore_mem>>)
        } else {
        }
      } else {
      }
    }
    %scan3A_31 = arith.constant 157 : i32
    %dma_wait3A = arith.constant 0 : i32
    %dma_wait3A_32 = arith.constant 0 : i32
    %dma_wait3A_33 = tpu.memref_slice %arg11[%dma_wait3A, %dma_wait3A_32] : memref<10000x128xf32, #tpu.memory_space<vmem_shared>> -> memref<10000x128xf32, #tpu.memory_space<vmem_shared>>
    tpu.wait_indirect_dma semaphore(%arg33 : memref<!tpu.dma_semaphore, #tpu.memory_space<semaphore_mem>>) src(%arg19 : memref<32x128xf32, #tpu.memory_space<vmem>>) dst(%dma_wait3A_33 : memref<10000x128xf32, #tpu.memory_space<vmem_shared>>)
    %dma_wait3A_34 = arith.constant 0 : i32
    %dma_wait3A_35 = arith.constant 0 : i32
    %dma_wait3A_36 = tpu.memref_slice %arg11[%dma_wait3A_34, %dma_wait3A_35] : memref<10000x128xf32, #tpu.memory_space<vmem_shared>> -> memref<10000x128xf32, #tpu.memory_space<vmem_shared>>
    tpu.wait_indirect_dma semaphore(%arg35 : memref<!tpu.dma_semaphore, #tpu.memory_space<semaphore_mem>>) src(%arg29 : memref<32x128xf32, #tpu.memory_space<vmem>>) dst(%dma_wait3A_36 : memref<10000x128xf32, #tpu.memory_space<vmem_shared>>)
    %barrier3A_37 = arith.constant 0 : index
    tpu.barrier barrier_id(%barrier3A_37)
    %eq3A_38 = arith.constant 0 : i32
    %eq3A_39 = arith.cmpi eq, %arg0, %eq3A_38 : i32
    %convert_element_type3A_40 = arith.extui %eq3A_39 : i1 to i32
    %cond3A_41 = arith.constant 0 : i32
    %cond3A_42 = arith.cmpi ne, %convert_element_type3A_40, %cond3A_41 : i32
    scf.if %cond3A_42 {
      "tpu.region"() ({
        %run_scoped3A = tpu.sem_alloc : memref<!tpu.dma_semaphore, #tpu.memory_space<semaphore_mem>>
        %dma_start3A = arith.constant 0 : i32
        %dma_start3A_53 = tpu.memref_slice %arg9[%mul3A_0, %dma_start3A] : memref<10000x128xf32, #tpu.memory_space<hbm>> -> memref<624x128xf32, #tpu.memory_space<hbm>>
        %dma_start3A_54 = arith.constant 0 : i32
        %dma_start3A_55 = tpu.memref_slice %arg11[%mul3A_0, %dma_start3A_54] : memref<10000x128xf32, #tpu.memory_space<vmem_shared>> -> memref<624x128xf32, #tpu.memory_space<vmem_shared>>
        tpu.enqueue_dma source(%dma_start3A_55 : memref<624x128xf32, #tpu.memory_space<vmem_shared>>) target(%dma_start3A_53 : memref<624x128xf32, #tpu.memory_space<hbm>>) target_semaphore(%run_scoped3A : memref<!tpu.dma_semaphore, #tpu.memory_space<semaphore_mem>>)
        %dma_wait3A_56 = arith.constant 0 : i32
        %dma_wait3A_57 = tpu.memref_slice %arg9[%mul3A_0, %dma_wait3A_56] : memref<10000x128xf32, #tpu.memory_space<hbm>> -> memref<624x128xf32, #tpu.memory_space<hbm>>
        %dma_wait3A_58 = arith.constant 0 : i32
        %dma_wait3A_59 = tpu.memref_slice %arg11[%mul3A_0, %dma_wait3A_58] : memref<10000x128xf32, #tpu.memory_space<vmem_shared>> -> memref<624x128xf32, #tpu.memory_space<vmem_shared>>
        tpu.wait_dma2 semaphore(%run_scoped3A : memref<!tpu.dma_semaphore, #tpu.memory_space<semaphore_mem>>) src(%dma_wait3A_59 : memref<624x128xf32, #tpu.memory_space<vmem_shared>>) dst(%dma_wait3A_57 : memref<624x128xf32, #tpu.memory_space<hbm>>)
        tpu.yield
      }) : () -> ()
      %eq3A_48 = arith.constant 15 : i32
      %eq3A_49 = arith.cmpi eq, %arg1, %eq3A_48 : i32
      %convert_element_type3A_50 = arith.extui %eq3A_49 : i1 to i32
      %cond3A_51 = arith.constant 0 : i32
      %cond3A_52 = arith.cmpi ne, %convert_element_type3A_50, %cond3A_51 : i32
      scf.if %cond3A_52 {
        "tpu.region"() ({
          %run_scoped3A = tpu.sem_alloc : memref<!tpu.dma_semaphore, #tpu.memory_space<semaphore_mem>>
          %dma_start3A = arith.constant 9984 : i32
          %dma_start3A_53 = arith.constant 0 : i32
          %dma_start3A_54 = tpu.memref_slice %arg9[%dma_start3A, %dma_start3A_53] : memref<10000x128xf32, #tpu.memory_space<hbm>> -> memref<16x128xf32, #tpu.memory_space<hbm>>
          %dma_start3A_55 = arith.constant 9984 : i32
          %dma_start3A_56 = arith.constant 0 : i32
          %dma_start3A_57 = tpu.memref_slice %arg11[%dma_start3A_55, %dma_start3A_56] : memref<10000x128xf32, #tpu.memory_space<vmem_shared>> -> memref<16x128xf32, #tpu.memory_space<vmem_shared>>
          tpu.enqueue_dma source(%dma_start3A_57 : memref<16x128xf32, #tpu.memory_space<vmem_shared>>) target(%dma_start3A_54 : memref<16x128xf32, #tpu.memory_space<hbm>>) target_semaphore(%run_scoped3A : memref<!tpu.dma_semaphore, #tpu.memory_space<semaphore_mem>>)
          %dma_wait3A_58 = arith.constant 9984 : i32
          %dma_wait3A_59 = arith.constant 0 : i32
          %dma_wait3A_60 = tpu.memref_slice %arg9[%dma_wait3A_58, %dma_wait3A_59] : memref<10000x128xf32, #tpu.memory_space<hbm>> -> memref<16x128xf32, #tpu.memory_space<hbm>>
          %dma_wait3A_61 = arith.constant 9984 : i32
          %dma_wait3A_62 = arith.constant 0 : i32
          %dma_wait3A_63 = tpu.memref_slice %arg11[%dma_wait3A_61, %dma_wait3A_62] : memref<10000x128xf32, #tpu.memory_space<vmem_shared>> -> memref<16x128xf32, #tpu.memory_space<vmem_shared>>
          tpu.wait_dma2 semaphore(%run_scoped3A : memref<!tpu.dma_semaphore, #tpu.memory_space<semaphore_mem>>) src(%dma_wait3A_63 : memref<16x128xf32, #tpu.memory_space<vmem_shared>>) dst(%dma_wait3A_60 : memref<16x128xf32, #tpu.memory_space<hbm>>)
          tpu.yield
        }) : () -> ()
      } else {
      }
    } else {
    }
    %eq3A_43 = arith.constant 1 : i32
    %eq3A_44 = arith.cmpi eq, %arg0, %eq3A_43 : i32
    %convert_element_type3A_45 = arith.extui %eq3A_44 : i1 to i32
    %cond3A_46 = arith.constant 0 : i32
    %cond3A_47 = arith.cmpi ne, %convert_element_type3A_45, %cond3A_46 : i32
    scf.if %cond3A_47 {
      "tpu.region"() ({
        %run_scoped3A = tpu.sem_alloc : memref<!tpu.dma_semaphore, #tpu.memory_space<semaphore_mem>>
        %dma_start3A = arith.constant 0 : i32
        %dma_start3A_53 = tpu.memref_slice %arg10[%mul3A_0, %dma_start3A] : memref<10000x128xf32, #tpu.memory_space<hbm>> -> memref<624x128xf32, #tpu.memory_space<hbm>>
        %dma_start3A_54 = arith.constant 0 : i32
        %dma_start3A_55 = tpu.memref_slice %arg11[%mul3A_0, %dma_start3A_54] : memref<10000x128xf32, #tpu.memory_space<vmem_shared>> -> memref<624x128xf32, #tpu.memory_space<vmem_shared>>
        tpu.enqueue_dma source(%dma_start3A_55 : memref<624x128xf32, #tpu.memory_space<vmem_shared>>) target(%dma_start3A_53 : memref<624x128xf32, #tpu.memory_space<hbm>>) target_semaphore(%run_scoped3A : memref<!tpu.dma_semaphore, #tpu.memory_space<semaphore_mem>>)
        %dma_wait3A_56 = arith.constant 0 : i32
        %dma_wait3A_57 = tpu.memref_slice %arg10[%mul3A_0, %dma_wait3A_56] : memref<10000x128xf32, #tpu.memory_space<hbm>> -> memref<624x128xf32, #tpu.memory_space<hbm>>
        %dma_wait3A_58 = arith.constant 0 : i32
        %dma_wait3A_59 = tpu.memref_slice %arg11[%mul3A_0, %dma_wait3A_58] : memref<10000x128xf32, #tpu.memory_space<vmem_shared>> -> memref<624x128xf32, #tpu.memory_space<vmem_shared>>
        tpu.wait_dma2 semaphore(%run_scoped3A : memref<!tpu.dma_semaphore, #tpu.memory_space<semaphore_mem>>) src(%dma_wait3A_59 : memref<624x128xf32, #tpu.memory_space<vmem_shared>>) dst(%dma_wait3A_57 : memref<624x128xf32, #tpu.memory_space<hbm>>)
        tpu.yield
      }) : () -> ()
      %eq3A_48 = arith.constant 15 : i32
      %eq3A_49 = arith.cmpi eq, %arg1, %eq3A_48 : i32
      %convert_element_type3A_50 = arith.extui %eq3A_49 : i1 to i32
      %cond3A_51 = arith.constant 0 : i32
      %cond3A_52 = arith.cmpi ne, %convert_element_type3A_50, %cond3A_51 : i32
      scf.if %cond3A_52 {
        "tpu.region"() ({
          %run_scoped3A = tpu.sem_alloc : memref<!tpu.dma_semaphore, #tpu.memory_space<semaphore_mem>>
          %dma_start3A = arith.constant 9984 : i32
          %dma_start3A_53 = arith.constant 0 : i32
          %dma_start3A_54 = tpu.memref_slice %arg10[%dma_start3A, %dma_start3A_53] : memref<10000x128xf32, #tpu.memory_space<hbm>> -> memref<16x128xf32, #tpu.memory_space<hbm>>
          %dma_start3A_55 = arith.constant 9984 : i32
          %dma_start3A_56 = arith.constant 0 : i32
          %dma_start3A_57 = tpu.memref_slice %arg11[%dma_start3A_55, %dma_start3A_56] : memref<10000x128xf32, #tpu.memory_space<vmem_shared>> -> memref<16x128xf32, #tpu.memory_space<vmem_shared>>
          tpu.enqueue_dma source(%dma_start3A_57 : memref<16x128xf32, #tpu.memory_space<vmem_shared>>) target(%dma_start3A_54 : memref<16x128xf32, #tpu.memory_space<hbm>>) target_semaphore(%run_scoped3A : memref<!tpu.dma_semaphore, #tpu.memory_space<semaphore_mem>>)
          %dma_wait3A_58 = arith.constant 9984 : i32
          %dma_wait3A_59 = arith.constant 0 : i32
          %dma_wait3A_60 = tpu.memref_slice %arg10[%dma_wait3A_58, %dma_wait3A_59] : memref<10000x128xf32, #tpu.memory_space<hbm>> -> memref<16x128xf32, #tpu.memory_space<hbm>>
          %dma_wait3A_61 = arith.constant 9984 : i32
          %dma_wait3A_62 = arith.constant 0 : i32
          %dma_wait3A_63 = tpu.memref_slice %arg11[%dma_wait3A_61, %dma_wait3A_62] : memref<10000x128xf32, #tpu.memory_space<vmem_shared>> -> memref<16x128xf32, #tpu.memory_space<vmem_shared>>
          tpu.wait_dma2 semaphore(%run_scoped3A : memref<!tpu.dma_semaphore, #tpu.memory_space<semaphore_mem>>) src(%dma_wait3A_63 : memref<16x128xf32, #tpu.memory_space<vmem_shared>>) dst(%dma_wait3A_60 : memref<16x128xf32, #tpu.memory_space<hbm>>)
          tpu.yield
        }) : () -> ()
      } else {
      }
    } else {
    }
    return
  }
}

module attributes {stable_mosaic.version = 14 : i64} {
  func.func @_phi_body(%arg0: i32, %arg1: memref<1000x128xf32, #tpu.memory_space<vmem>>, %arg2: memref<128x128xf32, #tpu.memory_space<vmem>>, %arg3: memref<1x128xf32, #tpu.memory_space<vmem>>, %arg4: memref<128x128xf32, #tpu.memory_space<vmem>>, %arg5: memref<1x128xf32, #tpu.memory_space<vmem>>, %arg6: memref<1000x128xf32, #tpu.memory_space<vmem>>) attributes {dimension_semantics = [#tpu.dimension_semantics<arbitrary>], iteration_bounds = array<i64: 10>, scalar_prefetch = 0 : i64, scratch_operands = 0 : i64, tpu.core_type = #tpu.core_type<tc>, window_params = [{transform_indices = @transform_0, window_bounds = array<i64: 1000, 128>}, {pipeline_mode = #tpu.pipeline_mode<synchronous>, transform_indices = @transform_1, window_bounds = array<i64: 128, 128>}, {pipeline_mode = #tpu.pipeline_mode<synchronous>, transform_indices = @transform_2, window_bounds = array<i64: 1, 128>}, {pipeline_mode = #tpu.pipeline_mode<synchronous>, transform_indices = @transform_3, window_bounds = array<i64: 128, 128>}, {pipeline_mode = #tpu.pipeline_mode<synchronous>, transform_indices = @transform_4, window_bounds = array<i64: 1, 128>}, {transform_indices = @transform_5, window_bounds = array<i64: 1000, 128>}]} {
    %get3A = arith.constant 0 : index
    %get3A_0 = arith.constant 0 : index
    %get3A_1 = vector.load %arg1[%get3A, %get3A_0] : memref<1000x128xf32, #tpu.memory_space<vmem>>, vector<1000x128xf32>
    %convert_element_type3A = arith.truncf %get3A_1 : vector<1000x128xf32> to vector<1000x128xbf16>
    %get3A_2 = arith.constant 0 : index
    %get3A_3 = arith.constant 0 : index
    %get3A_4 = vector.load %arg2[%get3A_2, %get3A_3] : memref<128x128xf32, #tpu.memory_space<vmem>>, vector<128x128xf32>
    %convert_element_type3A_5 = arith.truncf %get3A_4 : vector<128x128xf32> to vector<128x128xbf16>
    %dot_general3A = arith.constant dense<0.000000e+00> : vector<1000x128xf32>
    %dot_general3A_6 = tpu.matmul %convert_element_type3A, %convert_element_type3A_5, %dot_general3A {dimension_numbers = #tpu.dot_dimension_numbers<[1], [0], [0], [1], [0, 0, 1, 1], [], []>, transpose_lhs_hint = false} : vector<1000x128xbf16>, vector<128x128xbf16>, vector<1000x128xf32> -> vector<1000x128xf32>
    %get3A_7 = arith.constant 0 : index
    %get3A_8 = arith.constant 0 : index
    %get3A_9 = vector.load %arg3[%get3A_7, %get3A_8] : memref<1x128xf32, #tpu.memory_space<vmem>>, vector<1x128xf32>
    %add3A = vector.broadcast %get3A_9 : vector<1x128xf32> to vector<1000x128xf32>
    %add3A_10 = arith.addf %dot_general3A_6, %add3A : vector<1000x128xf32>
    %logistic3A = arith.negf %add3A_10 : vector<1000x128xf32>
    %logistic3A_11 = math.exp %logistic3A : vector<1000x128xf32>
    %logistic3A_12 = arith.constant 1.000000e+00 : f32
    %logistic3A_13 = vector.broadcast %logistic3A_12 : f32 to vector<1000x128xf32>
    %logistic3A_14 = arith.addf %logistic3A_13, %logistic3A_11 : vector<1000x128xf32>
    %logistic3A_15 = arith.divf %logistic3A_13, %logistic3A_14 : vector<1000x128xf32>
    %mul3A = arith.mulf %add3A_10, %logistic3A_15 : vector<1000x128xf32>
    %convert_element_type3A_16 = arith.truncf %mul3A : vector<1000x128xf32> to vector<1000x128xbf16>
    %get3A_17 = arith.constant 0 : index
    %get3A_18 = arith.constant 0 : index
    %get3A_19 = vector.load %arg4[%get3A_17, %get3A_18] : memref<128x128xf32, #tpu.memory_space<vmem>>, vector<128x128xf32>
    %convert_element_type3A_20 = arith.truncf %get3A_19 : vector<128x128xf32> to vector<128x128xbf16>
    %dot_general3A_21 = arith.constant dense<0.000000e+00> : vector<1000x128xf32>
    %dot_general3A_22 = tpu.matmul %convert_element_type3A_16, %convert_element_type3A_20, %dot_general3A_21 {dimension_numbers = #tpu.dot_dimension_numbers<[1], [0], [0], [1], [0, 0, 1, 1], [], []>, transpose_lhs_hint = false} : vector<1000x128xbf16>, vector<128x128xbf16>, vector<1000x128xf32> -> vector<1000x128xf32>
    %get3A_23 = arith.constant 0 : index
    %get3A_24 = arith.constant 0 : index
    %get3A_25 = vector.load %arg5[%get3A_23, %get3A_24] : memref<1x128xf32, #tpu.memory_space<vmem>>, vector<1x128xf32>
    %add3A_26 = vector.broadcast %get3A_25 : vector<1x128xf32> to vector<1000x128xf32>
    %add3A_27 = arith.addf %dot_general3A_22, %add3A_26 : vector<1000x128xf32>
    %swap3A = arith.constant 0 : index
    %swap3A_28 = arith.constant 0 : index
    %swap3A_29 = vector.load %arg6[%swap3A, %swap3A_28] : memref<1000x128xf32, #tpu.memory_space<vmem>>, vector<1000x128xf32>
    tpu.vector_store %arg6[%swap3A, %swap3A_28], %add3A_27 {strides = array<i32>} : memref<1000x128xf32, #tpu.memory_space<vmem>>, vector<1000x128xf32>,
    return
  }
  func.func @transform_0(%arg0: i32) -> (i32, i32) {
    %c0_i32 = arith.constant 0 : i32
    %c0_i32_0 = arith.constant 0 : i32
    return %arg0, %c0_i32 : i32, i32
  }
  func.func @transform_1(%arg0: i32) -> (i32, i32) {
    %c0_i32 = arith.constant 0 : i32
    %c0_i32_0 = arith.constant 0 : i32
    %c0_i32_1 = arith.constant 0 : i32
    return %c0_i32, %c0_i32_0 : i32, i32
  }
  func.func @transform_2(%arg0: i32) -> (i32, i32) {
    %c0_i32 = arith.constant 0 : i32
    %c0_i32_0 = arith.constant 0 : i32
    %c0_i32_1 = arith.constant 0 : i32
    return %c0_i32, %c0_i32_0 : i32, i32
  }
  func.func @transform_3(%arg0: i32) -> (i32, i32) {
    %c0_i32 = arith.constant 0 : i32
    %c0_i32_0 = arith.constant 0 : i32
    %c0_i32_1 = arith.constant 0 : i32
    return %c0_i32, %c0_i32_0 : i32, i32
  }
  func.func @transform_4(%arg0: i32) -> (i32, i32) {
    %c0_i32 = arith.constant 0 : i32
    %c0_i32_0 = arith.constant 0 : i32
    %c0_i32_1 = arith.constant 0 : i32
    return %c0_i32, %c0_i32_0 : i32, i32
  }
  func.func @transform_5(%arg0: i32) -> (i32, i32) {
    %c0_i32 = arith.constant 0 : i32
    %c0_i32_0 = arith.constant 0 : i32
    return %arg0, %c0_i32 : i32, i32
  }
}

module attributes {stable_mosaic.version = 14 : i64} {
  func.func @_edge_body(%arg0: i32, %arg1: memref<512x1xf32, #tpu.memory_space<vmem>>, %arg2: memref<512x128xf32, #tpu.memory_space<vmem>>, %arg3: memref<50x128xf32, #tpu.memory_space<vmem>>, %arg4: memref<1x128xf32, #tpu.memory_space<vmem>>, %arg5: memref<128x128xf32, #tpu.memory_space<vmem>>, %arg6: memref<1x128xf32, #tpu.memory_space<vmem>>, %arg7: memref<128x128xf32, #tpu.memory_space<vmem>>, %arg8: memref<1x128xf32, #tpu.memory_space<vmem>>, %arg9: memref<128x128xf32, #tpu.memory_space<vmem>>, %arg10: memref<1x128xf32, #tpu.memory_space<vmem>>, %arg11: memref<512x128xf32, #tpu.memory_space<vmem>>, %arg12: memref<512x128xf32, #tpu.memory_space<vmem>>) attributes {dimension_semantics = [#tpu.dimension_semantics<arbitrary>], iteration_bounds = array<i64: 313>, scalar_prefetch = 0 : i64, scratch_operands = 0 : i64, tpu.core_type = #tpu.core_type<tc>, window_params = [{transform_indices = @transform_0, window_bounds = array<i64: 512, 1>}, {transform_indices = @transform_1, window_bounds = array<i64: 512, 128>}, {pipeline_mode = #tpu.pipeline_mode<synchronous>, transform_indices = @transform_2, window_bounds = array<i64: 50, 128>}, {pipeline_mode = #tpu.pipeline_mode<synchronous>, transform_indices = @transform_3, window_bounds = array<i64: 1, 128>}, {pipeline_mode = #tpu.pipeline_mode<synchronous>, transform_indices = @transform_4, window_bounds = array<i64: 128, 128>}, {pipeline_mode = #tpu.pipeline_mode<synchronous>, transform_indices = @transform_5, window_bounds = array<i64: 1, 128>}, {pipeline_mode = #tpu.pipeline_mode<synchronous>, transform_indices = @transform_6, window_bounds = array<i64: 128, 128>}, {pipeline_mode = #tpu.pipeline_mode<synchronous>, transform_indices = @transform_7, window_bounds = array<i64: 1, 128>}, {pipeline_mode = #tpu.pipeline_mode<synchronous>, transform_indices = @transform_8, window_bounds = array<i64: 128, 128>}, {pipeline_mode = #tpu.pipeline_mode<synchronous>, transform_indices = @transform_9, window_bounds = array<i64: 1, 128>}, {transform_indices = @transform_10, window_bounds = array<i64: 512, 128>}, {transform_indices = @transform_11, window_bounds = array<i64: 512, 128>}]} {
    %get3A = arith.constant 0 : index
    %get3A_0 = arith.constant 0 : index
    %get3A_1 = vector.load %arg1[%get3A, %get3A_0] : memref<512x1xf32, #tpu.memory_space<vmem>>, vector<512x1xf32>
    %iota3A = tpu.iota {dimensions = array<i32: 1>} : vector<1x50xi32>
    %convert_element_type3A = arith.sitofp %iota3A : vector<1x50xi32> to vector<1x50xf32>
    %mul3A = arith.constant 0.10204082 : f32
    %mul3A_2 = vector.broadcast %mul3A : f32 to vector<1x50xf32>
    %mul3A_3 = arith.mulf %convert_element_type3A, %mul3A_2 : vector<1x50xf32>
    %sub3A = vector.broadcast %get3A_1 : vector<512x1xf32> to vector<512x50xf32>
    %sub3A_4 = vector.broadcast %mul3A_3 : vector<1x50xf32> to vector<512x50xf32>
    %sub3A_5 = arith.subf %sub3A, %sub3A_4 : vector<512x50xf32>
    %square3A = arith.mulf %sub3A_5, %sub3A_5 : vector<512x50xf32>
    %mul3A_6 = arith.constant -4.802000e+01 : f32
    %mul3A_7 = vector.broadcast %mul3A_6 : f32 to vector<512x50xf32>
    %mul3A_8 = arith.mulf %mul3A_7, %square3A : vector<512x50xf32>
    %exp3A = math.exp %mul3A_8 : vector<512x50xf32>
    %convert_element_type3A_9 = arith.truncf %exp3A : vector<512x50xf32> to vector<512x50xbf16>
    %get3A_10 = arith.constant 0 : index
    %get3A_11 = arith.constant 0 : index
    %get3A_12 = vector.load %arg3[%get3A_10, %get3A_11] : memref<50x128xf32, #tpu.memory_space<vmem>>, vector<50x128xf32>
    %convert_element_type3A_13 = arith.truncf %get3A_12 : vector<50x128xf32> to vector<50x128xbf16>
    %dot_general3A = arith.constant dense<0.000000e+00> : vector<512x128xf32>
    %dot_general3A_14 = tpu.matmul %convert_element_type3A_9, %convert_element_type3A_13, %dot_general3A {dimension_numbers = #tpu.dot_dimension_numbers<[1], [0], [0], [1], [0, 0, 1, 1], [], []>, transpose_lhs_hint = false} : vector<512x50xbf16>, vector<50x128xbf16>, vector<512x128xf32> -> vector<512x128xf32>
    %get3A_15 = arith.constant 0 : index
    %get3A_16 = arith.constant 0 : index
    %get3A_17 = vector.load %arg4[%get3A_15, %get3A_16] : memref<1x128xf32, #tpu.memory_space<vmem>>, vector<1x128xf32>
    %add3A = vector.broadcast %get3A_17 : vector<1x128xf32> to vector<512x128xf32>
    %add3A_18 = arith.addf %dot_general3A_14, %add3A : vector<512x128xf32>
    %max3A = arith.constant 0.000000e+00 : f32
    %max3A_19 = vector.broadcast %max3A : f32 to vector<512x128xf32>
    %max3A_20 = arith.maximumf %add3A_18, %max3A_19 : vector<512x128xf32>
    %abs3A = math.absf %add3A_18 : vector<512x128xf32>
    %neg3A = arith.constant 0.000000e+00 : f32
    %neg3A_21 = vector.broadcast %neg3A : f32 to vector<512x128xf32>
    %neg3A_22 = arith.subf %neg3A_21, %abs3A : vector<512x128xf32>
    %exp3A_23 = math.exp %neg3A_22 : vector<512x128xf32>
    %log1p3A = math.log1p %exp3A_23 : vector<512x128xf32>
    %add3A_24 = arith.addf %max3A_20, %log1p3A : vector<512x128xf32>
    %sub3A_25 = arith.constant 0.693147182 : f32
    %sub3A_26 = vector.broadcast %sub3A_25 : f32 to vector<512x128xf32>
    %sub3A_27 = arith.subf %add3A_24, %sub3A_26 : vector<512x128xf32>
    %convert_element_type3A_28 = arith.truncf %sub3A_27 : vector<512x128xf32> to vector<512x128xbf16>
    %get3A_29 = arith.constant 0 : index
    %get3A_30 = arith.constant 0 : index
    %get3A_31 = vector.load %arg5[%get3A_29, %get3A_30] : memref<128x128xf32, #tpu.memory_space<vmem>>, vector<128x128xf32>
    %convert_element_type3A_32 = arith.truncf %get3A_31 : vector<128x128xf32> to vector<128x128xbf16>
    %dot_general3A_33 = arith.constant dense<0.000000e+00> : vector<512x128xf32>
    %dot_general3A_34 = tpu.matmul %convert_element_type3A_28, %convert_element_type3A_32, %dot_general3A_33 {dimension_numbers = #tpu.dot_dimension_numbers<[1], [0], [0], [1], [0, 0, 1, 1], [], []>, transpose_lhs_hint = false} : vector<512x128xbf16>, vector<128x128xbf16>, vector<512x128xf32> -> vector<512x128xf32>
    %get3A_35 = arith.constant 0 : index
    %get3A_36 = arith.constant 0 : index
    %get3A_37 = vector.load %arg6[%get3A_35, %get3A_36] : memref<1x128xf32, #tpu.memory_space<vmem>>, vector<1x128xf32>
    %add3A_38 = vector.broadcast %get3A_37 : vector<1x128xf32> to vector<512x128xf32>
    %add3A_39 = arith.addf %dot_general3A_34, %add3A_38 : vector<512x128xf32>
    %get3A_40 = arith.constant 0 : index
    %get3A_41 = arith.constant 0 : index
    %get3A_42 = vector.load %arg2[%get3A_40, %get3A_41] : memref<512x128xf32, #tpu.memory_space<vmem>>, vector<512x128xf32>
    %mul3A_43 = arith.mulf %get3A_42, %add3A_39 : vector<512x128xf32>
    %convert_element_type3A_44 = arith.truncf %mul3A_43 : vector<512x128xf32> to vector<512x128xbf16>
    %get3A_45 = arith.constant 0 : index
    %get3A_46 = arith.constant 0 : index
    %get3A_47 = vector.load %arg7[%get3A_45, %get3A_46] : memref<128x128xf32, #tpu.memory_space<vmem>>, vector<128x128xf32>
    %convert_element_type3A_48 = arith.truncf %get3A_47 : vector<128x128xf32> to vector<128x128xbf16>
    %dot_general3A_49 = arith.constant dense<0.000000e+00> : vector<512x128xf32>
    %dot_general3A_50 = tpu.matmul %convert_element_type3A_44, %convert_element_type3A_48, %dot_general3A_49 {dimension_numbers = #tpu.dot_dimension_numbers<[1], [0], [0], [1], [0, 0, 1, 1], [], []>, transpose_lhs_hint = false} : vector<512x128xbf16>, vector<128x128xbf16>, vector<512x128xf32> -> vector<512x128xf32>
    %get3A_51 = arith.constant 0 : index
    %get3A_52 = arith.constant 0 : index
    %get3A_53 = vector.load %arg8[%get3A_51, %get3A_52] : memref<1x128xf32, #tpu.memory_space<vmem>>, vector<1x128xf32>
    %add3A_54 = vector.broadcast %get3A_53 : vector<1x128xf32> to vector<512x128xf32>
    %add3A_55 = arith.addf %dot_general3A_50, %add3A_54 : vector<512x128xf32>
    %swap3A = arith.constant 0 : index
    %swap3A_56 = arith.constant 0 : index
    %swap3A_57 = vector.load %arg11[%swap3A, %swap3A_56] : memref<512x128xf32, #tpu.memory_space<vmem>>, vector<512x128xf32>
    tpu.vector_store %arg11[%swap3A, %swap3A_56], %add3A_55 {strides = array<i32>} : memref<512x128xf32, #tpu.memory_space<vmem>>, vector<512x128xf32>,
    %get3A_58 = arith.constant 0 : index
    %get3A_59 = arith.constant 0 : index
    %get3A_60 = vector.load %arg9[%get3A_58, %get3A_59] : memref<128x128xf32, #tpu.memory_space<vmem>>, vector<128x128xf32>
    %convert_element_type3A_61 = arith.truncf %get3A_60 : vector<128x128xf32> to vector<128x128xbf16>
    %dot_general3A_62 = arith.constant dense<0.000000e+00> : vector<512x128xf32>
    %dot_general3A_63 = tpu.matmul %convert_element_type3A_44, %convert_element_type3A_61, %dot_general3A_62 {dimension_numbers = #tpu.dot_dimension_numbers<[1], [0], [0], [1], [0, 0, 1, 1], [], []>, transpose_lhs_hint = false} : vector<512x128xbf16>, vector<128x128xbf16>, vector<512x128xf32> -> vector<512x128xf32>
    %get3A_64 = arith.constant 0 : index
    %get3A_65 = arith.constant 0 : index
    %get3A_66 = vector.load %arg10[%get3A_64, %get3A_65] : memref<1x128xf32, #tpu.memory_space<vmem>>, vector<1x128xf32>
    %add3A_67 = vector.broadcast %get3A_66 : vector<1x128xf32> to vector<512x128xf32>
    %add3A_68 = arith.addf %dot_general3A_63, %add3A_67 : vector<512x128xf32>
    %swap3A_69 = arith.constant 0 : index
    %swap3A_70 = arith.constant 0 : index
    %swap3A_71 = vector.load %arg12[%swap3A_69, %swap3A_70] : memref<512x128xf32, #tpu.memory_space<vmem>>, vector<512x128xf32>
    tpu.vector_store %arg12[%swap3A_69, %swap3A_70], %add3A_68 {strides = array<i32>} : memref<512x128xf32, #tpu.memory_space<vmem>>, vector<512x128xf32>,
    return
  }
  func.func @transform_0(%arg0: i32) -> (i32, i32) {
    %c0_i32 = arith.constant 0 : i32
    %c0_i32_0 = arith.constant 0 : i32
    return %arg0, %c0_i32 : i32, i32
  }
  func.func @transform_1(%arg0: i32) -> (i32, i32) {
    %c0_i32 = arith.constant 0 : i32
    %c0_i32_0 = arith.constant 0 : i32
    return %arg0, %c0_i32 : i32, i32
  }
  func.func @transform_2(%arg0: i32) -> (i32, i32) {
    %c0_i32 = arith.constant 0 : i32
    %c0_i32_0 = arith.constant 0 : i32
    %c0_i32_1 = arith.constant 0 : i32
    return %c0_i32, %c0_i32_0 : i32, i32
  }
  func.func @transform_3(%arg0: i32) -> (i32, i32) {
    %c0_i32 = arith.constant 0 : i32
    %c0_i32_0 = arith.constant 0 : i32
    %c0_i32_1 = arith.constant 0 : i32
    return %c0_i32, %c0_i32_0 : i32, i32
  }
  func.func @transform_4(%arg0: i32) -> (i32, i32) {
    %c0_i32 = arith.constant 0 : i32
    %c0_i32_0 = arith.constant 0 : i32
    %c0_i32_1 = arith.constant 0 : i32
    return %c0_i32, %c0_i32_0 : i32, i32
  }
  func.func @transform_5(%arg0: i32) -> (i32, i32) {
    %c0_i32 = arith.constant 0 : i32
    %c0_i32_0 = arith.constant 0 : i32
    %c0_i32_1 = arith.constant 0 : i32
    return %c0_i32, %c0_i32_0 : i32, i32
  }
  func.func @transform_6(%arg0: i32) -> (i32, i32) {
    %c0_i32 = arith.constant 0 : i32
    %c0_i32_0 = arith.constant 0 : i32
    %c0_i32_1 = arith.constant 0 : i32
    return %c0_i32, %c0_i32_0 : i32, i32
  }
  func.func @transform_7(%arg0: i32) -> (i32, i32) {
    %c0_i32 = arith.constant 0 : i32
    %c0_i32_0 = arith.constant 0 : i32
    %c0_i32_1 = arith.constant 0 : i32
    return %c0_i32, %c0_i32_0 : i32, i32
  }
  func.func @transform_8(%arg0: i32) -> (i32, i32) {
    %c0_i32 = arith.constant 0 : i32
    %c0_i32_0 = arith.constant 0 : i32
    %c0_i32_1 = arith.constant 0 : i32
    return %c0_i32, %c0_i32_0 : i32, i32
  }
  func.func @transform_9(%arg0: i32) -> (i32, i32) {
    %c0_i32 = arith.constant 0 : i32
    %c0_i32_0 = arith.constant 0 : i32
    %c0_i32_1 = arith.constant 0 : i32
    return %c0_i32, %c0_i32_0 : i32, i32
  }
  func.func @transform_10(%arg0: i32) -> (i32, i32) {
    %c0_i32 = arith.constant 0 : i32
    %c0_i32_0 = arith.constant 0 : i32
    return %arg0, %c0_i32 : i32, i32
  }
  func.func @transform_11(%arg0: i32) -> (i32, i32) {
    %c0_i32 = arith.constant 0 : i32
    %c0_i32_0 = arith.constant 0 : i32
    return %arg0, %c0_i32 : i32, i32
  }
}

</mosaic_0001>

<sc_bundles>
// kernel: kernel.10.cloned.1.call-start
scs
__scs_entry_jumppad:
0x0: {  	(pc) =	sbr.rel $0x88, $3  }
0x1: {  	(tag) =	ssettag $0x0;
	lr =	simm.s32 $0x1  }
0x2: {  	[smem:$0x3F90] =	sst lr;
	_ =	strace $0xD0000000  }
0x3: {  	_ = 	snop  }
0x4: {  	_ = 	snop  }
0x5: {  	_ = 	snop  }
0x6: {  	_ = 	snop  }
0x7: {  	_ = 	snop  }
__scs_overlays_trampoline_lowered:
0x8: {  	[smem:$0x3F9F] =	sst s0  }
0x9: {  	[smem:$0x3FA0] =	sst s1  }
0xa: {  	[smem:$0x3FA1] =	sst s2  }
0xb: {  	[smem:$0x3FA2] =	sst s3  }
0xc: {  	[smem:$0x3FA3] =	sst s4  }
0xd: {  	[smem:$0x3FA4] =	sst s5  }
0xe: {  	[smem:$0x3FA5] =	sst s6  }
0xf: {  	[smem:$0x3FA6] =	sst s7  }
0x10: {  	[smem:$0x3FA7] =	sst s8  }
0x11: {  	[smem:$0x3FA8] =	sst s9;
	s0 =	simm.s32 @!p0 $0x0  }
0x12: {  	s1 =	sld [smem:$0x3F8E];
	s0 =	simm.s32 @p0 $0x1  }
0x13: {  	[smem:$0x3FA9] =	sst s0;
	s0 =	simm.s32 @!p1 $0x0  }
0x14: {  	s2 =	sld [smem:$0x3F8D];
	s0 =	simm.s32 @p1 $0x1  }
0x15: {  	[smem:$0x3FAA] =	sst s0;
	s0 =	simm.s32 @!p2 $0x0  }
0x16: {  	s3 =	sld [smem:$0x3FDB];
	s0 =	simm.s32 @p2 $0x1  }
0x17: {  	s4 =	simm.s32 $0x1BF5;
	[smem:$0x3FAC] =	sst s0  }
0x18: {  	s0 =	sld [smem:$0x3F8F];
	_ =	swait.ge [sflag:s4], $0x0  }
0x19: {  	s7 =	sld [smem:$0x3F90]  }
0x1a: {  	s8 =	sadd.s32 $0xFFFFE003, lr  }
0x1b: {  	s9 =	sadd.s32 $0xFFFFFEF7, lr;
	s5 =	simm.s32 $0xFFFFFFFF;
	p2 =	slt.u32 s8, $0xFFFFF086  }
0x1c: {  	p1 =	slt.u32 s9, $0xF7A;
	s5 =	simm.s32 @!p2 $0x0  }
0x1d: {  	s5 =	simm.s32 @p1 $0x1;
	p0 =	seq.s32 s7, s2  }
0x1e: {  	s7 =	smul.u32 @!p0 $0xF7A, s2;
	p2 =	seq.s32 @!p0 s5, $0x0  }
0x1f: {  	s9 =	smul.u32 $0xF7A, s1;
	s8 =	simm.s32 @!p0 $0x1BF5;
	p2 =	por !p2, p0  }
0x20: {  	[sflag:s8] =	ssyncset.s32 @!p0 $0xFFFFF086;
	s6 =	sadd.s32 @!p0 s3, s7;
	s7 =	simm.s32 @!p0 $0x108  }
0x21: {  	s3 =	sadd.s32 s3, s9;
	s6 =	sadd.s32 @!p0 $0x88, s6;
	s7 =	simm.s32 @p2 $0x1082  }
0x22: {  	[simem:s7], [sflag:s8] =	dma.local @!p0 [hbm:s6], $0xF7A  }
0x23: {  	s9 =	sor.u32 $0xD0000000, s2;
	s6 =	simm.s32 $0x108;
	_ =	swait.ge @!p0 [sflag:s8], $0x0  }
0x24: {  	s3 =	sadd.s32 $0x88, s3;
	s6 =	simm.s32 @!p1 $0x1082;
	[sflag:s4] =	ssyncset.s32 $0xFFFFF086  }
0x25: {  	[simem:s6], [sflag:s4] =	dma.local [hbm:s3], $0xF7A  }
0x26: {  	[smem:$0x3F90] =	sst s1;
	(tag) =	ssettag s2;
	_ =	strace s9  }
0x27: {  	s1 =	sld [smem:$0x3FA0]  }
0x28: {  	s2 =	sld [smem:$0x3FA1]  }
0x29: {  	s4 =	sld [smem:$0x3FA3]  }
0x2a: {  	p0 =	seq.s32 s5, $0x0;
	s5 =	sld [smem:$0x3FA4]  }
0x2b: {  	s6 =	sld [smem:$0x3FA5]  }
0x2c: {  	s7 =	sld [smem:$0x3FA6]  }
0x2d: {  	s3 =	simm.s32 $0x108;
	s8 =	sld [smem:$0x3FA7]  }
0x2e: {  	s3 =	simm.s32 @!p0 $0x1082;
	s9 =	sld [smem:$0x3FA8]  }
0x2f: {  	lr =	sadd.s32 s0, s3;
	s0 =	sld [smem:$0x3F9F]  }
0x30: {  	s3 =	sld [smem:$0x3FA2]  }
0x31: {  	[smem:$0x3FAB] =	sst s10  }
0x32: {  	s10 =	sld [smem:$0x3FA9];
	_ =	sdelay $0x3  }
0x33: {  	p0 =	seq.s32 s10, $0x1;
	s10 =	sld [smem:$0x3FAB];
	_ =	sdelay $0x3  }
0x34: {  	[smem:$0x3FAB] =	sst s10  }
0x35: {  	s10 =	sld [smem:$0x3FAA];
	_ =	sdelay $0x3  }
0x36: {  	p1 =	seq.s32 s10, $0x1;
	s10 =	sld [smem:$0x3FAB];
	_ =	sdelay $0x3  }
0x37: {  	[smem:$0x3FAB] =	sst s10  }
0x38: {  	s10 =	sld [smem:$0x3FAC]  }
0x39: {  	_ = 	snop;
	(pc) =	sbr.ind lr, $3  }
0x3a: {  	_ = 	snop  }
0x3b: {  	_ = 	snop  }
0x3c: {  	p2 =	seq.s32 s10, $0x1;
	s10 =	sld [smem:$0x3FAB]  }
0x3d: {  	_ =	shalt  }
0x3e: {  	_ =	shalt  }
0x3f: {  	_ =	shalt  }
0x40: {  	_ =	shalt  }
0x41: {  	_ =	shalt  }
0x42: {  	_ =	shalt  }
0x43: {  	_ =	shalt  }
0x44: {  	_ =	shalt  }
0x45: {  	_ =	shalt  }
0x46: {  	_ =	shalt  }
0x47: {  	_ =	shalt  }
0x48: {  	_ =	shalt  }
0x49: {  	_ =	shalt  }
0x4a: {  	_ =	shalt  }
0x4b: {  	_ =	shalt  }
0x4c: {  	_ =	shalt  }
0x4d: {  	_ =	shalt  }
0x4e: {  	_ =	shalt  }
0x4f: {  	_ =	shalt  }
0x50: {  	_ =	shalt  }
0x51: {  	_ =	shalt  }
0x52: {  	_ =	shalt  }
0x53: {  	_ =	shalt  }
0x54: {  	_ =	shalt  }
0x55: {  	_ =	shalt  }
0x56: {  	_ =	shalt  }
0x57: {  	_ =	shalt  }
0x58: {  	_ =	shalt  }
0x59: {  	_ =	shalt  }
0x5a: {  	_ =	shalt  }
0x5b: {  	_ =	shalt  }
0x5c: {  	_ =	shalt  }
0x5d: {  	_ =	shalt  }
0x5e: {  	_ =	shalt  }
0x5f: {  	_ =	shalt  }
0x60: {  	_ =	shalt  }
0x61: {  	_ =	shalt  }
0x62: {  	_ =	shalt  }
0x63: {  	_ =	shalt  }
0x64: {  	_ =	shalt  }
0x65: {  	_ =	shalt  }
0x66: {  	_ =	shalt  }
0x67: {  	_ =	shalt  }
0x68: {  	_ =	shalt  }
0x69: {  	_ =	shalt  }
0x6a: {  	_ =	shalt  }
0x6b: {  	_ =	shalt  }
0x6c: {  	_ =	shalt  }
0x6d: {  	_ =	shalt  }
0x6e: {  	_ =	shalt  }
0x6f: {  	_ =	shalt  }
0x70: {  	_ =	shalt  }
0x71: {  	_ =	shalt  }
0x72: {  	_ =	shalt  }
0x73: {  	_ =	shalt  }
0x74: {  	_ =	shalt  }
0x75: {  	_ =	shalt  }
0x76: {  	_ =	shalt  }
0x77: {  	_ =	shalt  }
0x78: {  	_ =	shalt  }
0x79: {  	_ =	shalt  }
0x7a: {  	_ =	shalt  }
0x7b: {  	_ =	shalt  }
0x7c: {  	_ =	shalt  }
0x7d: {  	_ =	shalt  }
0x7e: {  	_ =	shalt  }
0x7f: {  	_ =	shalt  }
0x80: {  	_ =	shalt  }
0x81: {  	_ =	shalt  }
0x82: {  	_ =	shalt  }
0x83: {  	_ =	shalt  }
0x84: {  	_ =	shalt  }
0x85: {  	_ =	shalt  }
0x86: {  	_ =	shalt  }
0x87: {  	_ =	shalt  }
.Lfunc_end0:
.L_simem_size_0:
called_computation.1_lowered:
.L_overlay_start_0:
0x88: {  	s2 =	sld [smem:$0x3FD9]  }
0x89: {  	s3 =	sld [smem:$0x3FFE];
	_ =	sdelay $0x1  }
0x8a: {  	s1 =	srdreg.scid  }
0x8b: {  	s0 =	sand.u32 $0x1, s1  }
0x8c: {  	s14 =	sshll.u32 s0, $0xA;
	s2 =	sadd.s32 s3, s2  }
0x8d: {  	s2 =	sadd.s32 s2, s14  }
0x8e: {  	[smem:$0x3FB7] =	sst s2  }
0x8f: {  	_ = 	snop  }
0x90: {  	s2 =	sld [smem:$0x3FD0];
	_ =	sdelay $0x2  }
0x91: {  	s4 =	simm.s32 $0xB;
	s5 =	simm.s32 $0x10;
	s15 =	sld [smem:$0x3FC8]  }
0x92: {  	[smem:s5], [sflag:s4] =	dma.local [hbm:s2], $0x1  }
0x93: {  	_ =	swait.eq [sflag:s4], $0x1  }
0x94: {  	[sflag:s4] =	ssyncset.done $0x0  }
0x95: {  	[sflag:s4] =	ssyncadd.s32 $0xFFFFFFFF  }
0x96: {  	s16 =	sld [smem:$0x11];
	(tm) =	ssettm $0x1  }
0x97: {  	s17 =	sld [smem:$0x3FFB];
	_ =	sdelay $0x3  }
0x98: {  	_ =	strace s17  }
0x99: {  	s4 =	sld [smem:$0x3FFC];
	_ =	sdelay $0x3  }
0x9a: {  	_ =	strace s4  }
0x9b: {  	s4 =	sld [smem:$0x3FFD];
	_ =	sdelay $0x3  }
0x9c: {  	_ =	strace s4  }
0x9d: {  	_ =	strace $0x8FFFFFFF  }
0x9e: {  	s18 =	sld [smem:$0x3FDB];
	_ =	sdelay $0x1  }
0x9f: {  	s19 =	simm.s32 $_scs_section_size  }
0xa0: {  	s6 =	simm.s32 $_size__tile_overlayer_lowered;
	s7 =	simm.s32 $_tile_overlayer_lowered  }
0xa1: {  	s22 =	simm.s32 $0x1BFF;
	s21 =	sshll.u32 s7, $0x1;
	s4 =	sadd.s32 s19, s18  }
0xa2: {  	s8 =	simm.s32 $0x0;
	s20 =	sshll.u32 s6, $0x1;
	s6 =	sadd.s32 s21, s4  }
0xa3: {  	[timem:s8], [sflag:s22] =	dma.local [hbm:s6], s20  }
0xa4: {  	_ =	swait.ge [sflag:s22], s20  }
0xa5: {  	s5 =	ssub.s32 $0x0, s20;
	[sflag:s22] =	ssyncset.done $0x0  }
0xa6: {  	[sflag:s22] =	ssyncadd.s32 s5;
	_ =	sdelay $0x1  }
0xa7: {  	s23 =	simm.s32 $0x1B8B  }
0xa8: {  	_ =	swait.ge [sflag:s23], $0x1  }
0xa9: {  	[sflag:s23] =	ssyncset.done $0x0  }
0xaa: {  	s25 =	simm.s32 $0x1B8E;
	s24 =	sld [smem:$0x3FFE];
	[sflag:s23] =	ssyncadd.s32 $0xFFFFFFFF  }
0xab: {  	s26 =	simm.s32 $execute0_lowered;
	[smem:$0x3FD2] =	sst s25  }
0xac: {  	s6 =	sshll.u32 s26, $0x1;
	_ =	strace $0x80000049;
	[dreg:$0x1] =	wrdreg $0xFFFFFFFF  }
0xad: {  	s28 =	simm.s32 $_size_execute0_lowered;
	s4 =	sadd.s32 s4, s6;
	[dreg:$0x0] =	wrdreg $0x0  }
0xae: {  	s6 =	sshll.u32 s28, $0x1;
	[dreg:$0x2] =	wrdreg s4  }
0xaf: {  	[dreg:$0x3] =	wrdreg s6  }
0xb0: {  	[dreg:$0x4] =	wrdreg $0xC0  }
0xb1: {  	_ =	task [dreg:s8], $0x5FFFF  }
0xb2: {  	[dreg:$0x1] =	wrdreg $0xFFFFFFFF  }
0xb3: {  	[dreg:$0x0] =	wrdreg $0x60  }
0xb4: {  	[dreg:$0x2] =	wrdreg s15  }
0xb5: {  	[dreg:$0x3] =	wrdreg s24  }
0xb6: {  	[dreg:$0x4] =	wrdreg s16  }
0xb7: {  	[dreg:$0x5] =	wrdreg $0x0  }
0xb8: {  	[dreg:$0x6] =	wrdreg $0x9  }
0xb9: {  	_ =	task.clear_ibuf [dreg:s8], $0x7FFFF;
	_ =	strace $0x90000049  }
0xba: {  	s29 =	simm.s32 $0x9;
	_ =	strace $0x8000004B  }
0xbb: {  	_ =	swait.ge [sflag:s29], $0x1  }
0xbc: {  	[sflag:s29] =	ssyncadd.s32 $0xFFFFFFFF  }
0xbd: {  	_ =	strace $0x9000004B  }
0xbe: {  	_ =	sfence  }
0xbf: {  	s30 =	sld [smem:$0x0];
	_ =	sdelay $0x2  }
0xc0: {  	s31 =	sshll.u32 s1, $0xD;
	s1 =	sshrl.u32 s1, $0x2  }
0xc1: {  	s3 =	sand.u32 $0x4000, s31;
	s1 =	sadd.s32 s1, s30  }
0xc2: {  	s0 =	sor.u32 s3, s0;
	s1 =	sshll.u32 s1, $0x11  }
0xc3: {  	s0 =	sor.u32 s1, s0  }
0xc4: {  	s0 =	sadd.s32 $0x8F2B, s0  }
0xc5: {  	[sflag:s0] =	ssyncadd.remote.s32 $0x1  }
0xc6: {  	_ =	sfence.sel $0xFFFF  }
0xc7: {  	[dreg:$0x0] =	wrdreg $0xFFFFFFFF;
	(pc) =	sbr.abs _section_cstart, $3  }
0xc8: {  	[dreg:$0x1] =	wrdreg $0xFFFFFFFF  }
0xc9: {  	_ =	task.clear_ibuf [dreg:s8], $0x2FFFF;
	_ =	strace $0x9FFFFFFF  }
0xca: {  	(tm) =	ssettm $0x7FFFFFFF  }
0xcb: {  	_ =	shalt  }
tec
execute0_lowered:
.L_overlay_start_1:
0x0: {  	(tag) =	ssettag $0x1  }
0x1: {  	s1 =	rddreg [dreg:$0x0]  }
0x2: {  	s0 =	rddreg [dreg:$0x1]  }
0x3: {  	s2 =	rddreg [dreg:$0x2]  }
0x4: {  	s3 =	rddreg [dreg:$0x3];
	s4 =	simm.s32 $0x0;
	s21 =	srdreg.scid  }
0x5: {  	s5 =	stileid.u32;
	[smem:$0x7FF] =	sst s4;
	s6 =	sadd.s32 $0x4EEC00, s0  }
0x6: {  	s11 =	sand.u32 $0x1, s21;
	s7 =	sadd.s32 $0x75FC00, s0;
	s10 =	smul.u32 $0x4E000, s5  }
0x7: {  	s8 =	sadd.s32 $0x7C00, s0;
	s13 =	smul.u32 $0x270, s5;
	s9 =	sadd.s32 $0x2C00, s0  }
0x8: {  	s0 =	sadd.s32 $0xCC00, s0;
	s23 =	sshll.u32 s5, $0x6;
	s25 =	sshll.u32 s5, $0x2  }
0x9: {  	s28 =	sshll.u32 s5, $0x9;
	s17 =	sor.u32 $0x10, s5;
	p0 =	sne.s32 s5, $0xF  }
0xa: {  	s29 =	sor.u32 $0x20, s5;
	s30 =	sor.u32 $0x30, s5;
	s4 =	smul.u32 $0x2710, s11  }
0xb: {  	_ =	strace $0x8000004A;
	s12 =	ssub.s32 $0x2, s11;
	s15 =	smul.u32 $0x138800, s11  }
0xc: {  	s21 =	sor.u32 $0x1C07, s23;
	s26 =	sadd.s32 s8, s25;
	s31 =	sadd.s32 s6, s28  }
0xd: {  	s18 =	sshll.u32 s17, $0x2;
	s19 =	sadd.s32 s7, s28;
	[dreg:$0x9] =	wrdreg s26  }
0xe: {  	s20 =	sadd.s32 s2, s23;
	s23 =	sshll.u32 s17, $0x9;
	[dreg:$0xb] =	wrdreg s31  }
0xf: {  	s14 =	sshrl.u32 s12, $0x1;
	s10 =	sshrl.u32 s10, $0x2;
	[dreg:$0xe] =	wrdreg s19  }
0x10: {  	[dreg:$0xf] =	wrdreg s20;
	s31 =	sadd.s32 $0x138000, s3;
	s19 =	simm.s32 $0x17D00  }
0x11: {  	s20 =	simm.s32 $0x1AF80;
	[dreg:$0x7] =	wrdreg s21;
	s13 =	sadd.s32 s13, s4  }
0x12: {  	s12 =	ssub.s32 s12, s14;
	s10 =	sadd.s32 s10, s3;
	[dreg:$0x16] =	wrdreg s31  }
0x13: {  	s24 =	sshrl.u32 s15, $0x3;
	s15 =	sadd.s32 s9, s25;
	[dreg:$0x5] =	wrdreg s10  }
0x14: {  	s25 =	sadd.s32 s6, s23;
	s22 =	sshll.u32 s13, $0x4;
	[dreg:$0xa] =	wrdreg s15  }
0x15: {  	s14 =	sadd.s32 $0x27000, s24;
	[dreg:$0x12] =	wrdreg s25;
	s28 =	smax.u32 s12, $0x1  }
0x16: {  	s24 =	sshll.u32 s17, $0x6;
	s13 =	sadd.s32 s1, s22;
	[dreg:$0x15] =	wrdreg s28  }
0x17: {  	s12 =	simm.s32 $0x7;
	s16 =	sadd.s32 s1, s14;
	[dreg:$0x6] =	wrdreg s13  }
0x18: {  	s17 =	simm.s32 $0x19F80;
	s10 =	sadd.s32 s0, s22;
	[dreg:$0x8] =	wrdreg s16  }
0x19: {  	s0 =	sadd.s32 s0, s14;
	s22 =	sadd.s32 s8, s18;
	[dreg:$0xc] =	wrdreg s10  }
.Ltmp0:
0x1a: {  	s26 =	sadd.s32 s2, s24;
	[dreg:$0xd] =	wrdreg s0;
	(pc) =	sbr.rel .LBB2_1-.Ltmp0, $4  }
0x1b: {  	s14 =	simm.s32 $0x0;
	[dreg:$0x10] =	wrdreg s22;
	s0 =	sadd.s32 s9, s18  }
0x1c: {  	[dreg:$0x14] =	wrdreg s26;
	s10 =	simm.s32 $0x17C80;
	s13 =	simm.s32 $0x3  }
0x1d: {  	v1 =	vmov s11;
	s16 =	simm.s32 $0x2;
	[dreg:$0x11] =	wrdreg s0;
	s0 =	sadd.s32 s7, s23  }
0x1e: {  	v1 =	vbroadcast v1, $0x0;
	v0 =	vmov s4;
	s18 =	simm.s32 $0x5;
	[dreg:$0x13] =	wrdreg s0;
	s0 =	simm.s32 $0x20  }
.LBB2_11:
0x1f: {  	s4 =	simm.s32 $0x4  }
0x20: {  	_ =	swait.ge [sflag:s4], $0x1000  }
0x21: {  	[sflag:s4] =	ssyncset.done $0x0  }
0x22: {  	s26 =	simm.s32 $0x6;
	[sflag:s4] =	ssyncadd.s32 $0xFFFFF000  }
0x23: {  	_ =	swait.ge [sflag:s26], $0x1000  }
0x24: {  	[sflag:s26] =	ssyncset.done $0x0  }
0x25: {  	[sflag:s26] =	ssyncadd.s32 $0xFFFFF000  }
0x26: {  	[bflag:$0x0] =	sbarrier.arrive $0xFFFF  }
0x27: {  	s21 =	rddreg [dreg:$0x7]  }
0x28: {  	s28 =	rddreg [dreg:$0xc]  }
0x29: {  	s12 =	simm.s32 $0x7;
	s11 =	rddreg [dreg:$0x18]  }
0x2a: {  	[hbm:s28], [sflag:s21] =	dma.local [spmem:s11], $0x2700  }
0x2b: {  	_ =	swait.ge [sflag:s12], $0x2700  }
0x2c: {  	[sflag:s12] =	ssyncset.done $0x0;
	s4 =	rddreg [dreg:$0xd]  }
0x2d: {  	s11 =	rddreg [dreg:$0x19];
	[sflag:s12] =	ssyncadd.s32 $0xFFFFD900  }
0x2e: {  	[hbm:s4], [sflag:s21] =	dma.local @!p0 [spmem:s11], $0x100  }
0x2f: {  	s4 =	simm.s32 @!p0 $0x7  }
0x30: {  	_ =	swait.ge @!p0 [sflag:s4], $0x100  }
0x31: {  	s14 =	rddreg [dreg:$0x17]  }
0x32: {  	s31 =	rddreg [dreg:$0x15];
	s14 =	sadd.s32 $0x1, s14  }
0x33: {  	p1 =	sne.s32 s14, s31  }
.Ltmp1:
0x34: {  	_ = 	snop;
	(pc) =	sbr.rel @!p1 .LBB2_12-.Ltmp1, $3  }
0x35: {  	_ =	sdelay $0x1  }
0x36: {  	[sflag:s4] =	ssyncset.done @!p0 $0x0  }
0x37: {  	[sflag:s4] =	ssyncadd.s32 @!p0 $0xFFFFFF00  }
.LBB2_1:
0x38: {  	[dreg:$0x17] =	wrdreg s14  }
0x39: {  	s4 =	rddreg [dreg:$0x5]  }
0x3a: {  	s31 =	rddreg [dreg:$0x6];
	s11 =	sshrl.u32 s4, $0x3  }
0x3b: {  	[dreg:$0x18] =	wrdreg s11  }
0x3c: {  	[spmem:s11], [sflag:s21] =	dma.local [hbm:s31], $0x2700  }
0x3d: {  	_ =	swait.ge [sflag:s12], $0x2700  }
0x3e: {  	s4 =	rddreg [dreg:$0x16]  }
0x3f: {  	[sflag:s12] =	ssyncset.done $0x0;
	s11 =	sshrl.u32 @!p0 s4, $0x3;
	s4 =	rddreg [dreg:$0x8]  }
0x40: {  	[sflag:s12] =	ssyncadd.s32 $0xFFFFD900;
	[dreg:$0x19] =	wrdreg s11  }
0x41: {  	[spmem:s11], [sflag:s21] =	dma.local @!p0 [hbm:s4], $0x100  }
0x42: {  	s4 =	simm.s32 @!p0 $0x7  }
0x43: {  	_ =	swait.ge @!p0 [sflag:s4], $0x100  }
0x44: {  	[sflag:s4] =	ssyncset.done @!p0 $0x0  }
0x45: {  	[sflag:s4] =	ssyncadd.s32 @!p0 $0xFFFFFF00  }
0x46: {  	[bflag:$0x0] =	sbarrier.arrive $0xFFFF  }
0x47: {  	s14 =	simm.s32 $0x13880;
	s4 =	simm.s32 $0x0;
	s12 =	rddreg [dreg:$0x9]  }
0x48: {  	[tilespmem:s14], [sflag:$0x1] =	stream.linear.gather [hbm4b:s12+s4], $0x20, $0x38;
	[tilespmem:$0x1BF80] =	vst v63  }
0x49: {  	s15 =	rddreg [dreg:$0xa];
	s12 =	simm.s32 $0x13900  }
0x4a: {  	[tilespmem:s12], [sflag:$0x1] =	stream.linear.gather [hbm4b:s15+s4], $0x20, $0x38;
	[tilespmem:$0x1BF80] =	vst v63  }
0x4b: {  	s22 =	simm.s32 $0x13A00;
	s21 =	rddreg [dreg:$0xb]  }
0x4c: {  	[tilespmem:s22], [sflag:$0x1] =	stream.linear.gather [hbm4b:s21+s4], $0x1000, $0x38;
	[tilespmem:$0x1BF80] =	vst v63  }
0x4d: {  	s24 =	simm.s32 $0x14A00;
	s23 =	rddreg [dreg:$0xe]  }
0x4e: {  	[tilespmem:s24], [sflag:$0x1] =	stream.linear.gather [hbm4b:s23+s4], $0x1000, $0x38;
	[tilespmem:$0x1BF80] =	vst v63  }
0x4f: {  	s26 =	simm.s32 $0x15A00;
	s25 =	rddreg [dreg:$0xf]  }
0x50: {  	[tilespmem:s26], [sflag:$0x1] =	stream.linear.gather [hbm4b:s25+s4], $0x200, $0x38;
	[tilespmem:$0x1BF80] =	vst v63  }
0x51: {  	s31 =	simm.s32 $0x17C00;
	s28 =	rddreg [dreg:$0x10]  }
0x52: {  	[tilespmem:s31], [sflag:$0x2] =	stream.linear.gather [hbm4b:s28+s4], $0x20, $0x38;
	[tilespmem:$0x1BF80] =	vst v63  }
0x53: {  	s15 =	rddreg [dreg:$0x11]  }
0x54: {  	[tilespmem:s10], [sflag:$0x2] =	stream.linear.gather [hbm4b:s15+s4], $0x20, $0x38;
	[tilespmem:$0x1BF80] =	vst v63  }
0x55: {  	s21 =	rddreg [dreg:$0x12];
	s22 =	simm.s32 $0x17D80  }
0x56: {  	[tilespmem:s22], [sflag:$0x2] =	stream.linear.gather [hbm4b:s21+s4], $0x1000, $0x38;
	[tilespmem:$0x1BF80] =	vst v63  }
0x57: {  	s23 =	rddreg [dreg:$0x13];
	s24 =	simm.s32 $0x18D80  }
0x58: {  	[tilespmem:s24], [sflag:$0x2] =	stream.linear.gather [hbm4b:s23+s4], $0x1000, $0x38;
	[tilespmem:$0x1BF80] =	vst v63  }
0x59: {  	s25 =	rddreg [dreg:$0x14];
	s26 =	simm.s32 $0x19D80;
	s28 =	simm.s32 $0x1  }
0x5a: {  	[tilespmem:s26], [sflag:$0x2] =	stream.linear.gather [hbm4b:s25+s4], $0x200, $0x38;
	[tilespmem:$0x1BF80] =	vst v63  }
0x5b: {  	_ =	swait.ge [sflag:s28], $0x20  }
0x5c: {  	[sflag:s28] =	ssyncset.done $0x0  }
0x5d: {  	[sflag:s28] =	ssyncadd.s32 $0xFFFFFFE0  }
0x5e: {  	_ =	swait.ge [sflag:s28], $0x20  }
0x5f: {  	[sflag:s28] =	ssyncset.done $0x0  }
0x60: {  	[sflag:s28] =	ssyncadd.s32 $0xFFFFFFE0  }
0x61: {  	_ =	swait.ge [sflag:s28], $0x1000  }
0x62: {  	[sflag:s28] =	ssyncset.done $0x0  }
0x63: {  	[sflag:s28] =	ssyncadd.s32 $0xFFFFF000  }
0x64: {  	_ =	swait.ge [sflag:s28], $0x1000  }
0x65: {  	[sflag:s28] =	ssyncset.done $0x0  }
0x66: {  	[sflag:s28] =	ssyncadd.s32 $0xFFFFF000  }
0x67: {  	_ =	swait.ge [sflag:s28], $0x200  }
0x68: {  	[sflag:s28] =	ssyncset.done $0x0  }
0x69: {  	[sflag:s28] =	ssyncadd.s32 $0xFFFFFE00  }
0x6a: {  	v2 =	vld [tilespmem:$0x13900]  }
0x6b: {  	v3 =	vld [tilespmem:$0x13910];
	_ =	sdelay $0x2  }
.Ltmp2:
0x6c: {  	_ = 	snop;
	(pc) =	sbr.rel .LBB2_2-.Ltmp2, $4  }
0x6d: {  	v2 =	vadd.s32 v0, v2  }
0x6e: {  	[tilespmem:$0x13900] =	vst v2;
	v2 =	vadd.s32 v0, v3  }
0x6f: {  	s31 =	simm.s32 $0x15C00;
	s26 =	simm.s32 $0x0;
	[tilespmem:$0x13910] =	vst v2  }
0x70: {  	[tilespmem:s31], [sflag:$0x3] =	stream.indirect.gather [hbm4b:s1+s0], $0x80, s12, s0, $0xb8;
	[tilespmem:$0x1BF80] =	vst v63  }
.LBB2_10:
0x71: {  	s4 =	sadd.s32 s30, s28  }
0x72: {  	p2 =	sgt.u32 s4, $0x1387  }
0x73: {  	s11 =	sshll.u32 @!p2 s4, $0x2  }
0x74: {  	s14 =	simm.s32 @!p2 $0x0;
	s15 =	simm.s32 @!p2 $0x17C00;
	s12 =	sadd.s32 @!p2 s8, s11  }
0x75: {  	[tilespmem:s15], [sflag:$0x2] =	stream.linear.gather @!p2 [hbm4b:s12+s14], $0x20, $0x38;
	[tilespmem:$0x1BF80] =	vst v63  }
0x76: {  	s11 =	sadd.s32 @!p2 s9, s11;
	s12 =	simm.s32 @!p2 $0x17C80  }
0x77: {  	[tilespmem:s12], [sflag:$0x2] =	stream.linear.gather @!p2 [hbm4b:s11+s14], $0x20, $0x38;
	[tilespmem:$0x1BF80] =	vst v63  }
0x78: {  	s11 =	sshll.u32 @!p2 s4, $0x9  }
0x79: {  	s15 =	simm.s32 @!p2 $0x17D80;
	s12 =	sadd.s32 @!p2 s6, s11  }
0x7a: {  	[tilespmem:s15], [sflag:$0x2] =	stream.linear.gather @!p2 [hbm4b:s12+s14], $0x1000, $0x38;
	[tilespmem:$0x1BF80] =	vst v63  }
0x7b: {  	s4 =	sshll.u32 @!p2 s4, $0x6;
	s11 =	sadd.s32 @!p2 s7, s11;
	s12 =	simm.s32 @!p2 $0x18D80  }
0x7c: {  	[tilespmem:s12], [sflag:$0x2] =	stream.linear.gather @!p2 [hbm4b:s11+s14], $0x1000, $0x38;
	[tilespmem:$0x1BF80] =	vst v63  }
0x7d: {  	s4 =	sadd.s32 @!p2 s2, s4;
	s11 =	simm.s32 @!p2 $0x19D80  }
0x7e: {  	[tilespmem:s11], [sflag:$0x2] =	stream.linear.gather @!p2 [hbm4b:s4+s14], $0x200, $0x38;
	[tilespmem:$0x1BF80] =	vst v63  }
0x7f: {  	s4 =	simm.s32 @!p1 $0x1  }
0x80: {  	_ =	swait.ge @!p1 [sflag:s4], $0x20  }
0x81: {  	[sflag:s4] =	ssyncset.done @!p1 $0x0  }
0x82: {  	[sflag:s4] =	ssyncadd.s32 @!p1 $0xFFFFFFE0  }
0x83: {  	_ =	swait.ge @!p1 [sflag:s4], $0x20  }
0x84: {  	[sflag:s4] =	ssyncset.done @!p1 $0x0  }
0x85: {  	[sflag:s4] =	ssyncadd.s32 @!p1 $0xFFFFFFE0  }
0x86: {  	_ =	swait.ge @!p1 [sflag:s4], $0x1000  }
0x87: {  	[sflag:s4] =	ssyncset.done @!p1 $0x0  }
0x88: {  	[sflag:s4] =	ssyncadd.s32 @!p1 $0xFFFFF000  }
0x89: {  	_ =	swait.ge @!p1 [sflag:s4], $0x1000  }
0x8a: {  	[sflag:s4] =	ssyncset.done @!p1 $0x0  }
0x8b: {  	[sflag:s4] =	ssyncadd.s32 @!p1 $0xFFFFF000  }
0x8c: {  	_ =	swait.ge @!p1 [sflag:s4], $0x200  }
0x8d: {  	[sflag:s4] =	ssyncset.done @!p1 $0x0  }
0x8e: {  	[sflag:s4] =	ssyncadd.s32 @!p1 $0xFFFFFE00  }
0x8f: {  	v2 =	vld @!p1 [tilespmem:$0x13900]  }
0x90: {  	v3 =	vld @!p1 [tilespmem:$0x13910];
	_ =	sdelay $0x3  }
0x91: {  	v2 =	vadd.s32 @!p1 v0, v2  }
0x92: {  	[tilespmem:$0x13900] =	vst @!p1 v2;
	v2 =	vadd.s32 @!p1 v0, v3  }
0x93: {  	s26 =	sadd.s32 $0x1, s26;
	s11 =	simm.s32 @!p1 $0x15C00;
	s4 =	simm.s32 @!p1 $0x20;
	[tilespmem:$0x13910] =	vst @!p1 v2  }
0x94: {  	[tilespmem:s11], [sflag:$0x3] =	stream.indirect.gather @!p1 [hbm4b:s1+s4], $0x80, s21, s4, $0xb8;
	[tilespmem:$0x1BF80] =	vst v63  }
0x95: {  	p1 =	sne.s32 s26, $0x9D  }
.Ltmp3:
0x96: {  	_ = 	snop;
	(pc) =	sbr.rel @!p1 .LBB2_11-.Ltmp3, $1  }
0x97: {  	_ =	sdelay $0x3  }
.LBB2_2:
0x98: {  	s28 =	sshll.u32 s26, $0x5  }
0x99: {  	s22 =	sor.u32 s5, s28  }
0x9a: {  	p1 =	sgt.u32 s22, $0x1387  }
.Ltmp4:
0x9b: {  	_ = 	snop;
	(pc) =	sbr.rel @p1 .LBB2_6-.Ltmp4, $2  }
0x9c: {  	_ =	sdelay $0x2  }
0x9d: {  	p2 =	seq.s32 s26, $0x0  }
0x9e: {  	s4 =	simm.s32 @!p2 $0x4  }
0x9f: {  	_ =	swait.ge @!p2 [sflag:s4], $0x1000  }
0xa0: {  	[sflag:s4] =	ssyncset.done @!p2 $0x0  }
0xa1: {  	[sflag:s4] =	ssyncadd.s32 @!p2 $0xFFFFF000  }
0xa2: {  	_ =	swait.ge [sflag:s13], $0x1000  }
0xa3: {  	[sflag:s13] =	ssyncset.done $0x0  }
0xa4: {  	[sflag:s13] =	ssyncadd.s32 $0xFFFFF000  }
0xa5: {  	v2 =	vld [tilespmem:$0x13880]  }
0xa6: {  	v3 =	vld [tilespmem:$0x13890];
	_ =	sdelay $0x3  }
0xa7: {  	[tilespmem:$0x13980] =	vst v2  }
0xa8: {  	s14 =	simm.s32 $0x13B00;
	[tilespmem:$0x13990] =	vst v3  }
0xa9: {  	s25 =	simm.s32 $0x15A20;
	v2 =	vld [tilespmem:s14+$0x80]  }
0xaa: {  	s11 =	simm.s32 $0x14B00;
	v3 =	vld [tilespmem:s25+$0x10]  }
0xab: {  	s23 =	simm.s32 $0x15D00;
	v5 =	vld [tilespmem:s11+$0x80]  }
0xac: {  	v6 =	vld [tilespmem:s23+$0x80]  }
0xad: {  	v7 =	vld [tilespmem:s25+$0xFFFFFFF0]  }
0xae: {  	v8 =	vld [tilespmem:s25+$0x0]  }
0xaf: {  	v9 =	vld [tilespmem:s25+$0xFFFFFFE0]  }
0xb0: {  	v10 =	vld [tilespmem:s11+$0xFFFFFF00]  }
0xb1: {  	v11 =	vld [tilespmem:s14+$0xFFFFFF80];
	v4 =	vperm.xlane v3, v1  }
0xb2: {  	v12 =	vld [tilespmem:s11+$0xFFFFFF80]  }
0xb3: {  	v3 =	vld [tilespmem:s14+$0xFFFFFF00];
	v5 =	vmul.f32 v6, v5;
	v2 =	vmul.f32 v2, v4  }
0xb4: {  	v6 =	vld [tilespmem:s23+$0xFFFFFF00]  }
0xb5: {  	s4 =	simm.s32 $0x15F00;
	v63 =	vld [tilespmem:s11+$0x0];
	v2 =	vadd.f32 v5, v2  }
0xb6: {  	s21 =	simm.s32 $0x16D00;
	v45 =	vld [tilespmem:s4+$0xFFFFFF00]  }
0xb7: {  	v5 =	vperm.xlane v9, v1;
	v9 =	vld [tilespmem:s23+$0xFFFFFF80];
	[tilespmem:s21+$0x80] =	vst v2  }
0xb8: {  	v2 =	vld [tilespmem:s14+$0x90]  }
0xb9: {  	v10 =	vmul.f32 v6, v10;
	v3 =	vmul.f32 v3, v5;
	v13 =	vld [tilespmem:s11+$0x90]  }
0xba: {  	s31 =	simm.s32 $0x13D00;
	v6 =	vperm.xlane v7, v1;
	v7 =	vld [tilespmem:s23+$0x90]  }
0xbb: {  	v46 =	vld [tilespmem:s31+$0xFFFFFF80];
	v3 =	vadd.f32 v10, v3  }
0xbc: {  	v11 =	vmul.f32 v11, v6;
	v10 =	vld [tilespmem:s14+$0x0];
	v9 =	vmul.f32 v9, v12  }
0xbd: {  	[tilespmem:s21+$0xFFFFFF00] =	vst v3;
	v3 =	vld [tilespmem:s23+$0x0]  }
0xbe: {  	v14 =	vld [tilespmem:s14+$0xFFFFFF10];
	v9 =	vadd.f32 v9, v11  }
0xbf: {  	v11 =	vld [tilespmem:s11+$0xFFFFFF10];
	v15 =	vmul.f32 v2, v4;
	v7 =	vmul.f32 v7, v13  }
0xc0: {  	v2 =	vperm.xlane v8, v1;
	v8 =	vld [tilespmem:s23+$0xFFFFFF10];
	[tilespmem:s21+$0xFFFFFF80] =	vst v9  }
0xc1: {  	v9 =	vld [tilespmem:s14+$0xFFFFFF90];
	v7 =	vadd.f32 v7, v15  }
0xc2: {  	v10 =	vmul.f32 v10, v2;
	v16 =	vld [tilespmem:s11+$0xFFFFFF90];
	v3 =	vmul.f32 v3, v63  }
0xc3: {  	v17 =	vld [tilespmem:s23+$0xFFFFFF90];
	[tilespmem:s21+$0x90] =	vst v7  }
0xc4: {  	v3 =	vadd.f32 v3, v10;
	v7 =	vld [tilespmem:s14+$0xA0]  }
0xc5: {  	v10 =	vmul.f32 v14, v5;
	v8 =	vmul.f32 v8, v11;
	v11 =	vld [tilespmem:s11+$0xA0]  }
0xc6: {  	[tilespmem:s21+$0x0] =	vst v3;
	v3 =	vld [tilespmem:s23+$0xA0]  }
0xc7: {  	v8 =	vadd.f32 v8, v10;
	v10 =	vld [tilespmem:s14+$0x10]  }
0xc8: {  	v9 =	vmul.f32 v9, v6;
	v12 =	vmul.f32 v17, v16;
	v18 =	vld [tilespmem:s11+$0x10]  }
0xc9: {  	[tilespmem:s21+$0xFFFFFF10] =	vst v8;
	v8 =	vld [tilespmem:s23+$0x10]  }
0xca: {  	v9 =	vadd.f32 v12, v9;
	v19 =	vld [tilespmem:s14+$0xFFFFFF20]  }
0xcb: {  	v20 =	vld [tilespmem:s11+$0xFFFFFF20]  }
0xcc: {  	v7 =	vmul.f32 v7, v4;
	[tilespmem:s21+$0xFFFFFF90] =	vst v9;
	v3 =	vmul.f32 v3, v11;
	v11 =	vld [tilespmem:s23+$0xFFFFFF20]  }
0xcd: {  	v9 =	vld [tilespmem:s14+$0xFFFFFFA0]  }
0xce: {  	v21 =	vld [tilespmem:s23+$0xFFFFFFA0];
	v3 =	vadd.f32 v3, v7;
	v7 =	vmul.f32 v10, v2;
	v8 =	vmul.f32 v8, v18  }
0xcf: {  	s24 =	simm.s32 $0x15A60;
	v10 =	vld [tilespmem:s11+$0xFFFFFFA0]  }
0xd0: {  	[tilespmem:s21+$0xA0] =	vst v3;
	v3 =	vadd.f32 v8, v7;
	v8 =	vmul.f32 v19, v5;
	v19 =	vld [tilespmem:s24+$0x10]  }
0xd1: {  	v7 =	vld [tilespmem:s14+$0xB0]  }
0xd2: {  	s12 =	simm.s32 $0x14D00;
	v22 =	vld [tilespmem:s11+$0xB0]  }
0xd3: {  	v11 =	vmul.f32 v11, v20;
	v20 =	vld [tilespmem:s12+$0x80]  }
0xd4: {  	[tilespmem:s21+$0x10] =	vst v3;
	v3 =	vld [tilespmem:s23+$0xB0]  }
0xd5: {  	v8 =	vadd.f32 v11, v8;
	v11 =	vld [tilespmem:s14+$0x20]  }
0xd6: {  	v23 =	vld [tilespmem:s11+$0x20]  }
0xd7: {  	v9 =	vmul.f32 v9, v6;
	v10 =	vmul.f32 v21, v10;
	[tilespmem:s21+$0xFFFFFF20] =	vst v8;
	v8 =	vld [tilespmem:s23+$0x20]  }
0xd8: {  	v24 =	vld [tilespmem:s14+$0xFFFFFF30]  }
0xd9: {  	v9 =	vadd.f32 v10, v9;
	v10 =	vld [tilespmem:s11+$0xFFFFFF30]  }
0xda: {  	v25 =	vld [tilespmem:s23+$0xFFFFFF30]  }
0xdb: {  	v3 =	vmul.f32 v3, v22;
	[tilespmem:s21+$0xFFFFFFA0] =	vst v9;
	v22 =	vld [tilespmem:s4+$0x80]  }
0xdc: {  	v7 =	vmul.f32 v7, v4;
	v9 =	vld [tilespmem:s14+$0xFFFFFFB0]  }
0xdd: {  	v26 =	vld [tilespmem:s23+$0xFFFFFFB0]  }
0xde: {  	v3 =	vadd.f32 v3, v7;
	v7 =	vmul.f32 v11, v2;
	v11 =	vld [tilespmem:s11+$0xFFFFFFB0]  }
0xdf: {  	v8 =	vmul.f32 v8, v23;
	v23 =	vld [tilespmem:s24+$0xFFFFFFF0]  }
0xe0: {  	[tilespmem:s21+$0xB0] =	vst v3;
	v10 =	vmul.f32 v25, v10;
	v25 =	vld [tilespmem:s24+$0xFFFFFFE0]  }
0xe1: {  	v3 =	vadd.f32 v8, v7;
	v7 =	vld [tilespmem:s14+$0xC0]  }
0xe2: {  	v27 =	vld [tilespmem:s11+$0xC0]  }
0xe3: {  	v8 =	vmul.f32 v24, v5;
	[tilespmem:s21+$0x20] =	vst v3;
	v3 =	vld [tilespmem:s23+$0xC0]  }
0xe4: {  	v11 =	vmul.f32 v26, v11;
	v26 =	vld [tilespmem:s31+$0xFFFFFF00]  }
0xe5: {  	v8 =	vadd.f32 v10, v8;
	v10 =	vld [tilespmem:s14+$0x30]  }
0xe6: {  	v9 =	vmul.f32 v9, v6;
	v28 =	vld [tilespmem:s11+$0x30]  }
0xe7: {  	[tilespmem:s21+$0xFFFFFF30] =	vst v8;
	v8 =	vld [tilespmem:s23+$0x30]  }
0xe8: {  	v9 =	vadd.f32 v11, v9;
	v29 =	vld [tilespmem:s14+$0xFFFFFF40]  }
0xe9: {  	v11 =	vld [tilespmem:s11+$0xFFFFFF40]  }
0xea: {  	v7 =	vmul.f32 v7, v4;
	v30 =	vld [tilespmem:s23+$0xFFFFFF40];
	[tilespmem:s21+$0xFFFFFFB0] =	vst v9;
	v3 =	vmul.f32 v3, v27  }
0xeb: {  	v9 =	vld [tilespmem:s14+$0xFFFFFFC0]  }
0xec: {  	v31 =	vld [tilespmem:s23+$0xFFFFFFC0];
	v3 =	vadd.f32 v3, v7  }
0xed: {  	v27 =	vld [tilespmem:s12+$0xFFFFFF00];
	v7 =	vmul.f32 v10, v2;
	v8 =	vmul.f32 v8, v28  }
0xee: {  	v10 =	vld [tilespmem:s11+$0xFFFFFFC0];
	[tilespmem:s21+$0xC0] =	vst v3  }
0xef: {  	v3 =	vadd.f32 v8, v7;
	v7 =	vld [tilespmem:s14+$0xD0]  }
0xf0: {  	v11 =	vmul.f32 v30, v11;
	v8 =	vmul.f32 v29, v5;
	v32 =	vld [tilespmem:s11+$0xD0]  }
0xf1: {  	[tilespmem:s21+$0x30] =	vst v3;
	v3 =	vld [tilespmem:s23+$0xD0]  }
0xf2: {  	v8 =	vadd.f32 v11, v8;
	v11 =	vld [tilespmem:s14+$0x40]  }
0xf3: {  	v9 =	vmul.f32 v9, v6;
	v10 =	vmul.f32 v31, v10;
	v33 =	vld [tilespmem:s11+$0x40]  }
0xf4: {  	[tilespmem:s21+$0xFFFFFF40] =	vst v8;
	v8 =	vld [tilespmem:s23+$0x40]  }
0xf5: {  	v34 =	vld [tilespmem:s14+$0xFFFFFF50];
	v9 =	vadd.f32 v10, v9  }
0xf6: {  	v10 =	vld [tilespmem:s11+$0xFFFFFF50];
	v7 =	vmul.f32 v7, v4;
	v3 =	vmul.f32 v3, v32  }
0xf7: {  	v35 =	vld [tilespmem:s23+$0xFFFFFF50];
	[tilespmem:s21+$0xFFFFFFC0] =	vst v9  }
0xf8: {  	v9 =	vld [tilespmem:s14+$0xFFFFFFD0];
	v3 =	vadd.f32 v3, v7  }
0xf9: {  	v36 =	vld [tilespmem:s23+$0xFFFFFFD0];
	v7 =	vmul.f32 v11, v2;
	v8 =	vmul.f32 v8, v33  }
0xfa: {  	v11 =	vld [tilespmem:s11+$0xFFFFFFD0];
	[tilespmem:s21+$0xD0] =	vst v3  }
0xfb: {  	v3 =	vadd.f32 v8, v7;
	v7 =	vld [tilespmem:s14+$0xE0]  }
0xfc: {  	v10 =	vmul.f32 v35, v10;
	v8 =	vmul.f32 v34, v5;
	v37 =	vld [tilespmem:s11+$0xE0]  }
0xfd: {  	[tilespmem:s21+$0x40] =	vst v3;
	v3 =	vld [tilespmem:s23+$0xE0]  }
0xfe: {  	v8 =	vadd.f32 v10, v8;
	v10 =	vld [tilespmem:s14+$0x50]  }
0xff: {  	v9 =	vmul.f32 v9, v6;
	v11 =	vmul.f32 v36, v11;
	v38 =	vld [tilespmem:s11+$0x50]  }
0x100: {  	[tilespmem:s21+$0xFFFFFF50] =	vst v8;
	v8 =	vld [tilespmem:s23+$0x50]  }
0x101: {  	v39 =	vld [tilespmem:s14+$0xFFFFFF60];
	v9 =	vadd.f32 v11, v9  }
0x102: {  	v21 =	vperm.xlane v19, v1;
	v19 =	vperm.xlane v25, v1;
	v11 =	vld [tilespmem:s11+$0xFFFFFF60]  }
0x103: {  	v40 =	vld [tilespmem:s23+$0xFFFFFF60];
	[tilespmem:s21+$0xFFFFFFD0] =	vst v9  }
0x104: {  	v26 =	vmul.f32 v26, v19;
	v27 =	vmul.f32 v45, v27;
	v41 =	vld [tilespmem:s14+$0xFFFFFFE0]  }
0x105: {  	v7 =	vmul.f32 v7, v4;
	v3 =	vmul.f32 v3, v37;
	v16 =	vld [tilespmem:s11+$0xFFFFFFE0]  }
0x106: {  	v26 =	vadd.f32 v27, v26;
	v42 =	vld [tilespmem:s23+$0xFFFFFFE0]  }
0x107: {  	s25 =	simm.s32 $0x16F00;
	v47 =	vld [tilespmem:s4+$0xFFFFFF80];
	v3 =	vadd.f32 v3, v7;
	v7 =	vmul.f32 v10, v2;
	v8 =	vmul.f32 v8, v38  }
0x108: {  	v28 =	vld [tilespmem:s12+$0xFFFFFF80];
	[tilespmem:s25+$0xFFFFFF00] =	vst v26  }
0x109: {  	v9 =	vmul.f32 v39, v5;
	v11 =	vmul.f32 v40, v11;
	[tilespmem:s21+$0xE0] =	vst v3;
	v3 =	vadd.f32 v8, v7  }
0x10a: {  	v44 =	vmul.f32 v22, v20;
	v20 =	vperm.xlane v23, v1;
	v52 =	vld [tilespmem:s31+$0xFFFFFF10]  }
0x10b: {  	v53 =	vld [tilespmem:s12+$0xFFFFFF10];
	[tilespmem:s21+$0x50] =	vst v3;
	v3 =	vadd.f32 v11, v9;
	v43 =	vmul.f32 v41, v6;
	v13 =	vmul.f32 v42, v16  }
0x10c: {  	v54 =	vld [tilespmem:s4+$0xFFFFFF10]  }
0x10d: {  	v22 =	vmul.f32 v46, v20;
	v25 =	vmul.f32 v47, v28;
	[tilespmem:s21+$0xFFFFFF60] =	vst v3;
	v3 =	vadd.f32 v13, v43  }
0x10e: {  	v49 =	vld [tilespmem:s31+$0x0]  }
0x10f: {  	v22 =	vadd.f32 v25, v22;
	[tilespmem:s21+$0xFFFFFFE0] =	vst v3;
	v3 =	vld [tilespmem:s31+$0x80]  }
0x110: {  	v50 =	vld [tilespmem:s12+$0x0]  }
0x111: {  	v51 =	vld [tilespmem:s4+$0x0];
	[tilespmem:s25+$0xFFFFFF80] =	vst v22;
	v25 =	vmul.f32 v52, v19;
	v22 =	vmul.f32 v54, v53  }
0x112: {  	v24 =	vld [tilespmem:s24+$0x0]  }
0x113: {  	v55 =	vld [tilespmem:s31+$0xFFFFFF90];
	v22 =	vadd.f32 v22, v25  }
0x114: {  	v56 =	vld [tilespmem:s12+$0xFFFFFF90];
	v3 =	vmul.f32 v3, v21  }
0x115: {  	v57 =	vld [tilespmem:s4+$0xFFFFFF90];
	[tilespmem:s25+$0xFFFFFF10] =	vst v22  }
0x116: {  	v32 =	vld [tilespmem:s31+$0xFFFFFF20];
	v3 =	vadd.f32 v44, v3  }
0x117: {  	v33 =	vld [tilespmem:s12+$0xFFFFFF20]  }
0x118: {  	v34 =	vld [tilespmem:s4+$0xFFFFFF20];
	[tilespmem:s25+$0x80] =	vst v3  }
0x119: {  	v3 =	vld [tilespmem:s31+$0x90]  }
0x11a: {  	v29 =	vld [tilespmem:s12+$0x90]  }
0x11b: {  	v48 =	vld [tilespmem:s4+$0x90]  }
0x11c: {  	v7 =	vld [tilespmem:s14+$0xF0]  }
0x11d: {  	v8 =	vld [tilespmem:s11+$0xF0]  }
0x11e: {  	v10 =	vld [tilespmem:s23+$0xF0]  }
0x11f: {  	v9 =	vld [tilespmem:s14+$0x60]  }
0x120: {  	v15 =	vld [tilespmem:s11+$0x60];
	v23 =	vmul.f32 v48, v29;
	v30 =	vmul.f32 v3, v21  }
0x121: {  	v18 =	vld [tilespmem:s23+$0x60];
	v3 =	vperm.xlane v24, v1  }
0x122: {  	v11 =	vld [tilespmem:s14+$0xFFFFFF70];
	v23 =	vadd.f32 v23, v30  }
0x123: {  	v26 =	vmul.f32 v51, v50;
	v12 =	vld [tilespmem:s11+$0xFFFFFF70];
	v27 =	vmul.f32 v49, v3  }
0x124: {  	v16 =	vld [tilespmem:s23+$0xFFFFFF70];
	[tilespmem:s25+$0x90] =	vst v23  }
0x125: {  	v26 =	vadd.f32 v26, v27;
	v58 =	vld [tilespmem:s31+$0xA0]  }
0x126: {  	v59 =	vld [tilespmem:s12+$0xA0]  }
0x127: {  	v60 =	vld [tilespmem:s4+$0xA0];
	[tilespmem:s25+$0x0] =	vst v26  }
0x128: {  	v61 =	vld [tilespmem:s31+$0x10]  }
0x129: {  	v24 =	vmul.f32 v55, v20;
	v23 =	vmul.f32 v57, v56;
	v62 =	vld [tilespmem:s12+$0x10]  }
0x12a: {  	v63 =	vld [tilespmem:s4+$0x10]  }
0x12b: {  	v13 =	vld [tilespmem:s14+$0xFFFFFFF0];
	v23 =	vadd.f32 v23, v24  }
0x12c: {  	v14 =	vld [tilespmem:s11+$0xFFFFFFF0];
	v26 =	vmul.f32 v60, v59;
	v27 =	vmul.f32 v58, v21  }
0x12d: {  	v17 =	vld [tilespmem:s23+$0xFFFFFFF0];
	[tilespmem:s25+$0xFFFFFF90] =	vst v23  }
0x12e: {  	v35 =	vld [tilespmem:s31+$0xFFFFFFA0];
	v26 =	vadd.f32 v26, v27  }
0x12f: {  	v36 =	vld [tilespmem:s12+$0xFFFFFFA0];
	v25 =	vmul.f32 v61, v3;
	v22 =	vmul.f32 v63, v62  }
0x130: {  	v37 =	vld [tilespmem:s4+$0xFFFFFFA0];
	[tilespmem:s25+$0xA0] =	vst v26  }
0x131: {  	v22 =	vadd.f32 v22, v25;
	v38 =	vld [tilespmem:s31+$0xB0]  }
0x132: {  	v24 =	vmul.f32 v32, v19;
	v23 =	vmul.f32 v34, v33;
	v39 =	vld [tilespmem:s12+$0xB0]  }
0x133: {  	v40 =	vld [tilespmem:s4+$0xB0];
	[tilespmem:s25+$0x10] =	vst v22  }
0x134: {  	v23 =	vadd.f32 v23, v24;
	v41 =	vld [tilespmem:s31+$0x20]  }
0x135: {  	v27 =	vmul.f32 v35, v20;
	v26 =	vmul.f32 v37, v36;
	v42 =	vld [tilespmem:s12+$0x20]  }
0x136: {  	[tilespmem:s25+$0xFFFFFF20] =	vst v23;
	v43 =	vld [tilespmem:s4+$0x20]  }
0x137: {  	v44 =	vld [tilespmem:s31+$0xFFFFFF30];
	v26 =	vadd.f32 v26, v27  }
0x138: {  	v45 =	vld [tilespmem:s12+$0xFFFFFF30];
	v22 =	vmul.f32 v40, v39;
	v25 =	vmul.f32 v38, v21  }
0x139: {  	v46 =	vld [tilespmem:s4+$0xFFFFFF30];
	[tilespmem:s25+$0xFFFFFFA0] =	vst v26  }
0x13a: {  	v47 =	vld [tilespmem:s31+$0xFFFFFFB0];
	v22 =	vadd.f32 v22, v25  }
0x13b: {  	v48 =	vld [tilespmem:s12+$0xFFFFFFB0];
	v24 =	vmul.f32 v41, v3;
	v23 =	vmul.f32 v43, v42  }
0x13c: {  	v49 =	vld [tilespmem:s4+$0xFFFFFFB0];
	[tilespmem:s25+$0xB0] =	vst v22  }
0x13d: {  	v23 =	vadd.f32 v23, v24;
	v50 =	vld [tilespmem:s31+$0xC0]  }
0x13e: {  	v27 =	vmul.f32 v44, v19;
	v26 =	vmul.f32 v46, v45;
	v51 =	vld [tilespmem:s12+$0xC0]  }
0x13f: {  	v52 =	vld [tilespmem:s4+$0xC0];
	[tilespmem:s25+$0x20] =	vst v23  }
0x140: {  	v26 =	vadd.f32 v26, v27;
	v53 =	vld [tilespmem:s31+$0x30]  }
0x141: {  	v25 =	vmul.f32 v47, v20;
	v22 =	vmul.f32 v49, v48;
	v54 =	vld [tilespmem:s12+$0x30]  }
0x142: {  	[tilespmem:s25+$0xFFFFFF30] =	vst v26;
	v55 =	vld [tilespmem:s4+$0x30]  }
0x143: {  	v56 =	vld [tilespmem:s31+$0xFFFFFF40];
	v22 =	vadd.f32 v22, v25  }
0x144: {  	v57 =	vld [tilespmem:s12+$0xFFFFFF40];
	v23 =	vmul.f32 v52, v51;
	v24 =	vmul.f32 v50, v21  }
0x145: {  	v58 =	vld [tilespmem:s4+$0xFFFFFF40];
	[tilespmem:s25+$0xFFFFFFB0] =	vst v22  }
0x146: {  	v59 =	vld [tilespmem:s31+$0xFFFFFFC0];
	v23 =	vadd.f32 v23, v24  }
0x147: {  	v60 =	vld [tilespmem:s12+$0xFFFFFFC0];
	v27 =	vmul.f32 v53, v3;
	v26 =	vmul.f32 v55, v54  }
0x148: {  	v61 =	vld [tilespmem:s4+$0xFFFFFFC0];
	[tilespmem:s25+$0xC0] =	vst v23  }
0x149: {  	v26 =	vadd.f32 v26, v27;
	v62 =	vld [tilespmem:s31+$0xD0]  }
0x14a: {  	v25 =	vmul.f32 v56, v19;
	v22 =	vmul.f32 v58, v57;
	v63 =	vld [tilespmem:s12+$0xD0]  }
0x14b: {  	v32 =	vld [tilespmem:s4+$0xD0];
	[tilespmem:s25+$0x30] =	vst v26  }
0x14c: {  	v22 =	vadd.f32 v22, v25;
	v33 =	vld [tilespmem:s31+$0x40]  }
0x14d: {  	v24 =	vmul.f32 v59, v20;
	v23 =	vmul.f32 v61, v60;
	v34 =	vld [tilespmem:s12+$0x40]  }
0x14e: {  	[tilespmem:s25+$0xFFFFFF40] =	vst v22;
	v35 =	vld [tilespmem:s4+$0x40]  }
0x14f: {  	v36 =	vld [tilespmem:s31+$0xFFFFFF50];
	v23 =	vadd.f32 v23, v24  }
0x150: {  	v37 =	vld [tilespmem:s12+$0xFFFFFF50];
	v26 =	vmul.f32 v32, v63;
	v27 =	vmul.f32 v62, v21  }
0x151: {  	v38 =	vld [tilespmem:s4+$0xFFFFFF50];
	[tilespmem:s25+$0xFFFFFFC0] =	vst v23  }
0x152: {  	v39 =	vld [tilespmem:s31+$0xFFFFFFD0];
	v26 =	vadd.f32 v26, v27  }
0x153: {  	v40 =	vld [tilespmem:s12+$0xFFFFFFD0];
	v25 =	vmul.f32 v33, v3;
	v22 =	vmul.f32 v35, v34  }
0x154: {  	v41 =	vld [tilespmem:s4+$0xFFFFFFD0];
	[tilespmem:s25+$0xD0] =	vst v26  }
0x155: {  	v22 =	vadd.f32 v22, v25;
	v42 =	vld [tilespmem:s31+$0xE0]  }
0x156: {  	v24 =	vmul.f32 v36, v19;
	v23 =	vmul.f32 v38, v37;
	v43 =	vld [tilespmem:s12+$0xE0]  }
0x157: {  	v44 =	vld [tilespmem:s4+$0xE0];
	[tilespmem:s25+$0x40] =	vst v22  }
0x158: {  	v23 =	vadd.f32 v23, v24;
	v45 =	vld [tilespmem:s31+$0x50]  }
0x159: {  	v27 =	vmul.f32 v39, v20;
	v26 =	vmul.f32 v41, v40;
	v46 =	vld [tilespmem:s12+$0x50]  }
0x15a: {  	[tilespmem:s25+$0xFFFFFF50] =	vst v23;
	v47 =	vld [tilespmem:s4+$0x50]  }
0x15b: {  	v48 =	vld [tilespmem:s31+$0xFFFFFF60];
	v26 =	vadd.f32 v26, v27  }
0x15c: {  	v49 =	vld [tilespmem:s12+$0xFFFFFF60];
	v22 =	vmul.f32 v44, v43;
	v25 =	vmul.f32 v42, v21  }
0x15d: {  	v50 =	vld [tilespmem:s4+$0xFFFFFF60];
	[tilespmem:s25+$0xFFFFFFD0] =	vst v26  }
0x15e: {  	v51 =	vld [tilespmem:s31+$0xFFFFFFE0];
	v22 =	vadd.f32 v22, v25  }
0x15f: {  	v52 =	vld [tilespmem:s12+$0xFFFFFFE0];
	v24 =	vmul.f32 v45, v3;
	v23 =	vmul.f32 v47, v46  }
0x160: {  	v53 =	vld [tilespmem:s4+$0xFFFFFFE0];
	[tilespmem:s25+$0xE0] =	vst v22  }
0x161: {  	v23 =	vadd.f32 v23, v24;
	v54 =	vld [tilespmem:s31+$0xF0]  }
0x162: {  	v27 =	vmul.f32 v48, v19;
	v26 =	vmul.f32 v50, v49;
	v55 =	vld [tilespmem:s12+$0xF0]  }
0x163: {  	v56 =	vld [tilespmem:s4+$0xF0];
	[tilespmem:s25+$0x50] =	vst v23  }
0x164: {  	v26 =	vadd.f32 v26, v27;
	v57 =	vld [tilespmem:s31+$0x60]  }
0x165: {  	v25 =	vmul.f32 v51, v20;
	v22 =	vmul.f32 v53, v52;
	v58 =	vld [tilespmem:s12+$0x60]  }
0x166: {  	v4 =	vmul.f32 v7, v4;
	v7 =	vmul.f32 v10, v8;
	[tilespmem:s25+$0xFFFFFF60] =	vst v26;
	v8 =	vld [tilespmem:s4+$0x60]  }
0x167: {  	v10 =	vmul.f32 v18, v15;
	v9 =	vmul.f32 v9, v2;
	v60 =	vld [tilespmem:s31+$0xFFFFFF70];
	v59 =	vadd.f32 v22, v25  }
0x168: {  	v4 =	vadd.f32 v7, v4;
	v5 =	vmul.f32 v11, v5;
	v7 =	vmul.f32 v16, v12;
	v11 =	vld [tilespmem:s12+$0xFFFFFF70]  }
0x169: {  	v9 =	vadd.f32 v10, v9;
	v6 =	vmul.f32 v13, v6;
	v10 =	vmul.f32 v17, v14;
	v61 =	vld [tilespmem:s4+$0xFFFFFF70];
	[tilespmem:s25+$0xFFFFFFE0] =	vst v59  }
0x16a: {  	[tilespmem:s21+$0xF0] =	vst v4;
	v4 =	vadd.f32 v7, v5;
	v63 =	vld [tilespmem:s31+$0xFFFFFFF0];
	v7 =	vmul.f32 v54, v21;
	v62 =	vmul.f32 v56, v55  }
0x16b: {  	[tilespmem:s21+$0x60] =	vst v9;
	v6 =	vadd.f32 v10, v6;
	v5 =	vld [tilespmem:s12+$0xFFFFFFF0];
	v9 =	vmul.f32 v57, v3;
	v10 =	vmul.f32 v8, v58  }
0x16c: {  	[tilespmem:s21+$0xFFFFFF70] =	vst v4;
	v4 =	vadd.f32 v62, v7;
	v8 =	vld [tilespmem:s4+$0xFFFFFFF0]  }
0x16d: {  	[tilespmem:s21+$0xFFFFFFF0] =	vst v6;
	v6 =	vld [tilespmem:s14+$0x70];
	v10 =	vadd.f32 v10, v9  }
0x16e: {  	s15 =	simm.s32 $0x15F00;
	v11 =	vmul.f32 v61, v11;
	v7 =	vld [tilespmem:s11+$0x70];
	v9 =	vmul.f32 v60, v19;
	[tilespmem:s25+$0xF0] =	vst v4  }
0x16f: {  	s14 =	simm.s32 $0x4;
	s11 =	simm.s32 $0x13F00;
	v4 =	vmul.f32 v63, v20;
	[tilespmem:s25+$0x60] =	vst v10;
	v10 =	vld [tilespmem:s23+$0x70];
	s23 =	simm.s32 $0x14D00  }
.LBB2_4:
0x170: {  	v12 =	vld [tilespmem:s11+$0x80];
	v9 =	vadd.f32 v11, v9;
	s24 =	sadd.s32 $0x40, s24  }
0x171: {  	s12 =	sadd.s32 $0x200, s12;
	v11 =	vld [tilespmem:s24+$0x10];
	v5 =	vmul.f32 v8, v5  }
0x172: {  	s4 =	sadd.s32 $0x200, s4;
	v8 =	vld [tilespmem:s12+$0x80];
	[tilespmem:s25+$0xFFFFFF70] =	vst v9;
	v6 =	vmul.f32 v6, v2;
	v2 =	vmov v3  }
0x173: {  	v3 =	vld [tilespmem:s4+$0x80];
	v4 =	vadd.f32 v5, v4  }
0x174: {  	v9 =	vld [tilespmem:s24+$0xFFFFFFF0];
	v7 =	vmul.f32 v10, v7  }
0x175: {  	v10 =	vld [tilespmem:s24+$0x0];
	[tilespmem:s25+$0xFFFFFFF0] =	vst v4  }
0x176: {  	v13 =	vld [tilespmem:s24+$0xFFFFFFE0];
	v5 =	vperm.xlane v11, v1;
	v4 =	vadd.f32 v7, v6  }
0x177: {  	v7 =	vld [tilespmem:s11+$0xFFFFFF00]  }
0x178: {  	v11 =	vld [tilespmem:s12+$0xFFFFFF00];
	v6 =	vmul.f32 v12, v5;
	v8 =	vmul.f32 v3, v8;
	[tilespmem:s21+$0x70] =	vst v4;
	s21 =	smov.u32 s25  }
0x179: {  	v12 =	vld [tilespmem:s4+$0xFFFFFF00];
	v4 =	vperm.xlane v9, v1  }
0x17a: {  	v9 =	vld [tilespmem:s11+$0xFFFFFF80];
	v3 =	vperm.xlane v10, v1;
	v8 =	vadd.f32 v8, v6  }
0x17b: {  	s25 =	sadd.s32 $0x200, s25;
	v6 =	vperm.xlane v13, v1;
	v10 =	vld [tilespmem:s12+$0xFFFFFF80]  }
0x17c: {  	v13 =	vld [tilespmem:s4+$0xFFFFFF80];
	[tilespmem:s25+$0x80] =	vst v8  }
0x17d: {  	v7 =	vmul.f32 v7, v6;
	v8 =	vld [tilespmem:s11+$0x90]  }
0x17e: {  	v11 =	vmul.f32 v12, v11;
	v12 =	vld [tilespmem:s12+$0x90]  }
0x17f: {  	s14 =	sadd.s32 $0x4, s14;
	v9 =	vmul.f32 v9, v4;
	v14 =	vld [tilespmem:s4+$0x90]  }
0x180: {  	p1 =	slt.u32 s14, $0x1C;
	v7 =	vadd.f32 v11, v7;
	v11 =	vld [tilespmem:s11+$0x0]  }
0x181: {  	v10 =	vmul.f32 v13, v10;
	v13 =	vld [tilespmem:s12+$0x0]  }
0x182: {  	[tilespmem:s25+$0xFFFFFF00] =	vst v7;
	v7 =	vld [tilespmem:s4+$0x0]  }
0x183: {  	v15 =	vld [tilespmem:s11+$0xFFFFFF10];
	v9 =	vadd.f32 v10, v9  }
0x184: {  	v8 =	vmul.f32 v8, v5;
	v10 =	vld [tilespmem:s12+$0xFFFFFF10];
	v12 =	vmul.f32 v14, v12  }
0x185: {  	v14 =	vld [tilespmem:s4+$0xFFFFFF10];
	[tilespmem:s25+$0xFFFFFF80] =	vst v9;
	v9 =	vmul.f32 v11, v3  }
0x186: {  	v11 =	vld [tilespmem:s11+$0xFFFFFF90];
	v8 =	vadd.f32 v12, v8  }
0x187: {  	v12 =	vld [tilespmem:s12+$0xFFFFFF90];
	v7 =	vmul.f32 v7, v13  }
0x188: {  	v13 =	vmul.f32 v15, v6;
	v15 =	vld [tilespmem:s4+$0xFFFFFF90];
	[tilespmem:s25+$0x90] =	vst v8  }
0x189: {  	v7 =	vadd.f32 v7, v9;
	v8 =	vld [tilespmem:s11+$0xA0]  }
0x18a: {  	v9 =	vmul.f32 v14, v10;
	v10 =	vld [tilespmem:s12+$0xA0]  }
0x18b: {  	v11 =	vmul.f32 v11, v4;
	[tilespmem:s25+$0x0] =	vst v7;
	v7 =	vld [tilespmem:s4+$0xA0]  }
0x18c: {  	v9 =	vadd.f32 v9, v13;
	v13 =	vld [tilespmem:s11+$0x10]  }
0x18d: {  	v12 =	vmul.f32 v15, v12;
	v14 =	vld [tilespmem:s12+$0x10]  }
0x18e: {  	[tilespmem:s25+$0xFFFFFF10] =	vst v9;
	v9 =	vld [tilespmem:s4+$0x10]  }
0x18f: {  	v15 =	vld [tilespmem:s11+$0xFFFFFF20];
	v11 =	vadd.f32 v12, v11  }
0x190: {  	v8 =	vmul.f32 v8, v5;
	v12 =	vld [tilespmem:s12+$0xFFFFFF20];
	v7 =	vmul.f32 v7, v10  }
0x191: {  	v10 =	vld [tilespmem:s4+$0xFFFFFF20];
	[tilespmem:s25+$0xFFFFFF90] =	vst v11;
	v11 =	vmul.f32 v13, v3  }
0x192: {  	v13 =	vld [tilespmem:s11+$0xFFFFFFA0];
	v7 =	vadd.f32 v7, v8  }
0x193: {  	v8 =	vld [tilespmem:s12+$0xFFFFFFA0];
	v9 =	vmul.f32 v9, v14  }
0x194: {  	v14 =	vmul.f32 v15, v6;
	v15 =	vld [tilespmem:s4+$0xFFFFFFA0];
	[tilespmem:s25+$0xA0] =	vst v7  }
0x195: {  	v7 =	vadd.f32 v9, v11;
	v9 =	vld [tilespmem:s11+$0xB0]  }
0x196: {  	v10 =	vmul.f32 v10, v12;
	v11 =	vld [tilespmem:s12+$0xB0]  }
0x197: {  	v12 =	vmul.f32 v13, v4;
	[tilespmem:s25+$0x10] =	vst v7;
	v7 =	vld [tilespmem:s4+$0xB0]  }
0x198: {  	v10 =	vadd.f32 v10, v14;
	v13 =	vld [tilespmem:s11+$0x20]  }
0x199: {  	v8 =	vmul.f32 v15, v8;
	v14 =	vld [tilespmem:s12+$0x20]  }
0x19a: {  	[tilespmem:s25+$0xFFFFFF20] =	vst v10;
	v10 =	vld [tilespmem:s4+$0x20]  }
0x19b: {  	v15 =	vld [tilespmem:s11+$0xFFFFFF30];
	v8 =	vadd.f32 v8, v12  }
0x19c: {  	v9 =	vmul.f32 v9, v5;
	v12 =	vld [tilespmem:s12+$0xFFFFFF30];
	v7 =	vmul.f32 v7, v11  }
0x19d: {  	v11 =	vld [tilespmem:s4+$0xFFFFFF30];
	[tilespmem:s25+$0xFFFFFFA0] =	vst v8;
	v8 =	vmul.f32 v13, v3  }
0x19e: {  	v13 =	vld [tilespmem:s11+$0xFFFFFFB0];
	v7 =	vadd.f32 v7, v9  }
0x19f: {  	v9 =	vld [tilespmem:s12+$0xFFFFFFB0];
	v10 =	vmul.f32 v10, v14  }
0x1a0: {  	v14 =	vmul.f32 v15, v6;
	v15 =	vld [tilespmem:s4+$0xFFFFFFB0];
	[tilespmem:s25+$0xB0] =	vst v7  }
0x1a1: {  	v7 =	vadd.f32 v10, v8;
	v8 =	vld [tilespmem:s11+$0xC0]  }
0x1a2: {  	v10 =	vmul.f32 v11, v12;
	v11 =	vld [tilespmem:s12+$0xC0]  }
0x1a3: {  	v12 =	vmul.f32 v13, v4;
	[tilespmem:s25+$0x20] =	vst v7;
	v7 =	vld [tilespmem:s4+$0xC0]  }
0x1a4: {  	v10 =	vadd.f32 v10, v14;
	v13 =	vld [tilespmem:s11+$0x30]  }
0x1a5: {  	v9 =	vmul.f32 v15, v9;
	v14 =	vld [tilespmem:s12+$0x30]  }
0x1a6: {  	[tilespmem:s25+$0xFFFFFF30] =	vst v10;
	v10 =	vld [tilespmem:s4+$0x30]  }
0x1a7: {  	v15 =	vld [tilespmem:s11+$0xFFFFFF40];
	v9 =	vadd.f32 v9, v12  }
0x1a8: {  	v8 =	vmul.f32 v8, v5;
	v12 =	vld [tilespmem:s12+$0xFFFFFF40];
	v7 =	vmul.f32 v7, v11  }
0x1a9: {  	v11 =	vld [tilespmem:s4+$0xFFFFFF40];
	[tilespmem:s25+$0xFFFFFFB0] =	vst v9;
	v9 =	vmul.f32 v13, v3  }
0x1aa: {  	v13 =	vld [tilespmem:s11+$0xFFFFFFC0];
	v7 =	vadd.f32 v7, v8  }
0x1ab: {  	v8 =	vld [tilespmem:s12+$0xFFFFFFC0];
	v10 =	vmul.f32 v10, v14  }
0x1ac: {  	v14 =	vmul.f32 v15, v6;
	v15 =	vld [tilespmem:s4+$0xFFFFFFC0];
	[tilespmem:s25+$0xC0] =	vst v7  }
0x1ad: {  	v7 =	vadd.f32 v10, v9;
	v9 =	vld [tilespmem:s11+$0xD0]  }
0x1ae: {  	v10 =	vmul.f32 v11, v12;
	v11 =	vld [tilespmem:s12+$0xD0]  }
0x1af: {  	v12 =	vmul.f32 v13, v4;
	[tilespmem:s25+$0x30] =	vst v7;
	v7 =	vld [tilespmem:s4+$0xD0]  }
0x1b0: {  	v10 =	vadd.f32 v10, v14;
	v13 =	vld [tilespmem:s11+$0x40]  }
0x1b1: {  	v8 =	vmul.f32 v15, v8;
	v14 =	vld [tilespmem:s12+$0x40]  }
0x1b2: {  	[tilespmem:s25+$0xFFFFFF40] =	vst v10;
	v10 =	vld [tilespmem:s4+$0x40]  }
0x1b3: {  	v15 =	vld [tilespmem:s11+$0xFFFFFF50];
	v8 =	vadd.f32 v8, v12  }
0x1b4: {  	v9 =	vmul.f32 v9, v5;
	v12 =	vld [tilespmem:s12+$0xFFFFFF50];
	v7 =	vmul.f32 v7, v11  }
0x1b5: {  	v11 =	vld [tilespmem:s4+$0xFFFFFF50];
	[tilespmem:s25+$0xFFFFFFC0] =	vst v8;
	v8 =	vmul.f32 v13, v3  }
0x1b6: {  	v13 =	vld [tilespmem:s11+$0xFFFFFFD0];
	v7 =	vadd.f32 v7, v9  }
0x1b7: {  	v9 =	vld [tilespmem:s12+$0xFFFFFFD0];
	v10 =	vmul.f32 v10, v14  }
0x1b8: {  	v14 =	vmul.f32 v15, v6;
	v15 =	vld [tilespmem:s4+$0xFFFFFFD0];
	[tilespmem:s25+$0xD0] =	vst v7  }
0x1b9: {  	v7 =	vadd.f32 v10, v8;
	v8 =	vld [tilespmem:s11+$0xE0]  }
0x1ba: {  	v10 =	vmul.f32 v11, v12;
	v11 =	vld [tilespmem:s12+$0xE0]  }
0x1bb: {  	v12 =	vmul.f32 v13, v4;
	[tilespmem:s25+$0x40] =	vst v7;
	v7 =	vld [tilespmem:s4+$0xE0]  }
0x1bc: {  	v10 =	vadd.f32 v10, v14;
	v13 =	vld [tilespmem:s11+$0x50]  }
0x1bd: {  	v9 =	vmul.f32 v15, v9;
	v14 =	vld [tilespmem:s12+$0x50]  }
0x1be: {  	[tilespmem:s25+$0xFFFFFF50] =	vst v10;
	v10 =	vld [tilespmem:s4+$0x50]  }
0x1bf: {  	v15 =	vld [tilespmem:s11+$0xFFFFFF60];
	v9 =	vadd.f32 v9, v12  }
0x1c0: {  	v8 =	vmul.f32 v8, v5;
	v12 =	vld [tilespmem:s12+$0xFFFFFF60];
	v7 =	vmul.f32 v7, v11  }
0x1c1: {  	v11 =	vld [tilespmem:s4+$0xFFFFFF60];
	[tilespmem:s25+$0xFFFFFFD0] =	vst v9;
	v9 =	vmul.f32 v13, v3  }
0x1c2: {  	v13 =	vld [tilespmem:s11+$0xFFFFFFE0];
	v7 =	vadd.f32 v7, v8  }
0x1c3: {  	v8 =	vld [tilespmem:s12+$0xFFFFFFE0];
	v10 =	vmul.f32 v10, v14  }
0x1c4: {  	v14 =	vmul.f32 v15, v6;
	v15 =	vld [tilespmem:s4+$0xFFFFFFE0];
	[tilespmem:s25+$0xE0] =	vst v7  }
0x1c5: {  	v7 =	vadd.f32 v10, v9;
	v9 =	vld [tilespmem:s11+$0xF0]  }
0x1c6: {  	v10 =	vmul.f32 v11, v12;
	v11 =	vld [tilespmem:s12+$0xF0]  }
0x1c7: {  	v12 =	vmul.f32 v13, v4;
	[tilespmem:s25+$0x50] =	vst v7;
	v7 =	vld [tilespmem:s4+$0xF0]  }
0x1c8: {  	v10 =	vadd.f32 v10, v14;
	v13 =	vld [tilespmem:s11+$0x60]  }
0x1c9: {  	v8 =	vmul.f32 v15, v8;
	v14 =	vld [tilespmem:s12+$0x60]  }
0x1ca: {  	[tilespmem:s25+$0xFFFFFF60] =	vst v10;
	v10 =	vld [tilespmem:s4+$0x60]  }
0x1cb: {  	v15 =	vld [tilespmem:s11+$0xFFFFFF70];
	v8 =	vadd.f32 v8, v12  }
0x1cc: {  	v5 =	vmul.f32 v9, v5;
	v12 =	vld [tilespmem:s12+$0xFFFFFF70];
	v7 =	vmul.f32 v7, v11  }
0x1cd: {  	v11 =	vld [tilespmem:s4+$0xFFFFFF70];
	[tilespmem:s25+$0xFFFFFFE0] =	vst v8;
	v13 =	vmul.f32 v13, v3  }
0x1ce: {  	v16 =	vld [tilespmem:s11+$0xFFFFFFF0];
	v7 =	vadd.f32 v7, v5  }
.Ltmp5:
0x1cf: {  	v5 =	vld [tilespmem:s12+$0xFFFFFFF0];
	v10 =	vmul.f32 v10, v14;
	(pc) =	sbr.rel @p1 .LBB2_4-.Ltmp5, $4  }
0x1d0: {  	v9 =	vmul.f32 v15, v6;
	v8 =	vld [tilespmem:s4+$0xFFFFFFF0];
	[tilespmem:s25+$0xF0] =	vst v7  }
0x1d1: {  	v10 =	vadd.f32 v10, v13;
	v6 =	vld [tilespmem:s31+$0x70];
	s31 =	smov.u32 s11  }
0x1d2: {  	v11 =	vmul.f32 v11, v12;
	v7 =	vld [tilespmem:s23+$0x70];
	s23 =	smov.u32 s12  }
0x1d3: {  	s11 =	sadd.s32 $0x200, s11;
	v4 =	vmul.f32 v16, v4;
	[tilespmem:s25+$0x60] =	vst v10;
	v10 =	vld [tilespmem:s15+$0x70];
	s15 =	smov.u32 s4  }
0x1d4: {  	v12 =	vld [tilespmem:s31+$0x70]  }
0x1d5: {  	v13 =	vld [tilespmem:s23+$0x70]  }
0x1d6: {  	v14 =	vld [tilespmem:s15+$0x70];
	_ =	sdelay $0x2  }
0x1d7: {  	v5 =	vmul.f32 v8, v5  }
0x1d8: {  	v61 =	vadd.f32 v11, v9;
	v2 =	vmul.f32 v6, v2;
	v62 =	vmul.f32 v10, v7  }
0x1d9: {  	v4 =	vadd.f32 v5, v4;
	v3 =	vmul.f32 v12, v3;
	v63 =	vmul.f32 v14, v13  }
0x1da: {  	[tilespmem:s25+$0xFFFFFF70] =	vst v61;
	v2 =	vadd.f32 v62, v2  }
0x1db: {  	[tilespmem:s25+$0xFFFFFFF0] =	vst v4;
	v3 =	vadd.f32 v63, v3  }
0x1dc: {  	[tilespmem:s21+$0x70] =	vst v2  }
0x1dd: {  	s4 =	simm.s32 $0x13980;
	s11 =	simm.s32 $0x16C00;
	[tilespmem:s25+$0x70] =	vst v3  }
0x1de: {  	[spmem:s3] =	stream.indirect.scatter.add.f32 [tilespmem:s11], [sflag:$0x4], $0x80, s4, s0, $0xb8;
	[tilespmem:$0x1BF80] =	vst v63  }
.LBB2_6:
0x1df: {  	s4 =	sadd.s32 s29, s28  }
0x1e0: {  	p1 =	sgt.u32 s4, $0x1387  }
0x1e1: {  	s11 =	sshll.u32 @!p1 s4, $0x2  }
0x1e2: {  	s14 =	simm.s32 @!p1 $0x0;
	s15 =	simm.s32 @!p1 $0x13880;
	s12 =	sadd.s32 @!p1 s8, s11  }
0x1e3: {  	[tilespmem:s15], [sflag:$0x1] =	stream.linear.gather @!p1 [hbm4b:s12+s14], $0x20, $0x38;
	[tilespmem:$0x1BF80] =	vst v63  }
0x1e4: {  	s21 =	simm.s32 @!p1 $0x13900;
	s11 =	sadd.s32 @!p1 s9, s11  }
0x1e5: {  	[tilespmem:s21], [sflag:$0x1] =	stream.linear.gather @!p1 [hbm4b:s11+s14], $0x20, $0x38;
	[tilespmem:$0x1BF80] =	vst v63  }
0x1e6: {  	s11 =	sshll.u32 @!p1 s4, $0x9  }
0x1e7: {  	p3 =	sgt.u32 s22, $0x1377;
	s15 =	simm.s32 @!p1 $0x13A00;
	s12 =	sadd.s32 @!p1 s6, s11  }
0x1e8: {  	[tilespmem:s15], [sflag:$0x1] =	stream.linear.gather @!p1 [hbm4b:s12+s14], $0x1000, $0x38;
	[tilespmem:$0x1BF80] =	vst v63  }
.Ltmp6:
0x1e9: {  	_ = 	snop;
	(pc) =	sbr.rel @p3 .LBB2_10-.Ltmp6, $4  }
0x1ea: {  	s4 =	sshll.u32 @!p1 s4, $0x6;
	s11 =	sadd.s32 @!p1 s7, s11;
	s12 =	simm.s32 @!p1 $0x14A00  }
0x1eb: {  	[tilespmem:s12], [sflag:$0x1] =	stream.linear.gather @!p1 [hbm4b:s11+s14], $0x1000, $0x38;
	[tilespmem:$0x1BF80] =	vst v63  }
0x1ec: {  	s4 =	sadd.s32 @!p1 s2, s4;
	s11 =	simm.s32 @!p1 $0x15A00  }
0x1ed: {  	[tilespmem:s11], [sflag:$0x1] =	stream.linear.gather @!p1 [hbm4b:s4+s14], $0x200, $0x38;
	[tilespmem:$0x1BF80] =	vst v63  }
0x1ee: {  	_ =	swait.ge [sflag:s16], $0x20  }
0x1ef: {  	[sflag:s16] =	ssyncset.done $0x0  }
0x1f0: {  	[sflag:s16] =	ssyncadd.s32 $0xFFFFFFE0  }
0x1f1: {  	_ =	swait.ge [sflag:s16], $0x20  }
0x1f2: {  	[sflag:s16] =	ssyncset.done $0x0  }
0x1f3: {  	[sflag:s16] =	ssyncadd.s32 $0xFFFFFFE0  }
0x1f4: {  	_ =	swait.ge [sflag:s16], $0x1000  }
0x1f5: {  	[sflag:s16] =	ssyncset.done $0x0  }
0x1f6: {  	[sflag:s16] =	ssyncadd.s32 $0xFFFFF000  }
0x1f7: {  	_ =	swait.ge [sflag:s16], $0x1000  }
0x1f8: {  	[sflag:s16] =	ssyncset.done $0x0  }
0x1f9: {  	[sflag:s16] =	ssyncadd.s32 $0xFFFFF000  }
0x1fa: {  	_ =	swait.ge [sflag:s16], $0x200  }
0x1fb: {  	[sflag:s16] =	ssyncset.done $0x0  }
0x1fc: {  	[sflag:s16] =	ssyncadd.s32 $0xFFFFFE00  }
0x1fd: {  	v2 =	vld [tilespmem:$0x17C80]  }
0x1fe: {  	v3 =	vld [tilespmem:$0x17C90];
	_ =	sdelay $0x3  }
0x1ff: {  	v2 =	vadd.s32 v0, v2  }
0x200: {  	[tilespmem:$0x17C80] =	vst v2;
	v2 =	vadd.s32 v0, v3  }
0x201: {  	s4 =	simm.s32 @!p2 $0x6;
	[tilespmem:$0x17C90] =	vst v2  }
0x202: {  	[tilespmem:s17], [sflag:$0x5] =	stream.indirect.gather [hbm4b:s1+s0], $0x80, s10, s0, $0xb8;
	[tilespmem:$0x1BF80] =	vst v63  }
0x203: {  	_ =	swait.ge @!p2 [sflag:s4], $0x1000  }
0x204: {  	[sflag:s4] =	ssyncset.done @!p2 $0x0  }
0x205: {  	[sflag:s4] =	ssyncadd.s32 @!p2 $0xFFFFF000  }
0x206: {  	_ =	swait.ge [sflag:s18], $0x1000  }
0x207: {  	[sflag:s18] =	ssyncset.done $0x0  }
0x208: {  	[sflag:s18] =	ssyncadd.s32 $0xFFFFF000  }
0x209: {  	v2 =	vld [tilespmem:$0x17C00]  }
0x20a: {  	v3 =	vld [tilespmem:$0x17C10];
	_ =	sdelay $0x3  }
0x20b: {  	[tilespmem:$0x17D00] =	vst v2  }
0x20c: {  	s14 =	simm.s32 $0x17E80;
	[tilespmem:$0x17D10] =	vst v3  }
0x20d: {  	s25 =	simm.s32 $0x19DA0;
	v2 =	vld [tilespmem:s14+$0x80]  }
0x20e: {  	s11 =	simm.s32 $0x18E80;
	v3 =	vld [tilespmem:s25+$0x10]  }
0x20f: {  	s23 =	simm.s32 $0x1A080;
	v5 =	vld [tilespmem:s11+$0x80]  }
0x210: {  	v6 =	vld [tilespmem:s23+$0x80]  }
0x211: {  	v7 =	vld [tilespmem:s25+$0xFFFFFFF0]  }
0x212: {  	v8 =	vld [tilespmem:s25+$0x0]  }
0x213: {  	v9 =	vld [tilespmem:s25+$0xFFFFFFE0]  }
0x214: {  	v10 =	vld [tilespmem:s11+$0xFFFFFF00]  }
0x215: {  	v11 =	vld [tilespmem:s14+$0xFFFFFF80];
	v4 =	vperm.xlane v3, v1  }
0x216: {  	v12 =	vld [tilespmem:s11+$0xFFFFFF80]  }
0x217: {  	v3 =	vld [tilespmem:s14+$0xFFFFFF00];
	v5 =	vmul.f32 v6, v5;
	v2 =	vmul.f32 v2, v4  }
0x218: {  	v6 =	vld [tilespmem:s23+$0xFFFFFF00]  }
0x219: {  	s4 =	simm.s32 $0x1A280;
	v63 =	vld [tilespmem:s11+$0x0];
	v2 =	vadd.f32 v5, v2  }
0x21a: {  	s22 =	simm.s32 $0x1B080;
	v45 =	vld [tilespmem:s4+$0xFFFFFF00]  }
0x21b: {  	v5 =	vperm.xlane v9, v1;
	v9 =	vld [tilespmem:s23+$0xFFFFFF80];
	[tilespmem:s22+$0x80] =	vst v2  }
0x21c: {  	v2 =	vld [tilespmem:s14+$0x90]  }
0x21d: {  	v10 =	vmul.f32 v6, v10;
	v3 =	vmul.f32 v3, v5;
	v13 =	vld [tilespmem:s11+$0x90]  }
0x21e: {  	s31 =	simm.s32 $0x18080;
	v6 =	vperm.xlane v7, v1;
	v7 =	vld [tilespmem:s23+$0x90]  }
0x21f: {  	v46 =	vld [tilespmem:s31+$0xFFFFFF80];
	v3 =	vadd.f32 v10, v3  }
0x220: {  	v11 =	vmul.f32 v11, v6;
	v10 =	vld [tilespmem:s14+$0x0];
	v9 =	vmul.f32 v9, v12  }
0x221: {  	[tilespmem:s22+$0xFFFFFF00] =	vst v3;
	v3 =	vld [tilespmem:s23+$0x0]  }
0x222: {  	v14 =	vld [tilespmem:s14+$0xFFFFFF10];
	v9 =	vadd.f32 v9, v11  }
0x223: {  	v11 =	vld [tilespmem:s11+$0xFFFFFF10];
	v15 =	vmul.f32 v2, v4;
	v7 =	vmul.f32 v7, v13  }
0x224: {  	v2 =	vperm.xlane v8, v1;
	v8 =	vld [tilespmem:s23+$0xFFFFFF10];
	[tilespmem:s22+$0xFFFFFF80] =	vst v9  }
0x225: {  	v9 =	vld [tilespmem:s14+$0xFFFFFF90];
	v7 =	vadd.f32 v7, v15  }
0x226: {  	v10 =	vmul.f32 v10, v2;
	v16 =	vld [tilespmem:s11+$0xFFFFFF90];
	v3 =	vmul.f32 v3, v63  }
0x227: {  	v17 =	vld [tilespmem:s23+$0xFFFFFF90];
	[tilespmem:s22+$0x90] =	vst v7  }
0x228: {  	v3 =	vadd.f32 v3, v10;
	v7 =	vld [tilespmem:s14+$0xA0]  }
0x229: {  	v10 =	vmul.f32 v14, v5;
	v8 =	vmul.f32 v8, v11;
	v11 =	vld [tilespmem:s11+$0xA0]  }
0x22a: {  	[tilespmem:s22+$0x0] =	vst v3;
	v3 =	vld [tilespmem:s23+$0xA0]  }
0x22b: {  	v8 =	vadd.f32 v8, v10;
	v10 =	vld [tilespmem:s14+$0x10]  }
0x22c: {  	v9 =	vmul.f32 v9, v6;
	v12 =	vmul.f32 v17, v16;
	v18 =	vld [tilespmem:s11+$0x10]  }
0x22d: {  	[tilespmem:s22+$0xFFFFFF10] =	vst v8;
	v8 =	vld [tilespmem:s23+$0x10]  }
0x22e: {  	v9 =	vadd.f32 v12, v9;
	v19 =	vld [tilespmem:s14+$0xFFFFFF20]  }
0x22f: {  	v20 =	vld [tilespmem:s11+$0xFFFFFF20]  }
0x230: {  	v7 =	vmul.f32 v7, v4;
	[tilespmem:s22+$0xFFFFFF90] =	vst v9;
	v3 =	vmul.f32 v3, v11;
	v11 =	vld [tilespmem:s23+$0xFFFFFF20]  }
0x231: {  	v9 =	vld [tilespmem:s14+$0xFFFFFFA0]  }
0x232: {  	v21 =	vld [tilespmem:s23+$0xFFFFFFA0];
	v3 =	vadd.f32 v3, v7;
	v7 =	vmul.f32 v10, v2;
	v8 =	vmul.f32 v8, v18  }
0x233: {  	s24 =	simm.s32 $0x19DE0;
	v10 =	vld [tilespmem:s11+$0xFFFFFFA0]  }
0x234: {  	[tilespmem:s22+$0xA0] =	vst v3;
	v3 =	vadd.f32 v8, v7;
	v8 =	vmul.f32 v19, v5;
	v19 =	vld [tilespmem:s24+$0x10]  }
0x235: {  	v7 =	vld [tilespmem:s14+$0xB0]  }
0x236: {  	s12 =	simm.s32 $0x19080;
	v22 =	vld [tilespmem:s11+$0xB0]  }
0x237: {  	v11 =	vmul.f32 v11, v20;
	v20 =	vld [tilespmem:s12+$0x80]  }
0x238: {  	[tilespmem:s22+$0x10] =	vst v3;
	v3 =	vld [tilespmem:s23+$0xB0]  }
0x239: {  	v8 =	vadd.f32 v11, v8;
	v11 =	vld [tilespmem:s14+$0x20]  }
0x23a: {  	v23 =	vld [tilespmem:s11+$0x20]  }
0x23b: {  	v9 =	vmul.f32 v9, v6;
	v10 =	vmul.f32 v21, v10;
	[tilespmem:s22+$0xFFFFFF20] =	vst v8;
	v8 =	vld [tilespmem:s23+$0x20]  }
0x23c: {  	v24 =	vld [tilespmem:s14+$0xFFFFFF30]  }
0x23d: {  	v9 =	vadd.f32 v10, v9;
	v10 =	vld [tilespmem:s11+$0xFFFFFF30]  }
0x23e: {  	v25 =	vld [tilespmem:s23+$0xFFFFFF30]  }
0x23f: {  	v3 =	vmul.f32 v3, v22;
	[tilespmem:s22+$0xFFFFFFA0] =	vst v9;
	v22 =	vld [tilespmem:s4+$0x80]  }
0x240: {  	v7 =	vmul.f32 v7, v4;
	v9 =	vld [tilespmem:s14+$0xFFFFFFB0]  }
0x241: {  	v26 =	vld [tilespmem:s23+$0xFFFFFFB0]  }
0x242: {  	v3 =	vadd.f32 v3, v7;
	v7 =	vmul.f32 v11, v2;
	v11 =	vld [tilespmem:s11+$0xFFFFFFB0]  }
0x243: {  	v8 =	vmul.f32 v8, v23;
	v23 =	vld [tilespmem:s24+$0xFFFFFFF0]  }
0x244: {  	[tilespmem:s22+$0xB0] =	vst v3;
	v10 =	vmul.f32 v25, v10;
	v25 =	vld [tilespmem:s24+$0xFFFFFFE0]  }
0x245: {  	v3 =	vadd.f32 v8, v7;
	v7 =	vld [tilespmem:s14+$0xC0]  }
0x246: {  	v27 =	vld [tilespmem:s11+$0xC0]  }
0x247: {  	v8 =	vmul.f32 v24, v5;
	[tilespmem:s22+$0x20] =	vst v3;
	v3 =	vld [tilespmem:s23+$0xC0]  }
0x248: {  	v11 =	vmul.f32 v26, v11;
	v26 =	vld [tilespmem:s31+$0xFFFFFF00]  }
0x249: {  	v8 =	vadd.f32 v10, v8;
	v10 =	vld [tilespmem:s14+$0x30]  }
0x24a: {  	v9 =	vmul.f32 v9, v6;
	v28 =	vld [tilespmem:s11+$0x30]  }
0x24b: {  	[tilespmem:s22+$0xFFFFFF30] =	vst v8;
	v8 =	vld [tilespmem:s23+$0x30]  }
0x24c: {  	v9 =	vadd.f32 v11, v9;
	v29 =	vld [tilespmem:s14+$0xFFFFFF40]  }
0x24d: {  	v11 =	vld [tilespmem:s11+$0xFFFFFF40]  }
0x24e: {  	v7 =	vmul.f32 v7, v4;
	v30 =	vld [tilespmem:s23+$0xFFFFFF40];
	[tilespmem:s22+$0xFFFFFFB0] =	vst v9;
	v3 =	vmul.f32 v3, v27  }
0x24f: {  	v9 =	vld [tilespmem:s14+$0xFFFFFFC0]  }
0x250: {  	v31 =	vld [tilespmem:s23+$0xFFFFFFC0];
	v3 =	vadd.f32 v3, v7  }
0x251: {  	v27 =	vld [tilespmem:s12+$0xFFFFFF00];
	v7 =	vmul.f32 v10, v2;
	v8 =	vmul.f32 v8, v28  }
0x252: {  	v10 =	vld [tilespmem:s11+$0xFFFFFFC0];
	[tilespmem:s22+$0xC0] =	vst v3  }
0x253: {  	v3 =	vadd.f32 v8, v7;
	v7 =	vld [tilespmem:s14+$0xD0]  }
0x254: {  	v11 =	vmul.f32 v30, v11;
	v8 =	vmul.f32 v29, v5;
	v32 =	vld [tilespmem:s11+$0xD0]  }
0x255: {  	[tilespmem:s22+$0x30] =	vst v3;
	v3 =	vld [tilespmem:s23+$0xD0]  }
0x256: {  	v8 =	vadd.f32 v11, v8;
	v11 =	vld [tilespmem:s14+$0x40]  }
0x257: {  	v9 =	vmul.f32 v9, v6;
	v10 =	vmul.f32 v31, v10;
	v33 =	vld [tilespmem:s11+$0x40]  }
0x258: {  	[tilespmem:s22+$0xFFFFFF40] =	vst v8;
	v8 =	vld [tilespmem:s23+$0x40]  }
0x259: {  	v34 =	vld [tilespmem:s14+$0xFFFFFF50];
	v9 =	vadd.f32 v10, v9  }
0x25a: {  	v10 =	vld [tilespmem:s11+$0xFFFFFF50];
	v7 =	vmul.f32 v7, v4;
	v3 =	vmul.f32 v3, v32  }
0x25b: {  	v35 =	vld [tilespmem:s23+$0xFFFFFF50];
	[tilespmem:s22+$0xFFFFFFC0] =	vst v9  }
0x25c: {  	v9 =	vld [tilespmem:s14+$0xFFFFFFD0];
	v3 =	vadd.f32 v3, v7  }
0x25d: {  	v36 =	vld [tilespmem:s23+$0xFFFFFFD0];
	v7 =	vmul.f32 v11, v2;
	v8 =	vmul.f32 v8, v33  }
0x25e: {  	v11 =	vld [tilespmem:s11+$0xFFFFFFD0];
	[tilespmem:s22+$0xD0] =	vst v3  }
0x25f: {  	v3 =	vadd.f32 v8, v7;
	v7 =	vld [tilespmem:s14+$0xE0]  }
0x260: {  	v10 =	vmul.f32 v35, v10;
	v8 =	vmul.f32 v34, v5;
	v37 =	vld [tilespmem:s11+$0xE0]  }
0x261: {  	[tilespmem:s22+$0x40] =	vst v3;
	v3 =	vld [tilespmem:s23+$0xE0]  }
0x262: {  	v8 =	vadd.f32 v10, v8;
	v10 =	vld [tilespmem:s14+$0x50]  }
0x263: {  	v9 =	vmul.f32 v9, v6;
	v11 =	vmul.f32 v36, v11;
	v38 =	vld [tilespmem:s11+$0x50]  }
0x264: {  	[tilespmem:s22+$0xFFFFFF50] =	vst v8;
	v8 =	vld [tilespmem:s23+$0x50]  }
0x265: {  	v39 =	vld [tilespmem:s14+$0xFFFFFF60];
	v9 =	vadd.f32 v11, v9  }
0x266: {  	v21 =	vperm.xlane v19, v1;
	v19 =	vperm.xlane v25, v1;
	v11 =	vld [tilespmem:s11+$0xFFFFFF60]  }
0x267: {  	v40 =	vld [tilespmem:s23+$0xFFFFFF60];
	[tilespmem:s22+$0xFFFFFFD0] =	vst v9  }
0x268: {  	v26 =	vmul.f32 v26, v19;
	v27 =	vmul.f32 v45, v27;
	v41 =	vld [tilespmem:s14+$0xFFFFFFE0]  }
0x269: {  	v7 =	vmul.f32 v7, v4;
	v3 =	vmul.f32 v3, v37;
	v16 =	vld [tilespmem:s11+$0xFFFFFFE0]  }
0x26a: {  	v26 =	vadd.f32 v27, v26;
	v42 =	vld [tilespmem:s23+$0xFFFFFFE0]  }
0x26b: {  	s25 =	simm.s32 $0x1B280;
	v47 =	vld [tilespmem:s4+$0xFFFFFF80];
	v3 =	vadd.f32 v3, v7;
	v7 =	vmul.f32 v10, v2;
	v8 =	vmul.f32 v8, v38  }
0x26c: {  	v28 =	vld [tilespmem:s12+$0xFFFFFF80];
	[tilespmem:s25+$0xFFFFFF00] =	vst v26  }
0x26d: {  	v9 =	vmul.f32 v39, v5;
	v11 =	vmul.f32 v40, v11;
	[tilespmem:s22+$0xE0] =	vst v3;
	v3 =	vadd.f32 v8, v7  }
0x26e: {  	v44 =	vmul.f32 v22, v20;
	v20 =	vperm.xlane v23, v1;
	v52 =	vld [tilespmem:s31+$0xFFFFFF10]  }
0x26f: {  	v53 =	vld [tilespmem:s12+$0xFFFFFF10];
	[tilespmem:s22+$0x50] =	vst v3;
	v3 =	vadd.f32 v11, v9;
	v43 =	vmul.f32 v41, v6;
	v13 =	vmul.f32 v42, v16  }
0x270: {  	v54 =	vld [tilespmem:s4+$0xFFFFFF10]  }
0x271: {  	v22 =	vmul.f32 v46, v20;
	v25 =	vmul.f32 v47, v28;
	[tilespmem:s22+$0xFFFFFF60] =	vst v3;
	v3 =	vadd.f32 v13, v43  }
0x272: {  	v49 =	vld [tilespmem:s31+$0x0]  }
0x273: {  	v22 =	vadd.f32 v25, v22;
	[tilespmem:s22+$0xFFFFFFE0] =	vst v3;
	v3 =	vld [tilespmem:s31+$0x80]  }
0x274: {  	v50 =	vld [tilespmem:s12+$0x0]  }
0x275: {  	v51 =	vld [tilespmem:s4+$0x0];
	[tilespmem:s25+$0xFFFFFF80] =	vst v22;
	v25 =	vmul.f32 v52, v19;
	v22 =	vmul.f32 v54, v53  }
0x276: {  	v24 =	vld [tilespmem:s24+$0x0]  }
0x277: {  	v55 =	vld [tilespmem:s31+$0xFFFFFF90];
	v22 =	vadd.f32 v22, v25  }
0x278: {  	v56 =	vld [tilespmem:s12+$0xFFFFFF90];
	v3 =	vmul.f32 v3, v21  }
0x279: {  	v57 =	vld [tilespmem:s4+$0xFFFFFF90];
	[tilespmem:s25+$0xFFFFFF10] =	vst v22  }
0x27a: {  	v32 =	vld [tilespmem:s31+$0xFFFFFF20];
	v3 =	vadd.f32 v44, v3  }
0x27b: {  	v33 =	vld [tilespmem:s12+$0xFFFFFF20]  }
0x27c: {  	v34 =	vld [tilespmem:s4+$0xFFFFFF20];
	[tilespmem:s25+$0x80] =	vst v3  }
0x27d: {  	v3 =	vld [tilespmem:s31+$0x90]  }
0x27e: {  	v29 =	vld [tilespmem:s12+$0x90]  }
0x27f: {  	v48 =	vld [tilespmem:s4+$0x90]  }
0x280: {  	v7 =	vld [tilespmem:s14+$0xF0]  }
0x281: {  	v8 =	vld [tilespmem:s11+$0xF0]  }
0x282: {  	v10 =	vld [tilespmem:s23+$0xF0]  }
0x283: {  	v9 =	vld [tilespmem:s14+$0x60]  }
0x284: {  	v15 =	vld [tilespmem:s11+$0x60];
	v23 =	vmul.f32 v48, v29;
	v30 =	vmul.f32 v3, v21  }
0x285: {  	v18 =	vld [tilespmem:s23+$0x60];
	v3 =	vperm.xlane v24, v1  }
0x286: {  	v11 =	vld [tilespmem:s14+$0xFFFFFF70];
	v23 =	vadd.f32 v23, v30  }
0x287: {  	v26 =	vmul.f32 v51, v50;
	v12 =	vld [tilespmem:s11+$0xFFFFFF70];
	v27 =	vmul.f32 v49, v3  }
0x288: {  	v16 =	vld [tilespmem:s23+$0xFFFFFF70];
	[tilespmem:s25+$0x90] =	vst v23  }
0x289: {  	v26 =	vadd.f32 v26, v27;
	v58 =	vld [tilespmem:s31+$0xA0]  }
0x28a: {  	v59 =	vld [tilespmem:s12+$0xA0]  }
0x28b: {  	v60 =	vld [tilespmem:s4+$0xA0];
	[tilespmem:s25+$0x0] =	vst v26  }
0x28c: {  	v61 =	vld [tilespmem:s31+$0x10]  }
0x28d: {  	v24 =	vmul.f32 v55, v20;
	v23 =	vmul.f32 v57, v56;
	v62 =	vld [tilespmem:s12+$0x10]  }
0x28e: {  	v63 =	vld [tilespmem:s4+$0x10]  }
0x28f: {  	v13 =	vld [tilespmem:s14+$0xFFFFFFF0];
	v23 =	vadd.f32 v23, v24  }
0x290: {  	v14 =	vld [tilespmem:s11+$0xFFFFFFF0];
	v26 =	vmul.f32 v60, v59;
	v27 =	vmul.f32 v58, v21  }
0x291: {  	v17 =	vld [tilespmem:s23+$0xFFFFFFF0];
	[tilespmem:s25+$0xFFFFFF90] =	vst v23  }
0x292: {  	v35 =	vld [tilespmem:s31+$0xFFFFFFA0];
	v26 =	vadd.f32 v26, v27  }
0x293: {  	v36 =	vld [tilespmem:s12+$0xFFFFFFA0];
	v25 =	vmul.f32 v61, v3;
	v22 =	vmul.f32 v63, v62  }
0x294: {  	v37 =	vld [tilespmem:s4+$0xFFFFFFA0];
	[tilespmem:s25+$0xA0] =	vst v26  }
0x295: {  	v22 =	vadd.f32 v22, v25;
	v38 =	vld [tilespmem:s31+$0xB0]  }
0x296: {  	v24 =	vmul.f32 v32, v19;
	v23 =	vmul.f32 v34, v33;
	v39 =	vld [tilespmem:s12+$0xB0]  }
0x297: {  	v40 =	vld [tilespmem:s4+$0xB0];
	[tilespmem:s25+$0x10] =	vst v22  }
0x298: {  	v23 =	vadd.f32 v23, v24;
	v41 =	vld [tilespmem:s31+$0x20]  }
0x299: {  	v27 =	vmul.f32 v35, v20;
	v26 =	vmul.f32 v37, v36;
	v42 =	vld [tilespmem:s12+$0x20]  }
0x29a: {  	[tilespmem:s25+$0xFFFFFF20] =	vst v23;
	v43 =	vld [tilespmem:s4+$0x20]  }
0x29b: {  	v44 =	vld [tilespmem:s31+$0xFFFFFF30];
	v26 =	vadd.f32 v26, v27  }
0x29c: {  	v45 =	vld [tilespmem:s12+$0xFFFFFF30];
	v22 =	vmul.f32 v40, v39;
	v25 =	vmul.f32 v38, v21  }
0x29d: {  	v46 =	vld [tilespmem:s4+$0xFFFFFF30];
	[tilespmem:s25+$0xFFFFFFA0] =	vst v26  }
0x29e: {  	v47 =	vld [tilespmem:s31+$0xFFFFFFB0];
	v22 =	vadd.f32 v22, v25  }
0x29f: {  	v48 =	vld [tilespmem:s12+$0xFFFFFFB0];
	v24 =	vmul.f32 v41, v3;
	v23 =	vmul.f32 v43, v42  }
0x2a0: {  	v49 =	vld [tilespmem:s4+$0xFFFFFFB0];
	[tilespmem:s25+$0xB0] =	vst v22  }
0x2a1: {  	v23 =	vadd.f32 v23, v24;
	v50 =	vld [tilespmem:s31+$0xC0]  }
0x2a2: {  	v27 =	vmul.f32 v44, v19;
	v26 =	vmul.f32 v46, v45;
	v51 =	vld [tilespmem:s12+$0xC0]  }
0x2a3: {  	v52 =	vld [tilespmem:s4+$0xC0];
	[tilespmem:s25+$0x20] =	vst v23  }
0x2a4: {  	v26 =	vadd.f32 v26, v27;
	v53 =	vld [tilespmem:s31+$0x30]  }
0x2a5: {  	v25 =	vmul.f32 v47, v20;
	v22 =	vmul.f32 v49, v48;
	v54 =	vld [tilespmem:s12+$0x30]  }
0x2a6: {  	[tilespmem:s25+$0xFFFFFF30] =	vst v26;
	v55 =	vld [tilespmem:s4+$0x30]  }
0x2a7: {  	v56 =	vld [tilespmem:s31+$0xFFFFFF40];
	v22 =	vadd.f32 v22, v25  }
0x2a8: {  	v57 =	vld [tilespmem:s12+$0xFFFFFF40];
	v23 =	vmul.f32 v52, v51;
	v24 =	vmul.f32 v50, v21  }
0x2a9: {  	v58 =	vld [tilespmem:s4+$0xFFFFFF40];
	[tilespmem:s25+$0xFFFFFFB0] =	vst v22  }
0x2aa: {  	v59 =	vld [tilespmem:s31+$0xFFFFFFC0];
	v23 =	vadd.f32 v23, v24  }
0x2ab: {  	v60 =	vld [tilespmem:s12+$0xFFFFFFC0];
	v27 =	vmul.f32 v53, v3;
	v26 =	vmul.f32 v55, v54  }
0x2ac: {  	v61 =	vld [tilespmem:s4+$0xFFFFFFC0];
	[tilespmem:s25+$0xC0] =	vst v23  }
0x2ad: {  	v26 =	vadd.f32 v26, v27;
	v62 =	vld [tilespmem:s31+$0xD0]  }
0x2ae: {  	v25 =	vmul.f32 v56, v19;
	v22 =	vmul.f32 v58, v57;
	v63 =	vld [tilespmem:s12+$0xD0]  }
0x2af: {  	v32 =	vld [tilespmem:s4+$0xD0];
	[tilespmem:s25+$0x30] =	vst v26  }
0x2b0: {  	v22 =	vadd.f32 v22, v25;
	v33 =	vld [tilespmem:s31+$0x40]  }
0x2b1: {  	v24 =	vmul.f32 v59, v20;
	v23 =	vmul.f32 v61, v60;
	v34 =	vld [tilespmem:s12+$0x40]  }
0x2b2: {  	[tilespmem:s25+$0xFFFFFF40] =	vst v22;
	v35 =	vld [tilespmem:s4+$0x40]  }
0x2b3: {  	v36 =	vld [tilespmem:s31+$0xFFFFFF50];
	v23 =	vadd.f32 v23, v24  }
0x2b4: {  	v37 =	vld [tilespmem:s12+$0xFFFFFF50];
	v26 =	vmul.f32 v32, v63;
	v27 =	vmul.f32 v62, v21  }
0x2b5: {  	v38 =	vld [tilespmem:s4+$0xFFFFFF50];
	[tilespmem:s25+$0xFFFFFFC0] =	vst v23  }
0x2b6: {  	v39 =	vld [tilespmem:s31+$0xFFFFFFD0];
	v26 =	vadd.f32 v26, v27  }
0x2b7: {  	v40 =	vld [tilespmem:s12+$0xFFFFFFD0];
	v25 =	vmul.f32 v33, v3;
	v22 =	vmul.f32 v35, v34  }
0x2b8: {  	v41 =	vld [tilespmem:s4+$0xFFFFFFD0];
	[tilespmem:s25+$0xD0] =	vst v26  }
0x2b9: {  	v22 =	vadd.f32 v22, v25;
	v42 =	vld [tilespmem:s31+$0xE0]  }
0x2ba: {  	v24 =	vmul.f32 v36, v19;
	v23 =	vmul.f32 v38, v37;
	v43 =	vld [tilespmem:s12+$0xE0]  }
0x2bb: {  	v44 =	vld [tilespmem:s4+$0xE0];
	[tilespmem:s25+$0x40] =	vst v22  }
0x2bc: {  	v23 =	vadd.f32 v23, v24;
	v45 =	vld [tilespmem:s31+$0x50]  }
0x2bd: {  	v27 =	vmul.f32 v39, v20;
	v26 =	vmul.f32 v41, v40;
	v46 =	vld [tilespmem:s12+$0x50]  }
0x2be: {  	[tilespmem:s25+$0xFFFFFF50] =	vst v23;
	v47 =	vld [tilespmem:s4+$0x50]  }
0x2bf: {  	v48 =	vld [tilespmem:s31+$0xFFFFFF60];
	v26 =	vadd.f32 v26, v27  }
0x2c0: {  	v49 =	vld [tilespmem:s12+$0xFFFFFF60];
	v22 =	vmul.f32 v44, v43;
	v25 =	vmul.f32 v42, v21  }
0x2c1: {  	v50 =	vld [tilespmem:s4+$0xFFFFFF60];
	[tilespmem:s25+$0xFFFFFFD0] =	vst v26  }
0x2c2: {  	v51 =	vld [tilespmem:s31+$0xFFFFFFE0];
	v22 =	vadd.f32 v22, v25  }
0x2c3: {  	v52 =	vld [tilespmem:s12+$0xFFFFFFE0];
	v24 =	vmul.f32 v45, v3;
	v23 =	vmul.f32 v47, v46  }
0x2c4: {  	v53 =	vld [tilespmem:s4+$0xFFFFFFE0];
	[tilespmem:s25+$0xE0] =	vst v22  }
0x2c5: {  	v23 =	vadd.f32 v23, v24;
	v54 =	vld [tilespmem:s31+$0xF0]  }
0x2c6: {  	v27 =	vmul.f32 v48, v19;
	v26 =	vmul.f32 v50, v49;
	v55 =	vld [tilespmem:s12+$0xF0]  }
0x2c7: {  	v56 =	vld [tilespmem:s4+$0xF0];
	[tilespmem:s25+$0x50] =	vst v23  }
0x2c8: {  	v26 =	vadd.f32 v26, v27;
	v57 =	vld [tilespmem:s31+$0x60]  }
0x2c9: {  	v25 =	vmul.f32 v51, v20;
	v22 =	vmul.f32 v53, v52;
	v58 =	vld [tilespmem:s12+$0x60]  }
0x2ca: {  	v4 =	vmul.f32 v7, v4;
	v7 =	vmul.f32 v10, v8;
	[tilespmem:s25+$0xFFFFFF60] =	vst v26;
	v8 =	vld [tilespmem:s4+$0x60]  }
0x2cb: {  	v10 =	vmul.f32 v18, v15;
	v9 =	vmul.f32 v9, v2;
	v60 =	vld [tilespmem:s31+$0xFFFFFF70];
	v59 =	vadd.f32 v22, v25  }
0x2cc: {  	v4 =	vadd.f32 v7, v4;
	v5 =	vmul.f32 v11, v5;
	v7 =	vmul.f32 v16, v12;
	v11 =	vld [tilespmem:s12+$0xFFFFFF70]  }
0x2cd: {  	v9 =	vadd.f32 v10, v9;
	v6 =	vmul.f32 v13, v6;
	v10 =	vmul.f32 v17, v14;
	v61 =	vld [tilespmem:s4+$0xFFFFFF70];
	[tilespmem:s25+$0xFFFFFFE0] =	vst v59  }
0x2ce: {  	[tilespmem:s22+$0xF0] =	vst v4;
	v4 =	vadd.f32 v7, v5;
	v63 =	vld [tilespmem:s31+$0xFFFFFFF0];
	v7 =	vmul.f32 v54, v21;
	v62 =	vmul.f32 v56, v55  }
0x2cf: {  	[tilespmem:s22+$0x60] =	vst v9;
	v6 =	vadd.f32 v10, v6;
	v5 =	vld [tilespmem:s12+$0xFFFFFFF0];
	v9 =	vmul.f32 v57, v3;
	v10 =	vmul.f32 v8, v58  }
0x2d0: {  	[tilespmem:s22+$0xFFFFFF70] =	vst v4;
	v4 =	vadd.f32 v62, v7;
	v8 =	vld [tilespmem:s4+$0xFFFFFFF0]  }
0x2d1: {  	[tilespmem:s22+$0xFFFFFFF0] =	vst v6;
	v6 =	vld [tilespmem:s14+$0x70];
	v10 =	vadd.f32 v10, v9  }
0x2d2: {  	s15 =	simm.s32 $0x19080;
	v11 =	vmul.f32 v61, v11;
	v7 =	vld [tilespmem:s11+$0x70];
	v9 =	vmul.f32 v60, v19;
	[tilespmem:s25+$0xF0] =	vst v4  }
0x2d3: {  	s14 =	simm.s32 $0x4;
	s11 =	simm.s32 $0x18280;
	v4 =	vmul.f32 v63, v20;
	[tilespmem:s25+$0x60] =	vst v10;
	v10 =	vld [tilespmem:s23+$0x70];
	s23 =	simm.s32 $0x1A280  }
.LBB2_8:
0x2d4: {  	v12 =	vld [tilespmem:s11+$0x80];
	v9 =	vadd.f32 v11, v9;
	s24 =	sadd.s32 $0x40, s24  }
0x2d5: {  	s12 =	sadd.s32 $0x200, s12;
	v11 =	vld [tilespmem:s24+$0x10];
	v5 =	vmul.f32 v8, v5  }
0x2d6: {  	s4 =	sadd.s32 $0x200, s4;
	v8 =	vld [tilespmem:s12+$0x80];
	[tilespmem:s25+$0xFFFFFF70] =	vst v9;
	v6 =	vmul.f32 v6, v2;
	v2 =	vmov v3  }
0x2d7: {  	v3 =	vld [tilespmem:s4+$0x80];
	v4 =	vadd.f32 v5, v4  }
0x2d8: {  	v9 =	vld [tilespmem:s24+$0xFFFFFFF0];
	v7 =	vmul.f32 v10, v7  }
0x2d9: {  	v10 =	vld [tilespmem:s24+$0x0];
	[tilespmem:s25+$0xFFFFFFF0] =	vst v4  }
0x2da: {  	v13 =	vld [tilespmem:s24+$0xFFFFFFE0];
	v5 =	vperm.xlane v11, v1;
	v4 =	vadd.f32 v7, v6  }
0x2db: {  	v7 =	vld [tilespmem:s11+$0xFFFFFF00]  }
0x2dc: {  	v11 =	vld [tilespmem:s12+$0xFFFFFF00];
	v6 =	vmul.f32 v12, v5;
	v8 =	vmul.f32 v3, v8;
	[tilespmem:s22+$0x70] =	vst v4;
	s22 =	smov.u32 s25  }
0x2dd: {  	v12 =	vld [tilespmem:s4+$0xFFFFFF00];
	v4 =	vperm.xlane v9, v1  }
0x2de: {  	v9 =	vld [tilespmem:s11+$0xFFFFFF80];
	v3 =	vperm.xlane v10, v1;
	v8 =	vadd.f32 v8, v6  }
0x2df: {  	s25 =	sadd.s32 $0x200, s25;
	v6 =	vperm.xlane v13, v1;
	v10 =	vld [tilespmem:s12+$0xFFFFFF80]  }
0x2e0: {  	v13 =	vld [tilespmem:s4+$0xFFFFFF80];
	[tilespmem:s25+$0x80] =	vst v8  }
0x2e1: {  	v7 =	vmul.f32 v7, v6;
	v8 =	vld [tilespmem:s11+$0x90]  }
0x2e2: {  	v11 =	vmul.f32 v12, v11;
	v12 =	vld [tilespmem:s12+$0x90]  }
0x2e3: {  	s14 =	sadd.s32 $0x4, s14;
	v9 =	vmul.f32 v9, v4;
	v14 =	vld [tilespmem:s4+$0x90]  }
0x2e4: {  	p2 =	slt.u32 s14, $0x1C;
	v7 =	vadd.f32 v11, v7;
	v11 =	vld [tilespmem:s11+$0x0]  }
0x2e5: {  	v10 =	vmul.f32 v13, v10;
	v13 =	vld [tilespmem:s12+$0x0]  }
0x2e6: {  	[tilespmem:s25+$0xFFFFFF00] =	vst v7;
	v7 =	vld [tilespmem:s4+$0x0]  }
0x2e7: {  	v15 =	vld [tilespmem:s11+$0xFFFFFF10];
	v9 =	vadd.f32 v10, v9  }
0x2e8: {  	v8 =	vmul.f32 v8, v5;
	v10 =	vld [tilespmem:s12+$0xFFFFFF10];
	v12 =	vmul.f32 v14, v12  }
0x2e9: {  	v14 =	vld [tilespmem:s4+$0xFFFFFF10];
	[tilespmem:s25+$0xFFFFFF80] =	vst v9;
	v9 =	vmul.f32 v11, v3  }
0x2ea: {  	v11 =	vld [tilespmem:s11+$0xFFFFFF90];
	v8 =	vadd.f32 v12, v8  }
0x2eb: {  	v12 =	vld [tilespmem:s12+$0xFFFFFF90];
	v7 =	vmul.f32 v7, v13  }
0x2ec: {  	v13 =	vmul.f32 v15, v6;
	v15 =	vld [tilespmem:s4+$0xFFFFFF90];
	[tilespmem:s25+$0x90] =	vst v8  }
0x2ed: {  	v7 =	vadd.f32 v7, v9;
	v8 =	vld [tilespmem:s11+$0xA0]  }
0x2ee: {  	v9 =	vmul.f32 v14, v10;
	v10 =	vld [tilespmem:s12+$0xA0]  }
0x2ef: {  	v11 =	vmul.f32 v11, v4;
	[tilespmem:s25+$0x0] =	vst v7;
	v7 =	vld [tilespmem:s4+$0xA0]  }
0x2f0: {  	v9 =	vadd.f32 v9, v13;
	v13 =	vld [tilespmem:s11+$0x10]  }
0x2f1: {  	v12 =	vmul.f32 v15, v12;
	v14 =	vld [tilespmem:s12+$0x10]  }
0x2f2: {  	[tilespmem:s25+$0xFFFFFF10] =	vst v9;
	v9 =	vld [tilespmem:s4+$0x10]  }
0x2f3: {  	v15 =	vld [tilespmem:s11+$0xFFFFFF20];
	v11 =	vadd.f32 v12, v11  }
0x2f4: {  	v8 =	vmul.f32 v8, v5;
	v12 =	vld [tilespmem:s12+$0xFFFFFF20];
	v7 =	vmul.f32 v7, v10  }
0x2f5: {  	v10 =	vld [tilespmem:s4+$0xFFFFFF20];
	[tilespmem:s25+$0xFFFFFF90] =	vst v11;
	v11 =	vmul.f32 v13, v3  }
0x2f6: {  	v13 =	vld [tilespmem:s11+$0xFFFFFFA0];
	v7 =	vadd.f32 v7, v8  }
0x2f7: {  	v8 =	vld [tilespmem:s12+$0xFFFFFFA0];
	v9 =	vmul.f32 v9, v14  }
0x2f8: {  	v14 =	vmul.f32 v15, v6;
	v15 =	vld [tilespmem:s4+$0xFFFFFFA0];
	[tilespmem:s25+$0xA0] =	vst v7  }
0x2f9: {  	v7 =	vadd.f32 v9, v11;
	v9 =	vld [tilespmem:s11+$0xB0]  }
0x2fa: {  	v10 =	vmul.f32 v10, v12;
	v11 =	vld [tilespmem:s12+$0xB0]  }
0x2fb: {  	v12 =	vmul.f32 v13, v4;
	[tilespmem:s25+$0x10] =	vst v7;
	v7 =	vld [tilespmem:s4+$0xB0]  }
0x2fc: {  	v10 =	vadd.f32 v10, v14;
	v13 =	vld [tilespmem:s11+$0x20]  }
0x2fd: {  	v8 =	vmul.f32 v15, v8;
	v14 =	vld [tilespmem:s12+$0x20]  }
0x2fe: {  	[tilespmem:s25+$0xFFFFFF20] =	vst v10;
	v10 =	vld [tilespmem:s4+$0x20]  }
0x2ff: {  	v15 =	vld [tilespmem:s11+$0xFFFFFF30];
	v8 =	vadd.f32 v8, v12  }
0x300: {  	v9 =	vmul.f32 v9, v5;
	v12 =	vld [tilespmem:s12+$0xFFFFFF30];
	v7 =	vmul.f32 v7, v11  }
0x301: {  	v11 =	vld [tilespmem:s4+$0xFFFFFF30];
	[tilespmem:s25+$0xFFFFFFA0] =	vst v8;
	v8 =	vmul.f32 v13, v3  }
0x302: {  	v13 =	vld [tilespmem:s11+$0xFFFFFFB0];
	v7 =	vadd.f32 v7, v9  }
0x303: {  	v9 =	vld [tilespmem:s12+$0xFFFFFFB0];
	v10 =	vmul.f32 v10, v14  }
0x304: {  	v14 =	vmul.f32 v15, v6;
	v15 =	vld [tilespmem:s4+$0xFFFFFFB0];
	[tilespmem:s25+$0xB0] =	vst v7  }
0x305: {  	v7 =	vadd.f32 v10, v8;
	v8 =	vld [tilespmem:s11+$0xC0]  }
0x306: {  	v10 =	vmul.f32 v11, v12;
	v11 =	vld [tilespmem:s12+$0xC0]  }
0x307: {  	v12 =	vmul.f32 v13, v4;
	[tilespmem:s25+$0x20] =	vst v7;
	v7 =	vld [tilespmem:s4+$0xC0]  }
0x308: {  	v10 =	vadd.f32 v10, v14;
	v13 =	vld [tilespmem:s11+$0x30]  }
0x309: {  	v9 =	vmul.f32 v15, v9;
	v14 =	vld [tilespmem:s12+$0x30]  }
0x30a: {  	[tilespmem:s25+$0xFFFFFF30] =	vst v10;
	v10 =	vld [tilespmem:s4+$0x30]  }
0x30b: {  	v15 =	vld [tilespmem:s11+$0xFFFFFF40];
	v9 =	vadd.f32 v9, v12  }
0x30c: {  	v8 =	vmul.f32 v8, v5;
	v12 =	vld [tilespmem:s12+$0xFFFFFF40];
	v7 =	vmul.f32 v7, v11  }
0x30d: {  	v11 =	vld [tilespmem:s4+$0xFFFFFF40];
	[tilespmem:s25+$0xFFFFFFB0] =	vst v9;
	v9 =	vmul.f32 v13, v3  }
0x30e: {  	v13 =	vld [tilespmem:s11+$0xFFFFFFC0];
	v7 =	vadd.f32 v7, v8  }
0x30f: {  	v8 =	vld [tilespmem:s12+$0xFFFFFFC0];
	v10 =	vmul.f32 v10, v14  }
0x310: {  	v14 =	vmul.f32 v15, v6;
	v15 =	vld [tilespmem:s4+$0xFFFFFFC0];
	[tilespmem:s25+$0xC0] =	vst v7  }
0x311: {  	v7 =	vadd.f32 v10, v9;
	v9 =	vld [tilespmem:s11+$0xD0]  }
0x312: {  	v10 =	vmul.f32 v11, v12;
	v11 =	vld [tilespmem:s12+$0xD0]  }
0x313: {  	v12 =	vmul.f32 v13, v4;
	[tilespmem:s25+$0x30] =	vst v7;
	v7 =	vld [tilespmem:s4+$0xD0]  }
0x314: {  	v10 =	vadd.f32 v10, v14;
	v13 =	vld [tilespmem:s11+$0x40]  }
0x315: {  	v8 =	vmul.f32 v15, v8;
	v14 =	vld [tilespmem:s12+$0x40]  }
0x316: {  	[tilespmem:s25+$0xFFFFFF40] =	vst v10;
	v10 =	vld [tilespmem:s4+$0x40]  }
0x317: {  	v15 =	vld [tilespmem:s11+$0xFFFFFF50];
	v8 =	vadd.f32 v8, v12  }
0x318: {  	v9 =	vmul.f32 v9, v5;
	v12 =	vld [tilespmem:s12+$0xFFFFFF50];
	v7 =	vmul.f32 v7, v11  }
0x319: {  	v11 =	vld [tilespmem:s4+$0xFFFFFF50];
	[tilespmem:s25+$0xFFFFFFC0] =	vst v8;
	v8 =	vmul.f32 v13, v3  }
0x31a: {  	v13 =	vld [tilespmem:s11+$0xFFFFFFD0];
	v7 =	vadd.f32 v7, v9  }
0x31b: {  	v9 =	vld [tilespmem:s12+$0xFFFFFFD0];
	v10 =	vmul.f32 v10, v14  }
0x31c: {  	v14 =	vmul.f32 v15, v6;
	v15 =	vld [tilespmem:s4+$0xFFFFFFD0];
	[tilespmem:s25+$0xD0] =	vst v7  }
0x31d: {  	v7 =	vadd.f32 v10, v8;
	v8 =	vld [tilespmem:s11+$0xE0]  }
0x31e: {  	v10 =	vmul.f32 v11, v12;
	v11 =	vld [tilespmem:s12+$0xE0]  }
0x31f: {  	v12 =	vmul.f32 v13, v4;
	[tilespmem:s25+$0x40] =	vst v7;
	v7 =	vld [tilespmem:s4+$0xE0]  }
0x320: {  	v10 =	vadd.f32 v10, v14;
	v13 =	vld [tilespmem:s11+$0x50]  }
0x321: {  	v9 =	vmul.f32 v15, v9;
	v14 =	vld [tilespmem:s12+$0x50]  }
0x322: {  	[tilespmem:s25+$0xFFFFFF50] =	vst v10;
	v10 =	vld [tilespmem:s4+$0x50]  }
0x323: {  	v15 =	vld [tilespmem:s11+$0xFFFFFF60];
	v9 =	vadd.f32 v9, v12  }
0x324: {  	v8 =	vmul.f32 v8, v5;
	v12 =	vld [tilespmem:s12+$0xFFFFFF60];
	v7 =	vmul.f32 v7, v11  }
0x325: {  	v11 =	vld [tilespmem:s4+$0xFFFFFF60];
	[tilespmem:s25+$0xFFFFFFD0] =	vst v9;
	v9 =	vmul.f32 v13, v3  }
0x326: {  	v13 =	vld [tilespmem:s11+$0xFFFFFFE0];
	v7 =	vadd.f32 v7, v8  }
0x327: {  	v8 =	vld [tilespmem:s12+$0xFFFFFFE0];
	v10 =	vmul.f32 v10, v14  }
0x328: {  	v14 =	vmul.f32 v15, v6;
	v15 =	vld [tilespmem:s4+$0xFFFFFFE0];
	[tilespmem:s25+$0xE0] =	vst v7  }
0x329: {  	v7 =	vadd.f32 v10, v9;
	v9 =	vld [tilespmem:s11+$0xF0]  }
0x32a: {  	v10 =	vmul.f32 v11, v12;
	v11 =	vld [tilespmem:s12+$0xF0]  }
0x32b: {  	v12 =	vmul.f32 v13, v4;
	[tilespmem:s25+$0x50] =	vst v7;
	v7 =	vld [tilespmem:s4+$0xF0]  }
0x32c: {  	v10 =	vadd.f32 v10, v14;
	v13 =	vld [tilespmem:s11+$0x60]  }
0x32d: {  	v8 =	vmul.f32 v15, v8;
	v14 =	vld [tilespmem:s12+$0x60]  }
0x32e: {  	[tilespmem:s25+$0xFFFFFF60] =	vst v10;
	v10 =	vld [tilespmem:s4+$0x60]  }
0x32f: {  	v15 =	vld [tilespmem:s11+$0xFFFFFF70];
	v8 =	vadd.f32 v8, v12  }
0x330: {  	v5 =	vmul.f32 v9, v5;
	v12 =	vld [tilespmem:s12+$0xFFFFFF70];
	v7 =	vmul.f32 v7, v11  }
0x331: {  	v11 =	vld [tilespmem:s4+$0xFFFFFF70];
	[tilespmem:s25+$0xFFFFFFE0] =	vst v8;
	v13 =	vmul.f32 v13, v3  }
0x332: {  	v16 =	vld [tilespmem:s11+$0xFFFFFFF0];
	v7 =	vadd.f32 v7, v5  }
.Ltmp7:
0x333: {  	v5 =	vld [tilespmem:s12+$0xFFFFFFF0];
	v10 =	vmul.f32 v10, v14;
	(pc) =	sbr.rel @p2 .LBB2_8-.Ltmp7, $4  }
0x334: {  	v9 =	vmul.f32 v15, v6;
	v8 =	vld [tilespmem:s4+$0xFFFFFFF0];
	[tilespmem:s25+$0xF0] =	vst v7  }
0x335: {  	v10 =	vadd.f32 v10, v13;
	v6 =	vld [tilespmem:s31+$0x70];
	s31 =	smov.u32 s11  }
0x336: {  	v11 =	vmul.f32 v11, v12;
	v7 =	vld [tilespmem:s15+$0x70];
	s15 =	smov.u32 s12  }
0x337: {  	s11 =	sadd.s32 $0x200, s11;
	v4 =	vmul.f32 v16, v4;
	[tilespmem:s25+$0x60] =	vst v10;
	v10 =	vld [tilespmem:s23+$0x70];
	s23 =	smov.u32 s4  }
0x338: {  	v12 =	vld [tilespmem:s31+$0x70]  }
0x339: {  	v13 =	vld [tilespmem:s15+$0x70]  }
0x33a: {  	v14 =	vld [tilespmem:s23+$0x70];
	_ =	sdelay $0x2  }
0x33b: {  	v5 =	vmul.f32 v8, v5  }
0x33c: {  	v61 =	vadd.f32 v11, v9;
	v2 =	vmul.f32 v6, v2;
	v62 =	vmul.f32 v10, v7  }
0x33d: {  	v4 =	vadd.f32 v5, v4;
	v3 =	vmul.f32 v12, v3;
	v63 =	vmul.f32 v14, v13  }
.Ltmp8:
0x33e: {  	[tilespmem:s25+$0xFFFFFF70] =	vst v61;
	v2 =	vadd.f32 v62, v2;
	(pc) =	sbr.rel .LBB2_10-.Ltmp8, $4  }
0x33f: {  	[tilespmem:s25+$0xFFFFFFF0] =	vst v4;
	v3 =	vadd.f32 v63, v3  }
0x340: {  	[tilespmem:s22+$0x70] =	vst v2  }
0x341: {  	[tilespmem:s25+$0x70] =	vst v3  }
0x342: {  	[spmem:s3] =	stream.indirect.scatter.add.f32 [tilespmem:s20], [sflag:$0x6], $0x80, s19, s0, $0xb8;
	[tilespmem:$0x1BF80] =	vst v63  }
.LBB2_12:
0x343: {  	_ =	sfence.sel $0x180000  }
0x344: {  	[bflag:$0x0] =	sbarrier.arrive $0xFFFF  }
0x345: {  	_ =	strace $0x9000004A  }
0x346: {  	[bflag:$0x2] =	sbarrier.arrive $0xFFFF  }
0x347: {  	p0 =	sne.s32 s5, $0x0;
	s0 =	rddreg [dreg:$0x4]  }
0x348: {  	s0 =	sadd.s32 @!p0 $0x100000, s0  }
0x349: {  	[sflag:s0] =	ssyncadd.tile.s32 @!p0 $0x1;
	_ =	shalt  }
.Lfunc_end2:
_tile_overlayer_lowered:
.L_overlay_start_2:
0x34a: {  	(tag) =	ssettag $0x2  }
0x34b: {  	s0 =	rddreg [dreg:$0x0];
	s2 =	stileid.u32  }
0x34c: {  	s1 =	rddreg [dreg:$0x1];
	p0 =	sne.s32 s2, $0x0  }
0x34d: {  	s3 =	rddreg [dreg:$0x2];
	[bflag:$0x3] =	sbarrier.arrive $0xFFFF;
	s2 =	simm.s32 @!p0 $0x1C07  }
0x34e: {  	[timem:s3], [sflag:s2] =	dma.local @!p0 [hbm:s0], s1  }
0x34f: {  	s0 =	simm.s32 @!p0 $0x7  }
0x350: {  	_ =	swait.ge @!p0 [sflag:s0], s1  }
0x351: {  	s1 =	ssub.s32 @!p0 $0x0, s1;
	[sflag:s0] =	ssyncset.done @!p0 $0x0  }
0x352: {  	[sflag:s0] =	ssyncadd.s32 @!p0 s1  }
0x353: {  	[bflag:$0x3] =	sbarrier.arrive $0xFFFF  }
0x354: {  	_ =	shalt  }

// kernel: kernel.13.cloned.1.call-start
scs
__scs_entry_jumppad:
0x0: {  	(pc) =	sbr.rel $0x88, $3  }
0x1: {  	(tag) =	ssettag $0x0;
	lr =	simm.s32 $0x1  }
0x2: {  	[smem:$0x3F90] =	sst lr;
	_ =	strace $0xD0000000  }
0x3: {  	_ = 	snop  }
0x4: {  	_ = 	snop  }
0x5: {  	_ = 	snop  }
0x6: {  	_ = 	snop  }
0x7: {  	_ = 	snop  }
__scs_overlays_trampoline_lowered:
0x8: {  	[smem:$0x3F9F] =	sst s0  }
0x9: {  	[smem:$0x3FA0] =	sst s1  }
0xa: {  	[smem:$0x3FA1] =	sst s2  }
0xb: {  	[smem:$0x3FA2] =	sst s3  }
0xc: {  	[smem:$0x3FA3] =	sst s4  }
0xd: {  	[smem:$0x3FA4] =	sst s5  }
0xe: {  	[smem:$0x3FA5] =	sst s6  }
0xf: {  	[smem:$0x3FA6] =	sst s7  }
0x10: {  	[smem:$0x3FA7] =	sst s8  }
0x11: {  	[smem:$0x3FA8] =	sst s9;
	s0 =	simm.s32 @!p0 $0x0  }
0x12: {  	s1 =	sld [smem:$0x3F8E];
	s0 =	simm.s32 @p0 $0x1  }
0x13: {  	[smem:$0x3FA9] =	sst s0;
	s0 =	simm.s32 @!p1 $0x0  }
0x14: {  	s2 =	sld [smem:$0x3F8D];
	s0 =	simm.s32 @p1 $0x1  }
0x15: {  	[smem:$0x3FAA] =	sst s0;
	s0 =	simm.s32 @!p2 $0x0  }
0x16: {  	s3 =	sld [smem:$0x3FDB];
	s0 =	simm.s32 @p2 $0x1  }
0x17: {  	s4 =	simm.s32 $0x1BF5;
	[smem:$0x3FAC] =	sst s0  }
0x18: {  	s0 =	sld [smem:$0x3F8F];
	_ =	swait.ge [sflag:s4], $0x0  }
0x19: {  	s7 =	sld [smem:$0x3F90]  }
0x1a: {  	s8 =	sadd.s32 $0xFFFFE003, lr  }
0x1b: {  	s9 =	sadd.s32 $0xFFFFFEF7, lr;
	s5 =	simm.s32 $0xFFFFFFFF;
	p2 =	slt.u32 s8, $0xFFFFF086  }
0x1c: {  	p1 =	slt.u32 s9, $0xF7A;
	s5 =	simm.s32 @!p2 $0x0  }
0x1d: {  	s5 =	simm.s32 @p1 $0x1;
	p0 =	seq.s32 s7, s2  }
0x1e: {  	s7 =	smul.u32 @!p0 $0xF7A, s2;
	p2 =	seq.s32 @!p0 s5, $0x0  }
0x1f: {  	s9 =	smul.u32 $0xF7A, s1;
	s8 =	simm.s32 @!p0 $0x1BF5;
	p2 =	por !p2, p0  }
0x20: {  	[sflag:s8] =	ssyncset.s32 @!p0 $0xFFFFF086;
	s6 =	sadd.s32 @!p0 s3, s7;
	s7 =	simm.s32 @!p0 $0x108  }
0x21: {  	s3 =	sadd.s32 s3, s9;
	s6 =	sadd.s32 @!p0 $0x88, s6;
	s7 =	simm.s32 @p2 $0x1082  }
0x22: {  	[simem:s7], [sflag:s8] =	dma.local @!p0 [hbm:s6], $0xF7A  }
0x23: {  	s9 =	sor.u32 $0xD0000000, s2;
	s6 =	simm.s32 $0x108;
	_ =	swait.ge @!p0 [sflag:s8], $0x0  }
0x24: {  	s3 =	sadd.s32 $0x88, s3;
	s6 =	simm.s32 @!p1 $0x1082;
	[sflag:s4] =	ssyncset.s32 $0xFFFFF086  }
0x25: {  	[simem:s6], [sflag:s4] =	dma.local [hbm:s3], $0xF7A  }
0x26: {  	[smem:$0x3F90] =	sst s1;
	(tag) =	ssettag s2;
	_ =	strace s9  }
0x27: {  	s1 =	sld [smem:$0x3FA0]  }
0x28: {  	s2 =	sld [smem:$0x3FA1]  }
0x29: {  	s4 =	sld [smem:$0x3FA3]  }
0x2a: {  	p0 =	seq.s32 s5, $0x0;
	s5 =	sld [smem:$0x3FA4]  }
0x2b: {  	s6 =	sld [smem:$0x3FA5]  }
0x2c: {  	s7 =	sld [smem:$0x3FA6]  }
0x2d: {  	s3 =	simm.s32 $0x108;
	s8 =	sld [smem:$0x3FA7]  }
0x2e: {  	s3 =	simm.s32 @!p0 $0x1082;
	s9 =	sld [smem:$0x3FA8]  }
0x2f: {  	lr =	sadd.s32 s0, s3;
	s0 =	sld [smem:$0x3F9F]  }
0x30: {  	s3 =	sld [smem:$0x3FA2]  }
0x31: {  	[smem:$0x3FAB] =	sst s10  }
0x32: {  	s10 =	sld [smem:$0x3FA9];
	_ =	sdelay $0x3  }
0x33: {  	p0 =	seq.s32 s10, $0x1;
	s10 =	sld [smem:$0x3FAB];
	_ =	sdelay $0x3  }
0x34: {  	[smem:$0x3FAB] =	sst s10  }
0x35: {  	s10 =	sld [smem:$0x3FAA];
	_ =	sdelay $0x3  }
0x36: {  	p1 =	seq.s32 s10, $0x1;
	s10 =	sld [smem:$0x3FAB];
	_ =	sdelay $0x3  }
0x37: {  	[smem:$0x3FAB] =	sst s10  }
0x38: {  	s10 =	sld [smem:$0x3FAC]  }
0x39: {  	_ = 	snop;
	(pc) =	sbr.ind lr, $3  }
0x3a: {  	_ = 	snop  }
0x3b: {  	_ = 	snop  }
0x3c: {  	p2 =	seq.s32 s10, $0x1;
	s10 =	sld [smem:$0x3FAB]  }
0x3d: {  	_ =	shalt  }
0x3e: {  	_ =	shalt  }
0x3f: {  	_ =	shalt  }
0x40: {  	_ =	shalt  }
0x41: {  	_ =	shalt  }
0x42: {  	_ =	shalt  }
0x43: {  	_ =	shalt  }
0x44: {  	_ =	shalt  }
0x45: {  	_ =	shalt  }
0x46: {  	_ =	shalt  }
0x47: {  	_ =	shalt  }
0x48: {  	_ =	shalt  }
0x49: {  	_ =	shalt  }
0x4a: {  	_ =	shalt  }
0x4b: {  	_ =	shalt  }
0x4c: {  	_ =	shalt  }
0x4d: {  	_ =	shalt  }
0x4e: {  	_ =	shalt  }
0x4f: {  	_ =	shalt  }
0x50: {  	_ =	shalt  }
0x51: {  	_ =	shalt  }
0x52: {  	_ =	shalt  }
0x53: {  	_ =	shalt  }
0x54: {  	_ =	shalt  }
0x55: {  	_ =	shalt  }
0x56: {  	_ =	shalt  }
0x57: {  	_ =	shalt  }
0x58: {  	_ =	shalt  }
0x59: {  	_ =	shalt  }
0x5a: {  	_ =	shalt  }
0x5b: {  	_ =	shalt  }
0x5c: {  	_ =	shalt  }
0x5d: {  	_ =	shalt  }
0x5e: {  	_ =	shalt  }
0x5f: {  	_ =	shalt  }
0x60: {  	_ =	shalt  }
0x61: {  	_ =	shalt  }
0x62: {  	_ =	shalt  }
0x63: {  	_ =	shalt  }
0x64: {  	_ =	shalt  }
0x65: {  	_ =	shalt  }
0x66: {  	_ =	shalt  }
0x67: {  	_ =	shalt  }
0x68: {  	_ =	shalt  }
0x69: {  	_ =	shalt  }
0x6a: {  	_ =	shalt  }
0x6b: {  	_ =	shalt  }
0x6c: {  	_ =	shalt  }
0x6d: {  	_ =	shalt  }
0x6e: {  	_ =	shalt  }
0x6f: {  	_ =	shalt  }
0x70: {  	_ =	shalt  }
0x71: {  	_ =	shalt  }
0x72: {  	_ =	shalt  }
0x73: {  	_ =	shalt  }
0x74: {  	_ =	shalt  }
0x75: {  	_ =	shalt  }
0x76: {  	_ =	shalt  }
0x77: {  	_ =	shalt  }
0x78: {  	_ =	shalt  }
0x79: {  	_ =	shalt  }
0x7a: {  	_ =	shalt  }
0x7b: {  	_ =	shalt  }
0x7c: {  	_ =	shalt  }
0x7d: {  	_ =	shalt  }
0x7e: {  	_ =	shalt  }
0x7f: {  	_ =	shalt  }
0x80: {  	_ =	shalt  }
0x81: {  	_ =	shalt  }
0x82: {  	_ =	shalt  }
0x83: {  	_ =	shalt  }
0x84: {  	_ =	shalt  }
0x85: {  	_ =	shalt  }
0x86: {  	_ =	shalt  }
0x87: {  	_ =	shalt  }
.Lfunc_end0:
.L_simem_size_0:
called_computation.2_lowered:
.L_overlay_start_0:
0x88: {  	s2 =	sld [smem:$0x3FD9]  }
0x89: {  	s3 =	sld [smem:$0x3FFE];
	_ =	sdelay $0x1  }
0x8a: {  	s1 =	srdreg.scid  }
0x8b: {  	s0 =	sand.u32 $0x1, s1  }
0x8c: {  	s15 =	sshll.u32 s0, $0xA;
	s2 =	sadd.s32 s3, s2  }
0x8d: {  	s2 =	sadd.s32 s2, s15  }
0x8e: {  	[smem:$0x3FB7] =	sst s2  }
0x8f: {  	_ = 	snop  }
0x90: {  	s16 =	sld [smem:$0x3FD0];
	_ =	sdelay $0x1  }
0x91: {  	s2 =	sld [smem:$0x3FC9]  }
0x92: {  	s6 =	simm.s32 $0xB;
	s5 =	simm.s32 $0x10;
	s4 =	sld [smem:$0x3FC8]  }
0x93: {  	[smem:s5], [sflag:s6] =	dma.local [hbm:s16], $0x1  }
0x94: {  	_ =	swait.eq [sflag:s6], $0x1  }
0x95: {  	[sflag:s6] =	ssyncset.done $0x0  }
0x96: {  	s17 =	sld [smem:$0x10];
	[sflag:s6] =	ssyncadd.s32 $0xFFFFFFFF  }
0x97: {  	s18 =	sld [smem:$0x11];
	(tm) =	ssettm $0x1  }
0x98: {  	s19 =	sld [smem:$0x3FFB];
	_ =	sdelay $0x3  }
0x99: {  	_ =	strace s19  }
0x9a: {  	s3 =	sld [smem:$0x3FFC];
	_ =	sdelay $0x3  }
0x9b: {  	_ =	strace s3  }
0x9c: {  	s3 =	sld [smem:$0x3FFD];
	_ =	sdelay $0x3  }
0x9d: {  	_ =	strace s3  }
0x9e: {  	_ =	strace $0x8FFFFFFF  }
0x9f: {  	s20 =	sld [smem:$0x3FDB];
	_ =	sdelay $0x1  }
0xa0: {  	s7 =	simm.s32 $_scs_section_size  }
0xa1: {  	s8 =	simm.s32 $_size__tile_overlayer_lowered;
	s9 =	simm.s32 $_tile_overlayer_lowered  }
0xa2: {  	s10 =	simm.s32 $0x1BFF;
	s21 =	sshll.u32 s9, $0x1;
	s7 =	sadd.s32 s7, s20  }
0xa3: {  	s22 =	simm.s32 $0x0;
	s8 =	sshll.u32 s8, $0x1;
	s9 =	sadd.s32 s21, s7  }
0xa4: {  	[timem:s22], [sflag:s10] =	dma.local [hbm:s9], s8  }
0xa5: {  	_ =	swait.ge [sflag:s10], s8  }
0xa6: {  	s8 =	ssub.s32 $0x0, s8;
	[sflag:s10] =	ssyncset.done $0x0  }
0xa7: {  	[sflag:s10] =	ssyncadd.s32 s8;
	_ =	sdelay $0x1  }
0xa8: {  	s23 =	simm.s32 $0x1B8B  }
0xa9: {  	_ =	swait.ge [sflag:s23], $0x1  }
0xaa: {  	[sflag:s23] =	ssyncset.done $0x0  }
0xab: {  	[sflag:s23] =	ssyncadd.s32 $0xFFFFFFFF  }
0xac: {  	s8 =	sld [smem:$0x0]  }
0xad: {  	s9 =	sand.u32 $0xFFFFFFFE, s1  }
0xae: {  	p0 =	sne.s32 s1, s9  }
0xaf: {  	s9 =	sshll.u32 @p0 s9, $0xE  }
0xb0: {  	s9 =	sadd.s32 @p0 $0x11B8D, s9;
	s10 =	sshll.u32 @p0 s8, $0x11  }
0xb1: {  	s9 =	sor.u32 @p0 s10, s9  }
0xb2: {  	[sflag:s9] =	ssyncadd.remote.s32 @p0 $0x1;
	_ =	sdelay $0x1  }
0xb3: {  	s9 =	simm.s32 @p0 $0x1B8D  }
0xb4: {  	_ =	swait.eq @p0 [sflag:s9], $0x1  }
0xb5: {  	[sflag:s9] =	ssyncadd.s32 @p0 $0xFFFFFFFF  }
0xb6: {  	s10 =	sshll.u32 @!p0 s1, $0xE  }
0xb7: {  	s10 =	sor.u32 @!p0 $0x4000, s10;
	s9 =	simm.s32 @!p0 $0x1B8D  }
0xb8: {  	s8 =	sshll.u32 @!p0 s8, $0x11;
	s10 =	sadd.s32 @!p0 $0x11B8D, s10;
	_ =	swait.eq @!p0 [sflag:s9], $0x1  }
0xb9: {  	s8 =	sor.u32 @!p0 s8, s10;
	[sflag:s9] =	ssyncadd.s32 @!p0 $0xFFFFFFFF  }
0xba: {  	s25 =	simm.s32 $0x1B8E;
	s24 =	sld [smem:$0x3FFE];
	[sflag:s8] =	ssyncadd.remote.s32 @!p0 $0x1  }
0xbb: {  	s26 =	simm.s32 $execute0_lowered;
	[smem:$0x3FD2] =	sst s25  }
0xbc: {  	s9 =	sshll.u32 s26, $0x1;
	_ =	strace $0x8000004C;
	[dreg:$0x1] =	wrdreg $0xFFFFFFFF  }
0xbd: {  	s28 =	simm.s32 $_size_execute0_lowered;
	s7 =	sadd.s32 s7, s9;
	[dreg:$0x0] =	wrdreg $0x0  }
0xbe: {  	s9 =	sshll.u32 s28, $0x1;
	[dreg:$0x2] =	wrdreg s7  }
0xbf: {  	[dreg:$0x3] =	wrdreg s9  }
0xc0: {  	[dreg:$0x4] =	wrdreg $0xC0  }
0xc1: {  	_ =	task [dreg:s22], $0x5FFFF  }
0xc2: {  	[dreg:$0x1] =	wrdreg $0xFFFFFFFF  }
0xc3: {  	[dreg:$0x0] =	wrdreg $0x60  }
0xc4: {  	[dreg:$0x2] =	wrdreg s4  }
0xc5: {  	[dreg:$0x3] =	wrdreg s2  }
0xc6: {  	[dreg:$0x4] =	wrdreg s24  }
0xc7: {  	[dreg:$0x5] =	wrdreg s18  }
0xc8: {  	[dreg:$0x6] =	wrdreg s17  }
0xc9: {  	[dreg:$0x7] =	wrdreg $0x0  }
0xca: {  	[dreg:$0x8] =	wrdreg $0xA  }
0xcb: {  	_ =	task.clear_ibuf [dreg:s22], $0x9FFFF;
	_ =	strace $0x9000004C  }
0xcc: {  	s29 =	simm.s32 $0xA;
	_ =	strace $0x8000004E  }
0xcd: {  	_ =	swait.ge [sflag:s29], $0x1  }
0xce: {  	[sflag:s29] =	ssyncadd.s32 $0xFFFFFFFF  }
0xcf: {  	_ =	strace $0x9000004E  }
0xd0: {  	_ =	sfence  }
0xd1: {  	s30 =	sld [smem:$0x0];
	_ =	sdelay $0x2  }
0xd2: {  	s31 =	sshll.u32 s1, $0xD;
	s1 =	sshrl.u32 s1, $0x2  }
0xd3: {  	s4 =	sand.u32 $0x4000, s31;
	s1 =	sadd.s32 s1, s30  }
0xd4: {  	s0 =	sor.u32 s4, s0;
	s1 =	sshll.u32 s1, $0x11  }
0xd5: {  	s0 =	sor.u32 s1, s0  }
0xd6: {  	s0 =	sadd.s32 $0x8F2B, s0  }
0xd7: {  	[sflag:s0] =	ssyncadd.remote.s32 $0x1  }
0xd8: {  	_ =	sfence.sel $0xFFFF  }
0xd9: {  	[dreg:$0x0] =	wrdreg $0xFFFFFFFF;
	(pc) =	sbr.abs _section_cstart, $3  }
0xda: {  	[dreg:$0x1] =	wrdreg $0xFFFFFFFF  }
0xdb: {  	_ =	task.clear_ibuf [dreg:s22], $0x2FFFF;
	_ =	strace $0x9FFFFFFF  }
0xdc: {  	(tm) =	ssettm $0x7FFFFFFF  }
0xdd: {  	_ =	shalt  }
tec
execute0_lowered:
.L_overlay_start_1:
0x0: {  	(tag) =	ssettag $0x1  }
0x1: {  	s1 =	rddreg [dreg:$0x0]  }
0x2: {  	s0 =	rddreg [dreg:$0x1]  }
0x3: {  	s3 =	rddreg [dreg:$0x2]  }
0x4: {  	s2 =	rddreg [dreg:$0x3]  }
0x5: {  	s15 =	rddreg [dreg:$0x4]  }
0x6: {  	s4 =	rddreg [dreg:$0x5]  }
0x7: {  	s5 =	simm.s32 $0x0;
	s17 =	srdreg.scid;
	s6 =	stileid.u32  }
0x8: {  	s28 =	simm.s32 $0x3;
	s31 =	simm.s32 $0x13980;
	s7 =	sadd.s32 $0x4EEC00, s3  }
0x9: {  	[smem:$0x7FF] =	sst s5;
	s8 =	sadd.s32 $0x75FC00, s3;
	s18 =	smul.u32 $0x4E000, s6  }
0xa: {  	s9 =	sand.u32 $0x1, s17;
	s10 =	sadd.s32 $0x7C00, s3;
	s13 =	smul.u32 $0x13800, s6  }
0xb: {  	s11 =	sadd.s32 $0x2C00, s3;
	s16 =	sadd.s32 $0x5AE00, s3;
	s14 =	smul.u32 $0x2700, s6  }
0xc: {  	s23 =	sshll.u32 s6, $0x2;
	s24 =	sshll.u32 s6, $0x9;
	s25 =	sor.u32 $0x10, s6  }
0xd: {  	_ =	strace $0x8000004D;
	s26 =	sadd.s32 s10, s23;
	[dreg:$0x7] =	wrdreg s16  }
0xe: {  	p1 =	seq.s32 s6, $0xF;
	s29 =	sadd.s32 s8, s24;
	[dreg:$0xc] =	wrdreg s26  }
0xf: {  	p2 =	sne.s32 s6, $0xF;
	s21 =	sadd.s32 s0, s14;
	[dreg:$0xd] =	wrdreg s29  }
0x10: {  	s30 =	sshll.u32 s25, $0x2;
	s0 =	sadd.s32 $0x27000, s0;
	[dreg:$0x9] =	wrdreg s21  }
0x11: {  	s12 =	ssub.s32 $0x2, s9;
	s17 =	sadd.s32 s10, s30;
	[dreg:$0xa] =	wrdreg s0  }
0x12: {  	s5 =	sshrl.u32 s18, $0x2;
	s18 =	sadd.s32 s11, s30;
	[dreg:$0x10] =	wrdreg s17  }
0x13: {  	p0 =	sne.s32 s9, $0x0;
	s26 =	sadd.s32 $0x138000, s4;
	[dreg:$0x11] =	wrdreg s18  }
0x14: {  	s19 =	sshrl.u32 s12, $0x1;
	s29 =	sadd.s32 $0x75200, s1;
	[dreg:$0x18] =	wrdreg s26  }
0x15: {  	s13 =	sshrl.u32 s13, $0x3;
	s5 =	sadd.s32 s5, s4;
	[dreg:$0x19] =	wrdreg s29  }
0x16: {  	s3 =	ssub.s32 s12, s19;
	s0 =	sadd.s32 s11, s23;
	[dreg:$0x8] =	wrdreg s5  }
0x17: {  	s20 =	sadd.s32 s1, s13;
	s23 =	sadd.s32 s15, s14;
	[dreg:$0xe] =	wrdreg s0  }
0x18: {  	s19 =	sshll.u32 s25, $0x9;
	s18 =	sshll.u32 s6, $0x6;
	[dreg:$0x15] =	wrdreg s23  }
0x19: {  	s15 =	simm.s32 $0x20;
	s22 =	sadd.s32 $0x4E200, s20;
	[dreg:$0x1a] =	wrdreg s18  }
0x1a: {  	s12 =	simm.s32 $0x2;
	s5 =	sadd.s32 s7, s24;
	[dreg:$0xb] =	wrdreg s22  }
0x1b: {  	s13 =	simm.s32 $0x18D00;
	s21 =	sadd.s32 s8, s19;
	[dreg:$0xf] =	wrdreg s5  }
0x1c: {  	s20 =	sshll.u32 s25, $0x6;
	s0 =	sadd.s32 s7, s19;
	[dreg:$0x12] =	wrdreg s21  }
.Ltmp0:
0x1d: {  	s24 =	sadd.s32 s16, s14;
	[dreg:$0x13] =	wrdreg s0;
	(pc) =	sbr.rel .LBB2_1-.Ltmp0, $4  }
0x1e: {  	s25 =	smax.u32 s3, $0x1;
	s30 =	sadd.s32 s2, s18;
	[dreg:$0x16] =	wrdreg s24  }
0x1f: {  	s14 =	sor.u32 $0x20, s6;
	s16 =	sor.u32 $0x30, s6;
	[dreg:$0x17] =	wrdreg s25  }
0x20: {  	s19 =	simm.s32 $0x0;
	s22 =	sadd.s32 s2, s20;
	[dreg:$0x1b] =	wrdreg s30  }
0x21: {  	v0 =	vimm.s32 $0x2;
	s20 =	simm.s32 $0x7;
	s5 =	simm.s32 $0x5;
	[dreg:$0x14] =	wrdreg s22  }
.LBB2_28:
0x22: {  	s17 =	rddreg [dreg:$0x18]  }
0x23: {  	s3 =	sadd.s32 $0x27000, s3;
	s17 =	sshrl.u32 s17, $0x3  }
0x24: {  	[hbm:s3], [sflag:s0] =	dma.local [spmem:s17], $0x100  }
0x25: {  	_ =	swait.ge [sflag:s20], $0x100  }
0x26: {  	[sflag:s20] =	ssyncset.done $0x0  }
0x27: {  	[sflag:s20] =	ssyncadd.s32 $0xFFFFFF00  }
.LBB2_29:
0x28: {  	s19 =	sadd.s32 $0x1, s19;
	s0 =	rddreg [dreg:$0x17]  }
0x29: {  	p3 =	sne.s32 s19, s0  }
.Ltmp1:
0x2a: {  	_ = 	snop;
	(pc) =	sbr.rel @!p3 .LBB2_30-.Ltmp1, $1  }
0x2b: {  	_ =	sdelay $0x3  }
.LBB2_1:
.Ltmp2:
0x2c: {  	(pc) =	sbr.rel @p0 .LBB2_3-.Ltmp2, $4  }
0x2d: {  	_ = 	snop  }
0x2e: {  	s0 =	rddreg [dreg:$0x8]  }
0x2f: {  	s17 =	sshrl.u32 s0, $0x3  }
0x30: {  	s0 =	sor.u32 $0x1C07, s18;
	[dreg:$0x1c] =	wrdreg s17  }
0x31: {  	s0 =	sor.u32 $0x1C07, s18;
	s3 =	rddreg [dreg:$0xb]  }
0x32: {  	[spmem:s17], [sflag:s0] =	dma.local [hbm:s3], $0x2700  }
.Ltmp3:
0x33: {  	_ = 	snop;
	(pc) =	sbr.rel @p1 .LBB2_4-.Ltmp3, $4  }
.Ltmp4:
0x34: {  	_ = 	snop;
	(pc) =	sbr.rel @!p1 .LBB2_5-.Ltmp4, $4  }
0x35: {  	_ =	swait.ge [sflag:s20], $0x2700  }
0x36: {  	[sflag:s20] =	ssyncset.done $0x0  }
0x37: {  	s3 =	rddreg [dreg:$0x19];
	[sflag:s20] =	ssyncadd.s32 $0xFFFFD900  }
0x38: {  	_ = 	snop  }
.LBB2_3:
.Ltmp5:
0x39: {  	s3 =	rddreg [dreg:$0x9];
	(pc) =	sbr.rel @p2 .LBB2_5-.Ltmp5, $4  }
0x3a: {  	[spmem:s17], [sflag:s0] =	dma.local [hbm:s3], $0x2700  }
0x3b: {  	_ =	swait.ge [sflag:s20], $0x2700  }
0x3c: {  	[sflag:s20] =	ssyncset.done $0x0  }
0x3d: {  	s3 =	rddreg [dreg:$0xa];
	[sflag:s20] =	ssyncadd.s32 $0xFFFFD900  }
.LBB2_4:
0x3e: {  	s17 =	rddreg [dreg:$0x18]  }
0x3f: {  	s17 =	sshrl.u32 s17, $0x3  }
0x40: {  	[spmem:s17], [sflag:s0] =	dma.local [hbm:s3], $0x100  }
0x41: {  	_ =	swait.ge [sflag:s20], $0x100  }
0x42: {  	[sflag:s20] =	ssyncset.done $0x0  }
0x43: {  	[sflag:s20] =	ssyncadd.s32 $0xFFFFFF00  }
.LBB2_5:
0x44: {  	[bflag:$0x0] =	sbarrier.arrive $0xFFFF  }
0x45: {  	s0 =	simm.s32 $0x0;
	s17 =	simm.s32 $0x13880;
	s3 =	rddreg [dreg:$0xc]  }
0x46: {  	[tilespmem:s17], [sflag:$0x1] =	stream.linear.gather [hbm4b:s3+s0], $0x20, $0x38;
	[tilespmem:$0x1DF80] =	vst v63  }
0x47: {  	s30 =	simm.s32 $0x14A00;
	s29 =	rddreg [dreg:$0xd]  }
0x48: {  	[tilespmem:s30], [sflag:$0x1] =	stream.linear.gather [hbm4b:s29+s0], $0x1000, $0x38;
	[tilespmem:$0x1DF80] =	vst v63  }
0x49: {  	s20 =	rddreg [dreg:$0x10];
	s3 =	simm.s32 @p0 $0x18C00;
	s0 =	simm.s32 @p0 $0x0  }
0x4a: {  	[tilespmem:s3], [sflag:$0x2] =	stream.linear.gather @p0 [hbm4b:s20+s0], $0x20, $0x38;
	[tilespmem:$0x1DF80] =	vst v63  }
0x4b: {  	s21 =	rddreg [dreg:$0x12];
	s3 =	simm.s32 @p0 $0x19D80  }
0x4c: {  	[tilespmem:s3], [sflag:$0x2] =	stream.linear.gather @p0 [hbm4b:s21+s0], $0x1000, $0x38;
	[tilespmem:$0x1DF80] =	vst v63  }
0x4d: {  	s0 =	simm.s32 @p0 $0x1  }
0x4e: {  	_ =	swait.ge @p0 [sflag:s0], $0x20  }
0x4f: {  	[sflag:s0] =	ssyncset.done @p0 $0x0  }
0x50: {  	[sflag:s0] =	ssyncadd.s32 @p0 $0xFFFFFFE0  }
0x51: {  	_ =	swait.ge @p0 [sflag:s0], $0x1000  }
0x52: {  	s3 =	simm.s32 @!p0 $0x13900;
	[sflag:s0] =	ssyncset.done @p0 $0x0  }
0x53: {  	s17 =	rddreg [dreg:$0xe];
	[sflag:s0] =	ssyncadd.s32 @p0 $0xFFFFF000;
	s0 =	simm.s32 @!p0 $0x0  }
0x54: {  	[tilespmem:s3], [sflag:$0x1] =	stream.linear.gather @!p0 [hbm4b:s17+s0], $0x20, $0x38;
	[tilespmem:$0x1DF80] =	vst v63  }
0x55: {  	s18 =	rddreg [dreg:$0xf];
	s17 =	simm.s32 @!p0 $0x13A00  }
0x56: {  	[tilespmem:s17], [sflag:$0x1] =	stream.linear.gather @!p0 [hbm4b:s18+s0], $0x1000, $0x38;
	[tilespmem:$0x1DF80] =	vst v63  }
0x57: {  	s17 =	simm.s32 @!p0 $0x15A00;
	s18 =	rddreg [dreg:$0x1b]  }
0x58: {  	[tilespmem:s17], [sflag:$0x1] =	stream.linear.gather @!p0 [hbm4b:s18+s0], $0x200, $0x38;
	[tilespmem:$0x1DF80] =	vst v63  }
0x59: {  	s17 =	simm.s32 @!p0 $0x18C00  }
0x5a: {  	[tilespmem:s17], [sflag:$0x2] =	stream.linear.gather @!p0 [hbm4b:s20+s0], $0x20, $0x38;
	[tilespmem:$0x1DF80] =	vst v63  }
0x5b: {  	s17 =	simm.s32 @!p0 $0x19D80  }
0x5c: {  	[tilespmem:s17], [sflag:$0x2] =	stream.linear.gather @!p0 [hbm4b:s21+s0], $0x1000, $0x38;
	[tilespmem:$0x1DF80] =	vst v63  }
0x5d: {  	s18 =	rddreg [dreg:$0x11];
	s17 =	simm.s32 @!p0 $0x18C80  }
0x5e: {  	[tilespmem:s17], [sflag:$0x2] =	stream.linear.gather @!p0 [hbm4b:s18+s0], $0x20, $0x38;
	[tilespmem:$0x1DF80] =	vst v63  }
0x5f: {  	s17 =	simm.s32 @!p0 $0x18D80;
	s18 =	rddreg [dreg:$0x13]  }
0x60: {  	[tilespmem:s17], [sflag:$0x2] =	stream.linear.gather @!p0 [hbm4b:s18+s0], $0x1000, $0x38;
	[tilespmem:$0x1DF80] =	vst v63  }
0x61: {  	s17 =	simm.s32 @!p0 $0x1AD80;
	s18 =	rddreg [dreg:$0x14]  }
0x62: {  	[tilespmem:s17], [sflag:$0x2] =	stream.linear.gather @!p0 [hbm4b:s18+s0], $0x200, $0x38;
	[tilespmem:$0x1DF80] =	vst v63  }
0x63: {  	s0 =	simm.s32 @!p0 $0x1  }
0x64: {  	_ =	swait.ge @!p0 [sflag:s0], $0x20  }
0x65: {  	[sflag:s0] =	ssyncset.done @!p0 $0x0  }
0x66: {  	[sflag:s0] =	ssyncadd.s32 @!p0 $0xFFFFFFE0  }
0x67: {  	_ =	swait.ge @!p0 [sflag:s0], $0x1000  }
0x68: {  	[sflag:s0] =	ssyncset.done @!p0 $0x0  }
0x69: {  	[sflag:s0] =	ssyncadd.s32 @!p0 $0xFFFFF000  }
0x6a: {  	_ =	swait.ge @!p0 [sflag:s0], $0x20  }
0x6b: {  	[sflag:s0] =	ssyncset.done @!p0 $0x0  }
0x6c: {  	[sflag:s0] =	ssyncadd.s32 @!p0 $0xFFFFFFE0  }
0x6d: {  	_ =	swait.ge @!p0 [sflag:s0], $0x1000  }
0x6e: {  	[sflag:s0] =	ssyncset.done @!p0 $0x0  }
0x6f: {  	[sflag:s0] =	ssyncadd.s32 @!p0 $0xFFFFF000  }
0x70: {  	_ =	swait.ge @!p0 [sflag:s0], $0x200  }
0x71: {  	[sflag:s0] =	ssyncset.done @!p0 $0x0  }
0x72: {  	[sflag:s0] =	ssyncadd.s32 @!p0 $0xFFFFFE00  }
0x73: {  	v1 =	vld @!p0 [tilespmem:$0x13900]  }
0x74: {  	v2 =	vld @!p0 [tilespmem:$0x13910];
	_ =	sdelay $0x2  }
.Ltmp6:
0x75: {  	_ = 	snop;
	(pc) =	sbr.rel .LBB2_6-.Ltmp6, $4  }
0x76: {  	v1 =	vadd.s32 @!p0 $0x4E20, v1  }
0x77: {  	[tilespmem:$0x13900] =	vst @!p0 v1;
	v1 =	vadd.s32 @!p0 $0x4E20, v2  }
0x78: {  	s22 =	simm.s32 $0x0;
	s17 =	simm.s32 @!p0 $0x15C00;
	s0 =	simm.s32 @!p0 $0x20;
	[tilespmem:$0x13910] =	vst @!p0 v1  }
0x79: {  	[tilespmem:s17], [sflag:$0x3] =	stream.indirect.gather @!p0 [hbm4b:s1+s0], $0x80, s3, s0, $0xb8;
	[tilespmem:$0x1DF80] =	vst v63  }
.LBB2_19:
0x7a: {  	[tilespmem:s17+$0xFFFFFF40] =	vst v3;
	v6 =	vld [tilespmem:s3+$0x50]  }
0x7b: {  	v3 =	vld [tilespmem:s3+$0xFFFFFF50];
	_ =	sdelay $0x1  }
0x7c: {  	[tilespmem:s17+$0xD0] =	vst v5  }
0x7d: {  	[tilespmem:s17+$0xFFFFFFD0] =	vst v4;
	v5 =	vld [tilespmem:s3+$0xE0]  }
0x7e: {  	v4 =	vld [tilespmem:s3+$0xFFFFFFE0];
	[tilespmem:s17+$0x50] =	vst v6  }
0x7f: {  	[tilespmem:s17+$0xFFFFFF50] =	vst v3;
	v6 =	vld [tilespmem:s3+$0x60]  }
0x80: {  	v3 =	vld [tilespmem:s3+$0xFFFFFF60];
	_ =	sdelay $0x1  }
0x81: {  	[tilespmem:s17+$0xE0] =	vst v5  }
0x82: {  	[tilespmem:s17+$0xFFFFFFE0] =	vst v4  }
0x83: {  	v63 =	vld [tilespmem:s3+$0xFFFFFFF0];
	[tilespmem:s17+$0x60] =	vst v6  }
0x84: {  	[tilespmem:s17+$0xFFFFFF60] =	vst v3;
	v3 =	vld [tilespmem:s3+$0xF0]  }
0x85: {  	[tilespmem:s0+$0xFFFFFFF0] =	vst v1;
	v1 =	vld [tilespmem:s3+$0x70]  }
0x86: {  	v62 =	vld [tilespmem:s3+$0xFFFFFF70]  }
0x87: {  	[tilespmem:s0+$0x70] =	vst v2  }
0x88: {  	[tilespmem:s17+$0xFFFFFFF0] =	vst v63  }
0x89: {  	[tilespmem:s17+$0xF0] =	vst v3  }
0x8a: {  	[tilespmem:s17+$0x70] =	vst v1  }
0x8b: {  	s0 =	simm.s32 $0x1CF80;
	[tilespmem:s17+$0xFFFFFF70] =	vst v62  }
.LBB2_23:
0x8c: {  	[spmem:s4] =	stream.indirect.scatter.add.f32 [tilespmem:s0], [sflag:$0x6], $0x80, s13, s15, $0xb8;
	[tilespmem:$0x1DF80] =	vst v63  }
.LBB2_24:
0x8d: {  	s0 =	sadd.s32 s16, s24  }
0x8e: {  	p5 =	sgt.u32 s0, $0x1387  }
0x8f: {  	s3 =	sshll.u32 @!p5 s0, $0x2  }
0x90: {  	s18 =	simm.s32 @!p5 $0x0;
	s20 =	simm.s32 @!p5 $0x18C00;
	s17 =	sadd.s32 @!p5 s10, s3  }
0x91: {  	[tilespmem:s20], [sflag:$0x2] =	stream.linear.gather @!p5 [hbm4b:s17+s18], $0x20, $0x38;
	[tilespmem:$0x1DF80] =	vst v63  }
0x92: {  	s17 =	sshll.u32 @!p5 s0, $0x9  }
0x93: {  	p6 =	sne.s32 @!p5 s9, $0x0;
	s21 =	simm.s32 @!p5 $0x19D80;
	s20 =	sadd.s32 @!p5 s8, s17  }
0x94: {  	[tilespmem:s21], [sflag:$0x2] =	stream.linear.gather @!p5 [hbm4b:s20+s18], $0x1000, $0x38;
	[tilespmem:$0x1DF80] =	vst v63  }
0x95: {  	p5 =	por p6, p5  }
0x96: {  	s3 =	sadd.s32 @!p5 s11, s3;
	s18 =	simm.s32 @!p5 $0x0;
	s20 =	simm.s32 @!p5 $0x18C80  }
0x97: {  	[tilespmem:s20], [sflag:$0x2] =	stream.linear.gather @!p5 [hbm4b:s3+s18], $0x20, $0x38;
	[tilespmem:$0x1DF80] =	vst v63  }
0x98: {  	s0 =	sshll.u32 @!p5 s0, $0x6;
	s3 =	sadd.s32 @!p5 s7, s17;
	s17 =	simm.s32 @!p5 $0x18D80  }
0x99: {  	[tilespmem:s17], [sflag:$0x2] =	stream.linear.gather @!p5 [hbm4b:s3+s18], $0x1000, $0x38;
	[tilespmem:$0x1DF80] =	vst v63  }
0x9a: {  	s0 =	sadd.s32 @!p5 s2, s0;
	s3 =	simm.s32 @!p5 $0x1AD80  }
0x9b: {  	[tilespmem:s3], [sflag:$0x2] =	stream.linear.gather @!p5 [hbm4b:s0+s18], $0x200, $0x38;
	[tilespmem:$0x1DF80] =	vst v63  }
0x9c: {  	s0 =	simm.s32 @!p4 $0x1  }
0x9d: {  	_ =	swait.ge @!p4 [sflag:s0], $0x20  }
0x9e: {  	[sflag:s0] =	ssyncset.done @!p4 $0x0  }
0x9f: {  	[sflag:s0] =	ssyncadd.s32 @!p4 $0xFFFFFFE0  }
0xa0: {  	_ =	swait.ge @!p4 [sflag:s0], $0x1000  }
0xa1: {  	[sflag:s0] =	ssyncset.done @!p4 $0x0  }
0xa2: {  	[sflag:s0] =	ssyncadd.s32 @!p4 $0xFFFFF000;
	s0 =	simm.s32 @!p3 $0x1  }
0xa3: {  	_ =	swait.ge @!p3 [sflag:s0], $0x20  }
0xa4: {  	[sflag:s0] =	ssyncset.done @!p3 $0x0  }
0xa5: {  	[sflag:s0] =	ssyncadd.s32 @!p3 $0xFFFFFFE0  }
0xa6: {  	_ =	swait.ge @!p3 [sflag:s0], $0x1000  }
0xa7: {  	[sflag:s0] =	ssyncset.done @!p3 $0x0  }
0xa8: {  	[sflag:s0] =	ssyncadd.s32 @!p3 $0xFFFFF000  }
0xa9: {  	_ =	swait.ge @!p3 [sflag:s0], $0x200  }
0xaa: {  	[sflag:s0] =	ssyncset.done @!p3 $0x0  }
0xab: {  	[sflag:s0] =	ssyncadd.s32 @!p3 $0xFFFFFE00  }
0xac: {  	v1 =	vld @!p3 [tilespmem:$0x13900]  }
0xad: {  	v2 =	vld @!p3 [tilespmem:$0x13910];
	_ =	sdelay $0x3  }
0xae: {  	v1 =	vadd.s32 @!p3 $0x4E20, v1  }
0xaf: {  	[tilespmem:$0x13900] =	vst @!p3 v1;
	v1 =	vadd.s32 @!p3 $0x4E20, v2  }
0xb0: {  	s22 =	sadd.s32 $0x1, s22;
	s3 =	simm.s32 @!p3 $0x15C00;
	s0 =	simm.s32 @!p3 $0x20;
	[tilespmem:$0x13910] =	vst @!p3 v1  }
0xb1: {  	[tilespmem:s3], [sflag:$0x3] =	stream.indirect.gather @!p3 [hbm4b:s1+s0], $0x80, s25, s0, $0xb8;
	[tilespmem:$0x1DF80] =	vst v63  }
0xb2: {  	p3 =	sne.s32 s22, $0x9D  }
.Ltmp7:
0xb3: {  	_ = 	snop;
	(pc) =	sbr.rel @!p3 .LBB2_25-.Ltmp7, $1  }
0xb4: {  	_ =	sdelay $0x3  }
.LBB2_6:
0xb5: {  	s24 =	sshll.u32 s22, $0x5  }
0xb6: {  	s29 =	sor.u32 s6, s24  }
0xb7: {  	p3 =	sgt.u32 s29, $0x1387  }
.Ltmp8:
0xb8: {  	_ = 	snop;
	(pc) =	sbr.rel @p3 .LBB2_15-.Ltmp8, $2  }
0xb9: {  	_ =	sdelay $0x2  }
0xba: {  	p5 =	seq.s32 s22, $0x0  }
0xbb: {  	s0 =	simm.s32 @!p5 $0x4  }
0xbc: {  	_ =	swait.ge @!p5 [sflag:s0], $0x1000  }
0xbd: {  	[sflag:s0] =	ssyncset.done @!p5 $0x0  }
0xbe: {  	[sflag:s0] =	ssyncadd.s32 @!p5 $0xFFFFF000  }
0xbf: {  	v1 =	vld [tilespmem:$0x13880]  }
0xc0: {  	v2 =	vld [tilespmem:$0x13890]  }
.Ltmp9:
0xc1: {  	_ = 	snop;
	(pc) =	sbr.rel @p0 .LBB2_8-.Ltmp9, $3  }
0xc2: {  	_ =	sdelay $0x1  }
0xc3: {  	[tilespmem:$0x13980] =	vst v1  }
0xc4: {  	[tilespmem:$0x13990] =	vst v2  }
0xc5: {  	_ =	swait.ge [sflag:s28], $0x1000  }
0xc6: {  	[sflag:s28] =	ssyncset.done $0x0  }
0xc7: {  	s20 =	simm.s32 $0x13B00;
	[sflag:s28] =	ssyncadd.s32 $0xFFFFF000  }
0xc8: {  	s3 =	simm.s32 $0x15A20;
	v1 =	vld [tilespmem:s20+$0x80]  }
0xc9: {  	s0 =	simm.s32 $0x14B00;
	v2 =	vld [tilespmem:s3+$0x10]  }
0xca: {  	s23 =	simm.s32 $0x15D00;
	v4 =	vld [tilespmem:s0+$0x80]  }
0xcb: {  	v5 =	vld [tilespmem:s23+$0x80]  }
0xcc: {  	v6 =	vld [tilespmem:s3+$0xFFFFFFF0]  }
0xcd: {  	v7 =	vld [tilespmem:s3+$0x0]  }
0xce: {  	v8 =	vld [tilespmem:s3+$0xFFFFFFE0]  }
0xcf: {  	v9 =	vld [tilespmem:s0+$0xFFFFFF00]  }
0xd0: {  	v10 =	vld [tilespmem:s20+$0xFFFFFF80]  }
0xd1: {  	s18 =	simm.s32 $0x14D00;
	v11 =	vld [tilespmem:s0+$0xFFFFFF80]  }
0xd2: {  	s21 =	simm.s32 $0x15F00;
	v19 =	vld [tilespmem:s18+$0x80]  }
0xd3: {  	s30 =	simm.s32 $0x13D00;
	v21 =	vld [tilespmem:s21+$0x80]  }
0xd4: {  	v25 =	vld [tilespmem:s30+$0xFFFFFF00]  }
0xd5: {  	v26 =	vld [tilespmem:s18+$0xFFFFFF00]  }
0xd6: {  	v46 =	vld [tilespmem:s21+$0xFFFFFF00]  }
0xd7: {  	s3 =	simm.s32 $0x15A60;
	v47 =	vld [tilespmem:s30+$0xFFFFFF80];
	v3 =	vperm.xlane v2, v0  }
0xd8: {  	v18 =	vld [tilespmem:s3+$0x10]  }
0xd9: {  	v2 =	vld [tilespmem:s20+$0xFFFFFF00];
	v4 =	vmul.f32 v5, v4;
	v1 =	vmul.f32 v1, v3  }
0xda: {  	v5 =	vld [tilespmem:s23+$0xFFFFFF00]  }
0xdb: {  	v22 =	vld [tilespmem:s3+$0xFFFFFFF0];
	v1 =	vadd.f32 v4, v1  }
0xdc: {  	s25 =	simm.s32 $0x16D00;
	v24 =	vld [tilespmem:s3+$0xFFFFFFE0]  }
0xdd: {  	v4 =	vperm.xlane v8, v0;
	v8 =	vld [tilespmem:s23+$0xFFFFFF80];
	[tilespmem:s25+$0x80] =	vst v1  }
0xde: {  	v1 =	vld [tilespmem:s20+$0x90]  }
0xdf: {  	v9 =	vmul.f32 v5, v9;
	v2 =	vmul.f32 v2, v4;
	v12 =	vld [tilespmem:s0+$0x90]  }
0xe0: {  	v5 =	vperm.xlane v6, v0;
	v6 =	vld [tilespmem:s23+$0x90]  }
0xe1: {  	v2 =	vadd.f32 v9, v2;
	v9 =	vld [tilespmem:s20+$0x0]  }
0xe2: {  	v10 =	vmul.f32 v10, v5;
	v8 =	vmul.f32 v8, v11;
	v11 =	vld [tilespmem:s0+$0x0]  }
0xe3: {  	[tilespmem:s25+$0xFFFFFF00] =	vst v2;
	v2 =	vld [tilespmem:s23+$0x0]  }
0xe4: {  	v13 =	vld [tilespmem:s20+$0xFFFFFF10];
	v8 =	vadd.f32 v8, v10  }
0xe5: {  	v10 =	vld [tilespmem:s0+$0xFFFFFF10];
	v14 =	vmul.f32 v1, v3;
	v6 =	vmul.f32 v6, v12  }
0xe6: {  	v1 =	vperm.xlane v7, v0;
	v7 =	vld [tilespmem:s23+$0xFFFFFF10];
	[tilespmem:s25+$0xFFFFFF80] =	vst v8  }
0xe7: {  	v8 =	vld [tilespmem:s20+$0xFFFFFF90];
	v6 =	vadd.f32 v6, v14  }
0xe8: {  	v9 =	vmul.f32 v9, v1;
	v28 =	vld [tilespmem:s0+$0xFFFFFF90];
	v2 =	vmul.f32 v2, v11  }
0xe9: {  	v11 =	vld [tilespmem:s23+$0xFFFFFF90];
	[tilespmem:s25+$0x90] =	vst v6  }
0xea: {  	v2 =	vadd.f32 v2, v9;
	v6 =	vld [tilespmem:s20+$0xA0]  }
0xeb: {  	v9 =	vmul.f32 v13, v4;
	v7 =	vmul.f32 v7, v10;
	v10 =	vld [tilespmem:s0+$0xA0]  }
0xec: {  	[tilespmem:s25+$0x0] =	vst v2;
	v2 =	vld [tilespmem:s23+$0xA0]  }
0xed: {  	v7 =	vadd.f32 v7, v9;
	v9 =	vld [tilespmem:s20+$0x10]  }
0xee: {  	v8 =	vmul.f32 v8, v5;
	v11 =	vmul.f32 v11, v28;
	v29 =	vld [tilespmem:s0+$0x10]  }
0xef: {  	[tilespmem:s25+$0xFFFFFF10] =	vst v7;
	v7 =	vld [tilespmem:s23+$0x10]  }
0xf0: {  	v30 =	vld [tilespmem:s20+$0xFFFFFF20];
	v8 =	vadd.f32 v11, v8  }
0xf1: {  	v11 =	vld [tilespmem:s0+$0xFFFFFF20];
	v6 =	vmul.f32 v6, v3;
	v2 =	vmul.f32 v2, v10  }
0xf2: {  	v10 =	vld [tilespmem:s23+$0xFFFFFF20];
	[tilespmem:s25+$0xFFFFFF90] =	vst v8  }
0xf3: {  	v8 =	vld [tilespmem:s20+$0xFFFFFFA0];
	v2 =	vadd.f32 v2, v6  }
0xf4: {  	v31 =	vld [tilespmem:s23+$0xFFFFFFA0];
	v6 =	vmul.f32 v9, v1;
	v7 =	vmul.f32 v7, v29  }
0xf5: {  	v9 =	vld [tilespmem:s0+$0xFFFFFFA0];
	[tilespmem:s25+$0xA0] =	vst v2  }
0xf6: {  	v2 =	vadd.f32 v7, v6;
	v6 =	vld [tilespmem:s20+$0xB0]  }
0xf7: {  	v7 =	vmul.f32 v30, v4;
	v10 =	vmul.f32 v10, v11;
	v11 =	vld [tilespmem:s0+$0xB0]  }
0xf8: {  	[tilespmem:s25+$0x10] =	vst v2;
	v2 =	vld [tilespmem:s23+$0xB0]  }
0xf9: {  	v7 =	vadd.f32 v10, v7;
	v10 =	vld [tilespmem:s20+$0x20]  }
0xfa: {  	v8 =	vmul.f32 v8, v5;
	v9 =	vmul.f32 v31, v9;
	v32 =	vld [tilespmem:s0+$0x20]  }
0xfb: {  	[tilespmem:s25+$0xFFFFFF20] =	vst v7;
	v7 =	vld [tilespmem:s23+$0x20]  }
0xfc: {  	v8 =	vadd.f32 v9, v8;
	v33 =	vld [tilespmem:s20+$0xFFFFFF30]  }
0xfd: {  	v9 =	vld [tilespmem:s0+$0xFFFFFF30];
	v6 =	vmul.f32 v6, v3;
	v2 =	vmul.f32 v2, v11  }
0xfe: {  	v11 =	vld [tilespmem:s23+$0xFFFFFF30];
	[tilespmem:s25+$0xFFFFFFA0] =	vst v8  }
0xff: {  	v8 =	vld [tilespmem:s20+$0xFFFFFFB0];
	v2 =	vadd.f32 v2, v6  }
0x100: {  	v34 =	vld [tilespmem:s23+$0xFFFFFFB0];
	v6 =	vmul.f32 v10, v1;
	v7 =	vmul.f32 v7, v32  }
0x101: {  	v10 =	vld [tilespmem:s0+$0xFFFFFFB0];
	[tilespmem:s25+$0xB0] =	vst v2  }
0x102: {  	v2 =	vadd.f32 v7, v6;
	v6 =	vld [tilespmem:s20+$0xC0]  }
0x103: {  	v7 =	vmul.f32 v33, v4;
	v9 =	vmul.f32 v11, v9;
	v11 =	vld [tilespmem:s0+$0xC0]  }
0x104: {  	[tilespmem:s25+$0x20] =	vst v2;
	v2 =	vld [tilespmem:s23+$0xC0]  }
0x105: {  	v7 =	vadd.f32 v9, v7;
	v9 =	vld [tilespmem:s20+$0x30]  }
0x106: {  	v8 =	vmul.f32 v8, v5;
	v10 =	vmul.f32 v34, v10;
	v35 =	vld [tilespmem:s0+$0x30]  }
0x107: {  	[tilespmem:s25+$0xFFFFFF30] =	vst v7;
	v7 =	vld [tilespmem:s23+$0x30]  }
0x108: {  	v8 =	vadd.f32 v10, v8;
	v36 =	vld [tilespmem:s20+$0xFFFFFF40]  }
0x109: {  	v10 =	vld [tilespmem:s0+$0xFFFFFF40];
	v6 =	vmul.f32 v6, v3;
	v2 =	vmul.f32 v2, v11  }
0x10a: {  	[tilespmem:s25+$0xFFFFFFB0] =	vst v8;
	v11 =	vld [tilespmem:s23+$0xFFFFFF40]  }
0x10b: {  	v8 =	vld [tilespmem:s20+$0xFFFFFFC0];
	v2 =	vadd.f32 v2, v6  }
0x10c: {  	v37 =	vld [tilespmem:s23+$0xFFFFFFC0];
	v6 =	vmul.f32 v9, v1;
	v7 =	vmul.f32 v7, v35  }
0x10d: {  	v9 =	vld [tilespmem:s0+$0xFFFFFFC0];
	[tilespmem:s25+$0xC0] =	vst v2  }
0x10e: {  	v2 =	vadd.f32 v7, v6;
	v6 =	vld [tilespmem:s20+$0xD0]  }
0x10f: {  	v7 =	vmul.f32 v36, v4;
	v10 =	vmul.f32 v11, v10;
	v11 =	vld [tilespmem:s0+$0xD0]  }
0x110: {  	[tilespmem:s25+$0x30] =	vst v2;
	v2 =	vld [tilespmem:s23+$0xD0]  }
0x111: {  	v7 =	vadd.f32 v10, v7;
	v10 =	vld [tilespmem:s20+$0x40]  }
0x112: {  	v8 =	vmul.f32 v8, v5;
	v9 =	vmul.f32 v37, v9;
	v38 =	vld [tilespmem:s0+$0x40]  }
0x113: {  	[tilespmem:s25+$0xFFFFFF40] =	vst v7;
	v7 =	vld [tilespmem:s23+$0x40]  }
0x114: {  	v8 =	vadd.f32 v9, v8;
	v39 =	vld [tilespmem:s20+$0xFFFFFF50]  }
0x115: {  	v9 =	vld [tilespmem:s0+$0xFFFFFF50];
	v6 =	vmul.f32 v6, v3;
	v2 =	vmul.f32 v2, v11  }
0x116: {  	v11 =	vld [tilespmem:s23+$0xFFFFFF50];
	[tilespmem:s25+$0xFFFFFFC0] =	vst v8  }
0x117: {  	v8 =	vld [tilespmem:s20+$0xFFFFFFD0];
	v2 =	vadd.f32 v2, v6  }
0x118: {  	v40 =	vld [tilespmem:s23+$0xFFFFFFD0];
	v6 =	vmul.f32 v10, v1;
	v7 =	vmul.f32 v7, v38  }
0x119: {  	v10 =	vld [tilespmem:s0+$0xFFFFFFD0];
	[tilespmem:s25+$0xD0] =	vst v2  }
0x11a: {  	v2 =	vadd.f32 v7, v6;
	v6 =	vld [tilespmem:s20+$0xE0]  }
0x11b: {  	v7 =	vmul.f32 v39, v4;
	v9 =	vmul.f32 v11, v9;
	v11 =	vld [tilespmem:s0+$0xE0]  }
0x11c: {  	[tilespmem:s25+$0x40] =	vst v2;
	v2 =	vld [tilespmem:s23+$0xE0]  }
0x11d: {  	v7 =	vadd.f32 v9, v7;
	v9 =	vld [tilespmem:s20+$0x50]  }
0x11e: {  	v8 =	vmul.f32 v8, v5;
	v10 =	vmul.f32 v40, v10;
	v41 =	vld [tilespmem:s0+$0x50]  }
0x11f: {  	[tilespmem:s25+$0xFFFFFF50] =	vst v7;
	v7 =	vld [tilespmem:s23+$0x50]  }
0x120: {  	v8 =	vadd.f32 v10, v8;
	v42 =	vld [tilespmem:s20+$0xFFFFFF60]  }
0x121: {  	v20 =	vperm.xlane v18, v0;
	v18 =	vperm.xlane v24, v0;
	v10 =	vld [tilespmem:s0+$0xFFFFFF60]  }
0x122: {  	[tilespmem:s25+$0xFFFFFFD0] =	vst v8;
	v2 =	vmul.f32 v2, v11;
	v11 =	vld [tilespmem:s23+$0xFFFFFF60]  }
0x123: {  	v26 =	vmul.f32 v46, v26;
	v25 =	vmul.f32 v25, v18;
	v43 =	vld [tilespmem:s20+$0xFFFFFFE0]  }
0x124: {  	v6 =	vmul.f32 v6, v3;
	v15 =	vld [tilespmem:s0+$0xFFFFFFE0]  }
0x125: {  	v25 =	vadd.f32 v26, v25;
	v44 =	vld [tilespmem:s23+$0xFFFFFFE0]  }
0x126: {  	s17 =	simm.s32 $0x16F00;
	v27 =	vld [tilespmem:s18+$0xFFFFFF80];
	v2 =	vadd.f32 v2, v6;
	v6 =	vmul.f32 v9, v1;
	v7 =	vmul.f32 v7, v41  }
0x127: {  	v48 =	vld [tilespmem:s21+$0xFFFFFF80];
	[tilespmem:s17+$0xFFFFFF00] =	vst v25  }
0x128: {  	v8 =	vmul.f32 v42, v4;
	[tilespmem:s25+$0xE0] =	vst v2;
	v2 =	vadd.f32 v7, v6;
	v10 =	vmul.f32 v11, v10  }
0x129: {  	v45 =	vmul.f32 v21, v19;
	v19 =	vperm.xlane v22, v0;
	v53 =	vld [tilespmem:s30+$0xFFFFFF10]  }
0x12a: {  	v54 =	vld [tilespmem:s18+$0xFFFFFF10];
	v11 =	vmul.f32 v43, v5;
	v12 =	vmul.f32 v44, v15;
	[tilespmem:s25+$0x50] =	vst v2;
	v2 =	vadd.f32 v10, v8  }
0x12b: {  	v55 =	vld [tilespmem:s21+$0xFFFFFF10]  }
0x12c: {  	v24 =	vmul.f32 v48, v27;
	v21 =	vmul.f32 v47, v19;
	[tilespmem:s25+$0xFFFFFF60] =	vst v2;
	v2 =	vadd.f32 v12, v11  }
0x12d: {  	v50 =	vld [tilespmem:s30+$0x0]  }
0x12e: {  	v21 =	vadd.f32 v24, v21;
	[tilespmem:s25+$0xFFFFFFE0] =	vst v2;
	v2 =	vld [tilespmem:s30+$0x80]  }
0x12f: {  	v51 =	vld [tilespmem:s18+$0x0]  }
0x130: {  	v52 =	vld [tilespmem:s21+$0x0];
	[tilespmem:s17+$0xFFFFFF80] =	vst v21;
	v24 =	vmul.f32 v53, v18;
	v21 =	vmul.f32 v55, v54  }
0x131: {  	v23 =	vld [tilespmem:s3+$0x0]  }
0x132: {  	v56 =	vld [tilespmem:s30+$0xFFFFFF90];
	v21 =	vadd.f32 v21, v24  }
0x133: {  	v57 =	vld [tilespmem:s18+$0xFFFFFF90];
	v2 =	vmul.f32 v2, v20  }
0x134: {  	v58 =	vld [tilespmem:s21+$0xFFFFFF90];
	[tilespmem:s17+$0xFFFFFF10] =	vst v21  }
0x135: {  	v33 =	vld [tilespmem:s30+$0xFFFFFF20];
	v2 =	vadd.f32 v45, v2  }
0x136: {  	v34 =	vld [tilespmem:s18+$0xFFFFFF20]  }
0x137: {  	v35 =	vld [tilespmem:s21+$0xFFFFFF20];
	[tilespmem:s17+$0x80] =	vst v2  }
0x138: {  	v2 =	vld [tilespmem:s30+$0x90]  }
0x139: {  	v28 =	vld [tilespmem:s18+$0x90]  }
0x13a: {  	v49 =	vld [tilespmem:s21+$0x90]  }
0x13b: {  	v6 =	vld [tilespmem:s20+$0xF0]  }
0x13c: {  	v7 =	vld [tilespmem:s0+$0xF0]  }
0x13d: {  	v9 =	vld [tilespmem:s23+$0xF0]  }
0x13e: {  	v8 =	vld [tilespmem:s20+$0x60]  }
0x13f: {  	v14 =	vld [tilespmem:s0+$0x60];
	v22 =	vmul.f32 v49, v28;
	v29 =	vmul.f32 v2, v20  }
0x140: {  	v17 =	vld [tilespmem:s23+$0x60];
	v2 =	vperm.xlane v23, v0  }
0x141: {  	v10 =	vld [tilespmem:s20+$0xFFFFFF70];
	v22 =	vadd.f32 v22, v29  }
0x142: {  	v25 =	vmul.f32 v52, v51;
	v11 =	vld [tilespmem:s0+$0xFFFFFF70];
	v26 =	vmul.f32 v50, v2  }
0x143: {  	v15 =	vld [tilespmem:s23+$0xFFFFFF70];
	[tilespmem:s17+$0x90] =	vst v22  }
0x144: {  	v25 =	vadd.f32 v25, v26;
	v59 =	vld [tilespmem:s30+$0xA0]  }
0x145: {  	v60 =	vld [tilespmem:s18+$0xA0]  }
0x146: {  	v61 =	vld [tilespmem:s21+$0xA0];
	[tilespmem:s17+$0x0] =	vst v25  }
0x147: {  	v62 =	vld [tilespmem:s30+$0x10]  }
0x148: {  	v23 =	vmul.f32 v56, v19;
	v22 =	vmul.f32 v58, v57;
	v63 =	vld [tilespmem:s18+$0x10]  }
0x149: {  	v32 =	vld [tilespmem:s21+$0x10]  }
0x14a: {  	v12 =	vld [tilespmem:s20+$0xFFFFFFF0];
	v22 =	vadd.f32 v22, v23  }
0x14b: {  	v13 =	vld [tilespmem:s0+$0xFFFFFFF0];
	v25 =	vmul.f32 v61, v60;
	v26 =	vmul.f32 v59, v20  }
0x14c: {  	v16 =	vld [tilespmem:s23+$0xFFFFFFF0];
	[tilespmem:s17+$0xFFFFFF90] =	vst v22  }
0x14d: {  	v36 =	vld [tilespmem:s30+$0xFFFFFFA0];
	v25 =	vadd.f32 v25, v26  }
0x14e: {  	v37 =	vld [tilespmem:s18+$0xFFFFFFA0];
	v24 =	vmul.f32 v62, v2;
	v21 =	vmul.f32 v32, v63  }
0x14f: {  	v38 =	vld [tilespmem:s21+$0xFFFFFFA0];
	[tilespmem:s17+$0xA0] =	vst v25  }
0x150: {  	v21 =	vadd.f32 v21, v24;
	v39 =	vld [tilespmem:s30+$0xB0]  }
0x151: {  	v23 =	vmul.f32 v33, v18;
	v22 =	vmul.f32 v35, v34;
	v40 =	vld [tilespmem:s18+$0xB0]  }
0x152: {  	v41 =	vld [tilespmem:s21+$0xB0];
	[tilespmem:s17+$0x10] =	vst v21  }
0x153: {  	v22 =	vadd.f32 v22, v23;
	v42 =	vld [tilespmem:s30+$0x20]  }
0x154: {  	v26 =	vmul.f32 v36, v19;
	v25 =	vmul.f32 v38, v37;
	v43 =	vld [tilespmem:s18+$0x20]  }
0x155: {  	[tilespmem:s17+$0xFFFFFF20] =	vst v22;
	v44 =	vld [tilespmem:s21+$0x20]  }
0x156: {  	v45 =	vld [tilespmem:s30+$0xFFFFFF30];
	v25 =	vadd.f32 v25, v26  }
0x157: {  	v46 =	vld [tilespmem:s18+$0xFFFFFF30];
	v21 =	vmul.f32 v41, v40;
	v24 =	vmul.f32 v39, v20  }
0x158: {  	v47 =	vld [tilespmem:s21+$0xFFFFFF30];
	[tilespmem:s17+$0xFFFFFFA0] =	vst v25  }
0x159: {  	v48 =	vld [tilespmem:s30+$0xFFFFFFB0];
	v21 =	vadd.f32 v21, v24  }
0x15a: {  	v49 =	vld [tilespmem:s18+$0xFFFFFFB0];
	v23 =	vmul.f32 v42, v2;
	v22 =	vmul.f32 v44, v43  }
0x15b: {  	v50 =	vld [tilespmem:s21+$0xFFFFFFB0];
	[tilespmem:s17+$0xB0] =	vst v21  }
0x15c: {  	v22 =	vadd.f32 v22, v23;
	v51 =	vld [tilespmem:s30+$0xC0]  }
0x15d: {  	v26 =	vmul.f32 v45, v18;
	v25 =	vmul.f32 v47, v46;
	v52 =	vld [tilespmem:s18+$0xC0]  }
0x15e: {  	v53 =	vld [tilespmem:s21+$0xC0];
	[tilespmem:s17+$0x20] =	vst v22  }
0x15f: {  	v25 =	vadd.f32 v25, v26;
	v54 =	vld [tilespmem:s30+$0x30]  }
0x160: {  	v24 =	vmul.f32 v48, v19;
	v21 =	vmul.f32 v50, v49;
	v55 =	vld [tilespmem:s18+$0x30]  }
0x161: {  	[tilespmem:s17+$0xFFFFFF30] =	vst v25;
	v56 =	vld [tilespmem:s21+$0x30]  }
0x162: {  	v57 =	vld [tilespmem:s30+$0xFFFFFF40];
	v21 =	vadd.f32 v21, v24  }
0x163: {  	v58 =	vld [tilespmem:s18+$0xFFFFFF40];
	v22 =	vmul.f32 v53, v52;
	v23 =	vmul.f32 v51, v20  }
0x164: {  	v59 =	vld [tilespmem:s21+$0xFFFFFF40];
	[tilespmem:s17+$0xFFFFFFB0] =	vst v21  }
0x165: {  	v60 =	vld [tilespmem:s30+$0xFFFFFFC0];
	v22 =	vadd.f32 v22, v23  }
0x166: {  	v61 =	vld [tilespmem:s18+$0xFFFFFFC0];
	v26 =	vmul.f32 v54, v2;
	v25 =	vmul.f32 v56, v55  }
0x167: {  	v62 =	vld [tilespmem:s21+$0xFFFFFFC0];
	[tilespmem:s17+$0xC0] =	vst v22  }
0x168: {  	v25 =	vadd.f32 v25, v26;
	v63 =	vld [tilespmem:s30+$0xD0]  }
0x169: {  	v24 =	vmul.f32 v57, v18;
	v21 =	vmul.f32 v59, v58;
	v32 =	vld [tilespmem:s18+$0xD0]  }
0x16a: {  	v33 =	vld [tilespmem:s21+$0xD0];
	[tilespmem:s17+$0x30] =	vst v25  }
0x16b: {  	v21 =	vadd.f32 v21, v24;
	v34 =	vld [tilespmem:s30+$0x40]  }
0x16c: {  	v23 =	vmul.f32 v60, v19;
	v22 =	vmul.f32 v62, v61;
	v35 =	vld [tilespmem:s18+$0x40]  }
0x16d: {  	[tilespmem:s17+$0xFFFFFF40] =	vst v21;
	v36 =	vld [tilespmem:s21+$0x40]  }
0x16e: {  	v37 =	vld [tilespmem:s30+$0xFFFFFF50];
	v22 =	vadd.f32 v22, v23  }
0x16f: {  	v38 =	vld [tilespmem:s18+$0xFFFFFF50];
	v25 =	vmul.f32 v33, v32;
	v26 =	vmul.f32 v63, v20  }
0x170: {  	v39 =	vld [tilespmem:s21+$0xFFFFFF50];
	[tilespmem:s17+$0xFFFFFFC0] =	vst v22  }
0x171: {  	v40 =	vld [tilespmem:s30+$0xFFFFFFD0];
	v25 =	vadd.f32 v25, v26  }
0x172: {  	v41 =	vld [tilespmem:s18+$0xFFFFFFD0];
	v24 =	vmul.f32 v34, v2;
	v21 =	vmul.f32 v36, v35  }
0x173: {  	v42 =	vld [tilespmem:s21+$0xFFFFFFD0];
	[tilespmem:s17+$0xD0] =	vst v25  }
0x174: {  	v21 =	vadd.f32 v21, v24;
	v43 =	vld [tilespmem:s30+$0xE0]  }
0x175: {  	v23 =	vmul.f32 v37, v18;
	v22 =	vmul.f32 v39, v38;
	v44 =	vld [tilespmem:s18+$0xE0]  }
0x176: {  	v45 =	vld [tilespmem:s21+$0xE0];
	[tilespmem:s17+$0x40] =	vst v21  }
0x177: {  	v22 =	vadd.f32 v22, v23;
	v46 =	vld [tilespmem:s30+$0x50]  }
0x178: {  	v26 =	vmul.f32 v40, v19;
	v25 =	vmul.f32 v42, v41;
	v47 =	vld [tilespmem:s18+$0x50]  }
0x179: {  	[tilespmem:s17+$0xFFFFFF50] =	vst v22;
	v48 =	vld [tilespmem:s21+$0x50]  }
0x17a: {  	v49 =	vld [tilespmem:s30+$0xFFFFFF60];
	v25 =	vadd.f32 v25, v26  }
0x17b: {  	v50 =	vld [tilespmem:s18+$0xFFFFFF60];
	v21 =	vmul.f32 v45, v44;
	v24 =	vmul.f32 v43, v20  }
0x17c: {  	v51 =	vld [tilespmem:s21+$0xFFFFFF60];
	[tilespmem:s17+$0xFFFFFFD0] =	vst v25  }
0x17d: {  	v52 =	vld [tilespmem:s30+$0xFFFFFFE0];
	v21 =	vadd.f32 v21, v24  }
0x17e: {  	v53 =	vld [tilespmem:s18+$0xFFFFFFE0];
	v23 =	vmul.f32 v46, v2;
	v22 =	vmul.f32 v48, v47  }
0x17f: {  	v54 =	vld [tilespmem:s21+$0xFFFFFFE0];
	[tilespmem:s17+$0xE0] =	vst v21  }
0x180: {  	v22 =	vadd.f32 v22, v23;
	v55 =	vld [tilespmem:s30+$0xF0]  }
0x181: {  	v26 =	vmul.f32 v49, v18;
	v25 =	vmul.f32 v51, v50;
	v56 =	vld [tilespmem:s18+$0xF0]  }
0x182: {  	v57 =	vld [tilespmem:s21+$0xF0];
	[tilespmem:s17+$0x50] =	vst v22  }
0x183: {  	v25 =	vadd.f32 v25, v26;
	v58 =	vld [tilespmem:s30+$0x60]  }
0x184: {  	v24 =	vmul.f32 v52, v19;
	v21 =	vmul.f32 v54, v53;
	v59 =	vld [tilespmem:s18+$0x60]  }
0x185: {  	v3 =	vmul.f32 v6, v3;
	v6 =	vmul.f32 v9, v7;
	[tilespmem:s17+$0xFFFFFF60] =	vst v25;
	v7 =	vld [tilespmem:s21+$0x60]  }
0x186: {  	v9 =	vmul.f32 v17, v14;
	v8 =	vmul.f32 v8, v1;
	v61 =	vld [tilespmem:s30+$0xFFFFFF70];
	v60 =	vadd.f32 v21, v24  }
0x187: {  	v3 =	vadd.f32 v6, v3;
	v4 =	vmul.f32 v10, v4;
	v6 =	vmul.f32 v15, v11;
	v10 =	vld [tilespmem:s18+$0xFFFFFF70]  }
0x188: {  	v8 =	vadd.f32 v9, v8;
	v5 =	vmul.f32 v12, v5;
	v9 =	vmul.f32 v16, v13;
	v11 =	vld [tilespmem:s21+$0xFFFFFF70];
	[tilespmem:s17+$0xFFFFFFE0] =	vst v60  }
0x189: {  	[tilespmem:s25+$0xF0] =	vst v3;
	v3 =	vadd.f32 v6, v4;
	v63 =	vld [tilespmem:s30+$0xFFFFFFF0];
	v6 =	vmul.f32 v55, v20;
	v62 =	vmul.f32 v57, v56  }
0x18a: {  	[tilespmem:s25+$0x60] =	vst v8;
	v5 =	vadd.f32 v9, v5;
	v4 =	vld [tilespmem:s18+$0xFFFFFFF0];
	v8 =	vmul.f32 v58, v2;
	v9 =	vmul.f32 v7, v59  }
0x18b: {  	[tilespmem:s25+$0xFFFFFF70] =	vst v3;
	v3 =	vadd.f32 v62, v6;
	v7 =	vld [tilespmem:s21+$0xFFFFFFF0]  }
0x18c: {  	[tilespmem:s25+$0xFFFFFFF0] =	vst v5;
	v5 =	vld [tilespmem:s20+$0x70];
	v9 =	vadd.f32 v9, v8  }
0x18d: {  	s26 =	simm.s32 $0x15F00;
	v10 =	vmul.f32 v11, v10;
	v6 =	vld [tilespmem:s0+$0x70];
	v8 =	vmul.f32 v61, v18;
	[tilespmem:s17+$0xF0] =	vst v3  }
0x18e: {  	s20 =	simm.s32 $0x4;
	s0 =	simm.s32 $0x13F00;
	v3 =	vmul.f32 v63, v19;
	[tilespmem:s17+$0x60] =	vst v9;
	v9 =	vld [tilespmem:s23+$0x70];
	s23 =	simm.s32 $0x14D00  }
.LBB2_12:
0x18f: {  	v11 =	vld [tilespmem:s0+$0x80];
	v8 =	vadd.f32 v10, v8;
	s3 =	sadd.s32 $0x40, s3  }
0x190: {  	s18 =	sadd.s32 $0x200, s18;
	v10 =	vld [tilespmem:s3+$0x10];
	v4 =	vmul.f32 v7, v4  }
0x191: {  	s21 =	sadd.s32 $0x200, s21;
	v7 =	vld [tilespmem:s18+$0x80];
	[tilespmem:s17+$0xFFFFFF70] =	vst v8;
	v5 =	vmul.f32 v5, v1;
	v1 =	vmov v2  }
0x192: {  	v2 =	vld [tilespmem:s21+$0x80];
	v3 =	vadd.f32 v4, v3  }
0x193: {  	v8 =	vld [tilespmem:s3+$0xFFFFFFF0];
	v6 =	vmul.f32 v9, v6  }
0x194: {  	v9 =	vld [tilespmem:s3+$0x0];
	[tilespmem:s17+$0xFFFFFFF0] =	vst v3  }
0x195: {  	v12 =	vld [tilespmem:s3+$0xFFFFFFE0];
	v4 =	vperm.xlane v10, v0;
	v3 =	vadd.f32 v6, v5  }
0x196: {  	v6 =	vld [tilespmem:s0+$0xFFFFFF00]  }
0x197: {  	v10 =	vld [tilespmem:s18+$0xFFFFFF00];
	v5 =	vmul.f32 v11, v4;
	v7 =	vmul.f32 v2, v7;
	[tilespmem:s25+$0x70] =	vst v3;
	s25 =	smov.u32 s17  }
0x198: {  	v11 =	vld [tilespmem:s21+$0xFFFFFF00];
	v3 =	vperm.xlane v8, v0  }
0x199: {  	v8 =	vld [tilespmem:s0+$0xFFFFFF80];
	v2 =	vperm.xlane v9, v0;
	v7 =	vadd.f32 v7, v5  }
0x19a: {  	s17 =	sadd.s32 $0x200, s17;
	v5 =	vperm.xlane v12, v0;
	v9 =	vld [tilespmem:s18+$0xFFFFFF80]  }
0x19b: {  	v12 =	vld [tilespmem:s21+$0xFFFFFF80];
	[tilespmem:s17+$0x80] =	vst v7  }
0x19c: {  	v6 =	vmul.f32 v6, v5;
	v7 =	vld [tilespmem:s0+$0x90]  }
0x19d: {  	v10 =	vmul.f32 v11, v10;
	v11 =	vld [tilespmem:s18+$0x90]  }
0x19e: {  	s20 =	sadd.s32 $0x4, s20;
	v8 =	vmul.f32 v8, v3;
	v13 =	vld [tilespmem:s21+$0x90]  }
0x19f: {  	p3 =	slt.u32 s20, $0x1C;
	v6 =	vadd.f32 v10, v6;
	v10 =	vld [tilespmem:s0+$0x0]  }
0x1a0: {  	v9 =	vmul.f32 v12, v9;
	v12 =	vld [tilespmem:s18+$0x0]  }
0x1a1: {  	[tilespmem:s17+$0xFFFFFF00] =	vst v6;
	v6 =	vld [tilespmem:s21+$0x0]  }
0x1a2: {  	v14 =	vld [tilespmem:s0+$0xFFFFFF10];
	v8 =	vadd.f32 v9, v8  }
0x1a3: {  	v7 =	vmul.f32 v7, v4;
	v9 =	vld [tilespmem:s18+$0xFFFFFF10];
	v11 =	vmul.f32 v13, v11  }
0x1a4: {  	v13 =	vld [tilespmem:s21+$0xFFFFFF10];
	[tilespmem:s17+$0xFFFFFF80] =	vst v8;
	v8 =	vmul.f32 v10, v2  }
0x1a5: {  	v10 =	vld [tilespmem:s0+$0xFFFFFF90];
	v7 =	vadd.f32 v11, v7  }
0x1a6: {  	v11 =	vld [tilespmem:s18+$0xFFFFFF90];
	v6 =	vmul.f32 v6, v12  }
0x1a7: {  	v12 =	vmul.f32 v14, v5;
	v14 =	vld [tilespmem:s21+$0xFFFFFF90];
	[tilespmem:s17+$0x90] =	vst v7  }
0x1a8: {  	v6 =	vadd.f32 v6, v8;
	v7 =	vld [tilespmem:s0+$0xA0]  }
0x1a9: {  	v8 =	vmul.f32 v13, v9;
	v9 =	vld [tilespmem:s18+$0xA0]  }
0x1aa: {  	v10 =	vmul.f32 v10, v3;
	[tilespmem:s17+$0x0] =	vst v6;
	v6 =	vld [tilespmem:s21+$0xA0]  }
0x1ab: {  	v8 =	vadd.f32 v8, v12;
	v12 =	vld [tilespmem:s0+$0x10]  }
0x1ac: {  	v11 =	vmul.f32 v14, v11;
	v13 =	vld [tilespmem:s18+$0x10]  }
0x1ad: {  	[tilespmem:s17+$0xFFFFFF10] =	vst v8;
	v8 =	vld [tilespmem:s21+$0x10]  }
0x1ae: {  	v14 =	vld [tilespmem:s0+$0xFFFFFF20];
	v10 =	vadd.f32 v11, v10  }
0x1af: {  	v7 =	vmul.f32 v7, v4;
	v11 =	vld [tilespmem:s18+$0xFFFFFF20];
	v6 =	vmul.f32 v6, v9  }
0x1b0: {  	v9 =	vld [tilespmem:s21+$0xFFFFFF20];
	[tilespmem:s17+$0xFFFFFF90] =	vst v10;
	v10 =	vmul.f32 v12, v2  }
0x1b1: {  	v12 =	vld [tilespmem:s0+$0xFFFFFFA0];
	v6 =	vadd.f32 v6, v7  }
0x1b2: {  	v7 =	vld [tilespmem:s18+$0xFFFFFFA0];
	v8 =	vmul.f32 v8, v13  }
0x1b3: {  	v13 =	vmul.f32 v14, v5;
	v14 =	vld [tilespmem:s21+$0xFFFFFFA0];
	[tilespmem:s17+$0xA0] =	vst v6  }
0x1b4: {  	v6 =	vadd.f32 v8, v10;
	v8 =	vld [tilespmem:s0+$0xB0]  }
0x1b5: {  	v9 =	vmul.f32 v9, v11;
	v10 =	vld [tilespmem:s18+$0xB0]  }
0x1b6: {  	v11 =	vmul.f32 v12, v3;
	[tilespmem:s17+$0x10] =	vst v6;
	v6 =	vld [tilespmem:s21+$0xB0]  }
0x1b7: {  	v9 =	vadd.f32 v9, v13;
	v12 =	vld [tilespmem:s0+$0x20]  }
0x1b8: {  	v7 =	vmul.f32 v14, v7;
	v13 =	vld [tilespmem:s18+$0x20]  }
0x1b9: {  	[tilespmem:s17+$0xFFFFFF20] =	vst v9;
	v9 =	vld [tilespmem:s21+$0x20]  }
0x1ba: {  	v14 =	vld [tilespmem:s0+$0xFFFFFF30];
	v7 =	vadd.f32 v7, v11  }
0x1bb: {  	v8 =	vmul.f32 v8, v4;
	v11 =	vld [tilespmem:s18+$0xFFFFFF30];
	v6 =	vmul.f32 v6, v10  }
0x1bc: {  	v10 =	vld [tilespmem:s21+$0xFFFFFF30];
	[tilespmem:s17+$0xFFFFFFA0] =	vst v7;
	v7 =	vmul.f32 v12, v2  }
0x1bd: {  	v12 =	vld [tilespmem:s0+$0xFFFFFFB0];
	v6 =	vadd.f32 v6, v8  }
0x1be: {  	v8 =	vld [tilespmem:s18+$0xFFFFFFB0];
	v9 =	vmul.f32 v9, v13  }
0x1bf: {  	v13 =	vmul.f32 v14, v5;
	v14 =	vld [tilespmem:s21+$0xFFFFFFB0];
	[tilespmem:s17+$0xB0] =	vst v6  }
0x1c0: {  	v6 =	vadd.f32 v9, v7;
	v7 =	vld [tilespmem:s0+$0xC0]  }
0x1c1: {  	v9 =	vmul.f32 v10, v11;
	v10 =	vld [tilespmem:s18+$0xC0]  }
0x1c2: {  	v11 =	vmul.f32 v12, v3;
	[tilespmem:s17+$0x20] =	vst v6;
	v6 =	vld [tilespmem:s21+$0xC0]  }
0x1c3: {  	v9 =	vadd.f32 v9, v13;
	v12 =	vld [tilespmem:s0+$0x30]  }
0x1c4: {  	v8 =	vmul.f32 v14, v8;
	v13 =	vld [tilespmem:s18+$0x30]  }
0x1c5: {  	[tilespmem:s17+$0xFFFFFF30] =	vst v9;
	v9 =	vld [tilespmem:s21+$0x30]  }
0x1c6: {  	v14 =	vld [tilespmem:s0+$0xFFFFFF40];
	v8 =	vadd.f32 v8, v11  }
0x1c7: {  	v7 =	vmul.f32 v7, v4;
	v11 =	vld [tilespmem:s18+$0xFFFFFF40];
	v6 =	vmul.f32 v6, v10  }
0x1c8: {  	v10 =	vld [tilespmem:s21+$0xFFFFFF40];
	[tilespmem:s17+$0xFFFFFFB0] =	vst v8;
	v8 =	vmul.f32 v12, v2  }
0x1c9: {  	v12 =	vld [tilespmem:s0+$0xFFFFFFC0];
	v6 =	vadd.f32 v6, v7  }
0x1ca: {  	v7 =	vld [tilespmem:s18+$0xFFFFFFC0];
	v9 =	vmul.f32 v9, v13  }
0x1cb: {  	v13 =	vmul.f32 v14, v5;
	v14 =	vld [tilespmem:s21+$0xFFFFFFC0];
	[tilespmem:s17+$0xC0] =	vst v6  }
0x1cc: {  	v6 =	vadd.f32 v9, v8;
	v8 =	vld [tilespmem:s0+$0xD0]  }
0x1cd: {  	v9 =	vmul.f32 v10, v11;
	v10 =	vld [tilespmem:s18+$0xD0]  }
0x1ce: {  	v11 =	vmul.f32 v12, v3;
	[tilespmem:s17+$0x30] =	vst v6;
	v6 =	vld [tilespmem:s21+$0xD0]  }
0x1cf: {  	v9 =	vadd.f32 v9, v13;
	v12 =	vld [tilespmem:s0+$0x40]  }
0x1d0: {  	v7 =	vmul.f32 v14, v7;
	v13 =	vld [tilespmem:s18+$0x40]  }
0x1d1: {  	[tilespmem:s17+$0xFFFFFF40] =	vst v9;
	v9 =	vld [tilespmem:s21+$0x40]  }
0x1d2: {  	v14 =	vld [tilespmem:s0+$0xFFFFFF50];
	v7 =	vadd.f32 v7, v11  }
0x1d3: {  	v8 =	vmul.f32 v8, v4;
	v11 =	vld [tilespmem:s18+$0xFFFFFF50];
	v6 =	vmul.f32 v6, v10  }
0x1d4: {  	v10 =	vld [tilespmem:s21+$0xFFFFFF50];
	[tilespmem:s17+$0xFFFFFFC0] =	vst v7;
	v7 =	vmul.f32 v12, v2  }
0x1d5: {  	v12 =	vld [tilespmem:s0+$0xFFFFFFD0];
	v6 =	vadd.f32 v6, v8  }
0x1d6: {  	v8 =	vld [tilespmem:s18+$0xFFFFFFD0];
	v9 =	vmul.f32 v9, v13  }
0x1d7: {  	v13 =	vmul.f32 v14, v5;
	v14 =	vld [tilespmem:s21+$0xFFFFFFD0];
	[tilespmem:s17+$0xD0] =	vst v6  }
0x1d8: {  	v6 =	vadd.f32 v9, v7;
	v7 =	vld [tilespmem:s0+$0xE0]  }
0x1d9: {  	v9 =	vmul.f32 v10, v11;
	v10 =	vld [tilespmem:s18+$0xE0]  }
0x1da: {  	v11 =	vmul.f32 v12, v3;
	[tilespmem:s17+$0x40] =	vst v6;
	v6 =	vld [tilespmem:s21+$0xE0]  }
0x1db: {  	v9 =	vadd.f32 v9, v13;
	v12 =	vld [tilespmem:s0+$0x50]  }
0x1dc: {  	v8 =	vmul.f32 v14, v8;
	v13 =	vld [tilespmem:s18+$0x50]  }
0x1dd: {  	[tilespmem:s17+$0xFFFFFF50] =	vst v9;
	v9 =	vld [tilespmem:s21+$0x50]  }
0x1de: {  	v14 =	vld [tilespmem:s0+$0xFFFFFF60];
	v8 =	vadd.f32 v8, v11  }
0x1df: {  	v7 =	vmul.f32 v7, v4;
	v11 =	vld [tilespmem:s18+$0xFFFFFF60];
	v6 =	vmul.f32 v6, v10  }
0x1e0: {  	v10 =	vld [tilespmem:s21+$0xFFFFFF60];
	[tilespmem:s17+$0xFFFFFFD0] =	vst v8;
	v8 =	vmul.f32 v12, v2  }
0x1e1: {  	v12 =	vld [tilespmem:s0+$0xFFFFFFE0];
	v6 =	vadd.f32 v6, v7  }
0x1e2: {  	v7 =	vld [tilespmem:s18+$0xFFFFFFE0];
	v9 =	vmul.f32 v9, v13  }
0x1e3: {  	v13 =	vmul.f32 v14, v5;
	v14 =	vld [tilespmem:s21+$0xFFFFFFE0];
	[tilespmem:s17+$0xE0] =	vst v6  }
0x1e4: {  	v6 =	vadd.f32 v9, v8;
	v8 =	vld [tilespmem:s0+$0xF0]  }
0x1e5: {  	v9 =	vmul.f32 v10, v11;
	v10 =	vld [tilespmem:s18+$0xF0]  }
0x1e6: {  	v11 =	vmul.f32 v12, v3;
	[tilespmem:s17+$0x50] =	vst v6;
	v6 =	vld [tilespmem:s21+$0xF0]  }
0x1e7: {  	v9 =	vadd.f32 v9, v13;
	v12 =	vld [tilespmem:s0+$0x60]  }
0x1e8: {  	v7 =	vmul.f32 v14, v7;
	v13 =	vld [tilespmem:s18+$0x60]  }
0x1e9: {  	[tilespmem:s17+$0xFFFFFF60] =	vst v9;
	v9 =	vld [tilespmem:s21+$0x60]  }
0x1ea: {  	v14 =	vld [tilespmem:s0+$0xFFFFFF70];
	v7 =	vadd.f32 v7, v11  }
0x1eb: {  	v4 =	vmul.f32 v8, v4;
	v11 =	vld [tilespmem:s18+$0xFFFFFF70];
	v6 =	vmul.f32 v6, v10  }
0x1ec: {  	v10 =	vld [tilespmem:s21+$0xFFFFFF70];
	[tilespmem:s17+$0xFFFFFFE0] =	vst v7;
	v12 =	vmul.f32 v12, v2  }
0x1ed: {  	v15 =	vld [tilespmem:s0+$0xFFFFFFF0];
	v6 =	vadd.f32 v6, v4  }
.Ltmp10:
0x1ee: {  	v4 =	vld [tilespmem:s18+$0xFFFFFFF0];
	v9 =	vmul.f32 v9, v13;
	(pc) =	sbr.rel @p3 .LBB2_12-.Ltmp10, $4  }
0x1ef: {  	v8 =	vmul.f32 v14, v5;
	v7 =	vld [tilespmem:s21+$0xFFFFFFF0];
	[tilespmem:s17+$0xF0] =	vst v6  }
0x1f0: {  	v9 =	vadd.f32 v9, v12;
	v5 =	vld [tilespmem:s30+$0x70];
	s30 =	smov.u32 s0  }
0x1f1: {  	v10 =	vmul.f32 v10, v11;
	v6 =	vld [tilespmem:s23+$0x70];
	s23 =	smov.u32 s18  }
0x1f2: {  	s0 =	sadd.s32 $0x200, s0;
	v3 =	vmul.f32 v15, v3;
	[tilespmem:s17+$0x60] =	vst v9;
	v9 =	vld [tilespmem:s26+$0x70];
	s26 =	smov.u32 s21  }
0x1f3: {  	v11 =	vld [tilespmem:s30+$0x70]  }
0x1f4: {  	v12 =	vld [tilespmem:s23+$0x70]  }
0x1f5: {  	v13 =	vld [tilespmem:s26+$0x70];
	_ =	sdelay $0x2  }
0x1f6: {  	v4 =	vmul.f32 v7, v4  }
0x1f7: {  	v61 =	vadd.f32 v10, v8;
	v1 =	vmul.f32 v5, v1;
	v62 =	vmul.f32 v9, v6  }
.Ltmp11:
0x1f8: {  	v3 =	vadd.f32 v4, v3;
	v2 =	vmul.f32 v11, v2;
	v63 =	vmul.f32 v13, v12;
	(pc) =	sbr.rel .LBB2_14-.Ltmp11, $4  }
0x1f9: {  	[tilespmem:s17+$0xFFFFFF70] =	vst v61;
	v1 =	vadd.f32 v62, v1  }
0x1fa: {  	[tilespmem:s17+$0xFFFFFFF0] =	vst v3;
	v2 =	vadd.f32 v63, v2  }
0x1fb: {  	[tilespmem:s25+$0x70] =	vst v1  }
0x1fc: {  	s0 =	simm.s32 $0x16C00;
	[tilespmem:s17+$0x70] =	vst v2  }
.LBB2_8:
0x1fd: {  	s18 =	simm.s32 $0x14B00  }
0x1fe: {  	v1 =	vld [tilespmem:s18+$0x80]  }
0x1ff: {  	v3 =	vld [tilespmem:s18+$0x0]  }
0x200: {  	v2 =	vld [tilespmem:s18+$0xFFFFFF80]  }
0x201: {  	v4 =	vld [tilespmem:s18+$0xFFFFFF00]  }
0x202: {  	s0 =	simm.s32 $0x17D00  }
0x203: {  	[tilespmem:s0+$0x80] =	vst v1  }
0x204: {  	[tilespmem:s0+$0x0] =	vst v3;
	v1 =	vld [tilespmem:s18+$0x90]  }
0x205: {  	[tilespmem:s0+$0xFFFFFF80] =	vst v2;
	v3 =	vld [tilespmem:s18+$0x10]  }
0x206: {  	[tilespmem:s0+$0xFFFFFF00] =	vst v4;
	v2 =	vld [tilespmem:s18+$0xFFFFFF90]  }
0x207: {  	v4 =	vld [tilespmem:s18+$0xFFFFFF10];
	_ =	sdelay $0x1  }
0x208: {  	[tilespmem:s0+$0x90] =	vst v1  }
0x209: {  	[tilespmem:s0+$0x10] =	vst v3;
	v1 =	vld [tilespmem:s18+$0xA0]  }
0x20a: {  	[tilespmem:s0+$0xFFFFFF90] =	vst v2;
	v3 =	vld [tilespmem:s18+$0x20]  }
0x20b: {  	[tilespmem:s0+$0xFFFFFF10] =	vst v4;
	v2 =	vld [tilespmem:s18+$0xFFFFFFA0]  }
0x20c: {  	v4 =	vld [tilespmem:s18+$0xFFFFFF20];
	_ =	sdelay $0x1  }
0x20d: {  	[tilespmem:s0+$0xA0] =	vst v1  }
0x20e: {  	[tilespmem:s0+$0x20] =	vst v3;
	v1 =	vld [tilespmem:s18+$0xB0]  }
0x20f: {  	[tilespmem:s0+$0xFFFFFFA0] =	vst v2;
	v3 =	vld [tilespmem:s18+$0x30]  }
0x210: {  	[tilespmem:s0+$0xFFFFFF20] =	vst v4;
	v2 =	vld [tilespmem:s18+$0xFFFFFFB0]  }
0x211: {  	v4 =	vld [tilespmem:s18+$0xFFFFFF30];
	_ =	sdelay $0x1  }
0x212: {  	[tilespmem:s0+$0xB0] =	vst v1  }
0x213: {  	[tilespmem:s0+$0x30] =	vst v3;
	v1 =	vld [tilespmem:s18+$0xC0]  }
0x214: {  	[tilespmem:s0+$0xFFFFFFB0] =	vst v2;
	v3 =	vld [tilespmem:s18+$0x40]  }
0x215: {  	[tilespmem:s0+$0xFFFFFF30] =	vst v4;
	v2 =	vld [tilespmem:s18+$0xFFFFFFC0]  }
0x216: {  	v4 =	vld [tilespmem:s18+$0xFFFFFF40]  }
0x217: {  	s3 =	simm.s32 $0x14D00  }
0x218: {  	v5 =	vld [tilespmem:s3+$0x80];
	[tilespmem:s0+$0xC0] =	vst v1  }
0x219: {  	[tilespmem:s0+$0x40] =	vst v3;
	v3 =	vld [tilespmem:s3+$0xFFFFFF80]  }
0x21a: {  	[tilespmem:s0+$0xFFFFFFC0] =	vst v2;
	v1 =	vld [tilespmem:s18+$0xD0]  }
0x21b: {  	[tilespmem:s0+$0xFFFFFF40] =	vst v4;
	v4 =	vld [tilespmem:s3+$0x0]  }
0x21c: {  	s17 =	simm.s32 $0x17F00;
	v2 =	vld [tilespmem:s18+$0xFFFFFFD0]  }
0x21d: {  	v6 =	vld [tilespmem:s3+$0xFFFFFF00];
	[tilespmem:s17+$0x80] =	vst v5  }
0x21e: {  	[tilespmem:s17+$0xFFFFFF80] =	vst v3;
	v3 =	vld [tilespmem:s3+$0x90]  }
0x21f: {  	[tilespmem:s0+$0xD0] =	vst v1;
	v5 =	vld [tilespmem:s3+$0xFFFFFF90]  }
0x220: {  	[tilespmem:s17+$0x0] =	vst v4;
	v1 =	vld [tilespmem:s18+$0xE0]  }
0x221: {  	[tilespmem:s0+$0xFFFFFFD0] =	vst v2;
	v2 =	vld [tilespmem:s18+$0xFFFFFF50]  }
0x222: {  	[tilespmem:s17+$0xFFFFFF00] =	vst v6;
	v4 =	vld [tilespmem:s3+$0x10]  }
0x223: {  	v6 =	vld [tilespmem:s3+$0xFFFFFF10];
	[tilespmem:s17+$0x90] =	vst v3  }
0x224: {  	[tilespmem:s17+$0xFFFFFF90] =	vst v5;
	v3 =	vld [tilespmem:s3+$0xA0]  }
0x225: {  	[tilespmem:s0+$0xE0] =	vst v1;
	v5 =	vld [tilespmem:s3+$0xFFFFFFA0]  }
0x226: {  	[tilespmem:s0+$0xFFFFFF50] =	vst v2;
	v1 =	vld [tilespmem:s18+$0xF0]  }
0x227: {  	v2 =	vld [tilespmem:s18+$0x50];
	[tilespmem:s17+$0x10] =	vst v4  }
0x228: {  	[tilespmem:s17+$0xFFFFFF10] =	vst v6;
	v4 =	vld [tilespmem:s3+$0x20]  }
0x229: {  	v6 =	vld [tilespmem:s3+$0xFFFFFF20];
	[tilespmem:s17+$0xA0] =	vst v3  }
0x22a: {  	[tilespmem:s17+$0xFFFFFFA0] =	vst v5;
	v3 =	vld [tilespmem:s3+$0xB0]  }
0x22b: {  	[tilespmem:s0+$0xF0] =	vst v1;
	v1 =	vld [tilespmem:s18+$0xFFFFFF60]  }
0x22c: {  	[tilespmem:s0+$0x50] =	vst v2;
	v5 =	vld [tilespmem:s3+$0xFFFFFFB0]  }
0x22d: {  	v2 =	vld [tilespmem:s18+$0xFFFFFFE0];
	[tilespmem:s17+$0x20] =	vst v4  }
0x22e: {  	[tilespmem:s17+$0xFFFFFF20] =	vst v6;
	v4 =	vld [tilespmem:s3+$0x30]  }
0x22f: {  	v6 =	vld [tilespmem:s3+$0xFFFFFF30];
	[tilespmem:s17+$0xB0] =	vst v3  }
0x230: {  	[tilespmem:s0+$0xFFFFFF60] =	vst v1;
	v1 =	vld [tilespmem:s18+$0x60]  }
0x231: {  	[tilespmem:s17+$0xFFFFFFB0] =	vst v5;
	v5 =	vld [tilespmem:s3+$0xC0]  }
0x232: {  	[tilespmem:s0+$0xFFFFFFE0] =	vst v2;
	v2 =	vld [tilespmem:s18+$0xFFFFFF70]  }
0x233: {  	[tilespmem:s17+$0x30] =	vst v4;
	v7 =	vld [tilespmem:s3+$0xFFFFFFC0]  }
0x234: {  	[tilespmem:s17+$0xFFFFFF30] =	vst v6;
	v6 =	vld [tilespmem:s3+$0x40]  }
0x235: {  	v3 =	vld [tilespmem:s3+$0xFFFFFF40];
	[tilespmem:s0+$0x60] =	vst v1  }
0x236: {  	v1 =	vld [tilespmem:s18+$0xFFFFFFF0];
	[tilespmem:s17+$0xC0] =	vst v5  }
0x237: {  	[tilespmem:s0+$0xFFFFFF70] =	vst v2;
	v2 =	vld [tilespmem:s18+$0x70]  }
0x238: {  	[tilespmem:s17+$0xFFFFFFC0] =	vst v7;
	v5 =	vld [tilespmem:s3+$0xD0]  }
0x239: {  	s20 =	simm.s32 $0x14F00;
	s18 =	simm.s32 $0x4;
	[tilespmem:s17+$0x40] =	vst v6;
	v4 =	vld [tilespmem:s3+$0xFFFFFFD0]  }
.LBB2_9:
0x23a: {  	v6 =	vld [tilespmem:s20+$0x80];
	s18 =	sadd.s32 $0x4, s18;
	[tilespmem:s17+$0xFFFFFF40] =	vst v3  }
0x23b: {  	v3 =	vld [tilespmem:s20+$0xFFFFFF80];
	p3 =	slt.u32 s18, $0x1C;
	[tilespmem:s0+$0xFFFFFFF0] =	vst v1  }
0x23c: {  	v1 =	vld [tilespmem:s20+$0x0];
	[tilespmem:s0+$0x70] =	vst v2;
	s0 =	smov.u32 s17  }
0x23d: {  	v2 =	vld [tilespmem:s20+$0xFFFFFF00];
	[tilespmem:s17+$0xD0] =	vst v5  }
0x23e: {  	s17 =	sadd.s32 $0x200, s17;
	[tilespmem:s0+$0xFFFFFFD0] =	vst v4;
	v4 =	vld [tilespmem:s3+$0xE0]  }
0x23f: {  	[tilespmem:s17+$0x80] =	vst v6;
	v5 =	vld [tilespmem:s3+$0xFFFFFF50]  }
0x240: {  	[tilespmem:s17+$0xFFFFFF80] =	vst v3;
	v3 =	vld [tilespmem:s20+$0x90]  }
0x241: {  	v6 =	vld [tilespmem:s20+$0xFFFFFF90];
	[tilespmem:s17+$0x0] =	vst v1  }
0x242: {  	[tilespmem:s17+$0xFFFFFF00] =	vst v2;
	v1 =	vld [tilespmem:s20+$0x10]  }
0x243: {  	v2 =	vld [tilespmem:s20+$0xFFFFFF10];
	[tilespmem:s0+$0xE0] =	vst v4  }
0x244: {  	[tilespmem:s0+$0xFFFFFF50] =	vst v5;
	v4 =	vld [tilespmem:s3+$0xF0]  }
0x245: {  	[tilespmem:s17+$0x90] =	vst v3;
	v3 =	vld [tilespmem:s3+$0x50]  }
0x246: {  	[tilespmem:s17+$0xFFFFFF90] =	vst v6;
	v5 =	vld [tilespmem:s20+$0xA0]  }
0x247: {  	v6 =	vld [tilespmem:s20+$0xFFFFFFA0];
	[tilespmem:s17+$0x10] =	vst v1  }
0x248: {  	[tilespmem:s17+$0xFFFFFF10] =	vst v2;
	v1 =	vld [tilespmem:s20+$0x20]  }
0x249: {  	v2 =	vld [tilespmem:s20+$0xFFFFFF20];
	[tilespmem:s0+$0xF0] =	vst v4  }
0x24a: {  	v4 =	vld [tilespmem:s3+$0xFFFFFF60];
	[tilespmem:s0+$0x50] =	vst v3  }
0x24b: {  	[tilespmem:s17+$0xA0] =	vst v5;
	v3 =	vld [tilespmem:s3+$0xFFFFFFE0]  }
0x24c: {  	[tilespmem:s17+$0xFFFFFFA0] =	vst v6;
	v5 =	vld [tilespmem:s20+$0xB0]  }
0x24d: {  	v6 =	vld [tilespmem:s20+$0xFFFFFFB0];
	[tilespmem:s17+$0x20] =	vst v1  }
0x24e: {  	[tilespmem:s17+$0xFFFFFF20] =	vst v2;
	v1 =	vld [tilespmem:s20+$0x30]  }
0x24f: {  	v2 =	vld [tilespmem:s20+$0xFFFFFF30];
	[tilespmem:s0+$0xFFFFFF60] =	vst v4  }
0x250: {  	[tilespmem:s0+$0xFFFFFFE0] =	vst v3;
	v4 =	vld [tilespmem:s3+$0x60]  }
0x251: {  	[tilespmem:s17+$0xB0] =	vst v5;
	v5 =	vld [tilespmem:s3+$0xFFFFFF70]  }
0x252: {  	[tilespmem:s17+$0xFFFFFFB0] =	vst v6;
	v6 =	vld [tilespmem:s20+$0xC0]  }
0x253: {  	v7 =	vld [tilespmem:s20+$0xFFFFFFC0];
	[tilespmem:s17+$0x30] =	vst v1  }
0x254: {  	[tilespmem:s17+$0xFFFFFF30] =	vst v2;
	v8 =	vld [tilespmem:s20+$0x40]  }
.Ltmp12:
0x255: {  	v3 =	vld [tilespmem:s20+$0xFFFFFF40];
	[tilespmem:s0+$0x60] =	vst v4;
	(pc) =	sbr.rel @p3 .LBB2_9-.Ltmp12, $4  }
0x256: {  	[tilespmem:s0+$0xFFFFFF70] =	vst v5;
	v1 =	vld [tilespmem:s3+$0xFFFFFFF0]  }
0x257: {  	[tilespmem:s17+$0xC0] =	vst v6;
	v2 =	vld [tilespmem:s3+$0x70];
	s3 =	smov.u32 s20  }
0x258: {  	[tilespmem:s17+$0xFFFFFFC0] =	vst v7;
	v5 =	vld [tilespmem:s20+$0xD0]  }
0x259: {  	s20 =	sadd.s32 $0x200, s20;
	v4 =	vld [tilespmem:s3+$0xFFFFFFD0];
	[tilespmem:s17+$0x40] =	vst v8  }
0x25a: {  	[tilespmem:s17+$0xFFFFFF40] =	vst v3;
	v6 =	vld [tilespmem:s3+$0x50]  }
0x25b: {  	v3 =	vld [tilespmem:s3+$0xFFFFFF50];
	_ =	sdelay $0x1  }
0x25c: {  	[tilespmem:s17+$0xD0] =	vst v5  }
0x25d: {  	v5 =	vld [tilespmem:s3+$0xE0];
	[tilespmem:s17+$0xFFFFFFD0] =	vst v4  }
0x25e: {  	[tilespmem:s17+$0x50] =	vst v6;
	v4 =	vld [tilespmem:s3+$0xFFFFFFE0]  }
0x25f: {  	[tilespmem:s17+$0xFFFFFF50] =	vst v3;
	v6 =	vld [tilespmem:s3+$0x60]  }
0x260: {  	v3 =	vld [tilespmem:s3+$0xFFFFFF60];
	_ =	sdelay $0x1  }
0x261: {  	[tilespmem:s17+$0xE0] =	vst v5  }
0x262: {  	[tilespmem:s17+$0xFFFFFFE0] =	vst v4  }
0x263: {  	[tilespmem:s17+$0x60] =	vst v6;
	v63 =	vld [tilespmem:s3+$0xFFFFFFF0]  }
0x264: {  	[tilespmem:s17+$0xFFFFFF60] =	vst v3;
	v3 =	vld [tilespmem:s3+$0xF0]  }
0x265: {  	[tilespmem:s0+$0xFFFFFFF0] =	vst v1;
	v1 =	vld [tilespmem:s3+$0x70]  }
0x266: {  	v62 =	vld [tilespmem:s3+$0xFFFFFF70]  }
0x267: {  	[tilespmem:s0+$0x70] =	vst v2  }
0x268: {  	[tilespmem:s17+$0xFFFFFFF0] =	vst v63  }
0x269: {  	[tilespmem:s17+$0xF0] =	vst v3  }
0x26a: {  	[tilespmem:s17+$0x70] =	vst v1  }
0x26b: {  	s0 =	simm.s32 $0x17C00;
	[tilespmem:s17+$0xFFFFFF70] =	vst v62  }
.LBB2_14:
0x26c: {  	[spmem:s4] =	stream.indirect.scatter.add.f32 [tilespmem:s0], [sflag:$0x4], $0x80, s31, s15, $0xb8;
	[tilespmem:$0x1DF80] =	vst v63  }
.LBB2_15:
0x26d: {  	s0 =	sadd.s32 s14, s24  }
0x26e: {  	p4 =	sgt.u32 s0, $0x1387  }
0x26f: {  	s3 =	sshll.u32 @!p4 s0, $0x2  }
0x270: {  	s18 =	simm.s32 @!p4 $0x0;
	s20 =	simm.s32 @!p4 $0x13880;
	s17 =	sadd.s32 @!p4 s10, s3  }
0x271: {  	[tilespmem:s20], [sflag:$0x1] =	stream.linear.gather @!p4 [hbm4b:s17+s18], $0x20, $0x38;
	[tilespmem:$0x1DF80] =	vst v63  }
0x272: {  	p6 =	sgt.u32 s29, $0x1377;
	p3 =	sne.s32 @!p4 s9, $0x0;
	s17 =	sshll.u32 @!p4 s0, $0x9  }
0x273: {  	s21 =	simm.s32 @!p4 $0x14A00;
	p3 =	por p3, p4;
	s20 =	sadd.s32 @!p4 s8, s17  }
0x274: {  	[tilespmem:s21], [sflag:$0x1] =	stream.linear.gather @!p4 [hbm4b:s20+s18], $0x1000, $0x38;
	[tilespmem:$0x1DF80] =	vst v63  }
0x275: {  	s3 =	sadd.s32 @!p3 s11, s3;
	s25 =	simm.s32 @!p3 $0x13900;
	s18 =	simm.s32 @!p3 $0x0  }
0x276: {  	[tilespmem:s25], [sflag:$0x1] =	stream.linear.gather @!p3 [hbm4b:s3+s18], $0x20, $0x38;
	[tilespmem:$0x1DF80] =	vst v63  }
.Ltmp13:
0x277: {  	_ = 	snop;
	(pc) =	sbr.rel @p6 .LBB2_24-.Ltmp13, $4  }
0x278: {  	s0 =	sshll.u32 @!p3 s0, $0x6;
	s3 =	sadd.s32 @!p3 s7, s17;
	s17 =	simm.s32 @!p3 $0x13A00  }
0x279: {  	[tilespmem:s17], [sflag:$0x1] =	stream.linear.gather @!p3 [hbm4b:s3+s18], $0x1000, $0x38;
	[tilespmem:$0x1DF80] =	vst v63  }
0x27a: {  	s0 =	sadd.s32 @!p3 s2, s0;
	s3 =	simm.s32 @!p3 $0x15A00  }
0x27b: {  	[tilespmem:s3], [sflag:$0x1] =	stream.linear.gather @!p3 [hbm4b:s0+s18], $0x200, $0x38;
	[tilespmem:$0x1DF80] =	vst v63  }
0x27c: {  	_ =	swait.ge [sflag:s12], $0x20  }
0x27d: {  	[sflag:s12] =	ssyncset.done $0x0  }
0x27e: {  	[sflag:s12] =	ssyncadd.s32 $0xFFFFFFE0  }
0x27f: {  	_ =	swait.ge [sflag:s12], $0x1000  }
0x280: {  	[sflag:s12] =	ssyncset.done $0x0  }
0x281: {  	s0 =	simm.s32 @!p0 $0x2;
	[sflag:s12] =	ssyncadd.s32 $0xFFFFF000  }
0x282: {  	_ =	swait.ge @!p0 [sflag:s0], $0x20  }
0x283: {  	[sflag:s0] =	ssyncset.done @!p0 $0x0  }
0x284: {  	[sflag:s0] =	ssyncadd.s32 @!p0 $0xFFFFFFE0  }
0x285: {  	_ =	swait.ge @!p0 [sflag:s0], $0x1000  }
0x286: {  	[sflag:s0] =	ssyncset.done @!p0 $0x0  }
0x287: {  	[sflag:s0] =	ssyncadd.s32 @!p0 $0xFFFFF000  }
0x288: {  	_ =	swait.ge @!p0 [sflag:s0], $0x200  }
0x289: {  	[sflag:s0] =	ssyncset.done @!p0 $0x0  }
0x28a: {  	[sflag:s0] =	ssyncadd.s32 @!p0 $0xFFFFFE00  }
0x28b: {  	v1 =	vld @!p0 [tilespmem:$0x18C80]  }
0x28c: {  	v2 =	vld @!p0 [tilespmem:$0x18C90];
	_ =	sdelay $0x3  }
0x28d: {  	v1 =	vadd.s32 @!p0 $0x4E20, v1  }
0x28e: {  	[tilespmem:$0x18C80] =	vst @!p0 v1;
	v1 =	vadd.s32 @!p0 $0x4E20, v2  }
0x28f: {  	s3 =	simm.s32 @!p0 $0x18C80;
	s17 =	simm.s32 @!p0 $0x1AF80;
	s0 =	simm.s32 @!p0 $0x20;
	[tilespmem:$0x18C90] =	vst @!p0 v1  }
0x290: {  	[tilespmem:s17], [sflag:$0x5] =	stream.indirect.gather @!p0 [hbm4b:s1+s0], $0x80, s3, s0, $0xb8;
	[tilespmem:$0x1DF80] =	vst v63  }
0x291: {  	s0 =	simm.s32 @!p5 $0x6  }
0x292: {  	_ =	swait.ge @!p5 [sflag:s0], $0x1000  }
0x293: {  	[sflag:s0] =	ssyncset.done @!p5 $0x0  }
0x294: {  	[sflag:s0] =	ssyncadd.s32 @!p5 $0xFFFFF000  }
0x295: {  	v1 =	vld [tilespmem:$0x18C00]  }
0x296: {  	v2 =	vld [tilespmem:$0x18C10]  }
.Ltmp14:
0x297: {  	_ = 	snop;
	(pc) =	sbr.rel @p0 .LBB2_17-.Ltmp14, $3  }
0x298: {  	_ =	sdelay $0x1  }
0x299: {  	[tilespmem:$0x18D00] =	vst v1  }
0x29a: {  	[tilespmem:$0x18D10] =	vst v2  }
0x29b: {  	_ =	swait.ge [sflag:s5], $0x1000  }
0x29c: {  	[sflag:s5] =	ssyncset.done $0x0  }
0x29d: {  	s20 =	simm.s32 $0x18E80;
	[sflag:s5] =	ssyncadd.s32 $0xFFFFF000  }
0x29e: {  	s3 =	simm.s32 $0x1ADA0;
	v1 =	vld [tilespmem:s20+$0x80]  }
0x29f: {  	s0 =	simm.s32 $0x19E80;
	v2 =	vld [tilespmem:s3+$0x10]  }
0x2a0: {  	s23 =	simm.s32 $0x1B080;
	v4 =	vld [tilespmem:s0+$0x80]  }
0x2a1: {  	v5 =	vld [tilespmem:s23+$0x80]  }
0x2a2: {  	v6 =	vld [tilespmem:s3+$0xFFFFFFF0]  }
0x2a3: {  	v7 =	vld [tilespmem:s3+$0x0]  }
0x2a4: {  	v8 =	vld [tilespmem:s3+$0xFFFFFFE0]  }
0x2a5: {  	v9 =	vld [tilespmem:s0+$0xFFFFFF00]  }
0x2a6: {  	v10 =	vld [tilespmem:s20+$0xFFFFFF80]  }
0x2a7: {  	s18 =	simm.s32 $0x1A080;
	v11 =	vld [tilespmem:s0+$0xFFFFFF80]  }
0x2a8: {  	s21 =	simm.s32 $0x1B280;
	v19 =	vld [tilespmem:s18+$0x80]  }
0x2a9: {  	s30 =	simm.s32 $0x19080;
	v21 =	vld [tilespmem:s21+$0x80]  }
0x2aa: {  	v25 =	vld [tilespmem:s30+$0xFFFFFF00]  }
0x2ab: {  	v26 =	vld [tilespmem:s18+$0xFFFFFF00]  }
0x2ac: {  	v46 =	vld [tilespmem:s21+$0xFFFFFF00]  }
0x2ad: {  	s3 =	simm.s32 $0x1ADE0;
	v47 =	vld [tilespmem:s30+$0xFFFFFF80];
	v3 =	vperm.xlane v2, v0  }
0x2ae: {  	v18 =	vld [tilespmem:s3+$0x10]  }
0x2af: {  	v2 =	vld [tilespmem:s20+$0xFFFFFF00];
	v4 =	vmul.f32 v5, v4;
	v1 =	vmul.f32 v1, v3  }
0x2b0: {  	v5 =	vld [tilespmem:s23+$0xFFFFFF00]  }
0x2b1: {  	v22 =	vld [tilespmem:s3+$0xFFFFFFF0];
	v1 =	vadd.f32 v4, v1  }
0x2b2: {  	s29 =	simm.s32 $0x1C080;
	v24 =	vld [tilespmem:s3+$0xFFFFFFE0]  }
0x2b3: {  	v4 =	vperm.xlane v8, v0;
	v8 =	vld [tilespmem:s23+$0xFFFFFF80];
	[tilespmem:s29+$0x80] =	vst v1  }
0x2b4: {  	v1 =	vld [tilespmem:s20+$0x90]  }
0x2b5: {  	v9 =	vmul.f32 v5, v9;
	v2 =	vmul.f32 v2, v4;
	v12 =	vld [tilespmem:s0+$0x90]  }
0x2b6: {  	v5 =	vperm.xlane v6, v0;
	v6 =	vld [tilespmem:s23+$0x90]  }
0x2b7: {  	v2 =	vadd.f32 v9, v2;
	v9 =	vld [tilespmem:s20+$0x0]  }
0x2b8: {  	v10 =	vmul.f32 v10, v5;
	v8 =	vmul.f32 v8, v11;
	v11 =	vld [tilespmem:s0+$0x0]  }
0x2b9: {  	[tilespmem:s29+$0xFFFFFF00] =	vst v2;
	v2 =	vld [tilespmem:s23+$0x0]  }
0x2ba: {  	v13 =	vld [tilespmem:s20+$0xFFFFFF10];
	v8 =	vadd.f32 v8, v10  }
0x2bb: {  	v10 =	vld [tilespmem:s0+$0xFFFFFF10];
	v14 =	vmul.f32 v1, v3;
	v6 =	vmul.f32 v6, v12  }
0x2bc: {  	v1 =	vperm.xlane v7, v0;
	v7 =	vld [tilespmem:s23+$0xFFFFFF10];
	[tilespmem:s29+$0xFFFFFF80] =	vst v8  }
0x2bd: {  	v8 =	vld [tilespmem:s20+$0xFFFFFF90];
	v6 =	vadd.f32 v6, v14  }
0x2be: {  	v9 =	vmul.f32 v9, v1;
	v28 =	vld [tilespmem:s0+$0xFFFFFF90];
	v2 =	vmul.f32 v2, v11  }
0x2bf: {  	v11 =	vld [tilespmem:s23+$0xFFFFFF90];
	[tilespmem:s29+$0x90] =	vst v6  }
0x2c0: {  	v2 =	vadd.f32 v2, v9;
	v6 =	vld [tilespmem:s20+$0xA0]  }
0x2c1: {  	v9 =	vmul.f32 v13, v4;
	v7 =	vmul.f32 v7, v10;
	v10 =	vld [tilespmem:s0+$0xA0]  }
0x2c2: {  	[tilespmem:s29+$0x0] =	vst v2;
	v2 =	vld [tilespmem:s23+$0xA0]  }
0x2c3: {  	v7 =	vadd.f32 v7, v9;
	v9 =	vld [tilespmem:s20+$0x10]  }
0x2c4: {  	v8 =	vmul.f32 v8, v5;
	v11 =	vmul.f32 v11, v28;
	v29 =	vld [tilespmem:s0+$0x10]  }
0x2c5: {  	[tilespmem:s29+$0xFFFFFF10] =	vst v7;
	v7 =	vld [tilespmem:s23+$0x10]  }
0x2c6: {  	v30 =	vld [tilespmem:s20+$0xFFFFFF20];
	v8 =	vadd.f32 v11, v8  }
0x2c7: {  	v11 =	vld [tilespmem:s0+$0xFFFFFF20];
	v6 =	vmul.f32 v6, v3;
	v2 =	vmul.f32 v2, v10  }
0x2c8: {  	v10 =	vld [tilespmem:s23+$0xFFFFFF20];
	[tilespmem:s29+$0xFFFFFF90] =	vst v8  }
0x2c9: {  	v8 =	vld [tilespmem:s20+$0xFFFFFFA0];
	v2 =	vadd.f32 v2, v6  }
0x2ca: {  	v31 =	vld [tilespmem:s23+$0xFFFFFFA0];
	v6 =	vmul.f32 v9, v1;
	v7 =	vmul.f32 v7, v29  }
0x2cb: {  	v9 =	vld [tilespmem:s0+$0xFFFFFFA0];
	[tilespmem:s29+$0xA0] =	vst v2  }
0x2cc: {  	v2 =	vadd.f32 v7, v6;
	v6 =	vld [tilespmem:s20+$0xB0]  }
0x2cd: {  	v7 =	vmul.f32 v30, v4;
	v10 =	vmul.f32 v10, v11;
	v11 =	vld [tilespmem:s0+$0xB0]  }
0x2ce: {  	[tilespmem:s29+$0x10] =	vst v2;
	v2 =	vld [tilespmem:s23+$0xB0]  }
0x2cf: {  	v7 =	vadd.f32 v10, v7;
	v10 =	vld [tilespmem:s20+$0x20]  }
0x2d0: {  	v8 =	vmul.f32 v8, v5;
	v9 =	vmul.f32 v31, v9;
	v32 =	vld [tilespmem:s0+$0x20]  }
0x2d1: {  	[tilespmem:s29+$0xFFFFFF20] =	vst v7;
	v7 =	vld [tilespmem:s23+$0x20]  }
0x2d2: {  	v8 =	vadd.f32 v9, v8;
	v33 =	vld [tilespmem:s20+$0xFFFFFF30]  }
0x2d3: {  	v9 =	vld [tilespmem:s0+$0xFFFFFF30];
	v6 =	vmul.f32 v6, v3;
	v2 =	vmul.f32 v2, v11  }
0x2d4: {  	v11 =	vld [tilespmem:s23+$0xFFFFFF30];
	[tilespmem:s29+$0xFFFFFFA0] =	vst v8  }
0x2d5: {  	v8 =	vld [tilespmem:s20+$0xFFFFFFB0];
	v2 =	vadd.f32 v2, v6  }
0x2d6: {  	v34 =	vld [tilespmem:s23+$0xFFFFFFB0];
	v6 =	vmul.f32 v10, v1;
	v7 =	vmul.f32 v7, v32  }
0x2d7: {  	v10 =	vld [tilespmem:s0+$0xFFFFFFB0];
	[tilespmem:s29+$0xB0] =	vst v2  }
0x2d8: {  	v2 =	vadd.f32 v7, v6;
	v6 =	vld [tilespmem:s20+$0xC0]  }
0x2d9: {  	v7 =	vmul.f32 v33, v4;
	v9 =	vmul.f32 v11, v9;
	v11 =	vld [tilespmem:s0+$0xC0]  }
0x2da: {  	[tilespmem:s29+$0x20] =	vst v2;
	v2 =	vld [tilespmem:s23+$0xC0]  }
0x2db: {  	v7 =	vadd.f32 v9, v7;
	v9 =	vld [tilespmem:s20+$0x30]  }
0x2dc: {  	v8 =	vmul.f32 v8, v5;
	v10 =	vmul.f32 v34, v10;
	v35 =	vld [tilespmem:s0+$0x30]  }
0x2dd: {  	[tilespmem:s29+$0xFFFFFF30] =	vst v7;
	v7 =	vld [tilespmem:s23+$0x30]  }
0x2de: {  	v8 =	vadd.f32 v10, v8;
	v36 =	vld [tilespmem:s20+$0xFFFFFF40]  }
0x2df: {  	v10 =	vld [tilespmem:s0+$0xFFFFFF40];
	v6 =	vmul.f32 v6, v3;
	v2 =	vmul.f32 v2, v11  }
0x2e0: {  	[tilespmem:s29+$0xFFFFFFB0] =	vst v8;
	v11 =	vld [tilespmem:s23+$0xFFFFFF40]  }
0x2e1: {  	v8 =	vld [tilespmem:s20+$0xFFFFFFC0];
	v2 =	vadd.f32 v2, v6  }
0x2e2: {  	v37 =	vld [tilespmem:s23+$0xFFFFFFC0];
	v6 =	vmul.f32 v9, v1;
	v7 =	vmul.f32 v7, v35  }
0x2e3: {  	v9 =	vld [tilespmem:s0+$0xFFFFFFC0];
	[tilespmem:s29+$0xC0] =	vst v2  }
0x2e4: {  	v2 =	vadd.f32 v7, v6;
	v6 =	vld [tilespmem:s20+$0xD0]  }
0x2e5: {  	v7 =	vmul.f32 v36, v4;
	v10 =	vmul.f32 v11, v10;
	v11 =	vld [tilespmem:s0+$0xD0]  }
0x2e6: {  	[tilespmem:s29+$0x30] =	vst v2;
	v2 =	vld [tilespmem:s23+$0xD0]  }
0x2e7: {  	v7 =	vadd.f32 v10, v7;
	v10 =	vld [tilespmem:s20+$0x40]  }
0x2e8: {  	v8 =	vmul.f32 v8, v5;
	v9 =	vmul.f32 v37, v9;
	v38 =	vld [tilespmem:s0+$0x40]  }
0x2e9: {  	[tilespmem:s29+$0xFFFFFF40] =	vst v7;
	v7 =	vld [tilespmem:s23+$0x40]  }
0x2ea: {  	v8 =	vadd.f32 v9, v8;
	v39 =	vld [tilespmem:s20+$0xFFFFFF50]  }
0x2eb: {  	v9 =	vld [tilespmem:s0+$0xFFFFFF50];
	v6 =	vmul.f32 v6, v3;
	v2 =	vmul.f32 v2, v11  }
0x2ec: {  	v11 =	vld [tilespmem:s23+$0xFFFFFF50];
	[tilespmem:s29+$0xFFFFFFC0] =	vst v8  }
0x2ed: {  	v8 =	vld [tilespmem:s20+$0xFFFFFFD0];
	v2 =	vadd.f32 v2, v6  }
0x2ee: {  	v40 =	vld [tilespmem:s23+$0xFFFFFFD0];
	v6 =	vmul.f32 v10, v1;
	v7 =	vmul.f32 v7, v38  }
0x2ef: {  	v10 =	vld [tilespmem:s0+$0xFFFFFFD0];
	[tilespmem:s29+$0xD0] =	vst v2  }
0x2f0: {  	v2 =	vadd.f32 v7, v6;
	v6 =	vld [tilespmem:s20+$0xE0]  }
0x2f1: {  	v7 =	vmul.f32 v39, v4;
	v9 =	vmul.f32 v11, v9;
	v11 =	vld [tilespmem:s0+$0xE0]  }
0x2f2: {  	[tilespmem:s29+$0x40] =	vst v2;
	v2 =	vld [tilespmem:s23+$0xE0]  }
0x2f3: {  	v7 =	vadd.f32 v9, v7;
	v9 =	vld [tilespmem:s20+$0x50]  }
0x2f4: {  	v8 =	vmul.f32 v8, v5;
	v10 =	vmul.f32 v40, v10;
	v41 =	vld [tilespmem:s0+$0x50]  }
0x2f5: {  	[tilespmem:s29+$0xFFFFFF50] =	vst v7;
	v7 =	vld [tilespmem:s23+$0x50]  }
0x2f6: {  	v8 =	vadd.f32 v10, v8;
	v42 =	vld [tilespmem:s20+$0xFFFFFF60]  }
0x2f7: {  	v20 =	vperm.xlane v18, v0;
	v18 =	vperm.xlane v24, v0;
	v10 =	vld [tilespmem:s0+$0xFFFFFF60]  }
0x2f8: {  	[tilespmem:s29+$0xFFFFFFD0] =	vst v8;
	v2 =	vmul.f32 v2, v11;
	v11 =	vld [tilespmem:s23+$0xFFFFFF60]  }
0x2f9: {  	v26 =	vmul.f32 v46, v26;
	v25 =	vmul.f32 v25, v18;
	v43 =	vld [tilespmem:s20+$0xFFFFFFE0]  }
0x2fa: {  	v6 =	vmul.f32 v6, v3;
	v15 =	vld [tilespmem:s0+$0xFFFFFFE0]  }
0x2fb: {  	v25 =	vadd.f32 v26, v25;
	v44 =	vld [tilespmem:s23+$0xFFFFFFE0]  }
0x2fc: {  	s17 =	simm.s32 $0x1C280;
	v27 =	vld [tilespmem:s18+$0xFFFFFF80];
	v2 =	vadd.f32 v2, v6;
	v6 =	vmul.f32 v9, v1;
	v7 =	vmul.f32 v7, v41  }
0x2fd: {  	v48 =	vld [tilespmem:s21+$0xFFFFFF80];
	[tilespmem:s17+$0xFFFFFF00] =	vst v25  }
0x2fe: {  	v8 =	vmul.f32 v42, v4;
	[tilespmem:s29+$0xE0] =	vst v2;
	v2 =	vadd.f32 v7, v6;
	v10 =	vmul.f32 v11, v10  }
0x2ff: {  	v45 =	vmul.f32 v21, v19;
	v19 =	vperm.xlane v22, v0;
	v53 =	vld [tilespmem:s30+$0xFFFFFF10]  }
0x300: {  	v54 =	vld [tilespmem:s18+$0xFFFFFF10];
	v11 =	vmul.f32 v43, v5;
	v12 =	vmul.f32 v44, v15;
	[tilespmem:s29+$0x50] =	vst v2;
	v2 =	vadd.f32 v10, v8  }
0x301: {  	v55 =	vld [tilespmem:s21+$0xFFFFFF10]  }
0x302: {  	v24 =	vmul.f32 v48, v27;
	v21 =	vmul.f32 v47, v19;
	[tilespmem:s29+$0xFFFFFF60] =	vst v2;
	v2 =	vadd.f32 v12, v11  }
0x303: {  	v50 =	vld [tilespmem:s30+$0x0]  }
0x304: {  	v21 =	vadd.f32 v24, v21;
	[tilespmem:s29+$0xFFFFFFE0] =	vst v2;
	v2 =	vld [tilespmem:s30+$0x80]  }
0x305: {  	v51 =	vld [tilespmem:s18+$0x0]  }
0x306: {  	v52 =	vld [tilespmem:s21+$0x0];
	[tilespmem:s17+$0xFFFFFF80] =	vst v21;
	v24 =	vmul.f32 v53, v18;
	v21 =	vmul.f32 v55, v54  }
0x307: {  	v23 =	vld [tilespmem:s3+$0x0]  }
0x308: {  	v56 =	vld [tilespmem:s30+$0xFFFFFF90];
	v21 =	vadd.f32 v21, v24  }
0x309: {  	v57 =	vld [tilespmem:s18+$0xFFFFFF90];
	v2 =	vmul.f32 v2, v20  }
0x30a: {  	v58 =	vld [tilespmem:s21+$0xFFFFFF90];
	[tilespmem:s17+$0xFFFFFF10] =	vst v21  }
0x30b: {  	v33 =	vld [tilespmem:s30+$0xFFFFFF20];
	v2 =	vadd.f32 v45, v2  }
0x30c: {  	v34 =	vld [tilespmem:s18+$0xFFFFFF20]  }
0x30d: {  	v35 =	vld [tilespmem:s21+$0xFFFFFF20];
	[tilespmem:s17+$0x80] =	vst v2  }
0x30e: {  	v2 =	vld [tilespmem:s30+$0x90]  }
0x30f: {  	v28 =	vld [tilespmem:s18+$0x90]  }
0x310: {  	v49 =	vld [tilespmem:s21+$0x90]  }
0x311: {  	v6 =	vld [tilespmem:s20+$0xF0]  }
0x312: {  	v7 =	vld [tilespmem:s0+$0xF0]  }
0x313: {  	v9 =	vld [tilespmem:s23+$0xF0]  }
0x314: {  	v8 =	vld [tilespmem:s20+$0x60]  }
0x315: {  	v14 =	vld [tilespmem:s0+$0x60];
	v22 =	vmul.f32 v49, v28;
	v29 =	vmul.f32 v2, v20  }
0x316: {  	v17 =	vld [tilespmem:s23+$0x60];
	v2 =	vperm.xlane v23, v0  }
0x317: {  	v10 =	vld [tilespmem:s20+$0xFFFFFF70];
	v22 =	vadd.f32 v22, v29  }
0x318: {  	v25 =	vmul.f32 v52, v51;
	v11 =	vld [tilespmem:s0+$0xFFFFFF70];
	v26 =	vmul.f32 v50, v2  }
0x319: {  	v15 =	vld [tilespmem:s23+$0xFFFFFF70];
	[tilespmem:s17+$0x90] =	vst v22  }
0x31a: {  	v25 =	vadd.f32 v25, v26;
	v59 =	vld [tilespmem:s30+$0xA0]  }
0x31b: {  	v60 =	vld [tilespmem:s18+$0xA0]  }
0x31c: {  	v61 =	vld [tilespmem:s21+$0xA0];
	[tilespmem:s17+$0x0] =	vst v25  }
0x31d: {  	v62 =	vld [tilespmem:s30+$0x10]  }
0x31e: {  	v23 =	vmul.f32 v56, v19;
	v22 =	vmul.f32 v58, v57;
	v63 =	vld [tilespmem:s18+$0x10]  }
0x31f: {  	v32 =	vld [tilespmem:s21+$0x10]  }
0x320: {  	v12 =	vld [tilespmem:s20+$0xFFFFFFF0];
	v22 =	vadd.f32 v22, v23  }
0x321: {  	v13 =	vld [tilespmem:s0+$0xFFFFFFF0];
	v25 =	vmul.f32 v61, v60;
	v26 =	vmul.f32 v59, v20  }
0x322: {  	v16 =	vld [tilespmem:s23+$0xFFFFFFF0];
	[tilespmem:s17+$0xFFFFFF90] =	vst v22  }
0x323: {  	v36 =	vld [tilespmem:s30+$0xFFFFFFA0];
	v25 =	vadd.f32 v25, v26  }
0x324: {  	v37 =	vld [tilespmem:s18+$0xFFFFFFA0];
	v24 =	vmul.f32 v62, v2;
	v21 =	vmul.f32 v32, v63  }
0x325: {  	v38 =	vld [tilespmem:s21+$0xFFFFFFA0];
	[tilespmem:s17+$0xA0] =	vst v25  }
0x326: {  	v21 =	vadd.f32 v21, v24;
	v39 =	vld [tilespmem:s30+$0xB0]  }
0x327: {  	v23 =	vmul.f32 v33, v18;
	v22 =	vmul.f32 v35, v34;
	v40 =	vld [tilespmem:s18+$0xB0]  }
0x328: {  	v41 =	vld [tilespmem:s21+$0xB0];
	[tilespmem:s17+$0x10] =	vst v21  }
0x329: {  	v22 =	vadd.f32 v22, v23;
	v42 =	vld [tilespmem:s30+$0x20]  }
0x32a: {  	v26 =	vmul.f32 v36, v19;
	v25 =	vmul.f32 v38, v37;
	v43 =	vld [tilespmem:s18+$0x20]  }
0x32b: {  	[tilespmem:s17+$0xFFFFFF20] =	vst v22;
	v44 =	vld [tilespmem:s21+$0x20]  }
0x32c: {  	v45 =	vld [tilespmem:s30+$0xFFFFFF30];
	v25 =	vadd.f32 v25, v26  }
0x32d: {  	v46 =	vld [tilespmem:s18+$0xFFFFFF30];
	v21 =	vmul.f32 v41, v40;
	v24 =	vmul.f32 v39, v20  }
0x32e: {  	v47 =	vld [tilespmem:s21+$0xFFFFFF30];
	[tilespmem:s17+$0xFFFFFFA0] =	vst v25  }
0x32f: {  	v48 =	vld [tilespmem:s30+$0xFFFFFFB0];
	v21 =	vadd.f32 v21, v24  }
0x330: {  	v49 =	vld [tilespmem:s18+$0xFFFFFFB0];
	v23 =	vmul.f32 v42, v2;
	v22 =	vmul.f32 v44, v43  }
0x331: {  	v50 =	vld [tilespmem:s21+$0xFFFFFFB0];
	[tilespmem:s17+$0xB0] =	vst v21  }
0x332: {  	v22 =	vadd.f32 v22, v23;
	v51 =	vld [tilespmem:s30+$0xC0]  }
0x333: {  	v26 =	vmul.f32 v45, v18;
	v25 =	vmul.f32 v47, v46;
	v52 =	vld [tilespmem:s18+$0xC0]  }
0x334: {  	v53 =	vld [tilespmem:s21+$0xC0];
	[tilespmem:s17+$0x20] =	vst v22  }
0x335: {  	v25 =	vadd.f32 v25, v26;
	v54 =	vld [tilespmem:s30+$0x30]  }
0x336: {  	v24 =	vmul.f32 v48, v19;
	v21 =	vmul.f32 v50, v49;
	v55 =	vld [tilespmem:s18+$0x30]  }
0x337: {  	[tilespmem:s17+$0xFFFFFF30] =	vst v25;
	v56 =	vld [tilespmem:s21+$0x30]  }
0x338: {  	v57 =	vld [tilespmem:s30+$0xFFFFFF40];
	v21 =	vadd.f32 v21, v24  }
0x339: {  	v58 =	vld [tilespmem:s18+$0xFFFFFF40];
	v22 =	vmul.f32 v53, v52;
	v23 =	vmul.f32 v51, v20  }
0x33a: {  	v59 =	vld [tilespmem:s21+$0xFFFFFF40];
	[tilespmem:s17+$0xFFFFFFB0] =	vst v21  }
0x33b: {  	v60 =	vld [tilespmem:s30+$0xFFFFFFC0];
	v22 =	vadd.f32 v22, v23  }
0x33c: {  	v61 =	vld [tilespmem:s18+$0xFFFFFFC0];
	v26 =	vmul.f32 v54, v2;
	v25 =	vmul.f32 v56, v55  }
0x33d: {  	v62 =	vld [tilespmem:s21+$0xFFFFFFC0];
	[tilespmem:s17+$0xC0] =	vst v22  }
0x33e: {  	v25 =	vadd.f32 v25, v26;
	v63 =	vld [tilespmem:s30+$0xD0]  }
0x33f: {  	v24 =	vmul.f32 v57, v18;
	v21 =	vmul.f32 v59, v58;
	v32 =	vld [tilespmem:s18+$0xD0]  }
0x340: {  	v33 =	vld [tilespmem:s21+$0xD0];
	[tilespmem:s17+$0x30] =	vst v25  }
0x341: {  	v21 =	vadd.f32 v21, v24;
	v34 =	vld [tilespmem:s30+$0x40]  }
0x342: {  	v23 =	vmul.f32 v60, v19;
	v22 =	vmul.f32 v62, v61;
	v35 =	vld [tilespmem:s18+$0x40]  }
0x343: {  	[tilespmem:s17+$0xFFFFFF40] =	vst v21;
	v36 =	vld [tilespmem:s21+$0x40]  }
0x344: {  	v37 =	vld [tilespmem:s30+$0xFFFFFF50];
	v22 =	vadd.f32 v22, v23  }
0x345: {  	v38 =	vld [tilespmem:s18+$0xFFFFFF50];
	v25 =	vmul.f32 v33, v32;
	v26 =	vmul.f32 v63, v20  }
0x346: {  	v39 =	vld [tilespmem:s21+$0xFFFFFF50];
	[tilespmem:s17+$0xFFFFFFC0] =	vst v22  }
0x347: {  	v40 =	vld [tilespmem:s30+$0xFFFFFFD0];
	v25 =	vadd.f32 v25, v26  }
0x348: {  	v41 =	vld [tilespmem:s18+$0xFFFFFFD0];
	v24 =	vmul.f32 v34, v2;
	v21 =	vmul.f32 v36, v35  }
0x349: {  	v42 =	vld [tilespmem:s21+$0xFFFFFFD0];
	[tilespmem:s17+$0xD0] =	vst v25  }
0x34a: {  	v21 =	vadd.f32 v21, v24;
	v43 =	vld [tilespmem:s30+$0xE0]  }
0x34b: {  	v23 =	vmul.f32 v37, v18;
	v22 =	vmul.f32 v39, v38;
	v44 =	vld [tilespmem:s18+$0xE0]  }
0x34c: {  	v45 =	vld [tilespmem:s21+$0xE0];
	[tilespmem:s17+$0x40] =	vst v21  }
0x34d: {  	v22 =	vadd.f32 v22, v23;
	v46 =	vld [tilespmem:s30+$0x50]  }
0x34e: {  	v26 =	vmul.f32 v40, v19;
	v25 =	vmul.f32 v42, v41;
	v47 =	vld [tilespmem:s18+$0x50]  }
0x34f: {  	[tilespmem:s17+$0xFFFFFF50] =	vst v22;
	v48 =	vld [tilespmem:s21+$0x50]  }
0x350: {  	v49 =	vld [tilespmem:s30+$0xFFFFFF60];
	v25 =	vadd.f32 v25, v26  }
0x351: {  	v50 =	vld [tilespmem:s18+$0xFFFFFF60];
	v21 =	vmul.f32 v45, v44;
	v24 =	vmul.f32 v43, v20  }
0x352: {  	v51 =	vld [tilespmem:s21+$0xFFFFFF60];
	[tilespmem:s17+$0xFFFFFFD0] =	vst v25  }
0x353: {  	v52 =	vld [tilespmem:s30+$0xFFFFFFE0];
	v21 =	vadd.f32 v21, v24  }
0x354: {  	v53 =	vld [tilespmem:s18+$0xFFFFFFE0];
	v23 =	vmul.f32 v46, v2;
	v22 =	vmul.f32 v48, v47  }
0x355: {  	v54 =	vld [tilespmem:s21+$0xFFFFFFE0];
	[tilespmem:s17+$0xE0] =	vst v21  }
0x356: {  	v22 =	vadd.f32 v22, v23;
	v55 =	vld [tilespmem:s30+$0xF0]  }
0x357: {  	v26 =	vmul.f32 v49, v18;
	v25 =	vmul.f32 v51, v50;
	v56 =	vld [tilespmem:s18+$0xF0]  }
0x358: {  	v57 =	vld [tilespmem:s21+$0xF0];
	[tilespmem:s17+$0x50] =	vst v22  }
0x359: {  	v25 =	vadd.f32 v25, v26;
	v58 =	vld [tilespmem:s30+$0x60]  }
0x35a: {  	v24 =	vmul.f32 v52, v19;
	v21 =	vmul.f32 v54, v53;
	v59 =	vld [tilespmem:s18+$0x60]  }
0x35b: {  	v3 =	vmul.f32 v6, v3;
	v6 =	vmul.f32 v9, v7;
	[tilespmem:s17+$0xFFFFFF60] =	vst v25;
	v7 =	vld [tilespmem:s21+$0x60]  }
0x35c: {  	v9 =	vmul.f32 v17, v14;
	v8 =	vmul.f32 v8, v1;
	v61 =	vld [tilespmem:s30+$0xFFFFFF70];
	v60 =	vadd.f32 v21, v24  }
0x35d: {  	v3 =	vadd.f32 v6, v3;
	v4 =	vmul.f32 v10, v4;
	v6 =	vmul.f32 v15, v11;
	v10 =	vld [tilespmem:s18+$0xFFFFFF70]  }
0x35e: {  	v8 =	vadd.f32 v9, v8;
	v5 =	vmul.f32 v12, v5;
	v9 =	vmul.f32 v16, v13;
	v11 =	vld [tilespmem:s21+$0xFFFFFF70];
	[tilespmem:s17+$0xFFFFFFE0] =	vst v60  }
0x35f: {  	[tilespmem:s29+$0xF0] =	vst v3;
	v3 =	vadd.f32 v6, v4;
	v63 =	vld [tilespmem:s30+$0xFFFFFFF0];
	v6 =	vmul.f32 v55, v20;
	v62 =	vmul.f32 v57, v56  }
0x360: {  	[tilespmem:s29+$0x60] =	vst v8;
	v5 =	vadd.f32 v9, v5;
	v4 =	vld [tilespmem:s18+$0xFFFFFFF0];
	v8 =	vmul.f32 v58, v2;
	v9 =	vmul.f32 v7, v59  }
0x361: {  	[tilespmem:s29+$0xFFFFFF70] =	vst v3;
	v3 =	vadd.f32 v62, v6;
	v7 =	vld [tilespmem:s21+$0xFFFFFFF0]  }
0x362: {  	[tilespmem:s29+$0xFFFFFFF0] =	vst v5;
	v5 =	vld [tilespmem:s20+$0x70];
	v9 =	vadd.f32 v9, v8  }
0x363: {  	s26 =	simm.s32 $0x1B280;
	v10 =	vmul.f32 v11, v10;
	v6 =	vld [tilespmem:s0+$0x70];
	v8 =	vmul.f32 v61, v18;
	[tilespmem:s17+$0xF0] =	vst v3  }
0x364: {  	s20 =	simm.s32 $0x4;
	s0 =	simm.s32 $0x19280;
	v3 =	vmul.f32 v63, v19;
	[tilespmem:s17+$0x60] =	vst v9;
	v9 =	vld [tilespmem:s23+$0x70];
	s23 =	simm.s32 $0x1A080  }
.LBB2_21:
0x365: {  	v11 =	vld [tilespmem:s0+$0x80];
	v8 =	vadd.f32 v10, v8;
	s3 =	sadd.s32 $0x40, s3  }
0x366: {  	s18 =	sadd.s32 $0x200, s18;
	v10 =	vld [tilespmem:s3+$0x10];
	v4 =	vmul.f32 v7, v4  }
0x367: {  	s21 =	sadd.s32 $0x200, s21;
	v7 =	vld [tilespmem:s18+$0x80];
	[tilespmem:s17+$0xFFFFFF70] =	vst v8;
	v5 =	vmul.f32 v5, v1;
	v1 =	vmov v2  }
0x368: {  	v2 =	vld [tilespmem:s21+$0x80];
	v3 =	vadd.f32 v4, v3  }
0x369: {  	v8 =	vld [tilespmem:s3+$0xFFFFFFF0];
	v6 =	vmul.f32 v9, v6  }
0x36a: {  	v9 =	vld [tilespmem:s3+$0x0];
	[tilespmem:s17+$0xFFFFFFF0] =	vst v3  }
0x36b: {  	v12 =	vld [tilespmem:s3+$0xFFFFFFE0];
	v4 =	vperm.xlane v10, v0;
	v3 =	vadd.f32 v6, v5  }
0x36c: {  	v6 =	vld [tilespmem:s0+$0xFFFFFF00]  }
0x36d: {  	v10 =	vld [tilespmem:s18+$0xFFFFFF00];
	v5 =	vmul.f32 v11, v4;
	v7 =	vmul.f32 v2, v7;
	[tilespmem:s29+$0x70] =	vst v3;
	s29 =	smov.u32 s17  }
0x36e: {  	v11 =	vld [tilespmem:s21+$0xFFFFFF00];
	v3 =	vperm.xlane v8, v0  }
0x36f: {  	v8 =	vld [tilespmem:s0+$0xFFFFFF80];
	v2 =	vperm.xlane v9, v0;
	v7 =	vadd.f32 v7, v5  }
0x370: {  	s17 =	sadd.s32 $0x200, s17;
	v5 =	vperm.xlane v12, v0;
	v9 =	vld [tilespmem:s18+$0xFFFFFF80]  }
0x371: {  	v12 =	vld [tilespmem:s21+$0xFFFFFF80];
	[tilespmem:s17+$0x80] =	vst v7  }
0x372: {  	v6 =	vmul.f32 v6, v5;
	v7 =	vld [tilespmem:s0+$0x90]  }
0x373: {  	v10 =	vmul.f32 v11, v10;
	v11 =	vld [tilespmem:s18+$0x90]  }
0x374: {  	s20 =	sadd.s32 $0x4, s20;
	v8 =	vmul.f32 v8, v3;
	v13 =	vld [tilespmem:s21+$0x90]  }
0x375: {  	p5 =	slt.u32 s20, $0x1C;
	v6 =	vadd.f32 v10, v6;
	v10 =	vld [tilespmem:s0+$0x0]  }
0x376: {  	v9 =	vmul.f32 v12, v9;
	v12 =	vld [tilespmem:s18+$0x0]  }
0x377: {  	[tilespmem:s17+$0xFFFFFF00] =	vst v6;
	v6 =	vld [tilespmem:s21+$0x0]  }
0x378: {  	v14 =	vld [tilespmem:s0+$0xFFFFFF10];
	v8 =	vadd.f32 v9, v8  }
0x379: {  	v7 =	vmul.f32 v7, v4;
	v9 =	vld [tilespmem:s18+$0xFFFFFF10];
	v11 =	vmul.f32 v13, v11  }
0x37a: {  	v13 =	vld [tilespmem:s21+$0xFFFFFF10];
	[tilespmem:s17+$0xFFFFFF80] =	vst v8;
	v8 =	vmul.f32 v10, v2  }
0x37b: {  	v10 =	vld [tilespmem:s0+$0xFFFFFF90];
	v7 =	vadd.f32 v11, v7  }
0x37c: {  	v11 =	vld [tilespmem:s18+$0xFFFFFF90];
	v6 =	vmul.f32 v6, v12  }
0x37d: {  	v12 =	vmul.f32 v14, v5;
	v14 =	vld [tilespmem:s21+$0xFFFFFF90];
	[tilespmem:s17+$0x90] =	vst v7  }
0x37e: {  	v6 =	vadd.f32 v6, v8;
	v7 =	vld [tilespmem:s0+$0xA0]  }
0x37f: {  	v8 =	vmul.f32 v13, v9;
	v9 =	vld [tilespmem:s18+$0xA0]  }
0x380: {  	v10 =	vmul.f32 v10, v3;
	[tilespmem:s17+$0x0] =	vst v6;
	v6 =	vld [tilespmem:s21+$0xA0]  }
0x381: {  	v8 =	vadd.f32 v8, v12;
	v12 =	vld [tilespmem:s0+$0x10]  }
0x382: {  	v11 =	vmul.f32 v14, v11;
	v13 =	vld [tilespmem:s18+$0x10]  }
0x383: {  	[tilespmem:s17+$0xFFFFFF10] =	vst v8;
	v8 =	vld [tilespmem:s21+$0x10]  }
0x384: {  	v14 =	vld [tilespmem:s0+$0xFFFFFF20];
	v10 =	vadd.f32 v11, v10  }
0x385: {  	v7 =	vmul.f32 v7, v4;
	v11 =	vld [tilespmem:s18+$0xFFFFFF20];
	v6 =	vmul.f32 v6, v9  }
0x386: {  	v9 =	vld [tilespmem:s21+$0xFFFFFF20];
	[tilespmem:s17+$0xFFFFFF90] =	vst v10;
	v10 =	vmul.f32 v12, v2  }
0x387: {  	v12 =	vld [tilespmem:s0+$0xFFFFFFA0];
	v6 =	vadd.f32 v6, v7  }
0x388: {  	v7 =	vld [tilespmem:s18+$0xFFFFFFA0];
	v8 =	vmul.f32 v8, v13  }
0x389: {  	v13 =	vmul.f32 v14, v5;
	v14 =	vld [tilespmem:s21+$0xFFFFFFA0];
	[tilespmem:s17+$0xA0] =	vst v6  }
0x38a: {  	v6 =	vadd.f32 v8, v10;
	v8 =	vld [tilespmem:s0+$0xB0]  }
0x38b: {  	v9 =	vmul.f32 v9, v11;
	v10 =	vld [tilespmem:s18+$0xB0]  }
0x38c: {  	v11 =	vmul.f32 v12, v3;
	[tilespmem:s17+$0x10] =	vst v6;
	v6 =	vld [tilespmem:s21+$0xB0]  }
0x38d: {  	v9 =	vadd.f32 v9, v13;
	v12 =	vld [tilespmem:s0+$0x20]  }
0x38e: {  	v7 =	vmul.f32 v14, v7;
	v13 =	vld [tilespmem:s18+$0x20]  }
0x38f: {  	[tilespmem:s17+$0xFFFFFF20] =	vst v9;
	v9 =	vld [tilespmem:s21+$0x20]  }
0x390: {  	v14 =	vld [tilespmem:s0+$0xFFFFFF30];
	v7 =	vadd.f32 v7, v11  }
0x391: {  	v8 =	vmul.f32 v8, v4;
	v11 =	vld [tilespmem:s18+$0xFFFFFF30];
	v6 =	vmul.f32 v6, v10  }
0x392: {  	v10 =	vld [tilespmem:s21+$0xFFFFFF30];
	[tilespmem:s17+$0xFFFFFFA0] =	vst v7;
	v7 =	vmul.f32 v12, v2  }
0x393: {  	v12 =	vld [tilespmem:s0+$0xFFFFFFB0];
	v6 =	vadd.f32 v6, v8  }
0x394: {  	v8 =	vld [tilespmem:s18+$0xFFFFFFB0];
	v9 =	vmul.f32 v9, v13  }
0x395: {  	v13 =	vmul.f32 v14, v5;
	v14 =	vld [tilespmem:s21+$0xFFFFFFB0];
	[tilespmem:s17+$0xB0] =	vst v6  }
0x396: {  	v6 =	vadd.f32 v9, v7;
	v7 =	vld [tilespmem:s0+$0xC0]  }
0x397: {  	v9 =	vmul.f32 v10, v11;
	v10 =	vld [tilespmem:s18+$0xC0]  }
0x398: {  	v11 =	vmul.f32 v12, v3;
	[tilespmem:s17+$0x20] =	vst v6;
	v6 =	vld [tilespmem:s21+$0xC0]  }
0x399: {  	v9 =	vadd.f32 v9, v13;
	v12 =	vld [tilespmem:s0+$0x30]  }
0x39a: {  	v8 =	vmul.f32 v14, v8;
	v13 =	vld [tilespmem:s18+$0x30]  }
0x39b: {  	[tilespmem:s17+$0xFFFFFF30] =	vst v9;
	v9 =	vld [tilespmem:s21+$0x30]  }
0x39c: {  	v14 =	vld [tilespmem:s0+$0xFFFFFF40];
	v8 =	vadd.f32 v8, v11  }
0x39d: {  	v7 =	vmul.f32 v7, v4;
	v11 =	vld [tilespmem:s18+$0xFFFFFF40];
	v6 =	vmul.f32 v6, v10  }
0x39e: {  	v10 =	vld [tilespmem:s21+$0xFFFFFF40];
	[tilespmem:s17+$0xFFFFFFB0] =	vst v8;
	v8 =	vmul.f32 v12, v2  }
0x39f: {  	v12 =	vld [tilespmem:s0+$0xFFFFFFC0];
	v6 =	vadd.f32 v6, v7  }
0x3a0: {  	v7 =	vld [tilespmem:s18+$0xFFFFFFC0];
	v9 =	vmul.f32 v9, v13  }
0x3a1: {  	v13 =	vmul.f32 v14, v5;
	v14 =	vld [tilespmem:s21+$0xFFFFFFC0];
	[tilespmem:s17+$0xC0] =	vst v6  }
0x3a2: {  	v6 =	vadd.f32 v9, v8;
	v8 =	vld [tilespmem:s0+$0xD0]  }
0x3a3: {  	v9 =	vmul.f32 v10, v11;
	v10 =	vld [tilespmem:s18+$0xD0]  }
0x3a4: {  	v11 =	vmul.f32 v12, v3;
	[tilespmem:s17+$0x30] =	vst v6;
	v6 =	vld [tilespmem:s21+$0xD0]  }
0x3a5: {  	v9 =	vadd.f32 v9, v13;
	v12 =	vld [tilespmem:s0+$0x40]  }
0x3a6: {  	v7 =	vmul.f32 v14, v7;
	v13 =	vld [tilespmem:s18+$0x40]  }
0x3a7: {  	[tilespmem:s17+$0xFFFFFF40] =	vst v9;
	v9 =	vld [tilespmem:s21+$0x40]  }
0x3a8: {  	v14 =	vld [tilespmem:s0+$0xFFFFFF50];
	v7 =	vadd.f32 v7, v11  }
0x3a9: {  	v8 =	vmul.f32 v8, v4;
	v11 =	vld [tilespmem:s18+$0xFFFFFF50];
	v6 =	vmul.f32 v6, v10  }
0x3aa: {  	v10 =	vld [tilespmem:s21+$0xFFFFFF50];
	[tilespmem:s17+$0xFFFFFFC0] =	vst v7;
	v7 =	vmul.f32 v12, v2  }
0x3ab: {  	v12 =	vld [tilespmem:s0+$0xFFFFFFD0];
	v6 =	vadd.f32 v6, v8  }
0x3ac: {  	v8 =	vld [tilespmem:s18+$0xFFFFFFD0];
	v9 =	vmul.f32 v9, v13  }
0x3ad: {  	v13 =	vmul.f32 v14, v5;
	v14 =	vld [tilespmem:s21+$0xFFFFFFD0];
	[tilespmem:s17+$0xD0] =	vst v6  }
0x3ae: {  	v6 =	vadd.f32 v9, v7;
	v7 =	vld [tilespmem:s0+$0xE0]  }
0x3af: {  	v9 =	vmul.f32 v10, v11;
	v10 =	vld [tilespmem:s18+$0xE0]  }
0x3b0: {  	v11 =	vmul.f32 v12, v3;
	[tilespmem:s17+$0x40] =	vst v6;
	v6 =	vld [tilespmem:s21+$0xE0]  }
0x3b1: {  	v9 =	vadd.f32 v9, v13;
	v12 =	vld [tilespmem:s0+$0x50]  }
0x3b2: {  	v8 =	vmul.f32 v14, v8;
	v13 =	vld [tilespmem:s18+$0x50]  }
0x3b3: {  	[tilespmem:s17+$0xFFFFFF50] =	vst v9;
	v9 =	vld [tilespmem:s21+$0x50]  }
0x3b4: {  	v14 =	vld [tilespmem:s0+$0xFFFFFF60];
	v8 =	vadd.f32 v8, v11  }
0x3b5: {  	v7 =	vmul.f32 v7, v4;
	v11 =	vld [tilespmem:s18+$0xFFFFFF60];
	v6 =	vmul.f32 v6, v10  }
0x3b6: {  	v10 =	vld [tilespmem:s21+$0xFFFFFF60];
	[tilespmem:s17+$0xFFFFFFD0] =	vst v8;
	v8 =	vmul.f32 v12, v2  }
0x3b7: {  	v12 =	vld [tilespmem:s0+$0xFFFFFFE0];
	v6 =	vadd.f32 v6, v7  }
0x3b8: {  	v7 =	vld [tilespmem:s18+$0xFFFFFFE0];
	v9 =	vmul.f32 v9, v13  }
0x3b9: {  	v13 =	vmul.f32 v14, v5;
	v14 =	vld [tilespmem:s21+$0xFFFFFFE0];
	[tilespmem:s17+$0xE0] =	vst v6  }
0x3ba: {  	v6 =	vadd.f32 v9, v8;
	v8 =	vld [tilespmem:s0+$0xF0]  }
0x3bb: {  	v9 =	vmul.f32 v10, v11;
	v10 =	vld [tilespmem:s18+$0xF0]  }
0x3bc: {  	v11 =	vmul.f32 v12, v3;
	[tilespmem:s17+$0x50] =	vst v6;
	v6 =	vld [tilespmem:s21+$0xF0]  }
0x3bd: {  	v9 =	vadd.f32 v9, v13;
	v12 =	vld [tilespmem:s0+$0x60]  }
0x3be: {  	v7 =	vmul.f32 v14, v7;
	v13 =	vld [tilespmem:s18+$0x60]  }
0x3bf: {  	[tilespmem:s17+$0xFFFFFF60] =	vst v9;
	v9 =	vld [tilespmem:s21+$0x60]  }
0x3c0: {  	v14 =	vld [tilespmem:s0+$0xFFFFFF70];
	v7 =	vadd.f32 v7, v11  }
0x3c1: {  	v4 =	vmul.f32 v8, v4;
	v11 =	vld [tilespmem:s18+$0xFFFFFF70];
	v6 =	vmul.f32 v6, v10  }
0x3c2: {  	v10 =	vld [tilespmem:s21+$0xFFFFFF70];
	[tilespmem:s17+$0xFFFFFFE0] =	vst v7;
	v12 =	vmul.f32 v12, v2  }
0x3c3: {  	v15 =	vld [tilespmem:s0+$0xFFFFFFF0];
	v6 =	vadd.f32 v6, v4  }
.Ltmp15:
0x3c4: {  	v4 =	vld [tilespmem:s18+$0xFFFFFFF0];
	v9 =	vmul.f32 v9, v13;
	(pc) =	sbr.rel @p5 .LBB2_21-.Ltmp15, $4  }
0x3c5: {  	v8 =	vmul.f32 v14, v5;
	v7 =	vld [tilespmem:s21+$0xFFFFFFF0];
	[tilespmem:s17+$0xF0] =	vst v6  }
0x3c6: {  	v9 =	vadd.f32 v9, v12;
	v5 =	vld [tilespmem:s30+$0x70];
	s30 =	smov.u32 s0  }
0x3c7: {  	v10 =	vmul.f32 v10, v11;
	v6 =	vld [tilespmem:s23+$0x70];
	s23 =	smov.u32 s18  }
0x3c8: {  	s0 =	sadd.s32 $0x200, s0;
	v3 =	vmul.f32 v15, v3;
	[tilespmem:s17+$0x60] =	vst v9;
	v9 =	vld [tilespmem:s26+$0x70];
	s26 =	smov.u32 s21  }
0x3c9: {  	v11 =	vld [tilespmem:s30+$0x70]  }
0x3ca: {  	v12 =	vld [tilespmem:s23+$0x70]  }
0x3cb: {  	v13 =	vld [tilespmem:s26+$0x70];
	_ =	sdelay $0x2  }
0x3cc: {  	v4 =	vmul.f32 v7, v4  }
0x3cd: {  	v61 =	vadd.f32 v10, v8;
	v1 =	vmul.f32 v5, v1;
	v62 =	vmul.f32 v9, v6  }
.Ltmp16:
0x3ce: {  	v3 =	vadd.f32 v4, v3;
	v2 =	vmul.f32 v11, v2;
	v63 =	vmul.f32 v13, v12;
	(pc) =	sbr.rel .LBB2_23-.Ltmp16, $4  }
0x3cf: {  	[tilespmem:s17+$0xFFFFFF70] =	vst v61;
	v1 =	vadd.f32 v62, v1  }
0x3d0: {  	[tilespmem:s17+$0xFFFFFFF0] =	vst v3;
	v2 =	vadd.f32 v63, v2  }
0x3d1: {  	[tilespmem:s29+$0x70] =	vst v1  }
0x3d2: {  	s0 =	simm.s32 $0x1BF80;
	[tilespmem:s17+$0x70] =	vst v2  }
.LBB2_17:
0x3d3: {  	s18 =	simm.s32 $0x19E80  }
0x3d4: {  	v1 =	vld [tilespmem:s18+$0x80]  }
0x3d5: {  	v3 =	vld [tilespmem:s18+$0x0]  }
0x3d6: {  	v2 =	vld [tilespmem:s18+$0xFFFFFF80]  }
0x3d7: {  	v4 =	vld [tilespmem:s18+$0xFFFFFF00]  }
0x3d8: {  	s0 =	simm.s32 $0x1D080  }
0x3d9: {  	[tilespmem:s0+$0x80] =	vst v1  }
0x3da: {  	[tilespmem:s0+$0x0] =	vst v3;
	v1 =	vld [tilespmem:s18+$0x90]  }
0x3db: {  	[tilespmem:s0+$0xFFFFFF80] =	vst v2;
	v3 =	vld [tilespmem:s18+$0x10]  }
0x3dc: {  	[tilespmem:s0+$0xFFFFFF00] =	vst v4;
	v2 =	vld [tilespmem:s18+$0xFFFFFF90]  }
0x3dd: {  	v4 =	vld [tilespmem:s18+$0xFFFFFF10];
	_ =	sdelay $0x1  }
0x3de: {  	[tilespmem:s0+$0x90] =	vst v1  }
0x3df: {  	[tilespmem:s0+$0x10] =	vst v3;
	v1 =	vld [tilespmem:s18+$0xA0]  }
0x3e0: {  	[tilespmem:s0+$0xFFFFFF90] =	vst v2;
	v3 =	vld [tilespmem:s18+$0x20]  }
0x3e1: {  	[tilespmem:s0+$0xFFFFFF10] =	vst v4;
	v2 =	vld [tilespmem:s18+$0xFFFFFFA0]  }
0x3e2: {  	v4 =	vld [tilespmem:s18+$0xFFFFFF20];
	_ =	sdelay $0x1  }
0x3e3: {  	[tilespmem:s0+$0xA0] =	vst v1  }
0x3e4: {  	[tilespmem:s0+$0x20] =	vst v3;
	v1 =	vld [tilespmem:s18+$0xB0]  }
0x3e5: {  	[tilespmem:s0+$0xFFFFFFA0] =	vst v2;
	v3 =	vld [tilespmem:s18+$0x30]  }
0x3e6: {  	[tilespmem:s0+$0xFFFFFF20] =	vst v4;
	v2 =	vld [tilespmem:s18+$0xFFFFFFB0]  }
0x3e7: {  	v4 =	vld [tilespmem:s18+$0xFFFFFF30];
	_ =	sdelay $0x1  }
0x3e8: {  	[tilespmem:s0+$0xB0] =	vst v1  }
0x3e9: {  	[tilespmem:s0+$0x30] =	vst v3;
	v1 =	vld [tilespmem:s18+$0xC0]  }
0x3ea: {  	[tilespmem:s0+$0xFFFFFFB0] =	vst v2;
	v3 =	vld [tilespmem:s18+$0x40]  }
0x3eb: {  	[tilespmem:s0+$0xFFFFFF30] =	vst v4;
	v2 =	vld [tilespmem:s18+$0xFFFFFFC0]  }
0x3ec: {  	v4 =	vld [tilespmem:s18+$0xFFFFFF40]  }
0x3ed: {  	s3 =	simm.s32 $0x1A080  }
0x3ee: {  	v5 =	vld [tilespmem:s3+$0x80];
	[tilespmem:s0+$0xC0] =	vst v1  }
0x3ef: {  	[tilespmem:s0+$0x40] =	vst v3;
	v3 =	vld [tilespmem:s3+$0xFFFFFF80]  }
0x3f0: {  	[tilespmem:s0+$0xFFFFFFC0] =	vst v2;
	v1 =	vld [tilespmem:s18+$0xD0]  }
0x3f1: {  	[tilespmem:s0+$0xFFFFFF40] =	vst v4;
	v4 =	vld [tilespmem:s3+$0x0]  }
0x3f2: {  	s17 =	simm.s32 $0x1D280;
	v2 =	vld [tilespmem:s18+$0xFFFFFFD0]  }
0x3f3: {  	v6 =	vld [tilespmem:s3+$0xFFFFFF00];
	[tilespmem:s17+$0x80] =	vst v5  }
0x3f4: {  	[tilespmem:s17+$0xFFFFFF80] =	vst v3;
	v3 =	vld [tilespmem:s3+$0x90]  }
0x3f5: {  	[tilespmem:s0+$0xD0] =	vst v1;
	v5 =	vld [tilespmem:s3+$0xFFFFFF90]  }
0x3f6: {  	[tilespmem:s17+$0x0] =	vst v4;
	v1 =	vld [tilespmem:s18+$0xE0]  }
0x3f7: {  	[tilespmem:s0+$0xFFFFFFD0] =	vst v2;
	v2 =	vld [tilespmem:s18+$0xFFFFFF50]  }
0x3f8: {  	[tilespmem:s17+$0xFFFFFF00] =	vst v6;
	v4 =	vld [tilespmem:s3+$0x10]  }
0x3f9: {  	v6 =	vld [tilespmem:s3+$0xFFFFFF10];
	[tilespmem:s17+$0x90] =	vst v3  }
0x3fa: {  	[tilespmem:s17+$0xFFFFFF90] =	vst v5;
	v3 =	vld [tilespmem:s3+$0xA0]  }
0x3fb: {  	[tilespmem:s0+$0xE0] =	vst v1;
	v5 =	vld [tilespmem:s3+$0xFFFFFFA0]  }
0x3fc: {  	[tilespmem:s0+$0xFFFFFF50] =	vst v2;
	v1 =	vld [tilespmem:s18+$0xF0]  }
0x3fd: {  	v2 =	vld [tilespmem:s18+$0x50];
	[tilespmem:s17+$0x10] =	vst v4  }
0x3fe: {  	[tilespmem:s17+$0xFFFFFF10] =	vst v6;
	v4 =	vld [tilespmem:s3+$0x20]  }
0x3ff: {  	v6 =	vld [tilespmem:s3+$0xFFFFFF20];
	[tilespmem:s17+$0xA0] =	vst v3  }
0x400: {  	[tilespmem:s17+$0xFFFFFFA0] =	vst v5;
	v3 =	vld [tilespmem:s3+$0xB0]  }
0x401: {  	[tilespmem:s0+$0xF0] =	vst v1;
	v1 =	vld [tilespmem:s18+$0xFFFFFF60]  }
0x402: {  	[tilespmem:s0+$0x50] =	vst v2;
	v5 =	vld [tilespmem:s3+$0xFFFFFFB0]  }
0x403: {  	v2 =	vld [tilespmem:s18+$0xFFFFFFE0];
	[tilespmem:s17+$0x20] =	vst v4  }
0x404: {  	[tilespmem:s17+$0xFFFFFF20] =	vst v6;
	v4 =	vld [tilespmem:s3+$0x30]  }
0x405: {  	v6 =	vld [tilespmem:s3+$0xFFFFFF30];
	[tilespmem:s17+$0xB0] =	vst v3  }
0x406: {  	[tilespmem:s0+$0xFFFFFF60] =	vst v1;
	v1 =	vld [tilespmem:s18+$0x60]  }
0x407: {  	[tilespmem:s17+$0xFFFFFFB0] =	vst v5;
	v5 =	vld [tilespmem:s3+$0xC0]  }
0x408: {  	[tilespmem:s0+$0xFFFFFFE0] =	vst v2;
	v2 =	vld [tilespmem:s18+$0xFFFFFF70]  }
0x409: {  	[tilespmem:s17+$0x30] =	vst v4;
	v7 =	vld [tilespmem:s3+$0xFFFFFFC0]  }
0x40a: {  	[tilespmem:s17+$0xFFFFFF30] =	vst v6;
	v6 =	vld [tilespmem:s3+$0x40]  }
0x40b: {  	v3 =	vld [tilespmem:s3+$0xFFFFFF40];
	[tilespmem:s0+$0x60] =	vst v1  }
0x40c: {  	v1 =	vld [tilespmem:s18+$0xFFFFFFF0];
	[tilespmem:s17+$0xC0] =	vst v5  }
0x40d: {  	[tilespmem:s0+$0xFFFFFF70] =	vst v2;
	v2 =	vld [tilespmem:s18+$0x70]  }
0x40e: {  	[tilespmem:s17+$0xFFFFFFC0] =	vst v7;
	v5 =	vld [tilespmem:s3+$0xD0]  }
0x40f: {  	s20 =	simm.s32 $0x1A280;
	s18 =	simm.s32 $0x4;
	[tilespmem:s17+$0x40] =	vst v6;
	v4 =	vld [tilespmem:s3+$0xFFFFFFD0]  }
.LBB2_18:
0x410: {  	v6 =	vld [tilespmem:s20+$0x80];
	s18 =	sadd.s32 $0x4, s18;
	[tilespmem:s17+$0xFFFFFF40] =	vst v3  }
0x411: {  	v3 =	vld [tilespmem:s20+$0xFFFFFF80];
	p5 =	slt.u32 s18, $0x1C;
	[tilespmem:s0+$0xFFFFFFF0] =	vst v1  }
0x412: {  	v1 =	vld [tilespmem:s20+$0x0];
	[tilespmem:s0+$0x70] =	vst v2;
	s0 =	smov.u32 s17  }
0x413: {  	v2 =	vld [tilespmem:s20+$0xFFFFFF00];
	[tilespmem:s17+$0xD0] =	vst v5  }
0x414: {  	s17 =	sadd.s32 $0x200, s17;
	[tilespmem:s0+$0xFFFFFFD0] =	vst v4;
	v4 =	vld [tilespmem:s3+$0xE0]  }
0x415: {  	[tilespmem:s17+$0x80] =	vst v6;
	v5 =	vld [tilespmem:s3+$0xFFFFFF50]  }
0x416: {  	[tilespmem:s17+$0xFFFFFF80] =	vst v3;
	v3 =	vld [tilespmem:s20+$0x90]  }
0x417: {  	v6 =	vld [tilespmem:s20+$0xFFFFFF90];
	[tilespmem:s17+$0x0] =	vst v1  }
0x418: {  	[tilespmem:s17+$0xFFFFFF00] =	vst v2;
	v1 =	vld [tilespmem:s20+$0x10]  }
0x419: {  	v2 =	vld [tilespmem:s20+$0xFFFFFF10];
	[tilespmem:s0+$0xE0] =	vst v4  }
0x41a: {  	[tilespmem:s0+$0xFFFFFF50] =	vst v5;
	v4 =	vld [tilespmem:s3+$0xF0]  }
0x41b: {  	[tilespmem:s17+$0x90] =	vst v3;
	v3 =	vld [tilespmem:s3+$0x50]  }
0x41c: {  	[tilespmem:s17+$0xFFFFFF90] =	vst v6;
	v5 =	vld [tilespmem:s20+$0xA0]  }
0x41d: {  	v6 =	vld [tilespmem:s20+$0xFFFFFFA0];
	[tilespmem:s17+$0x10] =	vst v1  }
0x41e: {  	[tilespmem:s17+$0xFFFFFF10] =	vst v2;
	v1 =	vld [tilespmem:s20+$0x20]  }
0x41f: {  	v2 =	vld [tilespmem:s20+$0xFFFFFF20];
	[tilespmem:s0+$0xF0] =	vst v4  }
0x420: {  	v4 =	vld [tilespmem:s3+$0xFFFFFF60];
	[tilespmem:s0+$0x50] =	vst v3  }
0x421: {  	[tilespmem:s17+$0xA0] =	vst v5;
	v3 =	vld [tilespmem:s3+$0xFFFFFFE0]  }
0x422: {  	[tilespmem:s17+$0xFFFFFFA0] =	vst v6;
	v5 =	vld [tilespmem:s20+$0xB0]  }
0x423: {  	v6 =	vld [tilespmem:s20+$0xFFFFFFB0];
	[tilespmem:s17+$0x20] =	vst v1  }
0x424: {  	[tilespmem:s17+$0xFFFFFF20] =	vst v2;
	v1 =	vld [tilespmem:s20+$0x30]  }
0x425: {  	v2 =	vld [tilespmem:s20+$0xFFFFFF30];
	[tilespmem:s0+$0xFFFFFF60] =	vst v4  }
0x426: {  	[tilespmem:s0+$0xFFFFFFE0] =	vst v3;
	v4 =	vld [tilespmem:s3+$0x60]  }
0x427: {  	[tilespmem:s17+$0xB0] =	vst v5;
	v5 =	vld [tilespmem:s3+$0xFFFFFF70]  }
0x428: {  	[tilespmem:s17+$0xFFFFFFB0] =	vst v6;
	v6 =	vld [tilespmem:s20+$0xC0]  }
0x429: {  	v7 =	vld [tilespmem:s20+$0xFFFFFFC0];
	[tilespmem:s17+$0x30] =	vst v1  }
0x42a: {  	[tilespmem:s17+$0xFFFFFF30] =	vst v2;
	v8 =	vld [tilespmem:s20+$0x40]  }
.Ltmp17:
0x42b: {  	v3 =	vld [tilespmem:s20+$0xFFFFFF40];
	[tilespmem:s0+$0x60] =	vst v4;
	(pc) =	sbr.rel @p5 .LBB2_18-.Ltmp17, $4  }
0x42c: {  	[tilespmem:s0+$0xFFFFFF70] =	vst v5;
	v1 =	vld [tilespmem:s3+$0xFFFFFFF0]  }
0x42d: {  	[tilespmem:s17+$0xC0] =	vst v6;
	v2 =	vld [tilespmem:s3+$0x70];
	s3 =	smov.u32 s20  }
0x42e: {  	[tilespmem:s17+$0xFFFFFFC0] =	vst v7;
	v5 =	vld [tilespmem:s20+$0xD0]  }
0x42f: {  	s20 =	sadd.s32 $0x200, s20;
	v4 =	vld [tilespmem:s3+$0xFFFFFFD0];
	[tilespmem:s17+$0x40] =	vst v8  }
.Ltmp18:
0x430: {  	_ = 	snop;
	(pc) =	sbr.rel .LBB2_19-.Ltmp18, $1  }
0x431: {  	_ =	sdelay $0x3  }
.LBB2_25:
0x432: {  	s0 =	simm.s32 $0x4  }
0x433: {  	_ =	swait.ge [sflag:s0], $0x1000  }
0x434: {  	[sflag:s0] =	ssyncset.done $0x0  }
0x435: {  	s30 =	simm.s32 $0x6;
	[sflag:s0] =	ssyncadd.s32 $0xFFFFF000  }
0x436: {  	_ =	swait.ge [sflag:s30], $0x1000  }
.Ltmp19:
0x437: {  	[sflag:s30] =	ssyncset.done $0x0;
	(pc) =	sbr.rel @p0 .LBB2_27-.Ltmp19, $4  }
0x438: {  	[sflag:s30] =	ssyncadd.s32 $0xFFFFF000  }
0x439: {  	[bflag:$0x0] =	sbarrier.arrive $0xFFFF  }
0x43a: {  	s18 =	rddreg [dreg:$0x1a]  }
0x43b: {  	s20 =	simm.s32 $0x7;
	s17 =	rddreg [dreg:$0x1c];
	s0 =	sor.u32 $0x1C07, s18  }
0x43c: {  	s3 =	rddreg [dreg:$0x16]  }
0x43d: {  	[hbm:s3], [sflag:s0] =	dma.local [spmem:s17], $0x2700  }
.Ltmp20:
0x43e: {  	_ = 	snop;
	(pc) =	sbr.rel @p1 .LBB2_28-.Ltmp20, $4  }
.Ltmp21:
0x43f: {  	_ = 	snop;
	(pc) =	sbr.rel @!p1 .LBB2_29-.Ltmp21, $4  }
0x440: {  	_ =	swait.ge [sflag:s20], $0x2700  }
0x441: {  	[sflag:s20] =	ssyncset.done $0x0  }
0x442: {  	s3 =	rddreg [dreg:$0x7];
	[sflag:s20] =	ssyncadd.s32 $0xFFFFD900  }
0x443: {  	_ = 	snop  }
.LBB2_27:
0x444: {  	s3 =	rddreg [dreg:$0x15]  }
0x445: {  	[hbm:s3], [sflag:s0] =	dma.local [spmem:s17], $0x2700  }
.Ltmp22:
0x446: {  	_ = 	snop;
	(pc) =	sbr.rel @p2 .LBB2_29-.Ltmp22, $4  }
.Ltmp23:
0x447: {  	_ =	swait.ge [sflag:s20], $0x2700;
	(pc) =	sbr.rel @!p2 .LBB2_28-.Ltmp23, $4  }
0x448: {  	[sflag:s20] =	ssyncset.done $0x0  }
0x449: {  	[sflag:s20] =	ssyncadd.s32 $0xFFFFD900  }
0x44a: {  	s3 =	rddreg [dreg:$0x4]  }
0x44b: {  	_ = 	snop  }
.LBB2_30:
0x44c: {  	_ =	sfence.sel $0x180000  }
0x44d: {  	[bflag:$0x0] =	sbarrier.arrive $0xFFFF  }
0x44e: {  	_ =	strace $0x9000004D  }
0x44f: {  	[bflag:$0x2] =	sbarrier.arrive $0xFFFF  }
0x450: {  	p0 =	sne.s32 s6, $0x0;
	s0 =	rddreg [dreg:$0x6]  }
0x451: {  	s0 =	sadd.s32 @!p0 $0x100000, s0  }
0x452: {  	[sflag:s0] =	ssyncadd.tile.s32 @!p0 $0x1;
	_ =	shalt  }
.Lfunc_end2:
_tile_overlayer_lowered:
.L_overlay_start_2:
0x453: {  	(tag) =	ssettag $0x2  }
0x454: {  	s0 =	rddreg [dreg:$0x0];
	s2 =	stileid.u32  }
0x455: {  	s1 =	rddreg [dreg:$0x1];
	p0 =	sne.s32 s2, $0x0  }
0x456: {  	s3 =	rddreg [dreg:$0x2];
	[bflag:$0x3] =	sbarrier.arrive $0xFFFF;
	s2 =	simm.s32 @!p0 $0x1C07  }
0x457: {  	[timem:s3], [sflag:s2] =	dma.local @!p0 [hbm:s0], s1  }
0x458: {  	s0 =	simm.s32 @!p0 $0x7  }
0x459: {  	_ =	swait.ge @!p0 [sflag:s0], s1  }
0x45a: {  	s1 =	ssub.s32 @!p0 $0x0, s1;
	[sflag:s0] =	ssyncset.done @!p0 $0x0  }
0x45b: {  	[sflag:s0] =	ssyncadd.s32 @!p0 s1  }
0x45c: {  	[bflag:$0x3] =	sbarrier.arrive $0xFFFF  }
0x45d: {  	_ =	shalt  }

// kernel: kernel.7.cloned.1.call-start
scs
__scs_entry_jumppad:
0x0: {  	(pc) =	sbr.rel $0x88, $3  }
0x1: {  	(tag) =	ssettag $0x0;
	lr =	simm.s32 $0x1  }
0x2: {  	[smem:$0x3F90] =	sst lr;
	_ =	strace $0xD0000000  }
0x3: {  	_ = 	snop  }
0x4: {  	_ = 	snop  }
0x5: {  	_ = 	snop  }
0x6: {  	_ = 	snop  }
0x7: {  	_ = 	snop  }
__scs_overlays_trampoline_lowered:
0x8: {  	[smem:$0x3F9F] =	sst s0  }
0x9: {  	[smem:$0x3FA0] =	sst s1  }
0xa: {  	[smem:$0x3FA1] =	sst s2  }
0xb: {  	[smem:$0x3FA2] =	sst s3  }
0xc: {  	[smem:$0x3FA3] =	sst s4  }
0xd: {  	[smem:$0x3FA4] =	sst s5  }
0xe: {  	[smem:$0x3FA5] =	sst s6  }
0xf: {  	[smem:$0x3FA6] =	sst s7  }
0x10: {  	[smem:$0x3FA7] =	sst s8  }
0x11: {  	[smem:$0x3FA8] =	sst s9;
	s0 =	simm.s32 @!p0 $0x0  }
0x12: {  	s1 =	sld [smem:$0x3F8E];
	s0 =	simm.s32 @p0 $0x1  }
0x13: {  	[smem:$0x3FA9] =	sst s0;
	s0 =	simm.s32 @!p1 $0x0  }
0x14: {  	s2 =	sld [smem:$0x3F8D];
	s0 =	simm.s32 @p1 $0x1  }
0x15: {  	[smem:$0x3FAA] =	sst s0;
	s0 =	simm.s32 @!p2 $0x0  }
0x16: {  	s3 =	sld [smem:$0x3FDB];
	s0 =	simm.s32 @p2 $0x1  }
0x17: {  	s4 =	simm.s32 $0x1BF5;
	[smem:$0x3FAC] =	sst s0  }
0x18: {  	s0 =	sld [smem:$0x3F8F];
	_ =	swait.ge [sflag:s4], $0x0  }
0x19: {  	s7 =	sld [smem:$0x3F90]  }
0x1a: {  	s8 =	sadd.s32 $0xFFFFE003, lr  }
0x1b: {  	s9 =	sadd.s32 $0xFFFFFEF7, lr;
	s5 =	simm.s32 $0xFFFFFFFF;
	p2 =	slt.u32 s8, $0xFFFFF086  }
0x1c: {  	p1 =	slt.u32 s9, $0xF7A;
	s5 =	simm.s32 @!p2 $0x0  }
0x1d: {  	s5 =	simm.s32 @p1 $0x1;
	p0 =	seq.s32 s7, s2  }
0x1e: {  	s7 =	smul.u32 @!p0 $0xF7A, s2;
	p2 =	seq.s32 @!p0 s5, $0x0  }
0x1f: {  	s9 =	smul.u32 $0xF7A, s1;
	s8 =	simm.s32 @!p0 $0x1BF5;
	p2 =	por !p2, p0  }
0x20: {  	[sflag:s8] =	ssyncset.s32 @!p0 $0xFFFFF086;
	s6 =	sadd.s32 @!p0 s3, s7;
	s7 =	simm.s32 @!p0 $0x108  }
0x21: {  	s3 =	sadd.s32 s3, s9;
	s6 =	sadd.s32 @!p0 $0x88, s6;
	s7 =	simm.s32 @p2 $0x1082  }
0x22: {  	[simem:s7], [sflag:s8] =	dma.local @!p0 [hbm:s6], $0xF7A  }
0x23: {  	s9 =	sor.u32 $0xD0000000, s2;
	s6 =	simm.s32 $0x108;
	_ =	swait.ge @!p0 [sflag:s8], $0x0  }
0x24: {  	s3 =	sadd.s32 $0x88, s3;
	s6 =	simm.s32 @!p1 $0x1082;
	[sflag:s4] =	ssyncset.s32 $0xFFFFF086  }
0x25: {  	[simem:s6], [sflag:s4] =	dma.local [hbm:s3], $0xF7A  }
0x26: {  	[smem:$0x3F90] =	sst s1;
	(tag) =	ssettag s2;
	_ =	strace s9  }
0x27: {  	s1 =	sld [smem:$0x3FA0]  }
0x28: {  	s2 =	sld [smem:$0x3FA1]  }
0x29: {  	s4 =	sld [smem:$0x3FA3]  }
0x2a: {  	p0 =	seq.s32 s5, $0x0;
	s5 =	sld [smem:$0x3FA4]  }
0x2b: {  	s6 =	sld [smem:$0x3FA5]  }
0x2c: {  	s7 =	sld [smem:$0x3FA6]  }
0x2d: {  	s3 =	simm.s32 $0x108;
	s8 =	sld [smem:$0x3FA7]  }
0x2e: {  	s3 =	simm.s32 @!p0 $0x1082;
	s9 =	sld [smem:$0x3FA8]  }
0x2f: {  	lr =	sadd.s32 s0, s3;
	s0 =	sld [smem:$0x3F9F]  }
0x30: {  	s3 =	sld [smem:$0x3FA2]  }
0x31: {  	[smem:$0x3FAB] =	sst s10  }
0x32: {  	s10 =	sld [smem:$0x3FA9];
	_ =	sdelay $0x3  }
0x33: {  	p0 =	seq.s32 s10, $0x1;
	s10 =	sld [smem:$0x3FAB];
	_ =	sdelay $0x3  }
0x34: {  	[smem:$0x3FAB] =	sst s10  }
0x35: {  	s10 =	sld [smem:$0x3FAA];
	_ =	sdelay $0x3  }
0x36: {  	p1 =	seq.s32 s10, $0x1;
	s10 =	sld [smem:$0x3FAB];
	_ =	sdelay $0x3  }
0x37: {  	[smem:$0x3FAB] =	sst s10  }
0x38: {  	s10 =	sld [smem:$0x3FAC]  }
0x39: {  	_ = 	snop;
	(pc) =	sbr.ind lr, $3  }
0x3a: {  	_ = 	snop  }
0x3b: {  	_ = 	snop  }
0x3c: {  	p2 =	seq.s32 s10, $0x1;
	s10 =	sld [smem:$0x3FAB]  }
0x3d: {  	_ =	shalt  }
0x3e: {  	_ =	shalt  }
0x3f: {  	_ =	shalt  }
0x40: {  	_ =	shalt  }
0x41: {  	_ =	shalt  }
0x42: {  	_ =	shalt  }
0x43: {  	_ =	shalt  }
0x44: {  	_ =	shalt  }
0x45: {  	_ =	shalt  }
0x46: {  	_ =	shalt  }
0x47: {  	_ =	shalt  }
0x48: {  	_ =	shalt  }
0x49: {  	_ =	shalt  }
0x4a: {  	_ =	shalt  }
0x4b: {  	_ =	shalt  }
0x4c: {  	_ =	shalt  }
0x4d: {  	_ =	shalt  }
0x4e: {  	_ =	shalt  }
0x4f: {  	_ =	shalt  }
0x50: {  	_ =	shalt  }
0x51: {  	_ =	shalt  }
0x52: {  	_ =	shalt  }
0x53: {  	_ =	shalt  }
0x54: {  	_ =	shalt  }
0x55: {  	_ =	shalt  }
0x56: {  	_ =	shalt  }
0x57: {  	_ =	shalt  }
0x58: {  	_ =	shalt  }
0x59: {  	_ =	shalt  }
0x5a: {  	_ =	shalt  }
0x5b: {  	_ =	shalt  }
0x5c: {  	_ =	shalt  }
0x5d: {  	_ =	shalt  }
0x5e: {  	_ =	shalt  }
0x5f: {  	_ =	shalt  }
0x60: {  	_ =	shalt  }
0x61: {  	_ =	shalt  }
0x62: {  	_ =	shalt  }
0x63: {  	_ =	shalt  }
0x64: {  	_ =	shalt  }
0x65: {  	_ =	shalt  }
0x66: {  	_ =	shalt  }
0x67: {  	_ =	shalt  }
0x68: {  	_ =	shalt  }
0x69: {  	_ =	shalt  }
0x6a: {  	_ =	shalt  }
0x6b: {  	_ =	shalt  }
0x6c: {  	_ =	shalt  }
0x6d: {  	_ =	shalt  }
0x6e: {  	_ =	shalt  }
0x6f: {  	_ =	shalt  }
0x70: {  	_ =	shalt  }
0x71: {  	_ =	shalt  }
0x72: {  	_ =	shalt  }
0x73: {  	_ =	shalt  }
0x74: {  	_ =	shalt  }
0x75: {  	_ =	shalt  }
0x76: {  	_ =	shalt  }
0x77: {  	_ =	shalt  }
0x78: {  	_ =	shalt  }
0x79: {  	_ =	shalt  }
0x7a: {  	_ =	shalt  }
0x7b: {  	_ =	shalt  }
0x7c: {  	_ =	shalt  }
0x7d: {  	_ =	shalt  }
0x7e: {  	_ =	shalt  }
0x7f: {  	_ =	shalt  }
0x80: {  	_ =	shalt  }
0x81: {  	_ =	shalt  }
0x82: {  	_ =	shalt  }
0x83: {  	_ =	shalt  }
0x84: {  	_ =	shalt  }
0x85: {  	_ =	shalt  }
0x86: {  	_ =	shalt  }
0x87: {  	_ =	shalt  }
.Lfunc_end0:
.L_simem_size_0:
called_computation_lowered:
.L_overlay_start_0:
0x88: {  	s2 =	sld [smem:$0x3FD9]  }
0x89: {  	s3 =	sld [smem:$0x3FFE];
	_ =	sdelay $0x1  }
0x8a: {  	s1 =	srdreg.scid  }
0x8b: {  	s0 =	sand.u32 $0x1, s1  }
0x8c: {  	s14 =	sshll.u32 s0, $0xA;
	s2 =	sadd.s32 s3, s2  }
0x8d: {  	s2 =	sadd.s32 s2, s14  }
0x8e: {  	[smem:$0x3FB7] =	sst s2  }
0x8f: {  	_ = 	snop  }
0x90: {  	s2 =	sld [smem:$0x3FD0];
	_ =	sdelay $0x2  }
0x91: {  	s15 =	simm.s32 $0xB;
	s4 =	simm.s32 $0x10  }
0x92: {  	[smem:s4], [sflag:s15] =	dma.local [hbm:s2], $0x1  }
0x93: {  	_ =	swait.eq [sflag:s15], $0x1  }
0x94: {  	[sflag:s15] =	ssyncset.done $0x0  }
0x95: {  	[sflag:s15] =	ssyncadd.s32 $0xFFFFFFFF  }
0x96: {  	s16 =	sld [smem:$0x10];
	(tm) =	ssettm $0x1  }
0x97: {  	s17 =	sld [smem:$0x3FFB];
	_ =	sdelay $0x3  }
0x98: {  	_ =	strace s17  }
0x99: {  	s3 =	sld [smem:$0x3FFC];
	_ =	sdelay $0x3  }
0x9a: {  	_ =	strace s3  }
0x9b: {  	s3 =	sld [smem:$0x3FFD];
	_ =	sdelay $0x3  }
0x9c: {  	_ =	strace s3  }
0x9d: {  	_ =	strace $0x8FFFFFFF  }
0x9e: {  	s18 =	sld [smem:$0x3FDB];
	_ =	sdelay $0x1  }
0x9f: {  	s19 =	simm.s32 $_scs_section_size  }
0xa0: {  	s5 =	simm.s32 $_size__tile_overlayer_lowered;
	s6 =	simm.s32 $_tile_overlayer_lowered  }
0xa1: {  	s22 =	simm.s32 $0x1BFF;
	s21 =	sshll.u32 s6, $0x1;
	s3 =	sadd.s32 s19, s18  }
0xa2: {  	s7 =	simm.s32 $0x0;
	s20 =	sshll.u32 s5, $0x1;
	s5 =	sadd.s32 s21, s3  }
0xa3: {  	[timem:s7], [sflag:s22] =	dma.local [hbm:s5], s20  }
0xa4: {  	_ =	swait.ge [sflag:s22], s20  }
0xa5: {  	s4 =	ssub.s32 $0x0, s20;
	[sflag:s22] =	ssyncset.done $0x0  }
0xa6: {  	[sflag:s22] =	ssyncadd.s32 s4;
	_ =	sdelay $0x1  }
0xa7: {  	s23 =	simm.s32 $0x1B8B  }
0xa8: {  	_ =	swait.ge [sflag:s23], $0x1  }
0xa9: {  	[sflag:s23] =	ssyncset.done $0x0  }
0xaa: {  	s25 =	simm.s32 $0x1B8E;
	s24 =	sld [smem:$0x3FFE];
	[sflag:s23] =	ssyncadd.s32 $0xFFFFFFFF  }
0xab: {  	s26 =	simm.s32 $execute0_lowered;
	[smem:$0x3FD2] =	sst s25  }
0xac: {  	s5 =	sshll.u32 s26, $0x1;
	_ =	strace $0x80000046;
	[dreg:$0x1] =	wrdreg $0xFFFFFFFF  }
0xad: {  	s28 =	simm.s32 $_size_execute0_lowered;
	s3 =	sadd.s32 s3, s5;
	[dreg:$0x0] =	wrdreg $0x0  }
0xae: {  	s5 =	sshll.u32 s28, $0x1;
	[dreg:$0x2] =	wrdreg s3  }
0xaf: {  	[dreg:$0x3] =	wrdreg s5  }
0xb0: {  	[dreg:$0x4] =	wrdreg $0xC0  }
0xb1: {  	_ =	task [dreg:s7], $0x5FFFF  }
0xb2: {  	[dreg:$0x1] =	wrdreg $0xFFFFFFFF  }
0xb3: {  	[dreg:$0x0] =	wrdreg $0x60  }
0xb4: {  	[dreg:$0x2] =	wrdreg s16  }
0xb5: {  	[dreg:$0x3] =	wrdreg s24  }
0xb6: {  	[dreg:$0x4] =	wrdreg $0x9  }
0xb7: {  	_ =	task.clear_ibuf [dreg:s7], $0x5FFFF;
	_ =	strace $0x90000046  }
0xb8: {  	s29 =	simm.s32 $0x9;
	_ =	strace $0x80000048  }
0xb9: {  	_ =	swait.ge [sflag:s29], $0x1  }
0xba: {  	[sflag:s29] =	ssyncadd.s32 $0xFFFFFFFF  }
0xbb: {  	_ =	strace $0x90000048  }
0xbc: {  	_ =	sfence  }
0xbd: {  	s30 =	sld [smem:$0x0];
	_ =	sdelay $0x2  }
0xbe: {  	s31 =	sshll.u32 s1, $0xD;
	s1 =	sshrl.u32 s1, $0x2  }
0xbf: {  	s3 =	sand.u32 $0x4000, s31;
	s1 =	sadd.s32 s1, s30  }
0xc0: {  	s0 =	sor.u32 s3, s0;
	s1 =	sshll.u32 s1, $0x11  }
0xc1: {  	s0 =	sor.u32 s1, s0  }
0xc2: {  	s0 =	sadd.s32 $0x8F2B, s0  }
0xc3: {  	[sflag:s0] =	ssyncadd.remote.s32 $0x1  }
0xc4: {  	_ =	sfence.sel $0xFFFF  }
0xc5: {  	[dreg:$0x0] =	wrdreg $0xFFFFFFFF;
	(pc) =	sbr.abs _section_cstart, $3  }
0xc6: {  	[dreg:$0x1] =	wrdreg $0xFFFFFFFF  }
0xc7: {  	_ =	task.clear_ibuf [dreg:s7], $0x2FFFF;
	_ =	strace $0x9FFFFFFF  }
0xc8: {  	(tm) =	ssettm $0x7FFFFFFF  }
0xc9: {  	_ =	shalt  }
tec
execute0_lowered:
.L_overlay_start_1:
0x0: {  	(tag) =	ssettag $0x1  }
0x1: {  	s1 =	rddreg [dreg:$0x0]  }
0x2: {  	s4 =	rddreg [dreg:$0x1]  }
0x3: {  	s0 =	rddreg [dreg:$0x2]  }
0x4: {  	s3 =	simm.s32 $0x0;
	s5 =	srdreg.scid;
	s2 =	stileid.u32  }
0x5: {  	[smem:$0x7FF] =	sst s3;
	s5 =	sand.u32 $0x1, s5;
	s6 =	sshll.u32 s2, $0x5  }
0x6: {  	s7 =	sshll.u32 s2, $0xC;
	_ =	strace $0x80000047;
	s8 =	ssub.s32 $0x2, s5  }
0x7: {  	s6 =	sadd.s32 s6, s4;
	s7 =	sadd.s32 s7, s4;
	s9 =	sshll.u32 s5, $0xB  }
0x8: {  	s5 =	sshll.u32 s5, $0x4;
	s4 =	sshll.u32 s2, $0x1;
	s30 =	sshrl.u32 s8, $0x1  }
0x9: {  	s7 =	sadd.s32 s9, s7;
	s31 =	sadd.s32 s5, s6;
	s8 =	ssub.s32 s8, s30  }
0xa: {  	s6 =	sadd.s32 $0xCC00, s7;
	s7 =	sadd.s32 $0x7C00, s31;
	s5 =	smax.u32 s8, $0x1  }
.LBB2_1:
0xb: {  	s8 =	sadd.s32 $0x0, s4  }
0xc: {  	p0 =	sgt.u32 s8, $0x4E1  }
0xd: {  	s8 =	simm.s32 @!p0 $0x0;
	s9 =	simm.s32 @!p0 $0x3  }
0xe: {  	[tilespmem:s8], [sflag:$0x3] =	stream.linear.gather @!p0 [hbm4b:s7+s8], $0x80, $0x38;
	[tilespmem:$0x4080] =	vst v63  }
0xf: {  	_ =	swait.ge @!p0 [sflag:s9], $0x80  }
0x10: {  	[sflag:s9] =	ssyncset.done @!p0 $0x0;
	p0 =	por p0, p0  }
0x11: {  	[sflag:s9] =	ssyncadd.s32 @!p0 $0xFFFFFF80;
	s10 =	simm.s32 @!p0 $0x80;
	s11 =	simm.s32 @!p0 $0x1  }
0x12: {  	[tilespmem:s10], [sflag:$0x1] =	stream.indirect.gather @!p0 [hbm4b:s1+s10], $0x80, s8, s10, $0xb8;
	[tilespmem:$0x4080] =	vst v63  }
0x13: {  	_ =	swait.ge @!p0 [sflag:s11], $0x4000  }
0x14: {  	[sflag:s11] =	ssyncset.done @!p0 $0x0  }
0x15: {  	s31 =	sadd.s32 $0x20, s4;
	[sflag:s11] =	ssyncadd.s32 @!p0 $0xFFFFC000;
	s11 =	simm.s32 @!p0 $0x2  }
0x16: {  	[hbm4b:s6+s8] =	stream.linear.scatter @!p0 [tilespmem:s10], [sflag:$0x2], $0x4000, $0x38;
	[tilespmem:$0x4080] =	vst v63  }
0x17: {  	p1 =	sgt.u32 s31, $0x4E1;
	s9 =	simm.s32 $0x40;
	_ =	swait.ge @!p0 [sflag:s11], $0x4000  }
0x18: {  	s10 =	sadd.s32 $0x200, s7;
	s8 =	sadd.s32 $0x10000, s6;
	[sflag:s11] =	ssyncset.done @!p0 $0x0  }
.LBB2_2:
0x19: {  	s12 =	simm.s32 @!p1 $0x0;
	s13 =	simm.s32 @!p1 $0x3;
	[sflag:s11] =	ssyncadd.s32 @!p0 $0xFFFFC000  }
0x1a: {  	[tilespmem:s12], [sflag:$0x3] =	stream.linear.gather @!p1 [hbm4b:s10+s12], $0x80, $0x38;
	[tilespmem:$0x4080] =	vst v63  }
0x1b: {  	s14 =	smov.u32 s9;
	s9 =	sadd.s32 $0x20, s9;
	_ =	swait.ge @!p1 [sflag:s13], $0x80  }
0x1c: {  	p0 =	por p1, p1;
	p2 =	sne.s32 s9, $0x500;
	[sflag:s13] =	ssyncset.done @!p1 $0x0  }
0x1d: {  	s11 =	simm.s32 @!p0 $0x1;
	[sflag:s13] =	ssyncadd.s32 @!p0 $0xFFFFFF80;
	s13 =	simm.s32 @!p0 $0x80  }
0x1e: {  	[tilespmem:s13], [sflag:$0x1] =	stream.indirect.gather @!p0 [hbm4b:s1+s13], $0x80, s12, s13, $0xb8;
	[tilespmem:$0x4080] =	vst v63  }
0x1f: {  	_ =	swait.ge @!p0 [sflag:s11], $0x4000  }
.Ltmp0:
0x20: {  	[sflag:s11] =	ssyncset.done @!p0 $0x0;
	(pc) =	sbr.rel @p2 .LBB2_2-.Ltmp0, $4  }
0x21: {  	[sflag:s11] =	ssyncadd.s32 @!p0 $0xFFFFC000;
	s11 =	simm.s32 @!p0 $0x2  }
0x22: {  	[hbm4b:s8+s12] =	stream.linear.scatter @!p0 [tilespmem:s13], [sflag:$0x2], $0x4000, $0x38;
	[tilespmem:$0x4080] =	vst v63  }
0x23: {  	s10 =	sadd.s32 $0x200, s10;
	s12 =	sadd.s32 s14, s4;
	_ =	swait.ge @!p0 [sflag:s11], $0x4000  }
0x24: {  	s8 =	sadd.s32 $0x10000, s8;
	p1 =	sgt.u32 s12, $0x4E1;
	[sflag:s11] =	ssyncset.done @!p0 $0x0  }
0x25: {  	s9 =	simm.s32 @!p1 $0x0;
	s12 =	simm.s32 @!p1 $0x3;
	[sflag:s11] =	ssyncadd.s32 @!p0 $0xFFFFC000  }
0x26: {  	[tilespmem:s9], [sflag:$0x3] =	stream.linear.gather @!p1 [hbm4b:s10+s9], $0x80, $0x38;
	[tilespmem:$0x4080] =	vst v63  }
0x27: {  	_ =	swait.ge @!p1 [sflag:s12], $0x80  }
0x28: {  	p0 =	por p1, p1;
	[sflag:s12] =	ssyncset.done @!p1 $0x0  }
0x29: {  	s10 =	simm.s32 @!p0 $0x80;
	s11 =	simm.s32 @!p0 $0x1;
	[sflag:s12] =	ssyncadd.s32 @!p0 $0xFFFFFF80  }
0x2a: {  	[tilespmem:s10], [sflag:$0x1] =	stream.indirect.gather @!p0 [hbm4b:s1+s10], $0x80, s9, s10, $0xb8;
	[tilespmem:$0x4080] =	vst v63  }
0x2b: {  	s3 =	sadd.s32 $0x1, s3;
	_ =	swait.ge @!p0 [sflag:s11], $0x4000  }
0x2c: {  	p1 =	sne.s32 s3, s5;
	[sflag:s11] =	ssyncset.done @!p0 $0x0  }
.Ltmp1:
0x2d: {  	[sflag:s11] =	ssyncadd.s32 @!p0 $0xFFFFC000;
	s11 =	simm.s32 @!p0 $0x2;
	(pc) =	sbr.rel @p1 .LBB2_1-.Ltmp1, $4  }
0x2e: {  	[hbm4b:s8+s9] =	stream.linear.scatter @!p0 [tilespmem:s10], [sflag:$0x2], $0x4000, $0x38;
	[tilespmem:$0x4080] =	vst v63  }
0x2f: {  	_ =	swait.ge @!p0 [sflag:s11], $0x4000  }
0x30: {  	[sflag:s11] =	ssyncset.done @!p0 $0x0  }
0x31: {  	[sflag:s11] =	ssyncadd.s32 @!p0 $0xFFFFC000  }
0x32: {  	_ =	sfence.sel $0x180000  }
0x33: {  	[bflag:$0x0] =	sbarrier.arrive $0xFFFF  }
0x34: {  	p0 =	sne.s32 s2, $0x0;
	_ =	strace $0x90000047  }
0x35: {  	s0 =	sadd.s32 @!p0 $0x100000, s0;
	[bflag:$0x2] =	sbarrier.arrive $0xFFFF  }
0x36: {  	[sflag:s0] =	ssyncadd.tile.s32 @!p0 $0x1;
	_ =	shalt  }
.Lfunc_end2:
_tile_overlayer_lowered:
.L_overlay_start_2:
0x37: {  	(tag) =	ssettag $0x2  }
0x38: {  	s0 =	rddreg [dreg:$0x0];
	s2 =	stileid.u32  }
0x39: {  	s1 =	rddreg [dreg:$0x1];
	p0 =	sne.s32 s2, $0x0  }
0x3a: {  	s3 =	rddreg [dreg:$0x2];
	[bflag:$0x3] =	sbarrier.arrive $0xFFFF;
	s2 =	simm.s32 @!p0 $0x1C02  }
0x3b: {  	[timem:s3], [sflag:s2] =	dma.local @!p0 [hbm:s0], s1  }
0x3c: {  	s0 =	simm.s32 @!p0 $0x2  }
0x3d: {  	_ =	swait.ge @!p0 [sflag:s0], s1  }
0x3e: {  	s1 =	ssub.s32 @!p0 $0x0, s1;
	[sflag:s0] =	ssyncset.done @!p0 $0x0  }
0x3f: {  	[sflag:s0] =	ssyncadd.s32 @!p0 s1  }
0x40: {  	[bflag:$0x3] =	sbarrier.arrive $0xFFFF  }
0x41: {  	_ =	shalt  }

</sc_bundles>
